<compile_context>
chip_gen: v7x
topology: tpu7x:2x2x1
jax: 0.10.2.dev20260603
libtpu: 0.0.44.dev20260713+nightly
codegen_flags: <defaults>
</compile_context>

<pallas_src>
import numpy as np
import jax
import jax.numpy as jnp
from jax import lax
from jax.experimental import pallas as pl
from jax.experimental.pallas import tpu as pltpu
from jax.experimental.pallas import tpu_sc as plsc

_N, _E, _D, _H, _HS, _NT, _ET = 10000, 320000, 128, 8, 16, 3, 5

_NC, _NS, _L = 2, 16, 16
_C = 40
_EPW = _E // (_NC * _NS)
_NCH = _EPW // _C
_NPAD = 10240
_RPT = _NPAD // _NS
_DN = _NPAD // 8
_DRPT = _DN // _NS
_BN = 1000

_J = np.array([(p % 8) * 16 + p // 8 for p in range(_D)], dtype=np.int32)
_M_NP = np.zeros((_L, _D), dtype=np.float32)
_M_NP[np.arange(_D) % _H, np.arange(_D)] = 1.0


def _dense_in_body(h_ref, nt_ref, wk_ref, wq_ref, wv_ref, ra_ref, rm_ref,
                   q_ref, kr_ref, vr_ref):
    x = h_ref[...]
    nt = nt_ref[...]

    def typed(w_ref):
        out = jnp.zeros((x.shape[0], _D), jnp.float32)
        for t in range(_NT):
            out = out + jnp.where(
                nt == t, jnp.dot(x, w_ref[t], preferred_element_type=jnp.float32), 0.0)
        return out

    k = typed(wk_ref)
    v = typed(wv_ref)
    q_ref[...] = typed(wq_ref)
    kr_ref[...] = jnp.dot(k, ra_ref[...], preferred_element_type=jnp.float32)
    vr_ref[...] = jnp.dot(v, rm_ref[...], preferred_element_type=jnp.float32)


def _dense_in(h, nt2, Wk, WqP, Wv, RattPs, RmsgP):
    full3 = pl.BlockSpec((_NT, _D, _D), lambda i: (0, 0, 0))
    rspec = pl.BlockSpec((_D, _ET * _D), lambda i: (0, 0))
    return pl.pallas_call(
        _dense_in_body,
        grid=(_N // _BN,),
        in_specs=[pl.BlockSpec((_BN, _D), lambda i: (i, 0)),
                  pl.BlockSpec((_BN, 1), lambda i: (i, 0)),
                  full3, full3, full3, rspec, rspec],
        out_specs=[pl.BlockSpec((_BN, _D), lambda i: (i, 0)),
                   pl.BlockSpec((_BN, _ET * _D), lambda i: (i, 0)),
                   pl.BlockSpec((_BN, _ET * _D), lambda i: (i, 0))],
        out_shape=[jax.ShapeDtypeStruct((_N, _D), jnp.float32),
                   jax.ShapeDtypeStruct((_N, _ET * _D), jnp.float32),
                   jax.ShapeDtypeStruct((_N, _ET * _D), jnp.float32)],
    )(h, nt2, Wk, WqP, Wv, RattPs, RmsgP)


def _edge_body(krelT, vrelT, qP, e3, accout, denout,
               acc_sh, den_sh, e1buf, dbuf, dpad, ibuf, nbuf,
               kbuf, qbuf, wbuf, debuf, sem0, sem1, sem2, sem3, sem4):
    cid = lax.axis_index("c")
    sid = lax.axis_index("s")
    iot = lax.iota(jnp.int32, _L)
    z16 = jnp.zeros((_L,), jnp.float32)
    zi16 = jnp.zeros((_L,), jnp.int32)

    def zrow(r, carry):
        for v2 in range(_D // _L):
            wbuf[0, r, pl.ds(v2 * _L, _L)] = z16
            debuf[r, pl.ds(v2 * _L, _L)] = z16
        return carry
    lax.fori_loop(0, _C, zrow, 0)
    for b in range(_RPT // _C):
        pltpu.sync_copy(wbuf.at[0], acc_sh.at[pl.ds(sid * _RPT + b * _C, _C)])
    for b in range(_DRPT // _C):
        pltpu.sync_copy(wbuf.at[0], den_sh.at[pl.ds(sid * _DRPT + b * _C, _C)])
    plsc.subcore_barrier()

    base = (cid * _NS + sid) * _EPW
    perm = iot ^ 8
    gdn = lax.GatherDimensionNumbers(
        offset_dims=(), collapsed_slice_dims=(0,), start_index_map=(0,))
    goffs = []
    o = 0
    while o + _L < _C:
        goffs.append(o)
        o += _L
    goffs.append(_C - _L)

    gbase = (cid * _NS + sid) * _NCH

    def load_idx(j, sl2):
        off = (gbase + j) * (3 * _C)
        pltpu.sync_copy(e3.at[pl.ds(off, 3 * _C)], e1buf.at[sl2])
        for go in goffs:
            sl = pl.ds(go, _L)
            dv = e1buf[sl2, pl.ds(_C + go, _L)]
            ibuf[sl2, sl] = (e1buf[sl2, pl.ds(go, _L)] * _ET
                             + e1buf[sl2, pl.ds(2 * _C + go, _L)])
            nbuf[sl2, sl] = lax.shift_right_logical(dv, 3)
            dbuf[sl2, sl] = dv
            dpad[sl2, sl] = dv

    def fire(sl2):
        pltpu.async_copy(krelT.at[ibuf.at[sl2]], kbuf.at[sl2], sem0)
        pltpu.async_copy(qP.at[dbuf.at[sl2]], qbuf.at[sl2], sem1)
        pltpu.async_copy(vrelT.at[ibuf.at[sl2]], wbuf.at[sl2], sem2)

    def drain(sl2):
        pltpu.make_async_copy(krelT.at[ibuf.at[sl2]], kbuf.at[sl2], sem0).wait()
        pltpu.make_async_copy(qP.at[dbuf.at[sl2]], qbuf.at[sl2], sem1).wait()
        pltpu.make_async_copy(vrelT.at[ibuf.at[sl2]], wbuf.at[sl2], sem2).wait()

    load_idx(0, 0)
    fire(0)

    def pair(jp, carry):
        for s2 in range(2):
            j = jp * 2 + s2
            cur, nxt = s2, 1 - s2
            jn = jnp.minimum(j + 1, _NCH - 1)
            load_idx(jn, nxt)
            fire(nxt)
            drain(cur)

            def edge(c, ecarry):
                s16 = kbuf[cur, c, pl.ds(0, _L)] * qbuf[cur, c, pl.ds(0, _L)]
                for v2 in range(1, _D // _L):
                    sl = pl.ds(v2 * _L, _L)
                    s16 = s16 + kbuf[cur, c, sl] * qbuf[cur, c, sl]
                a16 = s16 + lax.gather(
                    s16, perm[:, None], dimension_numbers=gdn, slice_sizes=(1,),
                    mode=lax.GatherScatterMode.PROMISE_IN_BOUNDS)
                ex = jnp.exp(a16)
                slot = (dpad[cur, pl.ds(c, _L)][0] & 7) * _L
                for v2 in range(_D // _L):
                    sl = pl.ds(v2 * _L, _L)
                    wbuf[cur, c, sl] = wbuf[cur, c, sl] * ex
                    debuf[c, sl] = jnp.where(slot == v2 * _L, ex, z16)
                return ecarry
            lax.fori_loop(0, _C, edge, 0)

            pltpu.sync_copy(wbuf.at[cur], acc_sh.at[dbuf.at[cur]], add=True)
            pltpu.sync_copy(debuf, den_sh.at[nbuf.at[cur]], add=True)
        return carry
    lax.fori_loop(0, _NCH // 2, pair, 0)
    drain(0)

    plsc.subcore_barrier()
    pltpu.sync_copy(acc_sh.at[pl.ds(sid * _RPT, _RPT)],
                    accout.at[cid, pl.ds(sid * _RPT, _RPT)])
    pltpu.sync_copy(den_sh.at[pl.ds(sid * _DRPT, _DRPT)],
                    denout.at[cid, pl.ds(sid * _DRPT, _DRPT)])


def _edge_stage(krelT, vrelT, qP, e3):
    kern = pl.kernel(
        _edge_body,
        out_type=(jax.ShapeDtypeStruct((_NC, _NPAD, _D), jnp.float32),
                  jax.ShapeDtypeStruct((_NC, _DN, _D), jnp.float32)),
        mesh=plsc.VectorSubcoreMesh(core_axis_name="c", subcore_axis_name="s",
                                    num_cores=_NC, num_subcores=_NS),
        scratch_types=[
            pltpu.VMEM_SHARED((_NPAD, _D), jnp.float32),
            pltpu.VMEM_SHARED((_DN, _D), jnp.float32),
            pltpu.VMEM((2, 3 * _C), jnp.int32),
            pltpu.VMEM((2, _C), jnp.int32),
            pltpu.VMEM((2, _C + _L), jnp.int32),
            pltpu.VMEM((2, _C), jnp.int32),
            pltpu.VMEM((2, _C), jnp.int32),
            pltpu.VMEM((2, _C, _D), jnp.float32),
            pltpu.VMEM((2, _C, _D), jnp.float32),
            pltpu.VMEM((2, _C, _D), jnp.float32),
            pltpu.VMEM((_C, _D), jnp.float32),
            pltpu.SemaphoreType.DMA,
            pltpu.SemaphoreType.DMA,
            pltpu.SemaphoreType.DMA,
            pltpu.SemaphoreType.DMA,
            pltpu.SemaphoreType.DMA,
        ],
    )
    return kern(krelT, vrelT, qP, e3)


def _dense_out_body(acc_ref, den_ref, h_ref, nt_ref, al_ref, wa_ref,
                    g_ref, b_ref, m_ref, o_ref):
    agg = acc_ref[0] + acc_ref[1]
    den = den_ref[0] + den_ref[1]
    div = jnp.dot(den, m_ref[...], preferred_element_type=jnp.float32)
    div = jnp.where(div > 0.0, div, 1.0)
    hagg = agg / div
    nt = nt_ref[...]
    hlin = jnp.zeros((hagg.shape[0], _D), jnp.float32)
    for t in range(_NT):
        hlin = hlin + jnp.where(
            nt == t, jnp.dot(hagg, wa_ref[t], preferred_element_type=jnp.float32), 0.0)
    al = al_ref[...]
    x = h_ref[...]
    hout = hlin * al + x * (1.0 - al)
    res = x + hout
    mu = jnp.mean(res, axis=-1, keepdims=True)
    var = jnp.mean((res - mu) ** 2, axis=-1, keepdims=True)
    o_ref[...] = (res - mu) / jnp.sqrt(var + 1e-5) * g_ref[...] + b_ref[...]


def _dense_out(acc2, den2, h, nt2, salpha, WaP, gamma2, beta2, M):
    return pl.pallas_call(
        _dense_out_body,
        grid=(_N // _BN,),
        in_specs=[pl.BlockSpec((_NC, _BN, _D), lambda i: (0, i, 0)),
                  pl.BlockSpec((_NC, _BN, _L), lambda i: (0, i, 0)),
                  pl.BlockSpec((_BN, _D), lambda i: (i, 0)),
                  pl.BlockSpec((_BN, 1), lambda i: (i, 0)),
                  pl.BlockSpec((_BN, 1), lambda i: (i, 0)),
                  pl.BlockSpec((_NT, _D, _D), lambda i: (0, 0, 0)),
                  pl.BlockSpec((1, _D), lambda i: (0, 0)),
                  pl.BlockSpec((1, _D), lambda i: (0, 0)),
                  pl.BlockSpec((_L, _D), lambda i: (0, 0))],
        out_specs=pl.BlockSpec((_BN, _D), lambda i: (i, 0)),
        out_shape=jax.ShapeDtypeStruct((_N, _D), jnp.float32),
    )(acc2, den2, h, nt2, salpha, WaP, gamma2, beta2, M)


def kernel(h, edge_index, ntype, etype, Wk, Wq, Wv, Wa, rel_pri, rel_att,
           rel_msg, skip, gamma, beta):
    J = jnp.asarray(_J)
    WqP = Wq[:, :, J]
    WaP = Wa[:, J, :]
    eyeH = jnp.eye(_H, dtype=jnp.float32)
    RattP = jnp.einsum('htio,hg->hitog', rel_att, eyeH).reshape(_D, _ET * _D)
    RmsgP = jnp.einsum('htio,hg->hitog', rel_msg, eyeH).reshape(_D, _ET * _D)
    privP = (jnp.broadcast_to(jnp.transpose(rel_pri)[:, None, :],
                              (_ET, _HS, _H)) / np.sqrt(_HS)).reshape(_ET * _D)
    RattPs = RattP * privP[None, :]
    nt2 = ntype[:, None]

    qP, krelP, vrelP = _dense_in(h, nt2, Wk, WqP, Wv, RattPs, RmsgP)
    krelT = krelP.reshape(_N * _ET, _D)
    vrelT = vrelP.reshape(_N * _ET, _D)

    e3 = jnp.concatenate([edge_index, etype[None, :]], axis=0)
    e3c = jnp.transpose(e3.reshape(3, _E // _C, _C), (1, 0, 2)).reshape(-1)
    acc2, denP = _edge_stage(krelT, vrelT, qP, e3c)
    den2 = denP.reshape(_NC, _NPAD, _L)

    salpha = jax.nn.sigmoid(skip)[ntype][:, None]
    return _dense_out(acc2, den2, h, nt2, salpha, WaP,
                      gamma[None, :], beta[None, :], jnp.asarray(_M_NP))

# --- scband reference (transcript-rebuilt; emitter-appended) ---
"""Pipeline reference for scband-relation-aware-layer-81149112091096 (READ-ONLY COPY).

The authoritative reference and input builder live on the scoring server;
editing this copy changes nothing except your own understanding.
"""

import jax, jax.numpy as jnp
import numpy as np

N = 10000
E = 320000
D = 128
H = 8
HS = 16
NT = 3
ET = 5

def setup_inputs(seed: int = 0):
    key = jax.random.key(seed)
    ks = jax.random.split(key, 14)
    h = jax.random.normal(ks[0], (N, D), dtype=jnp.float32)
    edge_index = jax.random.randint(ks[1], (2, E), 0, N, dtype=jnp.int32)
    ntype = jax.random.randint(ks[2], (N,), 0, NT, dtype=jnp.int32)
    etype = jax.random.randint(ks[3], (E,), 0, ET, dtype=jnp.int32)
    s = 1.0 / np.sqrt(D)
    sh = 1.0 / np.sqrt(HS)
    Wk = jax.random.normal(ks[4], (NT, D, D), dtype=jnp.float32) * s
    Wq = jax.random.normal(ks[5], (NT, D, D), dtype=jnp.float32) * s
    Wv = jax.random.normal(ks[6], (NT, D, D), dtype=jnp.float32) * s
    Wa = jax.random.normal(ks[7], (NT, D, D), dtype=jnp.float32) * s
    rel_pri = jnp.ones((H, ET), dtype=jnp.float32)
    rel_att = jax.random.normal(ks[8], (H, ET, HS, HS), dtype=jnp.float32) * sh
    rel_msg = jax.random.normal(ks[9], (H, ET, HS, HS), dtype=jnp.float32) * sh
    skip = jnp.ones((NT,), dtype=jnp.float32)
    gamma = jnp.ones((D,), dtype=jnp.float32)
    beta = jnp.zeros((D,), dtype=jnp.float32)
    return {"h": h, "edge_index": edge_index, "ntype": ntype, "etype": etype,
            "Wk": Wk, "Wq": Wq, "Wv": Wv, "Wa": Wa, "rel_pri": rel_pri,
            "rel_att": rel_att, "rel_msg": rel_msg, "skip": skip,
            "gamma": gamma, "beta": beta}

def _typed_linear(x, types, W):
    # x: (n, in), types: (n,), W: (T, in, out); per-type linear, no bias (DGL TypedLinear)
    out = jnp.zeros((x.shape[0], W.shape[2]), dtype=x.dtype)
    for t in range(W.shape[0]):
        out = out + jnp.where((types == t)[:, None], x @ W[t], 0.0)
    return out

def _hgt_forward(h, edge_index, ntype, etype, Wk, Wq, Wv, Wa, rel_pri, rel_att, rel_msg, skip):
    src, dst = edge_index[0], edge_index[1]
    k = _typed_linear(h, ntype, Wk).reshape(N, H, HS)
    q = _typed_linear(h, ntype, Wq).reshape(N, H, HS)
    v = _typed_linear(h, ntype, Wv).reshape(N, H, HS)
    k_src = k[src]
    q_dst = q[dst]
    v_src = v[src]
    kw = jnp.zeros_like(k_src)
    mv = jnp.zeros_like(v_src)
    for t in range(ET):
        mask = (etype == t)[:, None, None]
        kw = kw + jnp.where(mask, jnp.einsum('ehi,hio->eho', k_src, rel_att[:, t]), 0.0)
        mv = mv + jnp.where(mask, jnp.einsum('ehi,hio->eho', v_src, rel_msg[:, t]), 0.0)
    pri = rel_pri.T[etype]  # (E, H)
    a = (kw * q_dst).sum(-1) * pri / np.sqrt(HS)  # (E, H)
    # edge_softmax over incoming edges per destination node, per head
    amax = jax.ops.segment_max(a, dst, num_segments=N)
    amax = jnp.where(jnp.isfinite(amax), amax, 0.0)
    ex = jnp.exp(a - amax[dst])
    denom = jax.ops.segment_sum(ex, dst, num_segments=N)
    d_g = denom[dst]
    attn = ex / jnp.where(d_g > 0, d_g, 1.0)
    m = mv * attn[:, :, None]
    h_agg = jax.ops.segment_sum(m, dst, num_segments=N).reshape(N, H * HS)
    h_lin = _typed_linear(h_agg, ntype, Wa)  # dropout = identity in eval
    alpha = jax.nn.sigmoid(skip)[ntype][:, None]
    # in_dim == out_dim -> plain residual mix (no residual_w)
    return h_lin * alpha + h * (1.0 - alpha)

def reference(h, edge_index, ntype, etype, Wk, Wq, Wv, Wa, rel_pri, rel_att, rel_msg, skip, gamma, beta):
    h_out = _hgt_forward(h, edge_index, ntype, etype, Wk, Wq, Wv, Wa, rel_pri, rel_att, rel_msg, skip)
    res = h + h_out  # outer dropout = identity in eval
    mu = jnp.mean(res, axis=-1, keepdims=True)
    var = jnp.mean((res - mu) ** 2, axis=-1, keepdims=True)
    return (res - mu) / jnp.sqrt(var + 1e-5) * gamma + beta

if __name__ == "__main__":
    import jax
    _d = setup_inputs()
    print(jax.jit(kernel)(*tuple(_d.values())))

</pallas_src>

<mosaic_0001>
#map = affine_map<(d0, d1) -> (0, 0)>
#map1 = affine_map<(d0, d1) -> (0)>
#map2 = affine_map<(d0, d1) -> (0, 0, 0)>
module attributes {stable_mosaic.version = 14 : i64} {
  func.func @_edge_body(%arg0: i32, %arg1: i32, %arg2: memref<50000x128xf32, #tpu.memory_space<hbm>>, %arg3: memref<50000x128xf32, #tpu.memory_space<hbm>>, %arg4: memref<10000x128xf32, #tpu.memory_space<hbm>>, %arg5: memref<960000xi32, #tpu.memory_space<hbm>>, %arg6: memref<2x10240x128xf32, #tpu.memory_space<hbm>>, %arg7: memref<2x1280x128xf32, #tpu.memory_space<hbm>>, %arg8: memref<10240x128xf32, #tpu.memory_space<vmem_shared>>, %arg9: memref<1280x128xf32, #tpu.memory_space<vmem_shared>>, %arg10: memref<2x120xi32, #tpu.memory_space<vmem>>, %arg11: memref<2x40xi32, #tpu.memory_space<vmem>>, %arg12: memref<2x56xi32, #tpu.memory_space<vmem>>, %arg13: memref<2x40xi32, #tpu.memory_space<vmem>>, %arg14: memref<2x40xi32, #tpu.memory_space<vmem>>, %arg15: memref<2x40x128xf32, #tpu.memory_space<vmem>>, %arg16: memref<2x40x128xf32, #tpu.memory_space<vmem>>, %arg17: memref<2x40x128xf32, #tpu.memory_space<vmem>>, %arg18: memref<40x128xf32, #tpu.memory_space<vmem>>, %arg19: memref<!tpu.dma_semaphore, #tpu.memory_space<semaphore_mem>>, %arg20: memref<!tpu.dma_semaphore, #tpu.memory_space<semaphore_mem>>, %arg21: memref<!tpu.dma_semaphore, #tpu.memory_space<semaphore_mem>>, %arg22: memref<!tpu.dma_semaphore, #tpu.memory_space<semaphore_mem>>, %arg23: memref<!tpu.dma_semaphore, #tpu.memory_space<semaphore_mem>>) attributes {dimension_semantics = [#tpu.dimension_semantics<core_parallel>, #tpu.dimension_semantics<subcore_parallel>], iteration_bounds = array<i64: 2, 16>, scalar_prefetch = 0 : i64, scratch_operands = 16 : i64, tpu.core_type = #tpu.core_type<sc_vector_subcore>, window_params = [{transform_indices = #map}, {transform_indices = #map}, {transform_indices = #map}, {transform_indices = #map1}, {transform_indices = #map2}, {transform_indices = #map2}]} {
    %iota3A = tpu.iota {dimensions = array<i32: 0>} : vector<16xi32>
    %broadcast_in_dim3A = arith.constant 0.000000e+00 : f32
    %broadcast_in_dim3A_0 = vector.broadcast %broadcast_in_dim3A : f32 to vector<16xf32>
    %broadcast_in_dim3A_1 = arith.constant 0 : i32
    %broadcast_in_dim3A_2 = vector.broadcast %broadcast_in_dim3A_1 : i32 to vector<16xi32>
    %scan3A = arith.constant 0 : i32
    %scan3A_3 = arith.constant 0 : i32
    %scan3A_4 = arith.constant 40 : i32
    %scan3A_5 = arith.addi %scan3A_3, %scan3A_4 : i32
    %scan3A_6 = arith.constant 1 : i32
    scf.for %scan3A_332 = %scan3A_3 to %scan3A_5 step %scan3A_6  : i32 {
      %swap3A_333 = arith.constant 0 : i32
      %swap3A_334 = arith.index_cast %swap3A_333 : i32 to index
      %swap3A_335 = arith.index_cast %scan3A_332 : i32 to index
      %swap3A_336 = arith.constant 0 : index
      %swap3A_337 = tpu.vector_load %arg17[%swap3A_334, %swap3A_335, %swap3A_336] {strides = array<i32>} : memref<2x40x128xf32, #tpu.memory_space<vmem>>, vector<1x1x16xf32>,
      %swap3A_338 = vector.shape_cast %swap3A_337 : vector<1x1x16xf32> to vector<16xf32>
      %swap3A_339 = vector.shape_cast %broadcast_in_dim3A_0 : vector<16xf32> to vector<1x1x16xf32>
      tpu.vector_store %arg17[%swap3A_334, %swap3A_335, %swap3A_336], %swap3A_339 {strides = array<i32>} : memref<2x40x128xf32, #tpu.memory_space<vmem>>, vector<1x1x16xf32>,
      %swap3A_340 = arith.index_cast %scan3A_332 : i32 to index
      %swap3A_341 = arith.constant 0 : index
      %swap3A_342 = tpu.vector_load %arg18[%swap3A_340, %swap3A_341] {strides = array<i32>} : memref<40x128xf32, #tpu.memory_space<vmem>>, vector<1x16xf32>,
      %swap3A_343 = vector.shape_cast %swap3A_342 : vector<1x16xf32> to vector<16xf32>
      %swap3A_344 = vector.shape_cast %broadcast_in_dim3A_0 : vector<16xf32> to vector<1x16xf32>
      tpu.vector_store %arg18[%swap3A_340, %swap3A_341], %swap3A_344 {strides = array<i32>} : memref<40x128xf32, #tpu.memory_space<vmem>>, vector<1x16xf32>,
      %swap3A_345 = arith.constant 0 : i32
      %swap3A_346 = arith.index_cast %swap3A_345 : i32 to index
      %swap3A_347 = arith.index_cast %scan3A_332 : i32 to index
      %swap3A_348 = arith.constant 16 : index
      %swap3A_349 = tpu.vector_load %arg17[%swap3A_346, %swap3A_347, %swap3A_348] {strides = array<i32>} : memref<2x40x128xf32, #tpu.memory_space<vmem>>, vector<1x1x16xf32>,
      %swap3A_350 = vector.shape_cast %swap3A_349 : vector<1x1x16xf32> to vector<16xf32>
      %swap3A_351 = vector.shape_cast %broadcast_in_dim3A_0 : vector<16xf32> to vector<1x1x16xf32>
      tpu.vector_store %arg17[%swap3A_346, %swap3A_347, %swap3A_348], %swap3A_351 {strides = array<i32>} : memref<2x40x128xf32, #tpu.memory_space<vmem>>, vector<1x1x16xf32>,
      %swap3A_352 = arith.index_cast %scan3A_332 : i32 to index
      %swap3A_353 = arith.constant 16 : index
      %swap3A_354 = tpu.vector_load %arg18[%swap3A_352, %swap3A_353] {strides = array<i32>} : memref<40x128xf32, #tpu.memory_space<vmem>>, vector<1x16xf32>,
      %swap3A_355 = vector.shape_cast %swap3A_354 : vector<1x16xf32> to vector<16xf32>
      %swap3A_356 = vector.shape_cast %broadcast_in_dim3A_0 : vector<16xf32> to vector<1x16xf32>
      tpu.vector_store %arg18[%swap3A_352, %swap3A_353], %swap3A_356 {strides = array<i32>} : memref<40x128xf32, #tpu.memory_space<vmem>>, vector<1x16xf32>,
      %swap3A_357 = arith.constant 0 : i32
      %swap3A_358 = arith.index_cast %swap3A_357 : i32 to index
      %swap3A_359 = arith.index_cast %scan3A_332 : i32 to index
      %swap3A_360 = arith.constant 32 : index
      %swap3A_361 = tpu.vector_load %arg17[%swap3A_358, %swap3A_359, %swap3A_360] {strides = array<i32>} : memref<2x40x128xf32, #tpu.memory_space<vmem>>, vector<1x1x16xf32>,
      %swap3A_362 = vector.shape_cast %swap3A_361 : vector<1x1x16xf32> to vector<16xf32>
      %swap3A_363 = vector.shape_cast %broadcast_in_dim3A_0 : vector<16xf32> to vector<1x1x16xf32>
      tpu.vector_store %arg17[%swap3A_358, %swap3A_359, %swap3A_360], %swap3A_363 {strides = array<i32>} : memref<2x40x128xf32, #tpu.memory_space<vmem>>, vector<1x1x16xf32>,
      %swap3A_364 = arith.index_cast %scan3A_332 : i32 to index
      %swap3A_365 = arith.constant 32 : index
      %swap3A_366 = tpu.vector_load %arg18[%swap3A_364, %swap3A_365] {strides = array<i32>} : memref<40x128xf32, #tpu.memory_space<vmem>>, vector<1x16xf32>,
      %swap3A_367 = vector.shape_cast %swap3A_366 : vector<1x16xf32> to vector<16xf32>
      %swap3A_368 = vector.shape_cast %broadcast_in_dim3A_0 : vector<16xf32> to vector<1x16xf32>
      tpu.vector_store %arg18[%swap3A_364, %swap3A_365], %swap3A_368 {strides = array<i32>} : memref<40x128xf32, #tpu.memory_space<vmem>>, vector<1x16xf32>,
      %swap3A_369 = arith.constant 0 : i32
      %swap3A_370 = arith.index_cast %swap3A_369 : i32 to index
      %swap3A_371 = arith.index_cast %scan3A_332 : i32 to index
      %swap3A_372 = arith.constant 48 : index
      %swap3A_373 = tpu.vector_load %arg17[%swap3A_370, %swap3A_371, %swap3A_372] {strides = array<i32>} : memref<2x40x128xf32, #tpu.memory_space<vmem>>, vector<1x1x16xf32>,
      %swap3A_374 = vector.shape_cast %swap3A_373 : vector<1x1x16xf32> to vector<16xf32>
      %swap3A_375 = vector.shape_cast %broadcast_in_dim3A_0 : vector<16xf32> to vector<1x1x16xf32>
      tpu.vector_store %arg17[%swap3A_370, %swap3A_371, %swap3A_372], %swap3A_375 {strides = array<i32>} : memref<2x40x128xf32, #tpu.memory_space<vmem>>, vector<1x1x16xf32>,
      %swap3A_376 = arith.index_cast %scan3A_332 : i32 to index
      %swap3A_377 = arith.constant 48 : index
      %swap3A_378 = tpu.vector_load %arg18[%swap3A_376, %swap3A_377] {strides = array<i32>} : memref<40x128xf32, #tpu.memory_space<vmem>>, vector<1x16xf32>,
      %swap3A_379 = vector.shape_cast %swap3A_378 : vector<1x16xf32> to vector<16xf32>
      %swap3A_380 = vector.shape_cast %broadcast_in_dim3A_0 : vector<16xf32> to vector<1x16xf32>
      tpu.vector_store %arg18[%swap3A_376, %swap3A_377], %swap3A_380 {strides = array<i32>} : memref<40x128xf32, #tpu.memory_space<vmem>>, vector<1x16xf32>,
      %swap3A_381 = arith.constant 0 : i32
      %swap3A_382 = arith.index_cast %swap3A_381 : i32 to index
      %swap3A_383 = arith.index_cast %scan3A_332 : i32 to index
      %swap3A_384 = arith.constant 64 : index
      %swap3A_385 = tpu.vector_load %arg17[%swap3A_382, %swap3A_383, %swap3A_384] {strides = array<i32>} : memref<2x40x128xf32, #tpu.memory_space<vmem>>, vector<1x1x16xf32>,
      %swap3A_386 = vector.shape_cast %swap3A_385 : vector<1x1x16xf32> to vector<16xf32>
      %swap3A_387 = vector.shape_cast %broadcast_in_dim3A_0 : vector<16xf32> to vector<1x1x16xf32>
      tpu.vector_store %arg17[%swap3A_382, %swap3A_383, %swap3A_384], %swap3A_387 {strides = array<i32>} : memref<2x40x128xf32, #tpu.memory_space<vmem>>, vector<1x1x16xf32>,
      %swap3A_388 = arith.index_cast %scan3A_332 : i32 to index
      %swap3A_389 = arith.constant 64 : index
      %swap3A_390 = tpu.vector_load %arg18[%swap3A_388, %swap3A_389] {strides = array<i32>} : memref<40x128xf32, #tpu.memory_space<vmem>>, vector<1x16xf32>,
      %swap3A_391 = vector.shape_cast %swap3A_390 : vector<1x16xf32> to vector<16xf32>
      %swap3A_392 = vector.shape_cast %broadcast_in_dim3A_0 : vector<16xf32> to vector<1x16xf32>
      tpu.vector_store %arg18[%swap3A_388, %swap3A_389], %swap3A_392 {strides = array<i32>} : memref<40x128xf32, #tpu.memory_space<vmem>>, vector<1x16xf32>,
      %swap3A_393 = arith.constant 0 : i32
      %swap3A_394 = arith.index_cast %swap3A_393 : i32 to index
      %swap3A_395 = arith.index_cast %scan3A_332 : i32 to index
      %swap3A_396 = arith.constant 80 : index
      %swap3A_397 = tpu.vector_load %arg17[%swap3A_394, %swap3A_395, %swap3A_396] {strides = array<i32>} : memref<2x40x128xf32, #tpu.memory_space<vmem>>, vector<1x1x16xf32>,
      %swap3A_398 = vector.shape_cast %swap3A_397 : vector<1x1x16xf32> to vector<16xf32>
      %swap3A_399 = vector.shape_cast %broadcast_in_dim3A_0 : vector<16xf32> to vector<1x1x16xf32>
      tpu.vector_store %arg17[%swap3A_394, %swap3A_395, %swap3A_396], %swap3A_399 {strides = array<i32>} : memref<2x40x128xf32, #tpu.memory_space<vmem>>, vector<1x1x16xf32>,
      %swap3A_400 = arith.index_cast %scan3A_332 : i32 to index
      %swap3A_401 = arith.constant 80 : index
      %swap3A_402 = tpu.vector_load %arg18[%swap3A_400, %swap3A_401] {strides = array<i32>} : memref<40x128xf32, #tpu.memory_space<vmem>>, vector<1x16xf32>,
      %swap3A_403 = vector.shape_cast %swap3A_402 : vector<1x16xf32> to vector<16xf32>
      %swap3A_404 = vector.shape_cast %broadcast_in_dim3A_0 : vector<16xf32> to vector<1x16xf32>
      tpu.vector_store %arg18[%swap3A_400, %swap3A_401], %swap3A_404 {strides = array<i32>} : memref<40x128xf32, #tpu.memory_space<vmem>>, vector<1x16xf32>,
      %swap3A_405 = arith.constant 0 : i32
      %swap3A_406 = arith.index_cast %swap3A_405 : i32 to index
      %swap3A_407 = arith.index_cast %scan3A_332 : i32 to index
      %swap3A_408 = arith.constant 96 : index
      %swap3A_409 = tpu.vector_load %arg17[%swap3A_406, %swap3A_407, %swap3A_408] {strides = array<i32>} : memref<2x40x128xf32, #tpu.memory_space<vmem>>, vector<1x1x16xf32>,
      %swap3A_410 = vector.shape_cast %swap3A_409 : vector<1x1x16xf32> to vector<16xf32>
      %swap3A_411 = vector.shape_cast %broadcast_in_dim3A_0 : vector<16xf32> to vector<1x1x16xf32>
      tpu.vector_store %arg17[%swap3A_406, %swap3A_407, %swap3A_408], %swap3A_411 {strides = array<i32>} : memref<2x40x128xf32, #tpu.memory_space<vmem>>, vector<1x1x16xf32>,
      %swap3A_412 = arith.index_cast %scan3A_332 : i32 to index
      %swap3A_413 = arith.constant 96 : index
      %swap3A_414 = tpu.vector_load %arg18[%swap3A_412, %swap3A_413] {strides = array<i32>} : memref<40x128xf32, #tpu.memory_space<vmem>>, vector<1x16xf32>,
      %swap3A_415 = vector.shape_cast %swap3A_414 : vector<1x16xf32> to vector<16xf32>
      %swap3A_416 = vector.shape_cast %broadcast_in_dim3A_0 : vector<16xf32> to vector<1x16xf32>
      tpu.vector_store %arg18[%swap3A_412, %swap3A_413], %swap3A_416 {strides = array<i32>} : memref<40x128xf32, #tpu.memory_space<vmem>>, vector<1x16xf32>,
      %swap3A_417 = arith.constant 0 : i32
      %swap3A_418 = arith.index_cast %swap3A_417 : i32 to index
      %swap3A_419 = arith.index_cast %scan3A_332 : i32 to index
      %swap3A_420 = arith.constant 112 : index
      %swap3A_421 = tpu.vector_load %arg17[%swap3A_418, %swap3A_419, %swap3A_420] {strides = array<i32>} : memref<2x40x128xf32, #tpu.memory_space<vmem>>, vector<1x1x16xf32>,
      %swap3A_422 = vector.shape_cast %swap3A_421 : vector<1x1x16xf32> to vector<16xf32>
      %swap3A_423 = vector.shape_cast %broadcast_in_dim3A_0 : vector<16xf32> to vector<1x1x16xf32>
      tpu.vector_store %arg17[%swap3A_418, %swap3A_419, %swap3A_420], %swap3A_423 {strides = array<i32>} : memref<2x40x128xf32, #tpu.memory_space<vmem>>, vector<1x1x16xf32>,
      %swap3A_424 = arith.index_cast %scan3A_332 : i32 to index
      %swap3A_425 = arith.constant 112 : index
      %swap3A_426 = tpu.vector_load %arg18[%swap3A_424, %swap3A_425] {strides = array<i32>} : memref<40x128xf32, #tpu.memory_space<vmem>>, vector<1x16xf32>,
      %swap3A_427 = vector.shape_cast %swap3A_426 : vector<1x16xf32> to vector<16xf32>
      %swap3A_428 = vector.shape_cast %broadcast_in_dim3A_0 : vector<16xf32> to vector<1x16xf32>
      tpu.vector_store %arg18[%swap3A_424, %swap3A_425], %swap3A_428 {strides = array<i32>} : memref<40x128xf32, #tpu.memory_space<vmem>>, vector<1x16xf32>,
    }
    %scan3A_7 = arith.constant 40 : i32
    %mul3A = arith.constant 640 : i32
    %mul3A_8 = arith.muli %arg1, %mul3A : i32
    %add3A = arith.constant 0 : i32
    %add3A_9 = arith.addi %mul3A_8, %add3A : i32
    %run_scoped3A = arith.constant 0 : i32
    "tpu.region"() ({
      %run_scoped3A_332 = tpu.sem_alloc : memref<!tpu.dma_semaphore, #tpu.memory_space<semaphore_mem>>
      %dma_start3A_333 = arith.constant 0 : i32
      %dma_start3A_334 = arith.constant 0 : i32
      %dma_start3A_335 = tpu.memref_slice %arg17[%run_scoped3A, %dma_start3A_333, %dma_start3A_334] : memref<2x40x128xf32, #tpu.memory_space<vmem>> -> memref<1x40x128xf32, #tpu.memory_space<vmem>>
      %dma_start3A_336 = tpu.memref_squeeze %dma_start3A_335 : memref<1x40x128xf32, #tpu.memory_space<vmem>> -> memref<40x128xf32, #tpu.memory_space<vmem>>
      %dma_start3A_337 = arith.constant 0 : i32
      %dma_start3A_338 = tpu.memref_slice %arg8[%add3A_9, %dma_start3A_337] : memref<10240x128xf32, #tpu.memory_space<vmem_shared>> -> memref<40x128xf32, #tpu.memory_space<vmem_shared>>
      %dma_start3A_339 = arith.constant 0 : i32
      %dma_start3A_340 = tpu.memref_slice %arg8[%add3A_9, %dma_start3A_339] : memref<10240x128xf32, #tpu.memory_space<vmem_shared>> -> memref<40x128xf32, #tpu.memory_space<vmem_shared>>
      %dma_start3A_341 = arith.constant 0 : i32
      %dma_start3A_342 = arith.constant 0 : i32
      %dma_start3A_343 = tpu.memref_slice %arg17[%run_scoped3A, %dma_start3A_341, %dma_start3A_342] : memref<2x40x128xf32, #tpu.memory_space<vmem>> -> memref<1x40x128xf32, #tpu.memory_space<vmem>>
      %dma_start3A_344 = tpu.memref_squeeze %dma_start3A_343 : memref<1x40x128xf32, #tpu.memory_space<vmem>> -> memref<40x128xf32, #tpu.memory_space<vmem>>
      tpu.enqueue_dma source(%dma_start3A_344 : memref<40x128xf32, #tpu.memory_space<vmem>>) target(%dma_start3A_340 : memref<40x128xf32, #tpu.memory_space<vmem_shared>>) target_semaphore(%run_scoped3A_332 : memref<!tpu.dma_semaphore, #tpu.memory_space<semaphore_mem>>)
      %dma_wait3A_345 = arith.constant 0 : i32
      %dma_wait3A_346 = arith.constant 0 : i32
      %dma_wait3A_347 = tpu.memref_slice %arg17[%run_scoped3A, %dma_wait3A_345, %dma_wait3A_346] : memref<2x40x128xf32, #tpu.memory_space<vmem>> -> memref<1x40x128xf32, #tpu.memory_space<vmem>>
      %dma_wait3A_348 = tpu.memref_squeeze %dma_wait3A_347 : memref<1x40x128xf32, #tpu.memory_space<vmem>> -> memref<40x128xf32, #tpu.memory_space<vmem>>
      %dma_wait3A_349 = arith.constant 0 : i32
      %dma_wait3A_350 = tpu.memref_slice %arg8[%add3A_9, %dma_wait3A_349] : memref<10240x128xf32, #tpu.memory_space<vmem_shared>> -> memref<40x128xf32, #tpu.memory_space<vmem_shared>>
      %dma_wait3A_351 = arith.constant 0 : i32
      %dma_wait3A_352 = tpu.memref_slice %arg8[%add3A_9, %dma_wait3A_351] : memref<10240x128xf32, #tpu.memory_space<vmem_shared>> -> memref<40x128xf32, #tpu.memory_space<vmem_shared>>
      %dma_wait3A_353 = arith.constant 0 : i32
      %dma_wait3A_354 = arith.constant 0 : i32
      %dma_wait3A_355 = tpu.memref_slice %arg17[%run_scoped3A, %dma_wait3A_353, %dma_wait3A_354] : memref<2x40x128xf32, #tpu.memory_space<vmem>> -> memref<1x40x128xf32, #tpu.memory_space<vmem>>
      %dma_wait3A_356 = tpu.memref_squeeze %dma_wait3A_355 : memref<1x40x128xf32, #tpu.memory_space<vmem>> -> memref<40x128xf32, #tpu.memory_space<vmem>>
      tpu.wait_dma2 semaphore(%run_scoped3A_332 : memref<!tpu.dma_semaphore, #tpu.memory_space<semaphore_mem>>) src(%dma_wait3A_356 : memref<40x128xf32, #tpu.memory_space<vmem>>) dst(%dma_wait3A_352 : memref<40x128xf32, #tpu.memory_space<vmem_shared>>)
      tpu.yield
    }) : () -> ()
    %mul3A_10 = arith.constant 640 : i32
    %mul3A_11 = arith.muli %arg1, %mul3A_10 : i32
    %add3A_12 = arith.constant 40 : i32
    %add3A_13 = arith.addi %mul3A_11, %add3A_12 : i32
    %run_scoped3A_14 = arith.constant 0 : i32
    "tpu.region"() ({
      %run_scoped3A_332 = tpu.sem_alloc : memref<!tpu.dma_semaphore, #tpu.memory_space<semaphore_mem>>
      %dma_start3A_333 = arith.constant 0 : i32
      %dma_start3A_334 = arith.constant 0 : i32
      %dma_start3A_335 = tpu.memref_slice %arg17[%run_scoped3A_14, %dma_start3A_333, %dma_start3A_334] : memref<2x40x128xf32, #tpu.memory_space<vmem>> -> memref<1x40x128xf32, #tpu.memory_space<vmem>>
      %dma_start3A_336 = tpu.memref_squeeze %dma_start3A_335 : memref<1x40x128xf32, #tpu.memory_space<vmem>> -> memref<40x128xf32, #tpu.memory_space<vmem>>
      %dma_start3A_337 = arith.constant 0 : i32
      %dma_start3A_338 = tpu.memref_slice %arg8[%add3A_13, %dma_start3A_337] : memref<10240x128xf32, #tpu.memory_space<vmem_shared>> -> memref<40x128xf32, #tpu.memory_space<vmem_shared>>
      %dma_start3A_339 = arith.constant 0 : i32
      %dma_start3A_340 = tpu.memref_slice %arg8[%add3A_13, %dma_start3A_339] : memref<10240x128xf32, #tpu.memory_space<vmem_shared>> -> memref<40x128xf32, #tpu.memory_space<vmem_shared>>
      %dma_start3A_341 = arith.constant 0 : i32
      %dma_start3A_342 = arith.constant 0 : i32
      %dma_start3A_343 = tpu.memref_slice %arg17[%run_scoped3A_14, %dma_start3A_341, %dma_start3A_342] : memref<2x40x128xf32, #tpu.memory_space<vmem>> -> memref<1x40x128xf32, #tpu.memory_space<vmem>>
      %dma_start3A_344 = tpu.memref_squeeze %dma_start3A_343 : memref<1x40x128xf32, #tpu.memory_space<vmem>> -> memref<40x128xf32, #tpu.memory_space<vmem>>
      tpu.enqueue_dma source(%dma_start3A_344 : memref<40x128xf32, #tpu.memory_space<vmem>>) target(%dma_start3A_340 : memref<40x128xf32, #tpu.memory_space<vmem_shared>>) target_semaphore(%run_scoped3A_332 : memref<!tpu.dma_semaphore, #tpu.memory_space<semaphore_mem>>)
      %dma_wait3A_345 = arith.constant 0 : i32
      %dma_wait3A_346 = arith.constant 0 : i32
      %dma_wait3A_347 = tpu.memref_slice %arg17[%run_scoped3A_14, %dma_wait3A_345, %dma_wait3A_346] : memref<2x40x128xf32, #tpu.memory_space<vmem>> -> memref<1x40x128xf32, #tpu.memory_space<vmem>>
      %dma_wait3A_348 = tpu.memref_squeeze %dma_wait3A_347 : memref<1x40x128xf32, #tpu.memory_space<vmem>> -> memref<40x128xf32, #tpu.memory_space<vmem>>
      %dma_wait3A_349 = arith.constant 0 : i32
      %dma_wait3A_350 = tpu.memref_slice %arg8[%add3A_13, %dma_wait3A_349] : memref<10240x128xf32, #tpu.memory_space<vmem_shared>> -> memref<40x128xf32, #tpu.memory_space<vmem_shared>>
      %dma_wait3A_351 = arith.constant 0 : i32
      %dma_wait3A_352 = tpu.memref_slice %arg8[%add3A_13, %dma_wait3A_351] : memref<10240x128xf32, #tpu.memory_space<vmem_shared>> -> memref<40x128xf32, #tpu.memory_space<vmem_shared>>
      %dma_wait3A_353 = arith.constant 0 : i32
      %dma_wait3A_354 = arith.constant 0 : i32
      %dma_wait3A_355 = tpu.memref_slice %arg17[%run_scoped3A_14, %dma_wait3A_353, %dma_wait3A_354] : memref<2x40x128xf32, #tpu.memory_space<vmem>> -> memref<1x40x128xf32, #tpu.memory_space<vmem>>
      %dma_wait3A_356 = tpu.memref_squeeze %dma_wait3A_355 : memref<1x40x128xf32, #tpu.memory_space<vmem>> -> memref<40x128xf32, #tpu.memory_space<vmem>>
      tpu.wait_dma2 semaphore(%run_scoped3A_332 : memref<!tpu.dma_semaphore, #tpu.memory_space<semaphore_mem>>) src(%dma_wait3A_356 : memref<40x128xf32, #tpu.memory_space<vmem>>) dst(%dma_wait3A_352 : memref<40x128xf32, #tpu.memory_space<vmem_shared>>)
      tpu.yield
    }) : () -> ()
    %mul3A_15 = arith.constant 640 : i32
    %mul3A_16 = arith.muli %arg1, %mul3A_15 : i32
    %add3A_17 = arith.constant 80 : i32
    %add3A_18 = arith.addi %mul3A_16, %add3A_17 : i32
    %run_scoped3A_19 = arith.constant 0 : i32
    "tpu.region"() ({
      %run_scoped3A_332 = tpu.sem_alloc : memref<!tpu.dma_semaphore, #tpu.memory_space<semaphore_mem>>
      %dma_start3A_333 = arith.constant 0 : i32
      %dma_start3A_334 = arith.constant 0 : i32
      %dma_start3A_335 = tpu.memref_slice %arg17[%run_scoped3A_19, %dma_start3A_333, %dma_start3A_334] : memref<2x40x128xf32, #tpu.memory_space<vmem>> -> memref<1x40x128xf32, #tpu.memory_space<vmem>>
      %dma_start3A_336 = tpu.memref_squeeze %dma_start3A_335 : memref<1x40x128xf32, #tpu.memory_space<vmem>> -> memref<40x128xf32, #tpu.memory_space<vmem>>
      %dma_start3A_337 = arith.constant 0 : i32
      %dma_start3A_338 = tpu.memref_slice %arg8[%add3A_18, %dma_start3A_337] : memref<10240x128xf32, #tpu.memory_space<vmem_shared>> -> memref<40x128xf32, #tpu.memory_space<vmem_shared>>
      %dma_start3A_339 = arith.constant 0 : i32
      %dma_start3A_340 = tpu.memref_slice %arg8[%add3A_18, %dma_start3A_339] : memref<10240x128xf32, #tpu.memory_space<vmem_shared>> -> memref<40x128xf32, #tpu.memory_space<vmem_shared>>
      %dma_start3A_341 = arith.constant 0 : i32
      %dma_start3A_342 = arith.constant 0 : i32
      %dma_start3A_343 = tpu.memref_slice %arg17[%run_scoped3A_19, %dma_start3A_341, %dma_start3A_342] : memref<2x40x128xf32, #tpu.memory_space<vmem>> -> memref<1x40x128xf32, #tpu.memory_space<vmem>>
      %dma_start3A_344 = tpu.memref_squeeze %dma_start3A_343 : memref<1x40x128xf32, #tpu.memory_space<vmem>> -> memref<40x128xf32, #tpu.memory_space<vmem>>
      tpu.enqueue_dma source(%dma_start3A_344 : memref<40x128xf32, #tpu.memory_space<vmem>>) target(%dma_start3A_340 : memref<40x128xf32, #tpu.memory_space<vmem_shared>>) target_semaphore(%run_scoped3A_332 : memref<!tpu.dma_semaphore, #tpu.memory_space<semaphore_mem>>)
      %dma_wait3A_345 = arith.constant 0 : i32
      %dma_wait3A_346 = arith.constant 0 : i32
      %dma_wait3A_347 = tpu.memref_slice %arg17[%run_scoped3A_19, %dma_wait3A_345, %dma_wait3A_346] : memref<2x40x128xf32, #tpu.memory_space<vmem>> -> memref<1x40x128xf32, #tpu.memory_space<vmem>>
      %dma_wait3A_348 = tpu.memref_squeeze %dma_wait3A_347 : memref<1x40x128xf32, #tpu.memory_space<vmem>> -> memref<40x128xf32, #tpu.memory_space<vmem>>
      %dma_wait3A_349 = arith.constant 0 : i32
      %dma_wait3A_350 = tpu.memref_slice %arg8[%add3A_18, %dma_wait3A_349] : memref<10240x128xf32, #tpu.memory_space<vmem_shared>> -> memref<40x128xf32, #tpu.memory_space<vmem_shared>>
      %dma_wait3A_351 = arith.constant 0 : i32
      %dma_wait3A_352 = tpu.memref_slice %arg8[%add3A_18, %dma_wait3A_351] : memref<10240x128xf32, #tpu.memory_space<vmem_shared>> -> memref<40x128xf32, #tpu.memory_space<vmem_shared>>
      %dma_wait3A_353 = arith.constant 0 : i32
      %dma_wait3A_354 = arith.constant 0 : i32
      %dma_wait3A_355 = tpu.memref_slice %arg17[%run_scoped3A_19, %dma_wait3A_353, %dma_wait3A_354] : memref<2x40x128xf32, #tpu.memory_space<vmem>> -> memref<1x40x128xf32, #tpu.memory_space<vmem>>
      %dma_wait3A_356 = tpu.memref_squeeze %dma_wait3A_355 : memref<1x40x128xf32, #tpu.memory_space<vmem>> -> memref<40x128xf32, #tpu.memory_space<vmem>>
      tpu.wait_dma2 semaphore(%run_scoped3A_332 : memref<!tpu.dma_semaphore, #tpu.memory_space<semaphore_mem>>) src(%dma_wait3A_356 : memref<40x128xf32, #tpu.memory_space<vmem>>) dst(%dma_wait3A_352 : memref<40x128xf32, #tpu.memory_space<vmem_shared>>)
      tpu.yield
    }) : () -> ()
    %mul3A_20 = arith.constant 640 : i32
    %mul3A_21 = arith.muli %arg1, %mul3A_20 : i32
    %add3A_22 = arith.constant 120 : i32
    %add3A_23 = arith.addi %mul3A_21, %add3A_22 : i32
    %run_scoped3A_24 = arith.constant 0 : i32
    "tpu.region"() ({
      %run_scoped3A_332 = tpu.sem_alloc : memref<!tpu.dma_semaphore, #tpu.memory_space<semaphore_mem>>
      %dma_start3A_333 = arith.constant 0 : i32
      %dma_start3A_334 = arith.constant 0 : i32
      %dma_start3A_335 = tpu.memref_slice %arg17[%run_scoped3A_24, %dma_start3A_333, %dma_start3A_334] : memref<2x40x128xf32, #tpu.memory_space<vmem>> -> memref<1x40x128xf32, #tpu.memory_space<vmem>>
      %dma_start3A_336 = tpu.memref_squeeze %dma_start3A_335 : memref<1x40x128xf32, #tpu.memory_space<vmem>> -> memref<40x128xf32, #tpu.memory_space<vmem>>
      %dma_start3A_337 = arith.constant 0 : i32
      %dma_start3A_338 = tpu.memref_slice %arg8[%add3A_23, %dma_start3A_337] : memref<10240x128xf32, #tpu.memory_space<vmem_shared>> -> memref<40x128xf32, #tpu.memory_space<vmem_shared>>
      %dma_start3A_339 = arith.constant 0 : i32
      %dma_start3A_340 = tpu.memref_slice %arg8[%add3A_23, %dma_start3A_339] : memref<10240x128xf32, #tpu.memory_space<vmem_shared>> -> memref<40x128xf32, #tpu.memory_space<vmem_shared>>
      %dma_start3A_341 = arith.constant 0 : i32
      %dma_start3A_342 = arith.constant 0 : i32
      %dma_start3A_343 = tpu.memref_slice %arg17[%run_scoped3A_24, %dma_start3A_341, %dma_start3A_342] : memref<2x40x128xf32, #tpu.memory_space<vmem>> -> memref<1x40x128xf32, #tpu.memory_space<vmem>>
      %dma_start3A_344 = tpu.memref_squeeze %dma_start3A_343 : memref<1x40x128xf32, #tpu.memory_space<vmem>> -> memref<40x128xf32, #tpu.memory_space<vmem>>
      tpu.enqueue_dma source(%dma_start3A_344 : memref<40x128xf32, #tpu.memory_space<vmem>>) target(%dma_start3A_340 : memref<40x128xf32, #tpu.memory_space<vmem_shared>>) target_semaphore(%run_scoped3A_332 : memref<!tpu.dma_semaphore, #tpu.memory_space<semaphore_mem>>)
      %dma_wait3A_345 = arith.constant 0 : i32
      %dma_wait3A_346 = arith.constant 0 : i32
      %dma_wait3A_347 = tpu.memref_slice %arg17[%run_scoped3A_24, %dma_wait3A_345, %dma_wait3A_346] : memref<2x40x128xf32, #tpu.memory_space<vmem>> -> memref<1x40x128xf32, #tpu.memory_space<vmem>>
      %dma_wait3A_348 = tpu.memref_squeeze %dma_wait3A_347 : memref<1x40x128xf32, #tpu.memory_space<vmem>> -> memref<40x128xf32, #tpu.memory_space<vmem>>
      %dma_wait3A_349 = arith.constant 0 : i32
      %dma_wait3A_350 = tpu.memref_slice %arg8[%add3A_23, %dma_wait3A_349] : memref<10240x128xf32, #tpu.memory_space<vmem_shared>> -> memref<40x128xf32, #tpu.memory_space<vmem_shared>>
      %dma_wait3A_351 = arith.constant 0 : i32
      %dma_wait3A_352 = tpu.memref_slice %arg8[%add3A_23, %dma_wait3A_351] : memref<10240x128xf32, #tpu.memory_space<vmem_shared>> -> memref<40x128xf32, #tpu.memory_space<vmem_shared>>
      %dma_wait3A_353 = arith.constant 0 : i32
      %dma_wait3A_354 = arith.constant 0 : i32
      %dma_wait3A_355 = tpu.memref_slice %arg17[%run_scoped3A_24, %dma_wait3A_353, %dma_wait3A_354] : memref<2x40x128xf32, #tpu.memory_space<vmem>> -> memref<1x40x128xf32, #tpu.memory_space<vmem>>
      %dma_wait3A_356 = tpu.memref_squeeze %dma_wait3A_355 : memref<1x40x128xf32, #tpu.memory_space<vmem>> -> memref<40x128xf32, #tpu.memory_space<vmem>>
      tpu.wait_dma2 semaphore(%run_scoped3A_332 : memref<!tpu.dma_semaphore, #tpu.memory_space<semaphore_mem>>) src(%dma_wait3A_356 : memref<40x128xf32, #tpu.memory_space<vmem>>) dst(%dma_wait3A_352 : memref<40x128xf32, #tpu.memory_space<vmem_shared>>)
      tpu.yield
    }) : () -> ()
    %mul3A_25 = arith.constant 640 : i32
    %mul3A_26 = arith.muli %arg1, %mul3A_25 : i32
    %add3A_27 = arith.constant 160 : i32
    %add3A_28 = arith.addi %mul3A_26, %add3A_27 : i32
    %run_scoped3A_29 = arith.constant 0 : i32
    "tpu.region"() ({
      %run_scoped3A_332 = tpu.sem_alloc : memref<!tpu.dma_semaphore, #tpu.memory_space<semaphore_mem>>
      %dma_start3A_333 = arith.constant 0 : i32
      %dma_start3A_334 = arith.constant 0 : i32
      %dma_start3A_335 = tpu.memref_slice %arg17[%run_scoped3A_29, %dma_start3A_333, %dma_start3A_334] : memref<2x40x128xf32, #tpu.memory_space<vmem>> -> memref<1x40x128xf32, #tpu.memory_space<vmem>>
      %dma_start3A_336 = tpu.memref_squeeze %dma_start3A_335 : memref<1x40x128xf32, #tpu.memory_space<vmem>> -> memref<40x128xf32, #tpu.memory_space<vmem>>
      %dma_start3A_337 = arith.constant 0 : i32
      %dma_start3A_338 = tpu.memref_slice %arg8[%add3A_28, %dma_start3A_337] : memref<10240x128xf32, #tpu.memory_space<vmem_shared>> -> memref<40x128xf32, #tpu.memory_space<vmem_shared>>
      %dma_start3A_339 = arith.constant 0 : i32
      %dma_start3A_340 = tpu.memref_slice %arg8[%add3A_28, %dma_start3A_339] : memref<10240x128xf32, #tpu.memory_space<vmem_shared>> -> memref<40x128xf32, #tpu.memory_space<vmem_shared>>
      %dma_start3A_341 = arith.constant 0 : i32
      %dma_start3A_342 = arith.constant 0 : i32
      %dma_start3A_343 = tpu.memref_slice %arg17[%run_scoped3A_29, %dma_start3A_341, %dma_start3A_342] : memref<2x40x128xf32, #tpu.memory_space<vmem>> -> memref<1x40x128xf32, #tpu.memory_space<vmem>>
      %dma_start3A_344 = tpu.memref_squeeze %dma_start3A_343 : memref<1x40x128xf32, #tpu.memory_space<vmem>> -> memref<40x128xf32, #tpu.memory_space<vmem>>
      tpu.enqueue_dma source(%dma_start3A_344 : memref<40x128xf32, #tpu.memory_space<vmem>>) target(%dma_start3A_340 : memref<40x128xf32, #tpu.memory_space<vmem_shared>>) target_semaphore(%run_scoped3A_332 : memref<!tpu.dma_semaphore, #tpu.memory_space<semaphore_mem>>)
      %dma_wait3A_345 = arith.constant 0 : i32
      %dma_wait3A_346 = arith.constant 0 : i32
      %dma_wait3A_347 = tpu.memref_slice %arg17[%run_scoped3A_29, %dma_wait3A_345, %dma_wait3A_346] : memref<2x40x128xf32, #tpu.memory_space<vmem>> -> memref<1x40x128xf32, #tpu.memory_space<vmem>>
      %dma_wait3A_348 = tpu.memref_squeeze %dma_wait3A_347 : memref<1x40x128xf32, #tpu.memory_space<vmem>> -> memref<40x128xf32, #tpu.memory_space<vmem>>
      %dma_wait3A_349 = arith.constant 0 : i32
      %dma_wait3A_350 = tpu.memref_slice %arg8[%add3A_28, %dma_wait3A_349] : memref<10240x128xf32, #tpu.memory_space<vmem_shared>> -> memref<40x128xf32, #tpu.memory_space<vmem_shared>>
      %dma_wait3A_351 = arith.constant 0 : i32
      %dma_wait3A_352 = tpu.memref_slice %arg8[%add3A_28, %dma_wait3A_351] : memref<10240x128xf32, #tpu.memory_space<vmem_shared>> -> memref<40x128xf32, #tpu.memory_space<vmem_shared>>
      %dma_wait3A_353 = arith.constant 0 : i32
      %dma_wait3A_354 = arith.constant 0 : i32
      %dma_wait3A_355 = tpu.memref_slice %arg17[%run_scoped3A_29, %dma_wait3A_353, %dma_wait3A_354] : memref<2x40x128xf32, #tpu.memory_space<vmem>> -> memref<1x40x128xf32, #tpu.memory_space<vmem>>
      %dma_wait3A_356 = tpu.memref_squeeze %dma_wait3A_355 : memref<1x40x128xf32, #tpu.memory_space<vmem>> -> memref<40x128xf32, #tpu.memory_space<vmem>>
      tpu.wait_dma2 semaphore(%run_scoped3A_332 : memref<!tpu.dma_semaphore, #tpu.memory_space<semaphore_mem>>) src(%dma_wait3A_356 : memref<40x128xf32, #tpu.memory_space<vmem>>) dst(%dma_wait3A_352 : memref<40x128xf32, #tpu.memory_space<vmem_shared>>)
      tpu.yield
    }) : () -> ()
    %mul3A_30 = arith.constant 640 : i32
    %mul3A_31 = arith.muli %arg1, %mul3A_30 : i32
    %add3A_32 = arith.constant 200 : i32
    %add3A_33 = arith.addi %mul3A_31, %add3A_32 : i32
    %run_scoped3A_34 = arith.constant 0 : i32
    "tpu.region"() ({
      %run_scoped3A_332 = tpu.sem_alloc : memref<!tpu.dma_semaphore, #tpu.memory_space<semaphore_mem>>
      %dma_start3A_333 = arith.constant 0 : i32
      %dma_start3A_334 = arith.constant 0 : i32
      %dma_start3A_335 = tpu.memref_slice %arg17[%run_scoped3A_34, %dma_start3A_333, %dma_start3A_334] : memref<2x40x128xf32, #tpu.memory_space<vmem>> -> memref<1x40x128xf32, #tpu.memory_space<vmem>>
      %dma_start3A_336 = tpu.memref_squeeze %dma_start3A_335 : memref<1x40x128xf32, #tpu.memory_space<vmem>> -> memref<40x128xf32, #tpu.memory_space<vmem>>
      %dma_start3A_337 = arith.constant 0 : i32
      %dma_start3A_338 = tpu.memref_slice %arg8[%add3A_33, %dma_start3A_337] : memref<10240x128xf32, #tpu.memory_space<vmem_shared>> -> memref<40x128xf32, #tpu.memory_space<vmem_shared>>
      %dma_start3A_339 = arith.constant 0 : i32
      %dma_start3A_340 = tpu.memref_slice %arg8[%add3A_33, %dma_start3A_339] : memref<10240x128xf32, #tpu.memory_space<vmem_shared>> -> memref<40x128xf32, #tpu.memory_space<vmem_shared>>
      %dma_start3A_341 = arith.constant 0 : i32
      %dma_start3A_342 = arith.constant 0 : i32
      %dma_start3A_343 = tpu.memref_slice %arg17[%run_scoped3A_34, %dma_start3A_341, %dma_start3A_342] : memref<2x40x128xf32, #tpu.memory_space<vmem>> -> memref<1x40x128xf32, #tpu.memory_space<vmem>>
      %dma_start3A_344 = tpu.memref_squeeze %dma_start3A_343 : memref<1x40x128xf32, #tpu.memory_space<vmem>> -> memref<40x128xf32, #tpu.memory_space<vmem>>
      tpu.enqueue_dma source(%dma_start3A_344 : memref<40x128xf32, #tpu.memory_space<vmem>>) target(%dma_start3A_340 : memref<40x128xf32, #tpu.memory_space<vmem_shared>>) target_semaphore(%run_scoped3A_332 : memref<!tpu.dma_semaphore, #tpu.memory_space<semaphore_mem>>)
      %dma_wait3A_345 = arith.constant 0 : i32
      %dma_wait3A_346 = arith.constant 0 : i32
      %dma_wait3A_347 = tpu.memref_slice %arg17[%run_scoped3A_34, %dma_wait3A_345, %dma_wait3A_346] : memref<2x40x128xf32, #tpu.memory_space<vmem>> -> memref<1x40x128xf32, #tpu.memory_space<vmem>>
      %dma_wait3A_348 = tpu.memref_squeeze %dma_wait3A_347 : memref<1x40x128xf32, #tpu.memory_space<vmem>> -> memref<40x128xf32, #tpu.memory_space<vmem>>
      %dma_wait3A_349 = arith.constant 0 : i32
      %dma_wait3A_350 = tpu.memref_slice %arg8[%add3A_33, %dma_wait3A_349] : memref<10240x128xf32, #tpu.memory_space<vmem_shared>> -> memref<40x128xf32, #tpu.memory_space<vmem_shared>>
      %dma_wait3A_351 = arith.constant 0 : i32
      %dma_wait3A_352 = tpu.memref_slice %arg8[%add3A_33, %dma_wait3A_351] : memref<10240x128xf32, #tpu.memory_space<vmem_shared>> -> memref<40x128xf32, #tpu.memory_space<vmem_shared>>
      %dma_wait3A_353 = arith.constant 0 : i32
      %dma_wait3A_354 = arith.constant 0 : i32
      %dma_wait3A_355 = tpu.memref_slice %arg17[%run_scoped3A_34, %dma_wait3A_353, %dma_wait3A_354] : memref<2x40x128xf32, #tpu.memory_space<vmem>> -> memref<1x40x128xf32, #tpu.memory_space<vmem>>
      %dma_wait3A_356 = tpu.memref_squeeze %dma_wait3A_355 : memref<1x40x128xf32, #tpu.memory_space<vmem>> -> memref<40x128xf32, #tpu.memory_space<vmem>>
      tpu.wait_dma2 semaphore(%run_scoped3A_332 : memref<!tpu.dma_semaphore, #tpu.memory_space<semaphore_mem>>) src(%dma_wait3A_356 : memref<40x128xf32, #tpu.memory_space<vmem>>) dst(%dma_wait3A_352 : memref<40x128xf32, #tpu.memory_space<vmem_shared>>)
      tpu.yield
    }) : () -> ()
    %mul3A_35 = arith.constant 640 : i32
    %mul3A_36 = arith.muli %arg1, %mul3A_35 : i32
    %add3A_37 = arith.constant 240 : i32
    %add3A_38 = arith.addi %mul3A_36, %add3A_37 : i32
    %run_scoped3A_39 = arith.constant 0 : i32
    "tpu.region"() ({
      %run_scoped3A_332 = tpu.sem_alloc : memref<!tpu.dma_semaphore, #tpu.memory_space<semaphore_mem>>
      %dma_start3A_333 = arith.constant 0 : i32
      %dma_start3A_334 = arith.constant 0 : i32
      %dma_start3A_335 = tpu.memref_slice %arg17[%run_scoped3A_39, %dma_start3A_333, %dma_start3A_334] : memref<2x40x128xf32, #tpu.memory_space<vmem>> -> memref<1x40x128xf32, #tpu.memory_space<vmem>>
      %dma_start3A_336 = tpu.memref_squeeze %dma_start3A_335 : memref<1x40x128xf32, #tpu.memory_space<vmem>> -> memref<40x128xf32, #tpu.memory_space<vmem>>
      %dma_start3A_337 = arith.constant 0 : i32
      %dma_start3A_338 = tpu.memref_slice %arg8[%add3A_38, %dma_start3A_337] : memref<10240x128xf32, #tpu.memory_space<vmem_shared>> -> memref<40x128xf32, #tpu.memory_space<vmem_shared>>
      %dma_start3A_339 = arith.constant 0 : i32
      %dma_start3A_340 = tpu.memref_slice %arg8[%add3A_38, %dma_start3A_339] : memref<10240x128xf32, #tpu.memory_space<vmem_shared>> -> memref<40x128xf32, #tpu.memory_space<vmem_shared>>
      %dma_start3A_341 = arith.constant 0 : i32
      %dma_start3A_342 = arith.constant 0 : i32
      %dma_start3A_343 = tpu.memref_slice %arg17[%run_scoped3A_39, %dma_start3A_341, %dma_start3A_342] : memref<2x40x128xf32, #tpu.memory_space<vmem>> -> memref<1x40x128xf32, #tpu.memory_space<vmem>>
      %dma_start3A_344 = tpu.memref_squeeze %dma_start3A_343 : memref<1x40x128xf32, #tpu.memory_space<vmem>> -> memref<40x128xf32, #tpu.memory_space<vmem>>
      tpu.enqueue_dma source(%dma_start3A_344 : memref<40x128xf32, #tpu.memory_space<vmem>>) target(%dma_start3A_340 : memref<40x128xf32, #tpu.memory_space<vmem_shared>>) target_semaphore(%run_scoped3A_332 : memref<!tpu.dma_semaphore, #tpu.memory_space<semaphore_mem>>)
      %dma_wait3A_345 = arith.constant 0 : i32
      %dma_wait3A_346 = arith.constant 0 : i32
      %dma_wait3A_347 = tpu.memref_slice %arg17[%run_scoped3A_39, %dma_wait3A_345, %dma_wait3A_346] : memref<2x40x128xf32, #tpu.memory_space<vmem>> -> memref<1x40x128xf32, #tpu.memory_space<vmem>>
      %dma_wait3A_348 = tpu.memref_squeeze %dma_wait3A_347 : memref<1x40x128xf32, #tpu.memory_space<vmem>> -> memref<40x128xf32, #tpu.memory_space<vmem>>
      %dma_wait3A_349 = arith.constant 0 : i32
      %dma_wait3A_350 = tpu.memref_slice %arg8[%add3A_38, %dma_wait3A_349] : memref<10240x128xf32, #tpu.memory_space<vmem_shared>> -> memref<40x128xf32, #tpu.memory_space<vmem_shared>>
      %dma_wait3A_351 = arith.constant 0 : i32
      %dma_wait3A_352 = tpu.memref_slice %arg8[%add3A_38, %dma_wait3A_351] : memref<10240x128xf32, #tpu.memory_space<vmem_shared>> -> memref<40x128xf32, #tpu.memory_space<vmem_shared>>
      %dma_wait3A_353 = arith.constant 0 : i32
      %dma_wait3A_354 = arith.constant 0 : i32
      %dma_wait3A_355 = tpu.memref_slice %arg17[%run_scoped3A_39, %dma_wait3A_353, %dma_wait3A_354] : memref<2x40x128xf32, #tpu.memory_space<vmem>> -> memref<1x40x128xf32, #tpu.memory_space<vmem>>
      %dma_wait3A_356 = tpu.memref_squeeze %dma_wait3A_355 : memref<1x40x128xf32, #tpu.memory_space<vmem>> -> memref<40x128xf32, #tpu.memory_space<vmem>>
      tpu.wait_dma2 semaphore(%run_scoped3A_332 : memref<!tpu.dma_semaphore, #tpu.memory_space<semaphore_mem>>) src(%dma_wait3A_356 : memref<40x128xf32, #tpu.memory_space<vmem>>) dst(%dma_wait3A_352 : memref<40x128xf32, #tpu.memory_space<vmem_shared>>)
      tpu.yield
    }) : () -> ()
    %mul3A_40 = arith.constant 640 : i32
    %mul3A_41 = arith.muli %arg1, %mul3A_40 : i32
    %add3A_42 = arith.constant 280 : i32
    %add3A_43 = arith.addi %mul3A_41, %add3A_42 : i32
    %run_scoped3A_44 = arith.constant 0 : i32
    "tpu.region"() ({
      %run_scoped3A_332 = tpu.sem_alloc : memref<!tpu.dma_semaphore, #tpu.memory_space<semaphore_mem>>
      %dma_start3A_333 = arith.constant 0 : i32
      %dma_start3A_334 = arith.constant 0 : i32
      %dma_start3A_335 = tpu.memref_slice %arg17[%run_scoped3A_44, %dma_start3A_333, %dma_start3A_334] : memref<2x40x128xf32, #tpu.memory_space<vmem>> -> memref<1x40x128xf32, #tpu.memory_space<vmem>>
      %dma_start3A_336 = tpu.memref_squeeze %dma_start3A_335 : memref<1x40x128xf32, #tpu.memory_space<vmem>> -> memref<40x128xf32, #tpu.memory_space<vmem>>
      %dma_start3A_337 = arith.constant 0 : i32
      %dma_start3A_338 = tpu.memref_slice %arg8[%add3A_43, %dma_start3A_337] : memref<10240x128xf32, #tpu.memory_space<vmem_shared>> -> memref<40x128xf32, #tpu.memory_space<vmem_shared>>
      %dma_start3A_339 = arith.constant 0 : i32
      %dma_start3A_340 = tpu.memref_slice %arg8[%add3A_43, %dma_start3A_339] : memref<10240x128xf32, #tpu.memory_space<vmem_shared>> -> memref<40x128xf32, #tpu.memory_space<vmem_shared>>
      %dma_start3A_341 = arith.constant 0 : i32
      %dma_start3A_342 = arith.constant 0 : i32
      %dma_start3A_343 = tpu.memref_slice %arg17[%run_scoped3A_44, %dma_start3A_341, %dma_start3A_342] : memref<2x40x128xf32, #tpu.memory_space<vmem>> -> memref<1x40x128xf32, #tpu.memory_space<vmem>>
      %dma_start3A_344 = tpu.memref_squeeze %dma_start3A_343 : memref<1x40x128xf32, #tpu.memory_space<vmem>> -> memref<40x128xf32, #tpu.memory_space<vmem>>
      tpu.enqueue_dma source(%dma_start3A_344 : memref<40x128xf32, #tpu.memory_space<vmem>>) target(%dma_start3A_340 : memref<40x128xf32, #tpu.memory_space<vmem_shared>>) target_semaphore(%run_scoped3A_332 : memref<!tpu.dma_semaphore, #tpu.memory_space<semaphore_mem>>)
      %dma_wait3A_345 = arith.constant 0 : i32
      %dma_wait3A_346 = arith.constant 0 : i32
      %dma_wait3A_347 = tpu.memref_slice %arg17[%run_scoped3A_44, %dma_wait3A_345, %dma_wait3A_346] : memref<2x40x128xf32, #tpu.memory_space<vmem>> -> memref<1x40x128xf32, #tpu.memory_space<vmem>>
      %dma_wait3A_348 = tpu.memref_squeeze %dma_wait3A_347 : memref<1x40x128xf32, #tpu.memory_space<vmem>> -> memref<40x128xf32, #tpu.memory_space<vmem>>
      %dma_wait3A_349 = arith.constant 0 : i32
      %dma_wait3A_350 = tpu.memref_slice %arg8[%add3A_43, %dma_wait3A_349] : memref<10240x128xf32, #tpu.memory_space<vmem_shared>> -> memref<40x128xf32, #tpu.memory_space<vmem_shared>>
      %dma_wait3A_351 = arith.constant 0 : i32
      %dma_wait3A_352 = tpu.memref_slice %arg8[%add3A_43, %dma_wait3A_351] : memref<10240x128xf32, #tpu.memory_space<vmem_shared>> -> memref<40x128xf32, #tpu.memory_space<vmem_shared>>
      %dma_wait3A_353 = arith.constant 0 : i32
      %dma_wait3A_354 = arith.constant 0 : i32
      %dma_wait3A_355 = tpu.memref_slice %arg17[%run_scoped3A_44, %dma_wait3A_353, %dma_wait3A_354] : memref<2x40x128xf32, #tpu.memory_space<vmem>> -> memref<1x40x128xf32, #tpu.memory_space<vmem>>
      %dma_wait3A_356 = tpu.memref_squeeze %dma_wait3A_355 : memref<1x40x128xf32, #tpu.memory_space<vmem>> -> memref<40x128xf32, #tpu.memory_space<vmem>>
      tpu.wait_dma2 semaphore(%run_scoped3A_332 : memref<!tpu.dma_semaphore, #tpu.memory_space<semaphore_mem>>) src(%dma_wait3A_356 : memref<40x128xf32, #tpu.memory_space<vmem>>) dst(%dma_wait3A_352 : memref<40x128xf32, #tpu.memory_space<vmem_shared>>)
      tpu.yield
    }) : () -> ()
    %mul3A_45 = arith.constant 640 : i32
    %mul3A_46 = arith.muli %arg1, %mul3A_45 : i32
    %add3A_47 = arith.constant 320 : i32
    %add3A_48 = arith.addi %mul3A_46, %add3A_47 : i32
    %run_scoped3A_49 = arith.constant 0 : i32
    "tpu.region"() ({
      %run_scoped3A_332 = tpu.sem_alloc : memref<!tpu.dma_semaphore, #tpu.memory_space<semaphore_mem>>
      %dma_start3A_333 = arith.constant 0 : i32
      %dma_start3A_334 = arith.constant 0 : i32
      %dma_start3A_335 = tpu.memref_slice %arg17[%run_scoped3A_49, %dma_start3A_333, %dma_start3A_334] : memref<2x40x128xf32, #tpu.memory_space<vmem>> -> memref<1x40x128xf32, #tpu.memory_space<vmem>>
      %dma_start3A_336 = tpu.memref_squeeze %dma_start3A_335 : memref<1x40x128xf32, #tpu.memory_space<vmem>> -> memref<40x128xf32, #tpu.memory_space<vmem>>
      %dma_start3A_337 = arith.constant 0 : i32
      %dma_start3A_338 = tpu.memref_slice %arg8[%add3A_48, %dma_start3A_337] : memref<10240x128xf32, #tpu.memory_space<vmem_shared>> -> memref<40x128xf32, #tpu.memory_space<vmem_shared>>
      %dma_start3A_339 = arith.constant 0 : i32
      %dma_start3A_340 = tpu.memref_slice %arg8[%add3A_48, %dma_start3A_339] : memref<10240x128xf32, #tpu.memory_space<vmem_shared>> -> memref<40x128xf32, #tpu.memory_space<vmem_shared>>
      %dma_start3A_341 = arith.constant 0 : i32
      %dma_start3A_342 = arith.constant 0 : i32
      %dma_start3A_343 = tpu.memref_slice %arg17[%run_scoped3A_49, %dma_start3A_341, %dma_start3A_342] : memref<2x40x128xf32, #tpu.memory_space<vmem>> -> memref<1x40x128xf32, #tpu.memory_space<vmem>>
      %dma_start3A_344 = tpu.memref_squeeze %dma_start3A_343 : memref<1x40x128xf32, #tpu.memory_space<vmem>> -> memref<40x128xf32, #tpu.memory_space<vmem>>
      tpu.enqueue_dma source(%dma_start3A_344 : memref<40x128xf32, #tpu.memory_space<vmem>>) target(%dma_start3A_340 : memref<40x128xf32, #tpu.memory_space<vmem_shared>>) target_semaphore(%run_scoped3A_332 : memref<!tpu.dma_semaphore, #tpu.memory_space<semaphore_mem>>)
      %dma_wait3A_345 = arith.constant 0 : i32
      %dma_wait3A_346 = arith.constant 0 : i32
      %dma_wait3A_347 = tpu.memref_slice %arg17[%run_scoped3A_49, %dma_wait3A_345, %dma_wait3A_346] : memref<2x40x128xf32, #tpu.memory_space<vmem>> -> memref<1x40x128xf32, #tpu.memory_space<vmem>>
      %dma_wait3A_348 = tpu.memref_squeeze %dma_wait3A_347 : memref<1x40x128xf32, #tpu.memory_space<vmem>> -> memref<40x128xf32, #tpu.memory_space<vmem>>
      %dma_wait3A_349 = arith.constant 0 : i32
      %dma_wait3A_350 = tpu.memref_slice %arg8[%add3A_48, %dma_wait3A_349] : memref<10240x128xf32, #tpu.memory_space<vmem_shared>> -> memref<40x128xf32, #tpu.memory_space<vmem_shared>>
      %dma_wait3A_351 = arith.constant 0 : i32
      %dma_wait3A_352 = tpu.memref_slice %arg8[%add3A_48, %dma_wait3A_351] : memref<10240x128xf32, #tpu.memory_space<vmem_shared>> -> memref<40x128xf32, #tpu.memory_space<vmem_shared>>
      %dma_wait3A_353 = arith.constant 0 : i32
      %dma_wait3A_354 = arith.constant 0 : i32
      %dma_wait3A_355 = tpu.memref_slice %arg17[%run_scoped3A_49, %dma_wait3A_353, %dma_wait3A_354] : memref<2x40x128xf32, #tpu.memory_space<vmem>> -> memref<1x40x128xf32, #tpu.memory_space<vmem>>
      %dma_wait3A_356 = tpu.memref_squeeze %dma_wait3A_355 : memref<1x40x128xf32, #tpu.memory_space<vmem>> -> memref<40x128xf32, #tpu.memory_space<vmem>>
      tpu.wait_dma2 semaphore(%run_scoped3A_332 : memref<!tpu.dma_semaphore, #tpu.memory_space<semaphore_mem>>) src(%dma_wait3A_356 : memref<40x128xf32, #tpu.memory_space<vmem>>) dst(%dma_wait3A_352 : memref<40x128xf32, #tpu.memory_space<vmem_shared>>)
      tpu.yield
    }) : () -> ()
    %mul3A_50 = arith.constant 640 : i32
    %mul3A_51 = arith.muli %arg1, %mul3A_50 : i32
    %add3A_52 = arith.constant 360 : i32
    %add3A_53 = arith.addi %mul3A_51, %add3A_52 : i32
    %run_scoped3A_54 = arith.constant 0 : i32
    "tpu.region"() ({
      %run_scoped3A_332 = tpu.sem_alloc : memref<!tpu.dma_semaphore, #tpu.memory_space<semaphore_mem>>
      %dma_start3A_333 = arith.constant 0 : i32
      %dma_start3A_334 = arith.constant 0 : i32
      %dma_start3A_335 = tpu.memref_slice %arg17[%run_scoped3A_54, %dma_start3A_333, %dma_start3A_334] : memref<2x40x128xf32, #tpu.memory_space<vmem>> -> memref<1x40x128xf32, #tpu.memory_space<vmem>>
      %dma_start3A_336 = tpu.memref_squeeze %dma_start3A_335 : memref<1x40x128xf32, #tpu.memory_space<vmem>> -> memref<40x128xf32, #tpu.memory_space<vmem>>
      %dma_start3A_337 = arith.constant 0 : i32
      %dma_start3A_338 = tpu.memref_slice %arg8[%add3A_53, %dma_start3A_337] : memref<10240x128xf32, #tpu.memory_space<vmem_shared>> -> memref<40x128xf32, #tpu.memory_space<vmem_shared>>
      %dma_start3A_339 = arith.constant 0 : i32
      %dma_start3A_340 = tpu.memref_slice %arg8[%add3A_53, %dma_start3A_339] : memref<10240x128xf32, #tpu.memory_space<vmem_shared>> -> memref<40x128xf32, #tpu.memory_space<vmem_shared>>
      %dma_start3A_341 = arith.constant 0 : i32
      %dma_start3A_342 = arith.constant 0 : i32
      %dma_start3A_343 = tpu.memref_slice %arg17[%run_scoped3A_54, %dma_start3A_341, %dma_start3A_342] : memref<2x40x128xf32, #tpu.memory_space<vmem>> -> memref<1x40x128xf32, #tpu.memory_space<vmem>>
      %dma_start3A_344 = tpu.memref_squeeze %dma_start3A_343 : memref<1x40x128xf32, #tpu.memory_space<vmem>> -> memref<40x128xf32, #tpu.memory_space<vmem>>
      tpu.enqueue_dma source(%dma_start3A_344 : memref<40x128xf32, #tpu.memory_space<vmem>>) target(%dma_start3A_340 : memref<40x128xf32, #tpu.memory_space<vmem_shared>>) target_semaphore(%run_scoped3A_332 : memref<!tpu.dma_semaphore, #tpu.memory_space<semaphore_mem>>)
      %dma_wait3A_345 = arith.constant 0 : i32
      %dma_wait3A_346 = arith.constant 0 : i32
      %dma_wait3A_347 = tpu.memref_slice %arg17[%run_scoped3A_54, %dma_wait3A_345, %dma_wait3A_346] : memref<2x40x128xf32, #tpu.memory_space<vmem>> -> memref<1x40x128xf32, #tpu.memory_space<vmem>>
      %dma_wait3A_348 = tpu.memref_squeeze %dma_wait3A_347 : memref<1x40x128xf32, #tpu.memory_space<vmem>> -> memref<40x128xf32, #tpu.memory_space<vmem>>
      %dma_wait3A_349 = arith.constant 0 : i32
      %dma_wait3A_350 = tpu.memref_slice %arg8[%add3A_53, %dma_wait3A_349] : memref<10240x128xf32, #tpu.memory_space<vmem_shared>> -> memref<40x128xf32, #tpu.memory_space<vmem_shared>>
      %dma_wait3A_351 = arith.constant 0 : i32
      %dma_wait3A_352 = tpu.memref_slice %arg8[%add3A_53, %dma_wait3A_351] : memref<10240x128xf32, #tpu.memory_space<vmem_shared>> -> memref<40x128xf32, #tpu.memory_space<vmem_shared>>
      %dma_wait3A_353 = arith.constant 0 : i32
      %dma_wait3A_354 = arith.constant 0 : i32
      %dma_wait3A_355 = tpu.memref_slice %arg17[%run_scoped3A_54, %dma_wait3A_353, %dma_wait3A_354] : memref<2x40x128xf32, #tpu.memory_space<vmem>> -> memref<1x40x128xf32, #tpu.memory_space<vmem>>
      %dma_wait3A_356 = tpu.memref_squeeze %dma_wait3A_355 : memref<1x40x128xf32, #tpu.memory_space<vmem>> -> memref<40x128xf32, #tpu.memory_space<vmem>>
      tpu.wait_dma2 semaphore(%run_scoped3A_332 : memref<!tpu.dma_semaphore, #tpu.memory_space<semaphore_mem>>) src(%dma_wait3A_356 : memref<40x128xf32, #tpu.memory_space<vmem>>) dst(%dma_wait3A_352 : memref<40x128xf32, #tpu.memory_space<vmem_shared>>)
      tpu.yield
    }) : () -> ()
    %mul3A_55 = arith.constant 640 : i32
    %mul3A_56 = arith.muli %arg1, %mul3A_55 : i32
    %add3A_57 = arith.constant 400 : i32
    %add3A_58 = arith.addi %mul3A_56, %add3A_57 : i32
    %run_scoped3A_59 = arith.constant 0 : i32
    "tpu.region"() ({
      %run_scoped3A_332 = tpu.sem_alloc : memref<!tpu.dma_semaphore, #tpu.memory_space<semaphore_mem>>
      %dma_start3A_333 = arith.constant 0 : i32
      %dma_start3A_334 = arith.constant 0 : i32
      %dma_start3A_335 = tpu.memref_slice %arg17[%run_scoped3A_59, %dma_start3A_333, %dma_start3A_334] : memref<2x40x128xf32, #tpu.memory_space<vmem>> -> memref<1x40x128xf32, #tpu.memory_space<vmem>>
      %dma_start3A_336 = tpu.memref_squeeze %dma_start3A_335 : memref<1x40x128xf32, #tpu.memory_space<vmem>> -> memref<40x128xf32, #tpu.memory_space<vmem>>
      %dma_start3A_337 = arith.constant 0 : i32
      %dma_start3A_338 = tpu.memref_slice %arg8[%add3A_58, %dma_start3A_337] : memref<10240x128xf32, #tpu.memory_space<vmem_shared>> -> memref<40x128xf32, #tpu.memory_space<vmem_shared>>
      %dma_start3A_339 = arith.constant 0 : i32
      %dma_start3A_340 = tpu.memref_slice %arg8[%add3A_58, %dma_start3A_339] : memref<10240x128xf32, #tpu.memory_space<vmem_shared>> -> memref<40x128xf32, #tpu.memory_space<vmem_shared>>
      %dma_start3A_341 = arith.constant 0 : i32
      %dma_start3A_342 = arith.constant 0 : i32
      %dma_start3A_343 = tpu.memref_slice %arg17[%run_scoped3A_59, %dma_start3A_341, %dma_start3A_342] : memref<2x40x128xf32, #tpu.memory_space<vmem>> -> memref<1x40x128xf32, #tpu.memory_space<vmem>>
      %dma_start3A_344 = tpu.memref_squeeze %dma_start3A_343 : memref<1x40x128xf32, #tpu.memory_space<vmem>> -> memref<40x128xf32, #tpu.memory_space<vmem>>
      tpu.enqueue_dma source(%dma_start3A_344 : memref<40x128xf32, #tpu.memory_space<vmem>>) target(%dma_start3A_340 : memref<40x128xf32, #tpu.memory_space<vmem_shared>>) target_semaphore(%run_scoped3A_332 : memref<!tpu.dma_semaphore, #tpu.memory_space<semaphore_mem>>)
      %dma_wait3A_345 = arith.constant 0 : i32
      %dma_wait3A_346 = arith.constant 0 : i32
      %dma_wait3A_347 = tpu.memref_slice %arg17[%run_scoped3A_59, %dma_wait3A_345, %dma_wait3A_346] : memref<2x40x128xf32, #tpu.memory_space<vmem>> -> memref<1x40x128xf32, #tpu.memory_space<vmem>>
      %dma_wait3A_348 = tpu.memref_squeeze %dma_wait3A_347 : memref<1x40x128xf32, #tpu.memory_space<vmem>> -> memref<40x128xf32, #tpu.memory_space<vmem>>
      %dma_wait3A_349 = arith.constant 0 : i32
      %dma_wait3A_350 = tpu.memref_slice %arg8[%add3A_58, %dma_wait3A_349] : memref<10240x128xf32, #tpu.memory_space<vmem_shared>> -> memref<40x128xf32, #tpu.memory_space<vmem_shared>>
      %dma_wait3A_351 = arith.constant 0 : i32
      %dma_wait3A_352 = tpu.memref_slice %arg8[%add3A_58, %dma_wait3A_351] : memref<10240x128xf32, #tpu.memory_space<vmem_shared>> -> memref<40x128xf32, #tpu.memory_space<vmem_shared>>
      %dma_wait3A_353 = arith.constant 0 : i32
      %dma_wait3A_354 = arith.constant 0 : i32
      %dma_wait3A_355 = tpu.memref_slice %arg17[%run_scoped3A_59, %dma_wait3A_353, %dma_wait3A_354] : memref<2x40x128xf32, #tpu.memory_space<vmem>> -> memref<1x40x128xf32, #tpu.memory_space<vmem>>
      %dma_wait3A_356 = tpu.memref_squeeze %dma_wait3A_355 : memref<1x40x128xf32, #tpu.memory_space<vmem>> -> memref<40x128xf32, #tpu.memory_space<vmem>>
      tpu.wait_dma2 semaphore(%run_scoped3A_332 : memref<!tpu.dma_semaphore, #tpu.memory_space<semaphore_mem>>) src(%dma_wait3A_356 : memref<40x128xf32, #tpu.memory_space<vmem>>) dst(%dma_wait3A_352 : memref<40x128xf32, #tpu.memory_space<vmem_shared>>)
      tpu.yield
    }) : () -> ()
    %mul3A_60 = arith.constant 640 : i32
    %mul3A_61 = arith.muli %arg1, %mul3A_60 : i32
    %add3A_62 = arith.constant 440 : i32
    %add3A_63 = arith.addi %mul3A_61, %add3A_62 : i32
    %run_scoped3A_64 = arith.constant 0 : i32
    "tpu.region"() ({
      %run_scoped3A_332 = tpu.sem_alloc : memref<!tpu.dma_semaphore, #tpu.memory_space<semaphore_mem>>
      %dma_start3A_333 = arith.constant 0 : i32
      %dma_start3A_334 = arith.constant 0 : i32
      %dma_start3A_335 = tpu.memref_slice %arg17[%run_scoped3A_64, %dma_start3A_333, %dma_start3A_334] : memref<2x40x128xf32, #tpu.memory_space<vmem>> -> memref<1x40x128xf32, #tpu.memory_space<vmem>>
      %dma_start3A_336 = tpu.memref_squeeze %dma_start3A_335 : memref<1x40x128xf32, #tpu.memory_space<vmem>> -> memref<40x128xf32, #tpu.memory_space<vmem>>
      %dma_start3A_337 = arith.constant 0 : i32
      %dma_start3A_338 = tpu.memref_slice %arg8[%add3A_63, %dma_start3A_337] : memref<10240x128xf32, #tpu.memory_space<vmem_shared>> -> memref<40x128xf32, #tpu.memory_space<vmem_shared>>
      %dma_start3A_339 = arith.constant 0 : i32
      %dma_start3A_340 = tpu.memref_slice %arg8[%add3A_63, %dma_start3A_339] : memref<10240x128xf32, #tpu.memory_space<vmem_shared>> -> memref<40x128xf32, #tpu.memory_space<vmem_shared>>
      %dma_start3A_341 = arith.constant 0 : i32
      %dma_start3A_342 = arith.constant 0 : i32
      %dma_start3A_343 = tpu.memref_slice %arg17[%run_scoped3A_64, %dma_start3A_341, %dma_start3A_342] : memref<2x40x128xf32, #tpu.memory_space<vmem>> -> memref<1x40x128xf32, #tpu.memory_space<vmem>>
      %dma_start3A_344 = tpu.memref_squeeze %dma_start3A_343 : memref<1x40x128xf32, #tpu.memory_space<vmem>> -> memref<40x128xf32, #tpu.memory_space<vmem>>
      tpu.enqueue_dma source(%dma_start3A_344 : memref<40x128xf32, #tpu.memory_space<vmem>>) target(%dma_start3A_340 : memref<40x128xf32, #tpu.memory_space<vmem_shared>>) target_semaphore(%run_scoped3A_332 : memref<!tpu.dma_semaphore, #tpu.memory_space<semaphore_mem>>)
      %dma_wait3A_345 = arith.constant 0 : i32
      %dma_wait3A_346 = arith.constant 0 : i32
      %dma_wait3A_347 = tpu.memref_slice %arg17[%run_scoped3A_64, %dma_wait3A_345, %dma_wait3A_346] : memref<2x40x128xf32, #tpu.memory_space<vmem>> -> memref<1x40x128xf32, #tpu.memory_space<vmem>>
      %dma_wait3A_348 = tpu.memref_squeeze %dma_wait3A_347 : memref<1x40x128xf32, #tpu.memory_space<vmem>> -> memref<40x128xf32, #tpu.memory_space<vmem>>
      %dma_wait3A_349 = arith.constant 0 : i32
      %dma_wait3A_350 = tpu.memref_slice %arg8[%add3A_63, %dma_wait3A_349] : memref<10240x128xf32, #tpu.memory_space<vmem_shared>> -> memref<40x128xf32, #tpu.memory_space<vmem_shared>>
      %dma_wait3A_351 = arith.constant 0 : i32
      %dma_wait3A_352 = tpu.memref_slice %arg8[%add3A_63, %dma_wait3A_351] : memref<10240x128xf32, #tpu.memory_space<vmem_shared>> -> memref<40x128xf32, #tpu.memory_space<vmem_shared>>
      %dma_wait3A_353 = arith.constant 0 : i32
      %dma_wait3A_354 = arith.constant 0 : i32
      %dma_wait3A_355 = tpu.memref_slice %arg17[%run_scoped3A_64, %dma_wait3A_353, %dma_wait3A_354] : memref<2x40x128xf32, #tpu.memory_space<vmem>> -> memref<1x40x128xf32, #tpu.memory_space<vmem>>
      %dma_wait3A_356 = tpu.memref_squeeze %dma_wait3A_355 : memref<1x40x128xf32, #tpu.memory_space<vmem>> -> memref<40x128xf32, #tpu.memory_space<vmem>>
      tpu.wait_dma2 semaphore(%run_scoped3A_332 : memref<!tpu.dma_semaphore, #tpu.memory_space<semaphore_mem>>) src(%dma_wait3A_356 : memref<40x128xf32, #tpu.memory_space<vmem>>) dst(%dma_wait3A_352 : memref<40x128xf32, #tpu.memory_space<vmem_shared>>)
      tpu.yield
    }) : () -> ()
    %mul3A_65 = arith.constant 640 : i32
    %mul3A_66 = arith.muli %arg1, %mul3A_65 : i32
    %add3A_67 = arith.constant 480 : i32
    %add3A_68 = arith.addi %mul3A_66, %add3A_67 : i32
    %run_scoped3A_69 = arith.constant 0 : i32
    "tpu.region"() ({
      %run_scoped3A_332 = tpu.sem_alloc : memref<!tpu.dma_semaphore, #tpu.memory_space<semaphore_mem>>
      %dma_start3A_333 = arith.constant 0 : i32
      %dma_start3A_334 = arith.constant 0 : i32
      %dma_start3A_335 = tpu.memref_slice %arg17[%run_scoped3A_69, %dma_start3A_333, %dma_start3A_334] : memref<2x40x128xf32, #tpu.memory_space<vmem>> -> memref<1x40x128xf32, #tpu.memory_space<vmem>>
      %dma_start3A_336 = tpu.memref_squeeze %dma_start3A_335 : memref<1x40x128xf32, #tpu.memory_space<vmem>> -> memref<40x128xf32, #tpu.memory_space<vmem>>
      %dma_start3A_337 = arith.constant 0 : i32
      %dma_start3A_338 = tpu.memref_slice %arg8[%add3A_68, %dma_start3A_337] : memref<10240x128xf32, #tpu.memory_space<vmem_shared>> -> memref<40x128xf32, #tpu.memory_space<vmem_shared>>
      %dma_start3A_339 = arith.constant 0 : i32
      %dma_start3A_340 = tpu.memref_slice %arg8[%add3A_68, %dma_start3A_339] : memref<10240x128xf32, #tpu.memory_space<vmem_shared>> -> memref<40x128xf32, #tpu.memory_space<vmem_shared>>
      %dma_start3A_341 = arith.constant 0 : i32
      %dma_start3A_342 = arith.constant 0 : i32
      %dma_start3A_343 = tpu.memref_slice %arg17[%run_scoped3A_69, %dma_start3A_341, %dma_start3A_342] : memref<2x40x128xf32, #tpu.memory_space<vmem>> -> memref<1x40x128xf32, #tpu.memory_space<vmem>>
      %dma_start3A_344 = tpu.memref_squeeze %dma_start3A_343 : memref<1x40x128xf32, #tpu.memory_space<vmem>> -> memref<40x128xf32, #tpu.memory_space<vmem>>
      tpu.enqueue_dma source(%dma_start3A_344 : memref<40x128xf32, #tpu.memory_space<vmem>>) target(%dma_start3A_340 : memref<40x128xf32, #tpu.memory_space<vmem_shared>>) target_semaphore(%run_scoped3A_332 : memref<!tpu.dma_semaphore, #tpu.memory_space<semaphore_mem>>)
      %dma_wait3A_345 = arith.constant 0 : i32
      %dma_wait3A_346 = arith.constant 0 : i32
      %dma_wait3A_347 = tpu.memref_slice %arg17[%run_scoped3A_69, %dma_wait3A_345, %dma_wait3A_346] : memref<2x40x128xf32, #tpu.memory_space<vmem>> -> memref<1x40x128xf32, #tpu.memory_space<vmem>>
      %dma_wait3A_348 = tpu.memref_squeeze %dma_wait3A_347 : memref<1x40x128xf32, #tpu.memory_space<vmem>> -> memref<40x128xf32, #tpu.memory_space<vmem>>
      %dma_wait3A_349 = arith.constant 0 : i32
      %dma_wait3A_350 = tpu.memref_slice %arg8[%add3A_68, %dma_wait3A_349] : memref<10240x128xf32, #tpu.memory_space<vmem_shared>> -> memref<40x128xf32, #tpu.memory_space<vmem_shared>>
      %dma_wait3A_351 = arith.constant 0 : i32
      %dma_wait3A_352 = tpu.memref_slice %arg8[%add3A_68, %dma_wait3A_351] : memref<10240x128xf32, #tpu.memory_space<vmem_shared>> -> memref<40x128xf32, #tpu.memory_space<vmem_shared>>
      %dma_wait3A_353 = arith.constant 0 : i32
      %dma_wait3A_354 = arith.constant 0 : i32
      %dma_wait3A_355 = tpu.memref_slice %arg17[%run_scoped3A_69, %dma_wait3A_353, %dma_wait3A_354] : memref<2x40x128xf32, #tpu.memory_space<vmem>> -> memref<1x40x128xf32, #tpu.memory_space<vmem>>
      %dma_wait3A_356 = tpu.memref_squeeze %dma_wait3A_355 : memref<1x40x128xf32, #tpu.memory_space<vmem>> -> memref<40x128xf32, #tpu.memory_space<vmem>>
      tpu.wait_dma2 semaphore(%run_scoped3A_332 : memref<!tpu.dma_semaphore, #tpu.memory_space<semaphore_mem>>) src(%dma_wait3A_356 : memref<40x128xf32, #tpu.memory_space<vmem>>) dst(%dma_wait3A_352 : memref<40x128xf32, #tpu.memory_space<vmem_shared>>)
      tpu.yield
    }) : () -> ()
    %mul3A_70 = arith.constant 640 : i32
    %mul3A_71 = arith.muli %arg1, %mul3A_70 : i32
    %add3A_72 = arith.constant 520 : i32
    %add3A_73 = arith.addi %mul3A_71, %add3A_72 : i32
    %run_scoped3A_74 = arith.constant 0 : i32
    "tpu.region"() ({
      %run_scoped3A_332 = tpu.sem_alloc : memref<!tpu.dma_semaphore, #tpu.memory_space<semaphore_mem>>
      %dma_start3A_333 = arith.constant 0 : i32
      %dma_start3A_334 = arith.constant 0 : i32
      %dma_start3A_335 = tpu.memref_slice %arg17[%run_scoped3A_74, %dma_start3A_333, %dma_start3A_334] : memref<2x40x128xf32, #tpu.memory_space<vmem>> -> memref<1x40x128xf32, #tpu.memory_space<vmem>>
      %dma_start3A_336 = tpu.memref_squeeze %dma_start3A_335 : memref<1x40x128xf32, #tpu.memory_space<vmem>> -> memref<40x128xf32, #tpu.memory_space<vmem>>
      %dma_start3A_337 = arith.constant 0 : i32
      %dma_start3A_338 = tpu.memref_slice %arg8[%add3A_73, %dma_start3A_337] : memref<10240x128xf32, #tpu.memory_space<vmem_shared>> -> memref<40x128xf32, #tpu.memory_space<vmem_shared>>
      %dma_start3A_339 = arith.constant 0 : i32
      %dma_start3A_340 = tpu.memref_slice %arg8[%add3A_73, %dma_start3A_339] : memref<10240x128xf32, #tpu.memory_space<vmem_shared>> -> memref<40x128xf32, #tpu.memory_space<vmem_shared>>
      %dma_start3A_341 = arith.constant 0 : i32
      %dma_start3A_342 = arith.constant 0 : i32
      %dma_start3A_343 = tpu.memref_slice %arg17[%run_scoped3A_74, %dma_start3A_341, %dma_start3A_342] : memref<2x40x128xf32, #tpu.memory_space<vmem>> -> memref<1x40x128xf32, #tpu.memory_space<vmem>>
      %dma_start3A_344 = tpu.memref_squeeze %dma_start3A_343 : memref<1x40x128xf32, #tpu.memory_space<vmem>> -> memref<40x128xf32, #tpu.memory_space<vmem>>
      tpu.enqueue_dma source(%dma_start3A_344 : memref<40x128xf32, #tpu.memory_space<vmem>>) target(%dma_start3A_340 : memref<40x128xf32, #tpu.memory_space<vmem_shared>>) target_semaphore(%run_scoped3A_332 : memref<!tpu.dma_semaphore, #tpu.memory_space<semaphore_mem>>)
      %dma_wait3A_345 = arith.constant 0 : i32
      %dma_wait3A_346 = arith.constant 0 : i32
      %dma_wait3A_347 = tpu.memref_slice %arg17[%run_scoped3A_74, %dma_wait3A_345, %dma_wait3A_346] : memref<2x40x128xf32, #tpu.memory_space<vmem>> -> memref<1x40x128xf32, #tpu.memory_space<vmem>>
      %dma_wait3A_348 = tpu.memref_squeeze %dma_wait3A_347 : memref<1x40x128xf32, #tpu.memory_space<vmem>> -> memref<40x128xf32, #tpu.memory_space<vmem>>
      %dma_wait3A_349 = arith.constant 0 : i32
      %dma_wait3A_350 = tpu.memref_slice %arg8[%add3A_73, %dma_wait3A_349] : memref<10240x128xf32, #tpu.memory_space<vmem_shared>> -> memref<40x128xf32, #tpu.memory_space<vmem_shared>>
      %dma_wait3A_351 = arith.constant 0 : i32
      %dma_wait3A_352 = tpu.memref_slice %arg8[%add3A_73, %dma_wait3A_351] : memref<10240x128xf32, #tpu.memory_space<vmem_shared>> -> memref<40x128xf32, #tpu.memory_space<vmem_shared>>
      %dma_wait3A_353 = arith.constant 0 : i32
      %dma_wait3A_354 = arith.constant 0 : i32
      %dma_wait3A_355 = tpu.memref_slice %arg17[%run_scoped3A_74, %dma_wait3A_353, %dma_wait3A_354] : memref<2x40x128xf32, #tpu.memory_space<vmem>> -> memref<1x40x128xf32, #tpu.memory_space<vmem>>
      %dma_wait3A_356 = tpu.memref_squeeze %dma_wait3A_355 : memref<1x40x128xf32, #tpu.memory_space<vmem>> -> memref<40x128xf32, #tpu.memory_space<vmem>>
      tpu.wait_dma2 semaphore(%run_scoped3A_332 : memref<!tpu.dma_semaphore, #tpu.memory_space<semaphore_mem>>) src(%dma_wait3A_356 : memref<40x128xf32, #tpu.memory_space<vmem>>) dst(%dma_wait3A_352 : memref<40x128xf32, #tpu.memory_space<vmem_shared>>)
      tpu.yield
    }) : () -> ()
    %mul3A_75 = arith.constant 640 : i32
    %mul3A_76 = arith.muli %arg1, %mul3A_75 : i32
    %add3A_77 = arith.constant 560 : i32
    %add3A_78 = arith.addi %mul3A_76, %add3A_77 : i32
    %run_scoped3A_79 = arith.constant 0 : i32
    "tpu.region"() ({
      %run_scoped3A_332 = tpu.sem_alloc : memref<!tpu.dma_semaphore, #tpu.memory_space<semaphore_mem>>
      %dma_start3A_333 = arith.constant 0 : i32
      %dma_start3A_334 = arith.constant 0 : i32
      %dma_start3A_335 = tpu.memref_slice %arg17[%run_scoped3A_79, %dma_start3A_333, %dma_start3A_334] : memref<2x40x128xf32, #tpu.memory_space<vmem>> -> memref<1x40x128xf32, #tpu.memory_space<vmem>>
      %dma_start3A_336 = tpu.memref_squeeze %dma_start3A_335 : memref<1x40x128xf32, #tpu.memory_space<vmem>> -> memref<40x128xf32, #tpu.memory_space<vmem>>
      %dma_start3A_337 = arith.constant 0 : i32
      %dma_start3A_338 = tpu.memref_slice %arg8[%add3A_78, %dma_start3A_337] : memref<10240x128xf32, #tpu.memory_space<vmem_shared>> -> memref<40x128xf32, #tpu.memory_space<vmem_shared>>
      %dma_start3A_339 = arith.constant 0 : i32
      %dma_start3A_340 = tpu.memref_slice %arg8[%add3A_78, %dma_start3A_339] : memref<10240x128xf32, #tpu.memory_space<vmem_shared>> -> memref<40x128xf32, #tpu.memory_space<vmem_shared>>
      %dma_start3A_341 = arith.constant 0 : i32
      %dma_start3A_342 = arith.constant 0 : i32
      %dma_start3A_343 = tpu.memref_slice %arg17[%run_scoped3A_79, %dma_start3A_341, %dma_start3A_342] : memref<2x40x128xf32, #tpu.memory_space<vmem>> -> memref<1x40x128xf32, #tpu.memory_space<vmem>>
      %dma_start3A_344 = tpu.memref_squeeze %dma_start3A_343 : memref<1x40x128xf32, #tpu.memory_space<vmem>> -> memref<40x128xf32, #tpu.memory_space<vmem>>
      tpu.enqueue_dma source(%dma_start3A_344 : memref<40x128xf32, #tpu.memory_space<vmem>>) target(%dma_start3A_340 : memref<40x128xf32, #tpu.memory_space<vmem_shared>>) target_semaphore(%run_scoped3A_332 : memref<!tpu.dma_semaphore, #tpu.memory_space<semaphore_mem>>)
      %dma_wait3A_345 = arith.constant 0 : i32
      %dma_wait3A_346 = arith.constant 0 : i32
      %dma_wait3A_347 = tpu.memref_slice %arg17[%run_scoped3A_79, %dma_wait3A_345, %dma_wait3A_346] : memref<2x40x128xf32, #tpu.memory_space<vmem>> -> memref<1x40x128xf32, #tpu.memory_space<vmem>>
      %dma_wait3A_348 = tpu.memref_squeeze %dma_wait3A_347 : memref<1x40x128xf32, #tpu.memory_space<vmem>> -> memref<40x128xf32, #tpu.memory_space<vmem>>
      %dma_wait3A_349 = arith.constant 0 : i32
      %dma_wait3A_350 = tpu.memref_slice %arg8[%add3A_78, %dma_wait3A_349] : memref<10240x128xf32, #tpu.memory_space<vmem_shared>> -> memref<40x128xf32, #tpu.memory_space<vmem_shared>>
      %dma_wait3A_351 = arith.constant 0 : i32
      %dma_wait3A_352 = tpu.memref_slice %arg8[%add3A_78, %dma_wait3A_351] : memref<10240x128xf32, #tpu.memory_space<vmem_shared>> -> memref<40x128xf32, #tpu.memory_space<vmem_shared>>
      %dma_wait3A_353 = arith.constant 0 : i32
      %dma_wait3A_354 = arith.constant 0 : i32
      %dma_wait3A_355 = tpu.memref_slice %arg17[%run_scoped3A_79, %dma_wait3A_353, %dma_wait3A_354] : memref<2x40x128xf32, #tpu.memory_space<vmem>> -> memref<1x40x128xf32, #tpu.memory_space<vmem>>
      %dma_wait3A_356 = tpu.memref_squeeze %dma_wait3A_355 : memref<1x40x128xf32, #tpu.memory_space<vmem>> -> memref<40x128xf32, #tpu.memory_space<vmem>>
      tpu.wait_dma2 semaphore(%run_scoped3A_332 : memref<!tpu.dma_semaphore, #tpu.memory_space<semaphore_mem>>) src(%dma_wait3A_356 : memref<40x128xf32, #tpu.memory_space<vmem>>) dst(%dma_wait3A_352 : memref<40x128xf32, #tpu.memory_space<vmem_shared>>)
      tpu.yield
    }) : () -> ()
    %mul3A_80 = arith.constant 640 : i32
    %mul3A_81 = arith.muli %arg1, %mul3A_80 : i32
    %add3A_82 = arith.constant 600 : i32
    %add3A_83 = arith.addi %mul3A_81, %add3A_82 : i32
    %run_scoped3A_84 = arith.constant 0 : i32
    "tpu.region"() ({
      %run_scoped3A_332 = tpu.sem_alloc : memref<!tpu.dma_semaphore, #tpu.memory_space<semaphore_mem>>
      %dma_start3A_333 = arith.constant 0 : i32
      %dma_start3A_334 = arith.constant 0 : i32
      %dma_start3A_335 = tpu.memref_slice %arg17[%run_scoped3A_84, %dma_start3A_333, %dma_start3A_334] : memref<2x40x128xf32, #tpu.memory_space<vmem>> -> memref<1x40x128xf32, #tpu.memory_space<vmem>>
      %dma_start3A_336 = tpu.memref_squeeze %dma_start3A_335 : memref<1x40x128xf32, #tpu.memory_space<vmem>> -> memref<40x128xf32, #tpu.memory_space<vmem>>
      %dma_start3A_337 = arith.constant 0 : i32
      %dma_start3A_338 = tpu.memref_slice %arg8[%add3A_83, %dma_start3A_337] : memref<10240x128xf32, #tpu.memory_space<vmem_shared>> -> memref<40x128xf32, #tpu.memory_space<vmem_shared>>
      %dma_start3A_339 = arith.constant 0 : i32
      %dma_start3A_340 = tpu.memref_slice %arg8[%add3A_83, %dma_start3A_339] : memref<10240x128xf32, #tpu.memory_space<vmem_shared>> -> memref<40x128xf32, #tpu.memory_space<vmem_shared>>
      %dma_start3A_341 = arith.constant 0 : i32
      %dma_start3A_342 = arith.constant 0 : i32
      %dma_start3A_343 = tpu.memref_slice %arg17[%run_scoped3A_84, %dma_start3A_341, %dma_start3A_342] : memref<2x40x128xf32, #tpu.memory_space<vmem>> -> memref<1x40x128xf32, #tpu.memory_space<vmem>>
      %dma_start3A_344 = tpu.memref_squeeze %dma_start3A_343 : memref<1x40x128xf32, #tpu.memory_space<vmem>> -> memref<40x128xf32, #tpu.memory_space<vmem>>
      tpu.enqueue_dma source(%dma_start3A_344 : memref<40x128xf32, #tpu.memory_space<vmem>>) target(%dma_start3A_340 : memref<40x128xf32, #tpu.memory_space<vmem_shared>>) target_semaphore(%run_scoped3A_332 : memref<!tpu.dma_semaphore, #tpu.memory_space<semaphore_mem>>)
      %dma_wait3A_345 = arith.constant 0 : i32
      %dma_wait3A_346 = arith.constant 0 : i32
      %dma_wait3A_347 = tpu.memref_slice %arg17[%run_scoped3A_84, %dma_wait3A_345, %dma_wait3A_346] : memref<2x40x128xf32, #tpu.memory_space<vmem>> -> memref<1x40x128xf32, #tpu.memory_space<vmem>>
      %dma_wait3A_348 = tpu.memref_squeeze %dma_wait3A_347 : memref<1x40x128xf32, #tpu.memory_space<vmem>> -> memref<40x128xf32, #tpu.memory_space<vmem>>
      %dma_wait3A_349 = arith.constant 0 : i32
      %dma_wait3A_350 = tpu.memref_slice %arg8[%add3A_83, %dma_wait3A_349] : memref<10240x128xf32, #tpu.memory_space<vmem_shared>> -> memref<40x128xf32, #tpu.memory_space<vmem_shared>>
      %dma_wait3A_351 = arith.constant 0 : i32
      %dma_wait3A_352 = tpu.memref_slice %arg8[%add3A_83, %dma_wait3A_351] : memref<10240x128xf32, #tpu.memory_space<vmem_shared>> -> memref<40x128xf32, #tpu.memory_space<vmem_shared>>
      %dma_wait3A_353 = arith.constant 0 : i32
      %dma_wait3A_354 = arith.constant 0 : i32
      %dma_wait3A_355 = tpu.memref_slice %arg17[%run_scoped3A_84, %dma_wait3A_353, %dma_wait3A_354] : memref<2x40x128xf32, #tpu.memory_space<vmem>> -> memref<1x40x128xf32, #tpu.memory_space<vmem>>
      %dma_wait3A_356 = tpu.memref_squeeze %dma_wait3A_355 : memref<1x40x128xf32, #tpu.memory_space<vmem>> -> memref<40x128xf32, #tpu.memory_space<vmem>>
      tpu.wait_dma2 semaphore(%run_scoped3A_332 : memref<!tpu.dma_semaphore, #tpu.memory_space<semaphore_mem>>) src(%dma_wait3A_356 : memref<40x128xf32, #tpu.memory_space<vmem>>) dst(%dma_wait3A_352 : memref<40x128xf32, #tpu.memory_space<vmem_shared>>)
      tpu.yield
    }) : () -> ()
    %mul3A_85 = arith.constant 80 : i32
    %mul3A_86 = arith.muli %arg1, %mul3A_85 : i32
    %add3A_87 = arith.constant 0 : i32
    %add3A_88 = arith.addi %mul3A_86, %add3A_87 : i32
    %run_scoped3A_89 = arith.constant 0 : i32
    "tpu.region"() ({
      %run_scoped3A_332 = tpu.sem_alloc : memref<!tpu.dma_semaphore, #tpu.memory_space<semaphore_mem>>
      %dma_start3A_333 = arith.constant 0 : i32
      %dma_start3A_334 = arith.constant 0 : i32
      %dma_start3A_335 = tpu.memref_slice %arg17[%run_scoped3A_89, %dma_start3A_333, %dma_start3A_334] : memref<2x40x128xf32, #tpu.memory_space<vmem>> -> memref<1x40x128xf32, #tpu.memory_space<vmem>>
      %dma_start3A_336 = tpu.memref_squeeze %dma_start3A_335 : memref<1x40x128xf32, #tpu.memory_space<vmem>> -> memref<40x128xf32, #tpu.memory_space<vmem>>
      %dma_start3A_337 = arith.constant 0 : i32
      %dma_start3A_338 = tpu.memref_slice %arg9[%add3A_88, %dma_start3A_337] : memref<1280x128xf32, #tpu.memory_space<vmem_shared>> -> memref<40x128xf32, #tpu.memory_space<vmem_shared>>
      %dma_start3A_339 = arith.constant 0 : i32
      %dma_start3A_340 = tpu.memref_slice %arg9[%add3A_88, %dma_start3A_339] : memref<1280x128xf32, #tpu.memory_space<vmem_shared>> -> memref<40x128xf32, #tpu.memory_space<vmem_shared>>
      %dma_start3A_341 = arith.constant 0 : i32
      %dma_start3A_342 = arith.constant 0 : i32
      %dma_start3A_343 = tpu.memref_slice %arg17[%run_scoped3A_89, %dma_start3A_341, %dma_start3A_342] : memref<2x40x128xf32, #tpu.memory_space<vmem>> -> memref<1x40x128xf32, #tpu.memory_space<vmem>>
      %dma_start3A_344 = tpu.memref_squeeze %dma_start3A_343 : memref<1x40x128xf32, #tpu.memory_space<vmem>> -> memref<40x128xf32, #tpu.memory_space<vmem>>
      tpu.enqueue_dma source(%dma_start3A_344 : memref<40x128xf32, #tpu.memory_space<vmem>>) target(%dma_start3A_340 : memref<40x128xf32, #tpu.memory_space<vmem_shared>>) target_semaphore(%run_scoped3A_332 : memref<!tpu.dma_semaphore, #tpu.memory_space<semaphore_mem>>)
      %dma_wait3A_345 = arith.constant 0 : i32
      %dma_wait3A_346 = arith.constant 0 : i32
      %dma_wait3A_347 = tpu.memref_slice %arg17[%run_scoped3A_89, %dma_wait3A_345, %dma_wait3A_346] : memref<2x40x128xf32, #tpu.memory_space<vmem>> -> memref<1x40x128xf32, #tpu.memory_space<vmem>>
      %dma_wait3A_348 = tpu.memref_squeeze %dma_wait3A_347 : memref<1x40x128xf32, #tpu.memory_space<vmem>> -> memref<40x128xf32, #tpu.memory_space<vmem>>
      %dma_wait3A_349 = arith.constant 0 : i32
      %dma_wait3A_350 = tpu.memref_slice %arg9[%add3A_88, %dma_wait3A_349] : memref<1280x128xf32, #tpu.memory_space<vmem_shared>> -> memref<40x128xf32, #tpu.memory_space<vmem_shared>>
      %dma_wait3A_351 = arith.constant 0 : i32
      %dma_wait3A_352 = tpu.memref_slice %arg9[%add3A_88, %dma_wait3A_351] : memref<1280x128xf32, #tpu.memory_space<vmem_shared>> -> memref<40x128xf32, #tpu.memory_space<vmem_shared>>
      %dma_wait3A_353 = arith.constant 0 : i32
      %dma_wait3A_354 = arith.constant 0 : i32
      %dma_wait3A_355 = tpu.memref_slice %arg17[%run_scoped3A_89, %dma_wait3A_353, %dma_wait3A_354] : memref<2x40x128xf32, #tpu.memory_space<vmem>> -> memref<1x40x128xf32, #tpu.memory_space<vmem>>
      %dma_wait3A_356 = tpu.memref_squeeze %dma_wait3A_355 : memref<1x40x128xf32, #tpu.memory_space<vmem>> -> memref<40x128xf32, #tpu.memory_space<vmem>>
      tpu.wait_dma2 semaphore(%run_scoped3A_332 : memref<!tpu.dma_semaphore, #tpu.memory_space<semaphore_mem>>) src(%dma_wait3A_356 : memref<40x128xf32, #tpu.memory_space<vmem>>) dst(%dma_wait3A_352 : memref<40x128xf32, #tpu.memory_space<vmem_shared>>)
      tpu.yield
    }) : () -> ()
    %mul3A_90 = arith.constant 80 : i32
    %mul3A_91 = arith.muli %arg1, %mul3A_90 : i32
    %add3A_92 = arith.constant 40 : i32
    %add3A_93 = arith.addi %mul3A_91, %add3A_92 : i32
    %run_scoped3A_94 = arith.constant 0 : i32
    "tpu.region"() ({
      %run_scoped3A_332 = tpu.sem_alloc : memref<!tpu.dma_semaphore, #tpu.memory_space<semaphore_mem>>
      %dma_start3A_333 = arith.constant 0 : i32
      %dma_start3A_334 = arith.constant 0 : i32
      %dma_start3A_335 = tpu.memref_slice %arg17[%run_scoped3A_94, %dma_start3A_333, %dma_start3A_334] : memref<2x40x128xf32, #tpu.memory_space<vmem>> -> memref<1x40x128xf32, #tpu.memory_space<vmem>>
      %dma_start3A_336 = tpu.memref_squeeze %dma_start3A_335 : memref<1x40x128xf32, #tpu.memory_space<vmem>> -> memref<40x128xf32, #tpu.memory_space<vmem>>
      %dma_start3A_337 = arith.constant 0 : i32
      %dma_start3A_338 = tpu.memref_slice %arg9[%add3A_93, %dma_start3A_337] : memref<1280x128xf32, #tpu.memory_space<vmem_shared>> -> memref<40x128xf32, #tpu.memory_space<vmem_shared>>
      %dma_start3A_339 = arith.constant 0 : i32
      %dma_start3A_340 = tpu.memref_slice %arg9[%add3A_93, %dma_start3A_339] : memref<1280x128xf32, #tpu.memory_space<vmem_shared>> -> memref<40x128xf32, #tpu.memory_space<vmem_shared>>
      %dma_start3A_341 = arith.constant 0 : i32
      %dma_start3A_342 = arith.constant 0 : i32
      %dma_start3A_343 = tpu.memref_slice %arg17[%run_scoped3A_94, %dma_start3A_341, %dma_start3A_342] : memref<2x40x128xf32, #tpu.memory_space<vmem>> -> memref<1x40x128xf32, #tpu.memory_space<vmem>>
      %dma_start3A_344 = tpu.memref_squeeze %dma_start3A_343 : memref<1x40x128xf32, #tpu.memory_space<vmem>> -> memref<40x128xf32, #tpu.memory_space<vmem>>
      tpu.enqueue_dma source(%dma_start3A_344 : memref<40x128xf32, #tpu.memory_space<vmem>>) target(%dma_start3A_340 : memref<40x128xf32, #tpu.memory_space<vmem_shared>>) target_semaphore(%run_scoped3A_332 : memref<!tpu.dma_semaphore, #tpu.memory_space<semaphore_mem>>)
      %dma_wait3A_345 = arith.constant 0 : i32
      %dma_wait3A_346 = arith.constant 0 : i32
      %dma_wait3A_347 = tpu.memref_slice %arg17[%run_scoped3A_94, %dma_wait3A_345, %dma_wait3A_346] : memref<2x40x128xf32, #tpu.memory_space<vmem>> -> memref<1x40x128xf32, #tpu.memory_space<vmem>>
      %dma_wait3A_348 = tpu.memref_squeeze %dma_wait3A_347 : memref<1x40x128xf32, #tpu.memory_space<vmem>> -> memref<40x128xf32, #tpu.memory_space<vmem>>
      %dma_wait3A_349 = arith.constant 0 : i32
      %dma_wait3A_350 = tpu.memref_slice %arg9[%add3A_93, %dma_wait3A_349] : memref<1280x128xf32, #tpu.memory_space<vmem_shared>> -> memref<40x128xf32, #tpu.memory_space<vmem_shared>>
      %dma_wait3A_351 = arith.constant 0 : i32
      %dma_wait3A_352 = tpu.memref_slice %arg9[%add3A_93, %dma_wait3A_351] : memref<1280x128xf32, #tpu.memory_space<vmem_shared>> -> memref<40x128xf32, #tpu.memory_space<vmem_shared>>
      %dma_wait3A_353 = arith.constant 0 : i32
      %dma_wait3A_354 = arith.constant 0 : i32
      %dma_wait3A_355 = tpu.memref_slice %arg17[%run_scoped3A_94, %dma_wait3A_353, %dma_wait3A_354] : memref<2x40x128xf32, #tpu.memory_space<vmem>> -> memref<1x40x128xf32, #tpu.memory_space<vmem>>
      %dma_wait3A_356 = tpu.memref_squeeze %dma_wait3A_355 : memref<1x40x128xf32, #tpu.memory_space<vmem>> -> memref<40x128xf32, #tpu.memory_space<vmem>>
      tpu.wait_dma2 semaphore(%run_scoped3A_332 : memref<!tpu.dma_semaphore, #tpu.memory_space<semaphore_mem>>) src(%dma_wait3A_356 : memref<40x128xf32, #tpu.memory_space<vmem>>) dst(%dma_wait3A_352 : memref<40x128xf32, #tpu.memory_space<vmem_shared>>)
      tpu.yield
    }) : () -> ()
    %barrier3A = arith.constant 0 : index
    tpu.barrier barrier_id(%barrier3A)
    %mul3A_95 = arith.constant 16 : i32
    %mul3A_96 = arith.muli %arg0, %mul3A_95 : i32
    %add3A_97 = arith.addi %mul3A_96, %arg1 : i32
    %mul3A_98 = arith.constant 10000 : i32
    %mul3A_99 = arith.muli %add3A_97, %mul3A_98 : i32
    %xor3A = arith.constant 8 : i32
    %xor3A_100 = vector.broadcast %xor3A : i32 to vector<16xi32>
    %xor3A_101 = arith.xori %iota3A, %xor3A_100 : vector<16xi32>
    %mul3A_102 = arith.constant 16 : i32
    %mul3A_103 = arith.muli %arg0, %mul3A_102 : i32
    %add3A_104 = arith.addi %mul3A_103, %arg1 : i32
    %mul3A_105 = arith.constant 250 : i32
    %mul3A_106 = arith.muli %add3A_104, %mul3A_105 : i32
    %add3A_107 = arith.constant 0 : i32
    %add3A_108 = arith.addi %mul3A_106, %add3A_107 : i32
    %mul3A_109 = arith.constant 120 : i32
    %mul3A_110 = arith.muli %add3A_108, %mul3A_109 : i32
    %run_scoped3A_111 = arith.constant 0 : i32
    "tpu.region"() ({
      %run_scoped3A_332 = tpu.sem_alloc : memref<!tpu.dma_semaphore, #tpu.memory_space<semaphore_mem>>
      %dma_start3A_333 = arith.constant 0 : i32
      %dma_start3A_334 = tpu.memref_slice %arg10[%run_scoped3A_111, %dma_start3A_333] : memref<2x120xi32, #tpu.memory_space<vmem>> -> memref<1x120xi32, #tpu.memory_space<vmem>>
      %dma_start3A_335 = tpu.memref_squeeze %dma_start3A_334 : memref<1x120xi32, #tpu.memory_space<vmem>> -> memref<120xi32, #tpu.memory_space<vmem>>
      %dma_start3A_336 = tpu.memref_slice %arg5[%mul3A_110] : memref<960000xi32, #tpu.memory_space<hbm>> -> memref<120xi32, #tpu.memory_space<hbm>>
      %dma_start3A_337 = arith.constant 0 : i32
      %dma_start3A_338 = tpu.memref_slice %arg10[%run_scoped3A_111, %dma_start3A_337] : memref<2x120xi32, #tpu.memory_space<vmem>> -> memref<1x120xi32, #tpu.memory_space<vmem>>
      %dma_start3A_339 = tpu.memref_squeeze %dma_start3A_338 : memref<1x120xi32, #tpu.memory_space<vmem>> -> memref<120xi32, #tpu.memory_space<vmem>>
      %dma_start3A_340 = tpu.memref_slice %arg5[%mul3A_110] : memref<960000xi32, #tpu.memory_space<hbm>> -> memref<120xi32, #tpu.memory_space<hbm>>
      tpu.enqueue_dma source(%dma_start3A_340 : memref<120xi32, #tpu.memory_space<hbm>>) target(%dma_start3A_339 : memref<120xi32, #tpu.memory_space<vmem>>) target_semaphore(%run_scoped3A_332 : memref<!tpu.dma_semaphore, #tpu.memory_space<semaphore_mem>>)
      %dma_wait3A_341 = arith.constant 0 : i32
      %dma_wait3A_342 = tpu.memref_slice %arg10[%run_scoped3A_111, %dma_wait3A_341] : memref<2x120xi32, #tpu.memory_space<vmem>> -> memref<1x120xi32, #tpu.memory_space<vmem>>
      %dma_wait3A_343 = tpu.memref_squeeze %dma_wait3A_342 : memref<1x120xi32, #tpu.memory_space<vmem>> -> memref<120xi32, #tpu.memory_space<vmem>>
      %dma_wait3A_344 = tpu.memref_slice %arg5[%mul3A_110] : memref<960000xi32, #tpu.memory_space<hbm>> -> memref<120xi32, #tpu.memory_space<hbm>>
      %dma_wait3A_345 = arith.constant 0 : i32
      %dma_wait3A_346 = tpu.memref_slice %arg10[%run_scoped3A_111, %dma_wait3A_345] : memref<2x120xi32, #tpu.memory_space<vmem>> -> memref<1x120xi32, #tpu.memory_space<vmem>>
      %dma_wait3A_347 = tpu.memref_squeeze %dma_wait3A_346 : memref<1x120xi32, #tpu.memory_space<vmem>> -> memref<120xi32, #tpu.memory_space<vmem>>
      %dma_wait3A_348 = tpu.memref_slice %arg5[%mul3A_110] : memref<960000xi32, #tpu.memory_space<hbm>> -> memref<120xi32, #tpu.memory_space<hbm>>
      tpu.wait_dma2 semaphore(%run_scoped3A_332 : memref<!tpu.dma_semaphore, #tpu.memory_space<semaphore_mem>>) src(%dma_wait3A_348 : memref<120xi32, #tpu.memory_space<hbm>>) dst(%dma_wait3A_347 : memref<120xi32, #tpu.memory_space<vmem>>)
      tpu.yield
    }) : () -> ()
    %get3A = arith.constant 0 : i32
    %get3A_112 = arith.index_cast %get3A : i32 to index
    %get3A_113 = arith.constant 40 : index
    %get3A_114 = tpu.vector_load %arg10[%get3A_112, %get3A_113] {strides = array<i32>} : memref<2x120xi32, #tpu.memory_space<vmem>>, vector<1x16xi32>,
    %get3A_115 = vector.shape_cast %get3A_114 : vector<1x16xi32> to vector<16xi32>
    %get3A_116 = arith.constant 0 : i32
    %get3A_117 = arith.index_cast %get3A_116 : i32 to index
    %get3A_118 = arith.constant 0 : index
    %get3A_119 = tpu.vector_load %arg10[%get3A_117, %get3A_118] {strides = array<i32>} : memref<2x120xi32, #tpu.memory_space<vmem>>, vector<1x16xi32>,
    %get3A_120 = vector.shape_cast %get3A_119 : vector<1x16xi32> to vector<16xi32>
    %mul3A_121 = arith.constant 5 : i32
    %mul3A_122 = vector.broadcast %mul3A_121 : i32 to vector<16xi32>
    %mul3A_123 = arith.muli %get3A_120, %mul3A_122 : vector<16xi32>
    %get3A_124 = arith.constant 0 : i32
    %get3A_125 = arith.index_cast %get3A_124 : i32 to index
    %get3A_126 = arith.constant 80 : index
    %get3A_127 = tpu.vector_load %arg10[%get3A_125, %get3A_126] {strides = array<i32>} : memref<2x120xi32, #tpu.memory_space<vmem>>, vector<1x16xi32>,
    %get3A_128 = vector.shape_cast %get3A_127 : vector<1x16xi32> to vector<16xi32>
    %add3A_129 = arith.addi %mul3A_123, %get3A_128 : vector<16xi32>
    %swap3A = arith.constant 0 : i32
    %swap3A_130 = arith.index_cast %swap3A : i32 to index
    %swap3A_131 = arith.constant 0 : index
    %swap3A_132 = tpu.vector_load %arg13[%swap3A_130, %swap3A_131] {strides = array<i32>} : memref<2x40xi32, #tpu.memory_space<vmem>>, vector<1x16xi32>,
    %swap3A_133 = vector.shape_cast %swap3A_132 : vector<1x16xi32> to vector<16xi32>
    %swap3A_134 = vector.shape_cast %add3A_129 : vector<16xi32> to vector<1x16xi32>
    tpu.vector_store %arg13[%swap3A_130, %swap3A_131], %swap3A_134 {strides = array<i32>} : memref<2x40xi32, #tpu.memory_space<vmem>>, vector<1x16xi32>,
    %shift_right_logical3A = arith.constant 3 : i32
    %shift_right_logical3A_135 = vector.broadcast %shift_right_logical3A : i32 to vector<16xi32>
    %shift_right_logical3A_136 = arith.shrui %get3A_115, %shift_right_logical3A_135 : vector<16xi32>
    %swap3A_137 = arith.constant 0 : i32
    %swap3A_138 = arith.index_cast %swap3A_137 : i32 to index
    %swap3A_139 = arith.constant 0 : index
    %swap3A_140 = tpu.vector_load %arg14[%swap3A_138, %swap3A_139] {strides = array<i32>} : memref<2x40xi32, #tpu.memory_space<vmem>>, vector<1x16xi32>,
    %swap3A_141 = vector.shape_cast %swap3A_140 : vector<1x16xi32> to vector<16xi32>
    %swap3A_142 = vector.shape_cast %shift_right_logical3A_136 : vector<16xi32> to vector<1x16xi32>
    tpu.vector_store %arg14[%swap3A_138, %swap3A_139], %swap3A_142 {strides = array<i32>} : memref<2x40xi32, #tpu.memory_space<vmem>>, vector<1x16xi32>,
    %swap3A_143 = arith.constant 0 : i32
    %swap3A_144 = arith.index_cast %swap3A_143 : i32 to index
    %swap3A_145 = arith.constant 0 : index
    %swap3A_146 = tpu.vector_load %arg11[%swap3A_144, %swap3A_145] {strides = array<i32>} : memref<2x40xi32, #tpu.memory_space<vmem>>, vector<1x16xi32>,
    %swap3A_147 = vector.shape_cast %swap3A_146 : vector<1x16xi32> to vector<16xi32>
    %swap3A_148 = vector.shape_cast %get3A_115 : vector<16xi32> to vector<1x16xi32>
    tpu.vector_store %arg11[%swap3A_144, %swap3A_145], %swap3A_148 {strides = array<i32>} : memref<2x40xi32, #tpu.memory_space<vmem>>, vector<1x16xi32>,
    %swap3A_149 = arith.constant 0 : i32
    %swap3A_150 = arith.index_cast %swap3A_149 : i32 to index
    %swap3A_151 = arith.constant 0 : index
    %swap3A_152 = tpu.vector_load %arg12[%swap3A_150, %swap3A_151] {strides = array<i32>} : memref<2x56xi32, #tpu.memory_space<vmem>>, vector<1x16xi32>,
    %swap3A_153 = vector.shape_cast %swap3A_152 : vector<1x16xi32> to vector<16xi32>
    %swap3A_154 = vector.shape_cast %get3A_115 : vector<16xi32> to vector<1x16xi32>
    tpu.vector_store %arg12[%swap3A_150, %swap3A_151], %swap3A_154 {strides = array<i32>} : memref<2x56xi32, #tpu.memory_space<vmem>>, vector<1x16xi32>,
    %get3A_155 = arith.constant 0 : i32
    %get3A_156 = arith.index_cast %get3A_155 : i32 to index
    %get3A_157 = arith.constant 56 : index
    %get3A_158 = tpu.vector_load %arg10[%get3A_156, %get3A_157] {strides = array<i32>} : memref<2x120xi32, #tpu.memory_space<vmem>>, vector<1x16xi32>,
    %get3A_159 = vector.shape_cast %get3A_158 : vector<1x16xi32> to vector<16xi32>
    %get3A_160 = arith.constant 0 : i32
    %get3A_161 = arith.index_cast %get3A_160 : i32 to index
    %get3A_162 = arith.constant 16 : index
    %get3A_163 = tpu.vector_load %arg10[%get3A_161, %get3A_162] {strides = array<i32>} : memref<2x120xi32, #tpu.memory_space<vmem>>, vector<1x16xi32>,
    %get3A_164 = vector.shape_cast %get3A_163 : vector<1x16xi32> to vector<16xi32>
    %mul3A_165 = arith.constant 5 : i32
    %mul3A_166 = vector.broadcast %mul3A_165 : i32 to vector<16xi32>
    %mul3A_167 = arith.muli %get3A_164, %mul3A_166 : vector<16xi32>
    %get3A_168 = arith.constant 0 : i32
    %get3A_169 = arith.index_cast %get3A_168 : i32 to index
    %get3A_170 = arith.constant 96 : index
    %get3A_171 = tpu.vector_load %arg10[%get3A_169, %get3A_170] {strides = array<i32>} : memref<2x120xi32, #tpu.memory_space<vmem>>, vector<1x16xi32>,
    %get3A_172 = vector.shape_cast %get3A_171 : vector<1x16xi32> to vector<16xi32>
    %add3A_173 = arith.addi %mul3A_167, %get3A_172 : vector<16xi32>
    %swap3A_174 = arith.constant 0 : i32
    %swap3A_175 = arith.index_cast %swap3A_174 : i32 to index
    %swap3A_176 = arith.constant 16 : index
    %swap3A_177 = tpu.vector_load %arg13[%swap3A_175, %swap3A_176] {strides = array<i32>} : memref<2x40xi32, #tpu.memory_space<vmem>>, vector<1x16xi32>,
    %swap3A_178 = vector.shape_cast %swap3A_177 : vector<1x16xi32> to vector<16xi32>
    %swap3A_179 = vector.shape_cast %add3A_173 : vector<16xi32> to vector<1x16xi32>
    tpu.vector_store %arg13[%swap3A_175, %swap3A_176], %swap3A_179 {strides = array<i32>} : memref<2x40xi32, #tpu.memory_space<vmem>>, vector<1x16xi32>,
    %shift_right_logical3A_180 = arith.constant 3 : i32
    %shift_right_logical3A_181 = vector.broadcast %shift_right_logical3A_180 : i32 to vector<16xi32>
    %shift_right_logical3A_182 = arith.shrui %get3A_159, %shift_right_logical3A_181 : vector<16xi32>
    %swap3A_183 = arith.constant 0 : i32
    %swap3A_184 = arith.index_cast %swap3A_183 : i32 to index
    %swap3A_185 = arith.constant 16 : index
    %swap3A_186 = tpu.vector_load %arg14[%swap3A_184, %swap3A_185] {strides = array<i32>} : memref<2x40xi32, #tpu.memory_space<vmem>>, vector<1x16xi32>,
    %swap3A_187 = vector.shape_cast %swap3A_186 : vector<1x16xi32> to vector<16xi32>
    %swap3A_188 = vector.shape_cast %shift_right_logical3A_182 : vector<16xi32> to vector<1x16xi32>
    tpu.vector_store %arg14[%swap3A_184, %swap3A_185], %swap3A_188 {strides = array<i32>} : memref<2x40xi32, #tpu.memory_space<vmem>>, vector<1x16xi32>,
    %swap3A_189 = arith.constant 0 : i32
    %swap3A_190 = arith.index_cast %swap3A_189 : i32 to index
    %swap3A_191 = arith.constant 16 : index
    %swap3A_192 = tpu.vector_load %arg11[%swap3A_190, %swap3A_191] {strides = array<i32>} : memref<2x40xi32, #tpu.memory_space<vmem>>, vector<1x16xi32>,
    %swap3A_193 = vector.shape_cast %swap3A_192 : vector<1x16xi32> to vector<16xi32>
    %swap3A_194 = vector.shape_cast %get3A_159 : vector<16xi32> to vector<1x16xi32>
    tpu.vector_store %arg11[%swap3A_190, %swap3A_191], %swap3A_194 {strides = array<i32>} : memref<2x40xi32, #tpu.memory_space<vmem>>, vector<1x16xi32>,
    %swap3A_195 = arith.constant 0 : i32
    %swap3A_196 = arith.index_cast %swap3A_195 : i32 to index
    %swap3A_197 = arith.constant 16 : index
    %swap3A_198 = tpu.vector_load %arg12[%swap3A_196, %swap3A_197] {strides = array<i32>} : memref<2x56xi32, #tpu.memory_space<vmem>>, vector<1x16xi32>,
    %swap3A_199 = vector.shape_cast %swap3A_198 : vector<1x16xi32> to vector<16xi32>
    %swap3A_200 = vector.shape_cast %get3A_159 : vector<16xi32> to vector<1x16xi32>
    tpu.vector_store %arg12[%swap3A_196, %swap3A_197], %swap3A_200 {strides = array<i32>} : memref<2x56xi32, #tpu.memory_space<vmem>>, vector<1x16xi32>,
    %get3A_201 = arith.constant 0 : i32
    %get3A_202 = arith.index_cast %get3A_201 : i32 to index
    %get3A_203 = arith.constant 64 : index
    %get3A_204 = tpu.vector_load %arg10[%get3A_202, %get3A_203] {strides = array<i32>} : memref<2x120xi32, #tpu.memory_space<vmem>>, vector<1x16xi32>,
    %get3A_205 = vector.shape_cast %get3A_204 : vector<1x16xi32> to vector<16xi32>
    %get3A_206 = arith.constant 0 : i32
    %get3A_207 = arith.index_cast %get3A_206 : i32 to index
    %get3A_208 = arith.constant 24 : index
    %get3A_209 = tpu.vector_load %arg10[%get3A_207, %get3A_208] {strides = array<i32>} : memref<2x120xi32, #tpu.memory_space<vmem>>, vector<1x16xi32>,
    %get3A_210 = vector.shape_cast %get3A_209 : vector<1x16xi32> to vector<16xi32>
    %mul3A_211 = arith.constant 5 : i32
    %mul3A_212 = vector.broadcast %mul3A_211 : i32 to vector<16xi32>
    %mul3A_213 = arith.muli %get3A_210, %mul3A_212 : vector<16xi32>
    %get3A_214 = arith.constant 0 : i32
    %get3A_215 = arith.index_cast %get3A_214 : i32 to index
    %get3A_216 = arith.constant 104 : index
    %get3A_217 = tpu.vector_load %arg10[%get3A_215, %get3A_216] {strides = array<i32>} : memref<2x120xi32, #tpu.memory_space<vmem>>, vector<1x16xi32>,
    %get3A_218 = vector.shape_cast %get3A_217 : vector<1x16xi32> to vector<16xi32>
    %add3A_219 = arith.addi %mul3A_213, %get3A_218 : vector<16xi32>
    %swap3A_220 = arith.constant 0 : i32
    %swap3A_221 = arith.index_cast %swap3A_220 : i32 to index
    %swap3A_222 = arith.constant 24 : index
    %swap3A_223 = tpu.vector_load %arg13[%swap3A_221, %swap3A_222] {strides = array<i32>} : memref<2x40xi32, #tpu.memory_space<vmem>>, vector<1x16xi32>,
    %swap3A_224 = vector.shape_cast %swap3A_223 : vector<1x16xi32> to vector<16xi32>
    %swap3A_225 = vector.shape_cast %add3A_219 : vector<16xi32> to vector<1x16xi32>
    tpu.vector_store %arg13[%swap3A_221, %swap3A_222], %swap3A_225 {strides = array<i32>} : memref<2x40xi32, #tpu.memory_space<vmem>>, vector<1x16xi32>,
    %shift_right_logical3A_226 = arith.constant 3 : i32
    %shift_right_logical3A_227 = vector.broadcast %shift_right_logical3A_226 : i32 to vector<16xi32>
    %shift_right_logical3A_228 = arith.shrui %get3A_205, %shift_right_logical3A_227 : vector<16xi32>
    %swap3A_229 = arith.constant 0 : i32
    %swap3A_230 = arith.index_cast %swap3A_229 : i32 to index
    %swap3A_231 = arith.constant 24 : index
    %swap3A_232 = tpu.vector_load %arg14[%swap3A_230, %swap3A_231] {strides = array<i32>} : memref<2x40xi32, #tpu.memory_space<vmem>>, vector<1x16xi32>,
    %swap3A_233 = vector.shape_cast %swap3A_232 : vector<1x16xi32> to vector<16xi32>
    %swap3A_234 = vector.shape_cast %shift_right_logical3A_228 : vector<16xi32> to vector<1x16xi32>
    tpu.vector_store %arg14[%swap3A_230, %swap3A_231], %swap3A_234 {strides = array<i32>} : memref<2x40xi32, #tpu.memory_space<vmem>>, vector<1x16xi32>,
    %swap3A_235 = arith.constant 0 : i32
    %swap3A_236 = arith.index_cast %swap3A_235 : i32 to index
    %swap3A_237 = arith.constant 24 : index
    %swap3A_238 = tpu.vector_load %arg11[%swap3A_236, %swap3A_237] {strides = array<i32>} : memref<2x40xi32, #tpu.memory_space<vmem>>, vector<1x16xi32>,
    %swap3A_239 = vector.shape_cast %swap3A_238 : vector<1x16xi32> to vector<16xi32>
    %swap3A_240 = vector.shape_cast %get3A_205 : vector<16xi32> to vector<1x16xi32>
    tpu.vector_store %arg11[%swap3A_236, %swap3A_237], %swap3A_240 {strides = array<i32>} : memref<2x40xi32, #tpu.memory_space<vmem>>, vector<1x16xi32>,
    %swap3A_241 = arith.constant 0 : i32
    %swap3A_242 = arith.index_cast %swap3A_241 : i32 to index
    %swap3A_243 = arith.constant 24 : index
    %swap3A_244 = tpu.vector_load %arg12[%swap3A_242, %swap3A_243] {strides = array<i32>} : memref<2x56xi32, #tpu.memory_space<vmem>>, vector<1x16xi32>,
    %swap3A_245 = vector.shape_cast %swap3A_244 : vector<1x16xi32> to vector<16xi32>
    %swap3A_246 = vector.shape_cast %get3A_205 : vector<16xi32> to vector<1x16xi32>
    tpu.vector_store %arg12[%swap3A_242, %swap3A_243], %swap3A_246 {strides = array<i32>} : memref<2x56xi32, #tpu.memory_space<vmem>>, vector<1x16xi32>,
    %dma_start3A = arith.constant 0 : i32
    %dma_start3A_247 = arith.constant 0 : i32
    %dma_start3A_248 = arith.constant 0 : i32
    %dma_start3A_249 = arith.constant 0 : i32
    %dma_start3A_250 = tpu.memref_slice %arg15[%dma_start3A_247, %dma_start3A_248, %dma_start3A_249] : memref<2x40x128xf32, #tpu.memory_space<vmem>> -> memref<1x40x128xf32, #tpu.memory_space<vmem>>
    %dma_start3A_251 = tpu.memref_squeeze %dma_start3A_250 : memref<1x40x128xf32, #tpu.memory_space<vmem>> -> memref<40x128xf32, #tpu.memory_space<vmem>>
    %dma_start3A_252 = arith.constant 0 : i32
    %dma_start3A_253 = tpu.memref_slice %arg13[%dma_start3A, %dma_start3A_252] : memref<2x40xi32, #tpu.memory_space<vmem>> -> memref<1x40xi32, #tpu.memory_space<vmem>>
    %dma_start3A_254 = tpu.memref_squeeze %dma_start3A_253 : memref<1x40xi32, #tpu.memory_space<vmem>> -> memref<40xi32, #tpu.memory_space<vmem>>
    %dma_start3A_255 = arith.constant 0 : i32
    %dma_start3A_256 = arith.constant 0 : i32
    %dma_start3A_257 = tpu.memref_slice %arg2[%dma_start3A_255, %dma_start3A_256] : memref<50000x128xf32, #tpu.memory_space<hbm>> -> memref<50000x128xf32, #tpu.memory_space<hbm>>
    tpu.enqueue_indirect_dma source(%dma_start3A_257 : memref<50000x128xf32, #tpu.memory_space<hbm>>) target(%dma_start3A_251 : memref<40x128xf32, #tpu.memory_space<vmem>>) offsets(%dma_start3A_254 : memref<40xi32, #tpu.memory_space<vmem>>) semaphore(%arg19 : memref<!tpu.dma_semaphore, #tpu.memory_space<semaphore_mem>>)
    %dma_start3A_258 = arith.constant 0 : i32
    %dma_start3A_259 = arith.constant 0 : i32
    %dma_start3A_260 = arith.constant 0 : i32
    %dma_start3A_261 = arith.constant 0 : i32
    %dma_start3A_262 = tpu.memref_slice %arg16[%dma_start3A_259, %dma_start3A_260, %dma_start3A_261] : memref<2x40x128xf32, #tpu.memory_space<vmem>> -> memref<1x40x128xf32, #tpu.memory_space<vmem>>
    %dma_start3A_263 = tpu.memref_squeeze %dma_start3A_262 : memref<1x40x128xf32, #tpu.memory_space<vmem>> -> memref<40x128xf32, #tpu.memory_space<vmem>>
    %dma_start3A_264 = arith.constant 0 : i32
    %dma_start3A_265 = tpu.memref_slice %arg11[%dma_start3A_258, %dma_start3A_264] : memref<2x40xi32, #tpu.memory_space<vmem>> -> memref<1x40xi32, #tpu.memory_space<vmem>>
    %dma_start3A_266 = tpu.memref_squeeze %dma_start3A_265 : memref<1x40xi32, #tpu.memory_space<vmem>> -> memref<40xi32, #tpu.memory_space<vmem>>
    %dma_start3A_267 = arith.constant 0 : i32
    %dma_start3A_268 = arith.constant 0 : i32
    %dma_start3A_269 = tpu.memref_slice %arg4[%dma_start3A_267, %dma_start3A_268] : memref<10000x128xf32, #tpu.memory_space<hbm>> -> memref<10000x128xf32, #tpu.memory_space<hbm>>
    tpu.enqueue_indirect_dma source(%dma_start3A_269 : memref<10000x128xf32, #tpu.memory_space<hbm>>) target(%dma_start3A_263 : memref<40x128xf32, #tpu.memory_space<vmem>>) offsets(%dma_start3A_266 : memref<40xi32, #tpu.memory_space<vmem>>) semaphore(%arg20 : memref<!tpu.dma_semaphore, #tpu.memory_space<semaphore_mem>>)
    %dma_start3A_270 = arith.constant 0 : i32
    %dma_start3A_271 = arith.constant 0 : i32
    %dma_start3A_272 = arith.constant 0 : i32
    %dma_start3A_273 = arith.constant 0 : i32
    %dma_start3A_274 = tpu.memref_slice %arg17[%dma_start3A_271, %dma_start3A_272, %dma_start3A_273] : memref<2x40x128xf32, #tpu.memory_space<vmem>> -> memref<1x40x128xf32, #tpu.memory_space<vmem>>
    %dma_start3A_275 = tpu.memref_squeeze %dma_start3A_274 : memref<1x40x128xf32, #tpu.memory_space<vmem>> -> memref<40x128xf32, #tpu.memory_space<vmem>>
    %dma_start3A_276 = arith.constant 0 : i32
    %dma_start3A_277 = tpu.memref_slice %arg13[%dma_start3A_270, %dma_start3A_276] : memref<2x40xi32, #tpu.memory_space<vmem>> -> memref<1x40xi32, #tpu.memory_space<vmem>>
    %dma_start3A_278 = tpu.memref_squeeze %dma_start3A_277 : memref<1x40xi32, #tpu.memory_space<vmem>> -> memref<40xi32, #tpu.memory_space<vmem>>
    %dma_start3A_279 = arith.constant 0 : i32
    %dma_start3A_280 = arith.constant 0 : i32
    %dma_start3A_281 = tpu.memref_slice %arg3[%dma_start3A_279, %dma_start3A_280] : memref<50000x128xf32, #tpu.memory_space<hbm>> -> memref<50000x128xf32, #tpu.memory_space<hbm>>
    tpu.enqueue_indirect_dma source(%dma_start3A_281 : memref<50000x128xf32, #tpu.memory_space<hbm>>) target(%dma_start3A_275 : memref<40x128xf32, #tpu.memory_space<vmem>>) offsets(%dma_start3A_278 : memref<40xi32, #tpu.memory_space<vmem>>) semaphore(%arg21 : memref<!tpu.dma_semaphore, #tpu.memory_space<semaphore_mem>>)
    %scan3A_282 = arith.constant 0 : i32
    %scan3A_283 = arith.constant 0 : i32
    %scan3A_284 = arith.constant 125 : i32
    %scan3A_285 = arith.addi %scan3A_283, %scan3A_284 : i32
    %scan3A_286 = arith.constant 1 : i32
    scf.for %scan3A_332 = %scan3A_283 to %scan3A_285 step %scan3A_286  : i32 {
      %mul3A_333 = arith.constant 2 : i32
      %mul3A_334 = arith.muli %scan3A_332, %mul3A_333 : i32
      %add3A_335 = arith.constant 0 : i32
      %add3A_336 = arith.addi %mul3A_334, %add3A_335 : i32
      %add3A_337 = arith.constant 1 : i32
      %add3A_338 = arith.addi %add3A_336, %add3A_337 : i32
      %min3A = arith.constant 249 : i32
      %min3A_339 = arith.minsi %add3A_338, %min3A : i32
      %add3A_340 = arith.addi %mul3A_106, %min3A_339 : i32
      %mul3A_341 = arith.constant 120 : i32
      %mul3A_342 = arith.muli %add3A_340, %mul3A_341 : i32
      %run_scoped3A_343 = arith.constant 1 : i32
      "tpu.region"() ({
        %run_scoped3A_794 = tpu.sem_alloc : memref<!tpu.dma_semaphore, #tpu.memory_space<semaphore_mem>>
        %dma_start3A_795 = arith.constant 0 : i32
        %dma_start3A_796 = tpu.memref_slice %arg10[%run_scoped3A_343, %dma_start3A_795] : memref<2x120xi32, #tpu.memory_space<vmem>> -> memref<1x120xi32, #tpu.memory_space<vmem>>
        %dma_start3A_797 = tpu.memref_squeeze %dma_start3A_796 : memref<1x120xi32, #tpu.memory_space<vmem>> -> memref<120xi32, #tpu.memory_space<vmem>>
        %dma_start3A_798 = tpu.memref_slice %arg5[%mul3A_342] : memref<960000xi32, #tpu.memory_space<hbm>> -> memref<120xi32, #tpu.memory_space<hbm>>
        %dma_start3A_799 = arith.constant 0 : i32
        %dma_start3A_800 = tpu.memref_slice %arg10[%run_scoped3A_343, %dma_start3A_799] : memref<2x120xi32, #tpu.memory_space<vmem>> -> memref<1x120xi32, #tpu.memory_space<vmem>>
        %dma_start3A_801 = tpu.memref_squeeze %dma_start3A_800 : memref<1x120xi32, #tpu.memory_space<vmem>> -> memref<120xi32, #tpu.memory_space<vmem>>
        %dma_start3A_802 = tpu.memref_slice %arg5[%mul3A_342] : memref<960000xi32, #tpu.memory_space<hbm>> -> memref<120xi32, #tpu.memory_space<hbm>>
        tpu.enqueue_dma source(%dma_start3A_802 : memref<120xi32, #tpu.memory_space<hbm>>) target(%dma_start3A_801 : memref<120xi32, #tpu.memory_space<vmem>>) target_semaphore(%run_scoped3A_794 : memref<!tpu.dma_semaphore, #tpu.memory_space<semaphore_mem>>)
        %dma_wait3A_803 = arith.constant 0 : i32
        %dma_wait3A_804 = tpu.memref_slice %arg10[%run_scoped3A_343, %dma_wait3A_803] : memref<2x120xi32, #tpu.memory_space<vmem>> -> memref<1x120xi32, #tpu.memory_space<vmem>>
        %dma_wait3A_805 = tpu.memref_squeeze %dma_wait3A_804 : memref<1x120xi32, #tpu.memory_space<vmem>> -> memref<120xi32, #tpu.memory_space<vmem>>
        %dma_wait3A_806 = tpu.memref_slice %arg5[%mul3A_342] : memref<960000xi32, #tpu.memory_space<hbm>> -> memref<120xi32, #tpu.memory_space<hbm>>
        %dma_wait3A_807 = arith.constant 0 : i32
        %dma_wait3A_808 = tpu.memref_slice %arg10[%run_scoped3A_343, %dma_wait3A_807] : memref<2x120xi32, #tpu.memory_space<vmem>> -> memref<1x120xi32, #tpu.memory_space<vmem>>
        %dma_wait3A_809 = tpu.memref_squeeze %dma_wait3A_808 : memref<1x120xi32, #tpu.memory_space<vmem>> -> memref<120xi32, #tpu.memory_space<vmem>>
        %dma_wait3A_810 = tpu.memref_slice %arg5[%mul3A_342] : memref<960000xi32, #tpu.memory_space<hbm>> -> memref<120xi32, #tpu.memory_space<hbm>>
        tpu.wait_dma2 semaphore(%run_scoped3A_794 : memref<!tpu.dma_semaphore, #tpu.memory_space<semaphore_mem>>) src(%dma_wait3A_810 : memref<120xi32, #tpu.memory_space<hbm>>) dst(%dma_wait3A_809 : memref<120xi32, #tpu.memory_space<vmem>>)
        tpu.yield
      }) : () -> ()
      %get3A_344 = arith.constant 1 : i32
      %get3A_345 = arith.index_cast %get3A_344 : i32 to index
      %get3A_346 = arith.constant 40 : index
      %get3A_347 = tpu.vector_load %arg10[%get3A_345, %get3A_346] {strides = array<i32>} : memref<2x120xi32, #tpu.memory_space<vmem>>, vector<1x16xi32>,
      %get3A_348 = vector.shape_cast %get3A_347 : vector<1x16xi32> to vector<16xi32>
      %get3A_349 = arith.constant 1 : i32
      %get3A_350 = arith.index_cast %get3A_349 : i32 to index
      %get3A_351 = arith.constant 0 : index
      %get3A_352 = tpu.vector_load %arg10[%get3A_350, %get3A_351] {strides = array<i32>} : memref<2x120xi32, #tpu.memory_space<vmem>>, vector<1x16xi32>,
      %get3A_353 = vector.shape_cast %get3A_352 : vector<1x16xi32> to vector<16xi32>
      %mul3A_354 = arith.constant 5 : i32
      %mul3A_355 = vector.broadcast %mul3A_354 : i32 to vector<16xi32>
      %mul3A_356 = arith.muli %get3A_353, %mul3A_355 : vector<16xi32>
      %get3A_357 = arith.constant 1 : i32
      %get3A_358 = arith.index_cast %get3A_357 : i32 to index
      %get3A_359 = arith.constant 80 : index
      %get3A_360 = tpu.vector_load %arg10[%get3A_358, %get3A_359] {strides = array<i32>} : memref<2x120xi32, #tpu.memory_space<vmem>>, vector<1x16xi32>,
      %get3A_361 = vector.shape_cast %get3A_360 : vector<1x16xi32> to vector<16xi32>
      %add3A_362 = arith.addi %mul3A_356, %get3A_361 : vector<16xi32>
      %swap3A_363 = arith.constant 1 : i32
      %swap3A_364 = arith.index_cast %swap3A_363 : i32 to index
      %swap3A_365 = arith.constant 0 : index
      %swap3A_366 = tpu.vector_load %arg13[%swap3A_364, %swap3A_365] {strides = array<i32>} : memref<2x40xi32, #tpu.memory_space<vmem>>, vector<1x16xi32>,
      %swap3A_367 = vector.shape_cast %swap3A_366 : vector<1x16xi32> to vector<16xi32>
      %swap3A_368 = vector.shape_cast %add3A_362 : vector<16xi32> to vector<1x16xi32>
      tpu.vector_store %arg13[%swap3A_364, %swap3A_365], %swap3A_368 {strides = array<i32>} : memref<2x40xi32, #tpu.memory_space<vmem>>, vector<1x16xi32>,
      %shift_right_logical3A_369 = arith.constant 3 : i32
      %shift_right_logical3A_370 = vector.broadcast %shift_right_logical3A_369 : i32 to vector<16xi32>
      %shift_right_logical3A_371 = arith.shrui %get3A_348, %shift_right_logical3A_370 : vector<16xi32>
      %swap3A_372 = arith.constant 1 : i32
      %swap3A_373 = arith.index_cast %swap3A_372 : i32 to index
      %swap3A_374 = arith.constant 0 : index
      %swap3A_375 = tpu.vector_load %arg14[%swap3A_373, %swap3A_374] {strides = array<i32>} : memref<2x40xi32, #tpu.memory_space<vmem>>, vector<1x16xi32>,
      %swap3A_376 = vector.shape_cast %swap3A_375 : vector<1x16xi32> to vector<16xi32>
      %swap3A_377 = vector.shape_cast %shift_right_logical3A_371 : vector<16xi32> to vector<1x16xi32>
      tpu.vector_store %arg14[%swap3A_373, %swap3A_374], %swap3A_377 {strides = array<i32>} : memref<2x40xi32, #tpu.memory_space<vmem>>, vector<1x16xi32>,
      %swap3A_378 = arith.constant 1 : i32
      %swap3A_379 = arith.index_cast %swap3A_378 : i32 to index
      %swap3A_380 = arith.constant 0 : index
      %swap3A_381 = tpu.vector_load %arg11[%swap3A_379, %swap3A_380] {strides = array<i32>} : memref<2x40xi32, #tpu.memory_space<vmem>>, vector<1x16xi32>,
      %swap3A_382 = vector.shape_cast %swap3A_381 : vector<1x16xi32> to vector<16xi32>
      %swap3A_383 = vector.shape_cast %get3A_348 : vector<16xi32> to vector<1x16xi32>
      tpu.vector_store %arg11[%swap3A_379, %swap3A_380], %swap3A_383 {strides = array<i32>} : memref<2x40xi32, #tpu.memory_space<vmem>>, vector<1x16xi32>,
      %swap3A_384 = arith.constant 1 : i32
      %swap3A_385 = arith.index_cast %swap3A_384 : i32 to index
      %swap3A_386 = arith.constant 0 : index
      %swap3A_387 = tpu.vector_load %arg12[%swap3A_385, %swap3A_386] {strides = array<i32>} : memref<2x56xi32, #tpu.memory_space<vmem>>, vector<1x16xi32>,
      %swap3A_388 = vector.shape_cast %swap3A_387 : vector<1x16xi32> to vector<16xi32>
      %swap3A_389 = vector.shape_cast %get3A_348 : vector<16xi32> to vector<1x16xi32>
      tpu.vector_store %arg12[%swap3A_385, %swap3A_386], %swap3A_389 {strides = array<i32>} : memref<2x56xi32, #tpu.memory_space<vmem>>, vector<1x16xi32>,
      %get3A_390 = arith.constant 1 : i32
      %get3A_391 = arith.index_cast %get3A_390 : i32 to index
      %get3A_392 = arith.constant 56 : index
      %get3A_393 = tpu.vector_load %arg10[%get3A_391, %get3A_392] {strides = array<i32>} : memref<2x120xi32, #tpu.memory_space<vmem>>, vector<1x16xi32>,
      %get3A_394 = vector.shape_cast %get3A_393 : vector<1x16xi32> to vector<16xi32>
      %get3A_395 = arith.constant 1 : i32
      %get3A_396 = arith.index_cast %get3A_395 : i32 to index
      %get3A_397 = arith.constant 16 : index
      %get3A_398 = tpu.vector_load %arg10[%get3A_396, %get3A_397] {strides = array<i32>} : memref<2x120xi32, #tpu.memory_space<vmem>>, vector<1x16xi32>,
      %get3A_399 = vector.shape_cast %get3A_398 : vector<1x16xi32> to vector<16xi32>
      %mul3A_400 = arith.constant 5 : i32
      %mul3A_401 = vector.broadcast %mul3A_400 : i32 to vector<16xi32>
      %mul3A_402 = arith.muli %get3A_399, %mul3A_401 : vector<16xi32>
      %get3A_403 = arith.constant 1 : i32
      %get3A_404 = arith.index_cast %get3A_403 : i32 to index
      %get3A_405 = arith.constant 96 : index
      %get3A_406 = tpu.vector_load %arg10[%get3A_404, %get3A_405] {strides = array<i32>} : memref<2x120xi32, #tpu.memory_space<vmem>>, vector<1x16xi32>,
      %get3A_407 = vector.shape_cast %get3A_406 : vector<1x16xi32> to vector<16xi32>
      %add3A_408 = arith.addi %mul3A_402, %get3A_407 : vector<16xi32>
      %swap3A_409 = arith.constant 1 : i32
      %swap3A_410 = arith.index_cast %swap3A_409 : i32 to index
      %swap3A_411 = arith.constant 16 : index
      %swap3A_412 = tpu.vector_load %arg13[%swap3A_410, %swap3A_411] {strides = array<i32>} : memref<2x40xi32, #tpu.memory_space<vmem>>, vector<1x16xi32>,
      %swap3A_413 = vector.shape_cast %swap3A_412 : vector<1x16xi32> to vector<16xi32>
      %swap3A_414 = vector.shape_cast %add3A_408 : vector<16xi32> to vector<1x16xi32>
      tpu.vector_store %arg13[%swap3A_410, %swap3A_411], %swap3A_414 {strides = array<i32>} : memref<2x40xi32, #tpu.memory_space<vmem>>, vector<1x16xi32>,
      %shift_right_logical3A_415 = arith.constant 3 : i32
      %shift_right_logical3A_416 = vector.broadcast %shift_right_logical3A_415 : i32 to vector<16xi32>
      %shift_right_logical3A_417 = arith.shrui %get3A_394, %shift_right_logical3A_416 : vector<16xi32>
      %swap3A_418 = arith.constant 1 : i32
      %swap3A_419 = arith.index_cast %swap3A_418 : i32 to index
      %swap3A_420 = arith.constant 16 : index
      %swap3A_421 = tpu.vector_load %arg14[%swap3A_419, %swap3A_420] {strides = array<i32>} : memref<2x40xi32, #tpu.memory_space<vmem>>, vector<1x16xi32>,
      %swap3A_422 = vector.shape_cast %swap3A_421 : vector<1x16xi32> to vector<16xi32>
      %swap3A_423 = vector.shape_cast %shift_right_logical3A_417 : vector<16xi32> to vector<1x16xi32>
      tpu.vector_store %arg14[%swap3A_419, %swap3A_420], %swap3A_423 {strides = array<i32>} : memref<2x40xi32, #tpu.memory_space<vmem>>, vector<1x16xi32>,
      %swap3A_424 = arith.constant 1 : i32
      %swap3A_425 = arith.index_cast %swap3A_424 : i32 to index
      %swap3A_426 = arith.constant 16 : index
      %swap3A_427 = tpu.vector_load %arg11[%swap3A_425, %swap3A_426] {strides = array<i32>} : memref<2x40xi32, #tpu.memory_space<vmem>>, vector<1x16xi32>,
      %swap3A_428 = vector.shape_cast %swap3A_427 : vector<1x16xi32> to vector<16xi32>
      %swap3A_429 = vector.shape_cast %get3A_394 : vector<16xi32> to vector<1x16xi32>
      tpu.vector_store %arg11[%swap3A_425, %swap3A_426], %swap3A_429 {strides = array<i32>} : memref<2x40xi32, #tpu.memory_space<vmem>>, vector<1x16xi32>,
      %swap3A_430 = arith.constant 1 : i32
      %swap3A_431 = arith.index_cast %swap3A_430 : i32 to index
      %swap3A_432 = arith.constant 16 : index
      %swap3A_433 = tpu.vector_load %arg12[%swap3A_431, %swap3A_432] {strides = array<i32>} : memref<2x56xi32, #tpu.memory_space<vmem>>, vector<1x16xi32>,
      %swap3A_434 = vector.shape_cast %swap3A_433 : vector<1x16xi32> to vector<16xi32>
      %swap3A_435 = vector.shape_cast %get3A_394 : vector<16xi32> to vector<1x16xi32>
      tpu.vector_store %arg12[%swap3A_431, %swap3A_432], %swap3A_435 {strides = array<i32>} : memref<2x56xi32, #tpu.memory_space<vmem>>, vector<1x16xi32>,
      %get3A_436 = arith.constant 1 : i32
      %get3A_437 = arith.index_cast %get3A_436 : i32 to index
      %get3A_438 = arith.constant 64 : index
      %get3A_439 = tpu.vector_load %arg10[%get3A_437, %get3A_438] {strides = array<i32>} : memref<2x120xi32, #tpu.memory_space<vmem>>, vector<1x16xi32>,
      %get3A_440 = vector.shape_cast %get3A_439 : vector<1x16xi32> to vector<16xi32>
      %get3A_441 = arith.constant 1 : i32
      %get3A_442 = arith.index_cast %get3A_441 : i32 to index
      %get3A_443 = arith.constant 24 : index
      %get3A_444 = tpu.vector_load %arg10[%get3A_442, %get3A_443] {strides = array<i32>} : memref<2x120xi32, #tpu.memory_space<vmem>>, vector<1x16xi32>,
      %get3A_445 = vector.shape_cast %get3A_444 : vector<1x16xi32> to vector<16xi32>
      %mul3A_446 = arith.constant 5 : i32
      %mul3A_447 = vector.broadcast %mul3A_446 : i32 to vector<16xi32>
      %mul3A_448 = arith.muli %get3A_445, %mul3A_447 : vector<16xi32>
      %get3A_449 = arith.constant 1 : i32
      %get3A_450 = arith.index_cast %get3A_449 : i32 to index
      %get3A_451 = arith.constant 104 : index
      %get3A_452 = tpu.vector_load %arg10[%get3A_450, %get3A_451] {strides = array<i32>} : memref<2x120xi32, #tpu.memory_space<vmem>>, vector<1x16xi32>,
      %get3A_453 = vector.shape_cast %get3A_452 : vector<1x16xi32> to vector<16xi32>
      %add3A_454 = arith.addi %mul3A_448, %get3A_453 : vector<16xi32>
      %swap3A_455 = arith.constant 1 : i32
      %swap3A_456 = arith.index_cast %swap3A_455 : i32 to index
      %swap3A_457 = arith.constant 24 : index
      %swap3A_458 = tpu.vector_load %arg13[%swap3A_456, %swap3A_457] {strides = array<i32>} : memref<2x40xi32, #tpu.memory_space<vmem>>, vector<1x16xi32>,
      %swap3A_459 = vector.shape_cast %swap3A_458 : vector<1x16xi32> to vector<16xi32>
      %swap3A_460 = vector.shape_cast %add3A_454 : vector<16xi32> to vector<1x16xi32>
      tpu.vector_store %arg13[%swap3A_456, %swap3A_457], %swap3A_460 {strides = array<i32>} : memref<2x40xi32, #tpu.memory_space<vmem>>, vector<1x16xi32>,
      %shift_right_logical3A_461 = arith.constant 3 : i32
      %shift_right_logical3A_462 = vector.broadcast %shift_right_logical3A_461 : i32 to vector<16xi32>
      %shift_right_logical3A_463 = arith.shrui %get3A_440, %shift_right_logical3A_462 : vector<16xi32>
      %swap3A_464 = arith.constant 1 : i32
      %swap3A_465 = arith.index_cast %swap3A_464 : i32 to index
      %swap3A_466 = arith.constant 24 : index
      %swap3A_467 = tpu.vector_load %arg14[%swap3A_465, %swap3A_466] {strides = array<i32>} : memref<2x40xi32, #tpu.memory_space<vmem>>, vector<1x16xi32>,
      %swap3A_468 = vector.shape_cast %swap3A_467 : vector<1x16xi32> to vector<16xi32>
      %swap3A_469 = vector.shape_cast %shift_right_logical3A_463 : vector<16xi32> to vector<1x16xi32>
      tpu.vector_store %arg14[%swap3A_465, %swap3A_466], %swap3A_469 {strides = array<i32>} : memref<2x40xi32, #tpu.memory_space<vmem>>, vector<1x16xi32>,
      %swap3A_470 = arith.constant 1 : i32
      %swap3A_471 = arith.index_cast %swap3A_470 : i32 to index
      %swap3A_472 = arith.constant 24 : index
      %swap3A_473 = tpu.vector_load %arg11[%swap3A_471, %swap3A_472] {strides = array<i32>} : memref<2x40xi32, #tpu.memory_space<vmem>>, vector<1x16xi32>,
      %swap3A_474 = vector.shape_cast %swap3A_473 : vector<1x16xi32> to vector<16xi32>
      %swap3A_475 = vector.shape_cast %get3A_440 : vector<16xi32> to vector<1x16xi32>
      tpu.vector_store %arg11[%swap3A_471, %swap3A_472], %swap3A_475 {strides = array<i32>} : memref<2x40xi32, #tpu.memory_space<vmem>>, vector<1x16xi32>,
      %swap3A_476 = arith.constant 1 : i32
      %swap3A_477 = arith.index_cast %swap3A_476 : i32 to index
      %swap3A_478 = arith.constant 24 : index
      %swap3A_479 = tpu.vector_load %arg12[%swap3A_477, %swap3A_478] {strides = array<i32>} : memref<2x56xi32, #tpu.memory_space<vmem>>, vector<1x16xi32>,
      %swap3A_480 = vector.shape_cast %swap3A_479 : vector<1x16xi32> to vector<16xi32>
      %swap3A_481 = vector.shape_cast %get3A_440 : vector<16xi32> to vector<1x16xi32>
      tpu.vector_store %arg12[%swap3A_477, %swap3A_478], %swap3A_481 {strides = array<i32>} : memref<2x56xi32, #tpu.memory_space<vmem>>, vector<1x16xi32>,
      %dma_start3A_482 = arith.constant 1 : i32
      %dma_start3A_483 = arith.constant 1 : i32
      %dma_start3A_484 = arith.constant 0 : i32
      %dma_start3A_485 = arith.constant 0 : i32
      %dma_start3A_486 = tpu.memref_slice %arg15[%dma_start3A_483, %dma_start3A_484, %dma_start3A_485] : memref<2x40x128xf32, #tpu.memory_space<vmem>> -> memref<1x40x128xf32, #tpu.memory_space<vmem>>
      %dma_start3A_487 = tpu.memref_squeeze %dma_start3A_486 : memref<1x40x128xf32, #tpu.memory_space<vmem>> -> memref<40x128xf32, #tpu.memory_space<vmem>>
      %dma_start3A_488 = arith.constant 0 : i32
      %dma_start3A_489 = tpu.memref_slice %arg13[%dma_start3A_482, %dma_start3A_488] : memref<2x40xi32, #tpu.memory_space<vmem>> -> memref<1x40xi32, #tpu.memory_space<vmem>>
      %dma_start3A_490 = tpu.memref_squeeze %dma_start3A_489 : memref<1x40xi32, #tpu.memory_space<vmem>> -> memref<40xi32, #tpu.memory_space<vmem>>
      %dma_start3A_491 = arith.constant 0 : i32
      %dma_start3A_492 = arith.constant 0 : i32
      %dma_start3A_493 = tpu.memref_slice %arg2[%dma_start3A_491, %dma_start3A_492] : memref<50000x128xf32, #tpu.memory_space<hbm>> -> memref<50000x128xf32, #tpu.memory_space<hbm>>
      tpu.enqueue_indirect_dma source(%dma_start3A_493 : memref<50000x128xf32, #tpu.memory_space<hbm>>) target(%dma_start3A_487 : memref<40x128xf32, #tpu.memory_space<vmem>>) offsets(%dma_start3A_490 : memref<40xi32, #tpu.memory_space<vmem>>) semaphore(%arg19 : memref<!tpu.dma_semaphore, #tpu.memory_space<semaphore_mem>>)
      %dma_start3A_494 = arith.constant 1 : i32
      %dma_start3A_495 = arith.constant 1 : i32
      %dma_start3A_496 = arith.constant 0 : i32
      %dma_start3A_497 = arith.constant 0 : i32
      %dma_start3A_498 = tpu.memref_slice %arg16[%dma_start3A_495, %dma_start3A_496, %dma_start3A_497] : memref<2x40x128xf32, #tpu.memory_space<vmem>> -> memref<1x40x128xf32, #tpu.memory_space<vmem>>
      %dma_start3A_499 = tpu.memref_squeeze %dma_start3A_498 : memref<1x40x128xf32, #tpu.memory_space<vmem>> -> memref<40x128xf32, #tpu.memory_space<vmem>>
      %dma_start3A_500 = arith.constant 0 : i32
      %dma_start3A_501 = tpu.memref_slice %arg11[%dma_start3A_494, %dma_start3A_500] : memref<2x40xi32, #tpu.memory_space<vmem>> -> memref<1x40xi32, #tpu.memory_space<vmem>>
      %dma_start3A_502 = tpu.memref_squeeze %dma_start3A_501 : memref<1x40xi32, #tpu.memory_space<vmem>> -> memref<40xi32, #tpu.memory_space<vmem>>
      %dma_start3A_503 = arith.constant 0 : i32
      %dma_start3A_504 = arith.constant 0 : i32
      %dma_start3A_505 = tpu.memref_slice %arg4[%dma_start3A_503, %dma_start3A_504] : memref<10000x128xf32, #tpu.memory_space<hbm>> -> memref<10000x128xf32, #tpu.memory_space<hbm>>
      tpu.enqueue_indirect_dma source(%dma_start3A_505 : memref<10000x128xf32, #tpu.memory_space<hbm>>) target(%dma_start3A_499 : memref<40x128xf32, #tpu.memory_space<vmem>>) offsets(%dma_start3A_502 : memref<40xi32, #tpu.memory_space<vmem>>) semaphore(%arg20 : memref<!tpu.dma_semaphore, #tpu.memory_space<semaphore_mem>>)
      %dma_start3A_506 = arith.constant 1 : i32
      %dma_start3A_507 = arith.constant 1 : i32
      %dma_start3A_508 = arith.constant 0 : i32
      %dma_start3A_509 = arith.constant 0 : i32
      %dma_start3A_510 = tpu.memref_slice %arg17[%dma_start3A_507, %dma_start3A_508, %dma_start3A_509] : memref<2x40x128xf32, #tpu.memory_space<vmem>> -> memref<1x40x128xf32, #tpu.memory_space<vmem>>
      %dma_start3A_511 = tpu.memref_squeeze %dma_start3A_510 : memref<1x40x128xf32, #tpu.memory_space<vmem>> -> memref<40x128xf32, #tpu.memory_space<vmem>>
      %dma_start3A_512 = arith.constant 0 : i32
      %dma_start3A_513 = tpu.memref_slice %arg13[%dma_start3A_506, %dma_start3A_512] : memref<2x40xi32, #tpu.memory_space<vmem>> -> memref<1x40xi32, #tpu.memory_space<vmem>>
      %dma_start3A_514 = tpu.memref_squeeze %dma_start3A_513 : memref<1x40xi32, #tpu.memory_space<vmem>> -> memref<40xi32, #tpu.memory_space<vmem>>
      %dma_start3A_515 = arith.constant 0 : i32
      %dma_start3A_516 = arith.constant 0 : i32
      %dma_start3A_517 = tpu.memref_slice %arg3[%dma_start3A_515, %dma_start3A_516] : memref<50000x128xf32, #tpu.memory_space<hbm>> -> memref<50000x128xf32, #tpu.memory_space<hbm>>
      tpu.enqueue_indirect_dma source(%dma_start3A_517 : memref<50000x128xf32, #tpu.memory_space<hbm>>) target(%dma_start3A_511 : memref<40x128xf32, #tpu.memory_space<vmem>>) offsets(%dma_start3A_514 : memref<40xi32, #tpu.memory_space<vmem>>) semaphore(%arg21 : memref<!tpu.dma_semaphore, #tpu.memory_space<semaphore_mem>>)
      %dma_wait3A_518 = arith.constant 0 : i32
      %dma_wait3A_519 = arith.constant 0 : i32
      %dma_wait3A_520 = arith.constant 0 : i32
      %dma_wait3A_521 = arith.constant 0 : i32
      %dma_wait3A_522 = tpu.memref_slice %arg15[%dma_wait3A_519, %dma_wait3A_520, %dma_wait3A_521] : memref<2x40x128xf32, #tpu.memory_space<vmem>> -> memref<1x40x128xf32, #tpu.memory_space<vmem>>
      %dma_wait3A_523 = tpu.memref_squeeze %dma_wait3A_522 : memref<1x40x128xf32, #tpu.memory_space<vmem>> -> memref<40x128xf32, #tpu.memory_space<vmem>>
      %dma_wait3A_524 = arith.constant 0 : i32
      %dma_wait3A_525 = tpu.memref_slice %arg13[%dma_wait3A_518, %dma_wait3A_524] : memref<2x40xi32, #tpu.memory_space<vmem>> -> memref<1x40xi32, #tpu.memory_space<vmem>>
      %dma_wait3A_526 = tpu.memref_squeeze %dma_wait3A_525 : memref<1x40xi32, #tpu.memory_space<vmem>> -> memref<40xi32, #tpu.memory_space<vmem>>
      %dma_wait3A_527 = arith.constant 0 : i32
      %dma_wait3A_528 = arith.constant 0 : i32
      %dma_wait3A_529 = tpu.memref_slice %arg2[%dma_wait3A_527, %dma_wait3A_528] : memref<50000x128xf32, #tpu.memory_space<hbm>> -> memref<50000x128xf32, #tpu.memory_space<hbm>>
      tpu.wait_indirect_dma semaphore(%arg19 : memref<!tpu.dma_semaphore, #tpu.memory_space<semaphore_mem>>) src(%dma_wait3A_529 : memref<50000x128xf32, #tpu.memory_space<hbm>>) dst(%dma_wait3A_523 : memref<40x128xf32, #tpu.memory_space<vmem>>)
      %dma_wait3A_530 = arith.constant 0 : i32
      %dma_wait3A_531 = arith.constant 0 : i32
      %dma_wait3A_532 = arith.constant 0 : i32
      %dma_wait3A_533 = arith.constant 0 : i32
      %dma_wait3A_534 = tpu.memref_slice %arg16[%dma_wait3A_531, %dma_wait3A_532, %dma_wait3A_533] : memref<2x40x128xf32, #tpu.memory_space<vmem>> -> memref<1x40x128xf32, #tpu.memory_space<vmem>>
      %dma_wait3A_535 = tpu.memref_squeeze %dma_wait3A_534 : memref<1x40x128xf32, #tpu.memory_space<vmem>> -> memref<40x128xf32, #tpu.memory_space<vmem>>
      %dma_wait3A_536 = arith.constant 0 : i32
      %dma_wait3A_537 = tpu.memref_slice %arg11[%dma_wait3A_530, %dma_wait3A_536] : memref<2x40xi32, #tpu.memory_space<vmem>> -> memref<1x40xi32, #tpu.memory_space<vmem>>
      %dma_wait3A_538 = tpu.memref_squeeze %dma_wait3A_537 : memref<1x40xi32, #tpu.memory_space<vmem>> -> memref<40xi32, #tpu.memory_space<vmem>>
      %dma_wait3A_539 = arith.constant 0 : i32
      %dma_wait3A_540 = arith.constant 0 : i32
      %dma_wait3A_541 = tpu.memref_slice %arg4[%dma_wait3A_539, %dma_wait3A_540] : memref<10000x128xf32, #tpu.memory_space<hbm>> -> memref<10000x128xf32, #tpu.memory_space<hbm>>
      tpu.wait_indirect_dma semaphore(%arg20 : memref<!tpu.dma_semaphore, #tpu.memory_space<semaphore_mem>>) src(%dma_wait3A_541 : memref<10000x128xf32, #tpu.memory_space<hbm>>) dst(%dma_wait3A_535 : memref<40x128xf32, #tpu.memory_space<vmem>>)
      %dma_wait3A_542 = arith.constant 0 : i32
      %dma_wait3A_543 = arith.constant 0 : i32
      %dma_wait3A_544 = arith.constant 0 : i32
      %dma_wait3A_545 = arith.constant 0 : i32
      %dma_wait3A_546 = tpu.memref_slice %arg17[%dma_wait3A_543, %dma_wait3A_544, %dma_wait3A_545] : memref<2x40x128xf32, #tpu.memory_space<vmem>> -> memref<1x40x128xf32, #tpu.memory_space<vmem>>
      %dma_wait3A_547 = tpu.memref_squeeze %dma_wait3A_546 : memref<1x40x128xf32, #tpu.memory_space<vmem>> -> memref<40x128xf32, #tpu.memory_space<vmem>>
      %dma_wait3A_548 = arith.constant 0 : i32
      %dma_wait3A_549 = tpu.memref_slice %arg13[%dma_wait3A_542, %dma_wait3A_548] : memref<2x40xi32, #tpu.memory_space<vmem>> -> memref<1x40xi32, #tpu.memory_space<vmem>>
      %dma_wait3A_550 = tpu.memref_squeeze %dma_wait3A_549 : memref<1x40xi32, #tpu.memory_space<vmem>> -> memref<40xi32, #tpu.memory_space<vmem>>
      %dma_wait3A_551 = arith.constant 0 : i32
      %dma_wait3A_552 = arith.constant 0 : i32
      %dma_wait3A_553 = tpu.memref_slice %arg3[%dma_wait3A_551, %dma_wait3A_552] : memref<50000x128xf32, #tpu.memory_space<hbm>> -> memref<50000x128xf32, #tpu.memory_space<hbm>>
      tpu.wait_indirect_dma semaphore(%arg21 : memref<!tpu.dma_semaphore, #tpu.memory_space<semaphore_mem>>) src(%dma_wait3A_553 : memref<50000x128xf32, #tpu.memory_space<hbm>>) dst(%dma_wait3A_547 : memref<40x128xf32, #tpu.memory_space<vmem>>)
      %scan3A_554 = arith.constant 0 : i32
      %scan3A_555 = arith.constant 0 : i32
      %scan3A_556 = arith.constant 40 : i32
      %scan3A_557 = arith.addi %scan3A_555, %scan3A_556 : i32
      %scan3A_558 = arith.constant 1 : i32
      scf.for %scan3A_794 = %scan3A_555 to %scan3A_557 step %scan3A_558  : i32 {
        %get3A_795 = arith.constant 0 : i32
        %get3A_796 = arith.index_cast %get3A_795 : i32 to index
        %get3A_797 = arith.index_cast %scan3A_794 : i32 to index
        %get3A_798 = arith.constant 0 : index
        %get3A_799 = tpu.vector_load %arg15[%get3A_796, %get3A_797, %get3A_798] {strides = array<i32>} : memref<2x40x128xf32, #tpu.memory_space<vmem>>, vector<1x1x16xf32>,
        %get3A_800 = vector.shape_cast %get3A_799 : vector<1x1x16xf32> to vector<16xf32>
        %get3A_801 = arith.constant 0 : i32
        %get3A_802 = arith.index_cast %get3A_801 : i32 to index
        %get3A_803 = arith.index_cast %scan3A_794 : i32 to index
        %get3A_804 = arith.constant 0 : index
        %get3A_805 = tpu.vector_load %arg16[%get3A_802, %get3A_803, %get3A_804] {strides = array<i32>} : memref<2x40x128xf32, #tpu.memory_space<vmem>>, vector<1x1x16xf32>,
        %get3A_806 = vector.shape_cast %get3A_805 : vector<1x1x16xf32> to vector<16xf32>
        %mul3A_807 = arith.mulf %get3A_800, %get3A_806 : vector<16xf32>
        %get3A_808 = arith.constant 0 : i32
        %get3A_809 = arith.index_cast %get3A_808 : i32 to index
        %get3A_810 = arith.index_cast %scan3A_794 : i32 to index
        %get3A_811 = arith.constant 16 : index
        %get3A_812 = tpu.vector_load %arg15[%get3A_809, %get3A_810, %get3A_811] {strides = array<i32>} : memref<2x40x128xf32, #tpu.memory_space<vmem>>, vector<1x1x16xf32>,
        %get3A_813 = vector.shape_cast %get3A_812 : vector<1x1x16xf32> to vector<16xf32>
        %get3A_814 = arith.constant 0 : i32
        %get3A_815 = arith.index_cast %get3A_814 : i32 to index
        %get3A_816 = arith.index_cast %scan3A_794 : i32 to index
        %get3A_817 = arith.constant 16 : index
        %get3A_818 = tpu.vector_load %arg16[%get3A_815, %get3A_816, %get3A_817] {strides = array<i32>} : memref<2x40x128xf32, #tpu.memory_space<vmem>>, vector<1x1x16xf32>,
        %get3A_819 = vector.shape_cast %get3A_818 : vector<1x1x16xf32> to vector<16xf32>
        %mul3A_820 = arith.mulf %get3A_813, %get3A_819 : vector<16xf32>
        %add3A_821 = arith.addf %mul3A_807, %mul3A_820 : vector<16xf32>
        %get3A_822 = arith.constant 0 : i32
        %get3A_823 = arith.index_cast %get3A_822 : i32 to index
        %get3A_824 = arith.index_cast %scan3A_794 : i32 to index
        %get3A_825 = arith.constant 32 : index
        %get3A_826 = tpu.vector_load %arg15[%get3A_823, %get3A_824, %get3A_825] {strides = array<i32>} : memref<2x40x128xf32, #tpu.memory_space<vmem>>, vector<1x1x16xf32>,
        %get3A_827 = vector.shape_cast %get3A_826 : vector<1x1x16xf32> to vector<16xf32>
        %get3A_828 = arith.constant 0 : i32
        %get3A_829 = arith.index_cast %get3A_828 : i32 to index
        %get3A_830 = arith.index_cast %scan3A_794 : i32 to index
        %get3A_831 = arith.constant 32 : index
        %get3A_832 = tpu.vector_load %arg16[%get3A_829, %get3A_830, %get3A_831] {strides = array<i32>} : memref<2x40x128xf32, #tpu.memory_space<vmem>>, vector<1x1x16xf32>,
        %get3A_833 = vector.shape_cast %get3A_832 : vector<1x1x16xf32> to vector<16xf32>
        %mul3A_834 = arith.mulf %get3A_827, %get3A_833 : vector<16xf32>
        %add3A_835 = arith.addf %add3A_821, %mul3A_834 : vector<16xf32>
        %get3A_836 = arith.constant 0 : i32
        %get3A_837 = arith.index_cast %get3A_836 : i32 to index
        %get3A_838 = arith.index_cast %scan3A_794 : i32 to index
        %get3A_839 = arith.constant 48 : index
        %get3A_840 = tpu.vector_load %arg15[%get3A_837, %get3A_838, %get3A_839] {strides = array<i32>} : memref<2x40x128xf32, #tpu.memory_space<vmem>>, vector<1x1x16xf32>,
        %get3A_841 = vector.shape_cast %get3A_840 : vector<1x1x16xf32> to vector<16xf32>
        %get3A_842 = arith.constant 0 : i32
        %get3A_843 = arith.index_cast %get3A_842 : i32 to index
        %get3A_844 = arith.index_cast %scan3A_794 : i32 to index
        %get3A_845 = arith.constant 48 : index
        %get3A_846 = tpu.vector_load %arg16[%get3A_843, %get3A_844, %get3A_845] {strides = array<i32>} : memref<2x40x128xf32, #tpu.memory_space<vmem>>, vector<1x1x16xf32>,
        %get3A_847 = vector.shape_cast %get3A_846 : vector<1x1x16xf32> to vector<16xf32>
        %mul3A_848 = arith.mulf %get3A_841, %get3A_847 : vector<16xf32>
        %add3A_849 = arith.addf %add3A_835, %mul3A_848 : vector<16xf32>
        %get3A_850 = arith.constant 0 : i32
        %get3A_851 = arith.index_cast %get3A_850 : i32 to index
        %get3A_852 = arith.index_cast %scan3A_794 : i32 to index
        %get3A_853 = arith.constant 64 : index
        %get3A_854 = tpu.vector_load %arg15[%get3A_851, %get3A_852, %get3A_853] {strides = array<i32>} : memref<2x40x128xf32, #tpu.memory_space<vmem>>, vector<1x1x16xf32>,
        %get3A_855 = vector.shape_cast %get3A_854 : vector<1x1x16xf32> to vector<16xf32>
        %get3A_856 = arith.constant 0 : i32
        %get3A_857 = arith.index_cast %get3A_856 : i32 to index
        %get3A_858 = arith.index_cast %scan3A_794 : i32 to index
        %get3A_859 = arith.constant 64 : index
        %get3A_860 = tpu.vector_load %arg16[%get3A_857, %get3A_858, %get3A_859] {strides = array<i32>} : memref<2x40x128xf32, #tpu.memory_space<vmem>>, vector<1x1x16xf32>,
        %get3A_861 = vector.shape_cast %get3A_860 : vector<1x1x16xf32> to vector<16xf32>
        %mul3A_862 = arith.mulf %get3A_855, %get3A_861 : vector<16xf32>
        %add3A_863 = arith.addf %add3A_849, %mul3A_862 : vector<16xf32>
        %get3A_864 = arith.constant 0 : i32
        %get3A_865 = arith.index_cast %get3A_864 : i32 to index
        %get3A_866 = arith.index_cast %scan3A_794 : i32 to index
        %get3A_867 = arith.constant 80 : index
        %get3A_868 = tpu.vector_load %arg15[%get3A_865, %get3A_866, %get3A_867] {strides = array<i32>} : memref<2x40x128xf32, #tpu.memory_space<vmem>>, vector<1x1x16xf32>,
        %get3A_869 = vector.shape_cast %get3A_868 : vector<1x1x16xf32> to vector<16xf32>
        %get3A_870 = arith.constant 0 : i32
        %get3A_871 = arith.index_cast %get3A_870 : i32 to index
        %get3A_872 = arith.index_cast %scan3A_794 : i32 to index
        %get3A_873 = arith.constant 80 : index
        %get3A_874 = tpu.vector_load %arg16[%get3A_871, %get3A_872, %get3A_873] {strides = array<i32>} : memref<2x40x128xf32, #tpu.memory_space<vmem>>, vector<1x1x16xf32>,
        %get3A_875 = vector.shape_cast %get3A_874 : vector<1x1x16xf32> to vector<16xf32>
        %mul3A_876 = arith.mulf %get3A_869, %get3A_875 : vector<16xf32>
        %add3A_877 = arith.addf %add3A_863, %mul3A_876 : vector<16xf32>
        %get3A_878 = arith.constant 0 : i32
        %get3A_879 = arith.index_cast %get3A_878 : i32 to index
        %get3A_880 = arith.index_cast %scan3A_794 : i32 to index
        %get3A_881 = arith.constant 96 : index
        %get3A_882 = tpu.vector_load %arg15[%get3A_879, %get3A_880, %get3A_881] {strides = array<i32>} : memref<2x40x128xf32, #tpu.memory_space<vmem>>, vector<1x1x16xf32>,
        %get3A_883 = vector.shape_cast %get3A_882 : vector<1x1x16xf32> to vector<16xf32>
        %get3A_884 = arith.constant 0 : i32
        %get3A_885 = arith.index_cast %get3A_884 : i32 to index
        %get3A_886 = arith.index_cast %scan3A_794 : i32 to index
        %get3A_887 = arith.constant 96 : index
        %get3A_888 = tpu.vector_load %arg16[%get3A_885, %get3A_886, %get3A_887] {strides = array<i32>} : memref<2x40x128xf32, #tpu.memory_space<vmem>>, vector<1x1x16xf32>,
        %get3A_889 = vector.shape_cast %get3A_888 : vector<1x1x16xf32> to vector<16xf32>
        %mul3A_890 = arith.mulf %get3A_883, %get3A_889 : vector<16xf32>
        %add3A_891 = arith.addf %add3A_877, %mul3A_890 : vector<16xf32>
        %get3A_892 = arith.constant 0 : i32
        %get3A_893 = arith.index_cast %get3A_892 : i32 to index
        %get3A_894 = arith.index_cast %scan3A_794 : i32 to index
        %get3A_895 = arith.constant 112 : index
        %get3A_896 = tpu.vector_load %arg15[%get3A_893, %get3A_894, %get3A_895] {strides = array<i32>} : memref<2x40x128xf32, #tpu.memory_space<vmem>>, vector<1x1x16xf32>,
        %get3A_897 = vector.shape_cast %get3A_896 : vector<1x1x16xf32> to vector<16xf32>
        %get3A_898 = arith.constant 0 : i32
        %get3A_899 = arith.index_cast %get3A_898 : i32 to index
        %get3A_900 = arith.index_cast %scan3A_794 : i32 to index
        %get3A_901 = arith.constant 112 : index
        %get3A_902 = tpu.vector_load %arg16[%get3A_899, %get3A_900, %get3A_901] {strides = array<i32>} : memref<2x40x128xf32, #tpu.memory_space<vmem>>, vector<1x1x16xf32>,
        %get3A_903 = vector.shape_cast %get3A_902 : vector<1x1x16xf32> to vector<16xf32>
        %mul3A_904 = arith.mulf %get3A_897, %get3A_903 : vector<16xf32>
        %add3A_905 = arith.addf %add3A_891, %mul3A_904 : vector<16xf32>
        %broadcast_in_dim3A_906 = vector.shape_cast %xor3A_101 : vector<16xi32> to vector<16x1xi32>
        %gather3A = vector.shape_cast %broadcast_in_dim3A_906 : vector<16x1xi32> to vector<16xi32>
        %gather3A_907 = tpu.dynamic_gather %add3A_905[%gather3A] in [0] : vector<16xf32>, vector<16xi32> -> vector<16xf32>
        %add3A_908 = arith.addf %add3A_905, %gather3A_907 : vector<16xf32>
        %exp3A = math.exp %add3A_908 : vector<16xf32>
        %get3A_909 = arith.constant 0 : i32
        %get3A_910 = arith.index_cast %get3A_909 : i32 to index
        %get3A_911 = arith.index_cast %scan3A_794 : i32 to index
        %get3A_912 = tpu.vector_load %arg12[%get3A_910, %get3A_911] {strides = array<i32>} : memref<2x56xi32, #tpu.memory_space<vmem>>, vector<1x16xi32>,
        %get3A_913 = vector.shape_cast %get3A_912 : vector<1x16xi32> to vector<16xi32>
        %slice3A = vector.extract_strided_slice %get3A_913 {offsets = [0], sizes = [1], strides = [1]} : vector<16xi32> to vector<1xi32>
        %squeeze3A = vector.extract %slice3A[0] : i32 from vector<1xi32>
        %and3A = arith.constant 7 : i32
        %and3A_914 = arith.andi %squeeze3A, %and3A : i32
        %mul3A_915 = arith.constant 16 : i32
        %mul3A_916 = arith.muli %and3A_914, %mul3A_915 : i32
        %get3A_917 = arith.constant 0 : i32
        %get3A_918 = arith.index_cast %get3A_917 : i32 to index
        %get3A_919 = arith.index_cast %scan3A_794 : i32 to index
        %get3A_920 = arith.constant 0 : index
        %get3A_921 = tpu.vector_load %arg17[%get3A_918, %get3A_919, %get3A_920] {strides = array<i32>} : memref<2x40x128xf32, #tpu.memory_space<vmem>>, vector<1x1x16xf32>,
        %get3A_922 = vector.shape_cast %get3A_921 : vector<1x1x16xf32> to vector<16xf32>
        %mul3A_923 = arith.mulf %get3A_922, %exp3A : vector<16xf32>
        %swap3A_924 = arith.constant 0 : i32
        %swap3A_925 = arith.index_cast %swap3A_924 : i32 to index
        %swap3A_926 = arith.index_cast %scan3A_794 : i32 to index
        %swap3A_927 = arith.constant 0 : index
        %swap3A_928 = tpu.vector_load %arg17[%swap3A_925, %swap3A_926, %swap3A_927] {strides = array<i32>} : memref<2x40x128xf32, #tpu.memory_space<vmem>>, vector<1x1x16xf32>,
        %swap3A_929 = vector.shape_cast %swap3A_928 : vector<1x1x16xf32> to vector<16xf32>
        %swap3A_930 = vector.shape_cast %mul3A_923 : vector<16xf32> to vector<1x1x16xf32>
        tpu.vector_store %arg17[%swap3A_925, %swap3A_926, %swap3A_927], %swap3A_930 {strides = array<i32>} : memref<2x40x128xf32, #tpu.memory_space<vmem>>, vector<1x1x16xf32>,
        %eq3A = arith.constant 0 : i32
        %eq3A_931 = arith.cmpi eq, %mul3A_916, %eq3A : i32
        %select_n3A = arith.select %eq3A_931, %exp3A, %broadcast_in_dim3A_0 : vector<16xf32>
        %swap3A_932 = arith.index_cast %scan3A_794 : i32 to index
        %swap3A_933 = arith.constant 0 : index
        %swap3A_934 = tpu.vector_load %arg18[%swap3A_932, %swap3A_933] {strides = array<i32>} : memref<40x128xf32, #tpu.memory_space<vmem>>, vector<1x16xf32>,
        %swap3A_935 = vector.shape_cast %swap3A_934 : vector<1x16xf32> to vector<16xf32>
        %swap3A_936 = vector.shape_cast %select_n3A : vector<16xf32> to vector<1x16xf32>
        tpu.vector_store %arg18[%swap3A_932, %swap3A_933], %swap3A_936 {strides = array<i32>} : memref<40x128xf32, #tpu.memory_space<vmem>>, vector<1x16xf32>,
        %get3A_937 = arith.constant 0 : i32
        %get3A_938 = arith.index_cast %get3A_937 : i32 to index
        %get3A_939 = arith.index_cast %scan3A_794 : i32 to index
        %get3A_940 = arith.constant 16 : index
        %get3A_941 = tpu.vector_load %arg17[%get3A_938, %get3A_939, %get3A_940] {strides = array<i32>} : memref<2x40x128xf32, #tpu.memory_space<vmem>>, vector<1x1x16xf32>,
        %get3A_942 = vector.shape_cast %get3A_941 : vector<1x1x16xf32> to vector<16xf32>
        %mul3A_943 = arith.mulf %get3A_942, %exp3A : vector<16xf32>
        %swap3A_944 = arith.constant 0 : i32
        %swap3A_945 = arith.index_cast %swap3A_944 : i32 to index
        %swap3A_946 = arith.index_cast %scan3A_794 : i32 to index
        %swap3A_947 = arith.constant 16 : index
        %swap3A_948 = tpu.vector_load %arg17[%swap3A_945, %swap3A_946, %swap3A_947] {strides = array<i32>} : memref<2x40x128xf32, #tpu.memory_space<vmem>>, vector<1x1x16xf32>,
        %swap3A_949 = vector.shape_cast %swap3A_948 : vector<1x1x16xf32> to vector<16xf32>
        %swap3A_950 = vector.shape_cast %mul3A_943 : vector<16xf32> to vector<1x1x16xf32>
        tpu.vector_store %arg17[%swap3A_945, %swap3A_946, %swap3A_947], %swap3A_950 {strides = array<i32>} : memref<2x40x128xf32, #tpu.memory_space<vmem>>, vector<1x1x16xf32>,
        %eq3A_951 = arith.constant 16 : i32
        %eq3A_952 = arith.cmpi eq, %mul3A_916, %eq3A_951 : i32
        %select_n3A_953 = arith.select %eq3A_952, %exp3A, %broadcast_in_dim3A_0 : vector<16xf32>
        %swap3A_954 = arith.index_cast %scan3A_794 : i32 to index
        %swap3A_955 = arith.constant 16 : index
        %swap3A_956 = tpu.vector_load %arg18[%swap3A_954, %swap3A_955] {strides = array<i32>} : memref<40x128xf32, #tpu.memory_space<vmem>>, vector<1x16xf32>,
        %swap3A_957 = vector.shape_cast %swap3A_956 : vector<1x16xf32> to vector<16xf32>
        %swap3A_958 = vector.shape_cast %select_n3A_953 : vector<16xf32> to vector<1x16xf32>
        tpu.vector_store %arg18[%swap3A_954, %swap3A_955], %swap3A_958 {strides = array<i32>} : memref<40x128xf32, #tpu.memory_space<vmem>>, vector<1x16xf32>,
        %get3A_959 = arith.constant 0 : i32
        %get3A_960 = arith.index_cast %get3A_959 : i32 to index
        %get3A_961 = arith.index_cast %scan3A_794 : i32 to index
        %get3A_962 = arith.constant 32 : index
        %get3A_963 = tpu.vector_load %arg17[%get3A_960, %get3A_961, %get3A_962] {strides = array<i32>} : memref<2x40x128xf32, #tpu.memory_space<vmem>>, vector<1x1x16xf32>,
        %get3A_964 = vector.shape_cast %get3A_963 : vector<1x1x16xf32> to vector<16xf32>
        %mul3A_965 = arith.mulf %get3A_964, %exp3A : vector<16xf32>
        %swap3A_966 = arith.constant 0 : i32
        %swap3A_967 = arith.index_cast %swap3A_966 : i32 to index
        %swap3A_968 = arith.index_cast %scan3A_794 : i32 to index
        %swap3A_969 = arith.constant 32 : index
        %swap3A_970 = tpu.vector_load %arg17[%swap3A_967, %swap3A_968, %swap3A_969] {strides = array<i32>} : memref<2x40x128xf32, #tpu.memory_space<vmem>>, vector<1x1x16xf32>,
        %swap3A_971 = vector.shape_cast %swap3A_970 : vector<1x1x16xf32> to vector<16xf32>
        %swap3A_972 = vector.shape_cast %mul3A_965 : vector<16xf32> to vector<1x1x16xf32>
        tpu.vector_store %arg17[%swap3A_967, %swap3A_968, %swap3A_969], %swap3A_972 {strides = array<i32>} : memref<2x40x128xf32, #tpu.memory_space<vmem>>, vector<1x1x16xf32>,
        %eq3A_973 = arith.constant 32 : i32
        %eq3A_974 = arith.cmpi eq, %mul3A_916, %eq3A_973 : i32
        %select_n3A_975 = arith.select %eq3A_974, %exp3A, %broadcast_in_dim3A_0 : vector<16xf32>
        %swap3A_976 = arith.index_cast %scan3A_794 : i32 to index
        %swap3A_977 = arith.constant 32 : index
        %swap3A_978 = tpu.vector_load %arg18[%swap3A_976, %swap3A_977] {strides = array<i32>} : memref<40x128xf32, #tpu.memory_space<vmem>>, vector<1x16xf32>,
        %swap3A_979 = vector.shape_cast %swap3A_978 : vector<1x16xf32> to vector<16xf32>
        %swap3A_980 = vector.shape_cast %select_n3A_975 : vector<16xf32> to vector<1x16xf32>
        tpu.vector_store %arg18[%swap3A_976, %swap3A_977], %swap3A_980 {strides = array<i32>} : memref<40x128xf32, #tpu.memory_space<vmem>>, vector<1x16xf32>,
        %get3A_981 = arith.constant 0 : i32
        %get3A_982 = arith.index_cast %get3A_981 : i32 to index
        %get3A_983 = arith.index_cast %scan3A_794 : i32 to index
        %get3A_984 = arith.constant 48 : index
        %get3A_985 = tpu.vector_load %arg17[%get3A_982, %get3A_983, %get3A_984] {strides = array<i32>} : memref<2x40x128xf32, #tpu.memory_space<vmem>>, vector<1x1x16xf32>,
        %get3A_986 = vector.shape_cast %get3A_985 : vector<1x1x16xf32> to vector<16xf32>
        %mul3A_987 = arith.mulf %get3A_986, %exp3A : vector<16xf32>
        %swap3A_988 = arith.constant 0 : i32
        %swap3A_989 = arith.index_cast %swap3A_988 : i32 to index
        %swap3A_990 = arith.index_cast %scan3A_794 : i32 to index
        %swap3A_991 = arith.constant 48 : index
        %swap3A_992 = tpu.vector_load %arg17[%swap3A_989, %swap3A_990, %swap3A_991] {strides = array<i32>} : memref<2x40x128xf32, #tpu.memory_space<vmem>>, vector<1x1x16xf32>,
        %swap3A_993 = vector.shape_cast %swap3A_992 : vector<1x1x16xf32> to vector<16xf32>
        %swap3A_994 = vector.shape_cast %mul3A_987 : vector<16xf32> to vector<1x1x16xf32>
        tpu.vector_store %arg17[%swap3A_989, %swap3A_990, %swap3A_991], %swap3A_994 {strides = array<i32>} : memref<2x40x128xf32, #tpu.memory_space<vmem>>, vector<1x1x16xf32>,
        %eq3A_995 = arith.constant 48 : i32
        %eq3A_996 = arith.cmpi eq, %mul3A_916, %eq3A_995 : i32
        %select_n3A_997 = arith.select %eq3A_996, %exp3A, %broadcast_in_dim3A_0 : vector<16xf32>
        %swap3A_998 = arith.index_cast %scan3A_794 : i32 to index
        %swap3A_999 = arith.constant 48 : index
        %swap3A_1000 = tpu.vector_load %arg18[%swap3A_998, %swap3A_999] {strides = array<i32>} : memref<40x128xf32, #tpu.memory_space<vmem>>, vector<1x16xf32>,
        %swap3A_1001 = vector.shape_cast %swap3A_1000 : vector<1x16xf32> to vector<16xf32>
        %swap3A_1002 = vector.shape_cast %select_n3A_997 : vector<16xf32> to vector<1x16xf32>
        tpu.vector_store %arg18[%swap3A_998, %swap3A_999], %swap3A_1002 {strides = array<i32>} : memref<40x128xf32, #tpu.memory_space<vmem>>, vector<1x16xf32>,
        %get3A_1003 = arith.constant 0 : i32
        %get3A_1004 = arith.index_cast %get3A_1003 : i32 to index
        %get3A_1005 = arith.index_cast %scan3A_794 : i32 to index
        %get3A_1006 = arith.constant 64 : index
        %get3A_1007 = tpu.vector_load %arg17[%get3A_1004, %get3A_1005, %get3A_1006] {strides = array<i32>} : memref<2x40x128xf32, #tpu.memory_space<vmem>>, vector<1x1x16xf32>,
        %get3A_1008 = vector.shape_cast %get3A_1007 : vector<1x1x16xf32> to vector<16xf32>
        %mul3A_1009 = arith.mulf %get3A_1008, %exp3A : vector<16xf32>
        %swap3A_1010 = arith.constant 0 : i32
        %swap3A_1011 = arith.index_cast %swap3A_1010 : i32 to index
        %swap3A_1012 = arith.index_cast %scan3A_794 : i32 to index
        %swap3A_1013 = arith.constant 64 : index
        %swap3A_1014 = tpu.vector_load %arg17[%swap3A_1011, %swap3A_1012, %swap3A_1013] {strides = array<i32>} : memref<2x40x128xf32, #tpu.memory_space<vmem>>, vector<1x1x16xf32>,
        %swap3A_1015 = vector.shape_cast %swap3A_1014 : vector<1x1x16xf32> to vector<16xf32>
        %swap3A_1016 = vector.shape_cast %mul3A_1009 : vector<16xf32> to vector<1x1x16xf32>
        tpu.vector_store %arg17[%swap3A_1011, %swap3A_1012, %swap3A_1013], %swap3A_1016 {strides = array<i32>} : memref<2x40x128xf32, #tpu.memory_space<vmem>>, vector<1x1x16xf32>,
        %eq3A_1017 = arith.constant 64 : i32
        %eq3A_1018 = arith.cmpi eq, %mul3A_916, %eq3A_1017 : i32
        %select_n3A_1019 = arith.select %eq3A_1018, %exp3A, %broadcast_in_dim3A_0 : vector<16xf32>
        %swap3A_1020 = arith.index_cast %scan3A_794 : i32 to index
        %swap3A_1021 = arith.constant 64 : index
        %swap3A_1022 = tpu.vector_load %arg18[%swap3A_1020, %swap3A_1021] {strides = array<i32>} : memref<40x128xf32, #tpu.memory_space<vmem>>, vector<1x16xf32>,
        %swap3A_1023 = vector.shape_cast %swap3A_1022 : vector<1x16xf32> to vector<16xf32>
        %swap3A_1024 = vector.shape_cast %select_n3A_1019 : vector<16xf32> to vector<1x16xf32>
        tpu.vector_store %arg18[%swap3A_1020, %swap3A_1021], %swap3A_1024 {strides = array<i32>} : memref<40x128xf32, #tpu.memory_space<vmem>>, vector<1x16xf32>,
        %get3A_1025 = arith.constant 0 : i32
        %get3A_1026 = arith.index_cast %get3A_1025 : i32 to index
        %get3A_1027 = arith.index_cast %scan3A_794 : i32 to index
        %get3A_1028 = arith.constant 80 : index
        %get3A_1029 = tpu.vector_load %arg17[%get3A_1026, %get3A_1027, %get3A_1028] {strides = array<i32>} : memref<2x40x128xf32, #tpu.memory_space<vmem>>, vector<1x1x16xf32>,
        %get3A_1030 = vector.shape_cast %get3A_1029 : vector<1x1x16xf32> to vector<16xf32>
        %mul3A_1031 = arith.mulf %get3A_1030, %exp3A : vector<16xf32>
        %swap3A_1032 = arith.constant 0 : i32
        %swap3A_1033 = arith.index_cast %swap3A_1032 : i32 to index
        %swap3A_1034 = arith.index_cast %scan3A_794 : i32 to index
        %swap3A_1035 = arith.constant 80 : index
        %swap3A_1036 = tpu.vector_load %arg17[%swap3A_1033, %swap3A_1034, %swap3A_1035] {strides = array<i32>} : memref<2x40x128xf32, #tpu.memory_space<vmem>>, vector<1x1x16xf32>,
        %swap3A_1037 = vector.shape_cast %swap3A_1036 : vector<1x1x16xf32> to vector<16xf32>
        %swap3A_1038 = vector.shape_cast %mul3A_1031 : vector<16xf32> to vector<1x1x16xf32>
        tpu.vector_store %arg17[%swap3A_1033, %swap3A_1034, %swap3A_1035], %swap3A_1038 {strides = array<i32>} : memref<2x40x128xf32, #tpu.memory_space<vmem>>, vector<1x1x16xf32>,
        %eq3A_1039 = arith.constant 80 : i32
        %eq3A_1040 = arith.cmpi eq, %mul3A_916, %eq3A_1039 : i32
        %select_n3A_1041 = arith.select %eq3A_1040, %exp3A, %broadcast_in_dim3A_0 : vector<16xf32>
        %swap3A_1042 = arith.index_cast %scan3A_794 : i32 to index
        %swap3A_1043 = arith.constant 80 : index
        %swap3A_1044 = tpu.vector_load %arg18[%swap3A_1042, %swap3A_1043] {strides = array<i32>} : memref<40x128xf32, #tpu.memory_space<vmem>>, vector<1x16xf32>,
        %swap3A_1045 = vector.shape_cast %swap3A_1044 : vector<1x16xf32> to vector<16xf32>
        %swap3A_1046 = vector.shape_cast %select_n3A_1041 : vector<16xf32> to vector<1x16xf32>
        tpu.vector_store %arg18[%swap3A_1042, %swap3A_1043], %swap3A_1046 {strides = array<i32>} : memref<40x128xf32, #tpu.memory_space<vmem>>, vector<1x16xf32>,
        %get3A_1047 = arith.constant 0 : i32
        %get3A_1048 = arith.index_cast %get3A_1047 : i32 to index
        %get3A_1049 = arith.index_cast %scan3A_794 : i32 to index
        %get3A_1050 = arith.constant 96 : index
        %get3A_1051 = tpu.vector_load %arg17[%get3A_1048, %get3A_1049, %get3A_1050] {strides = array<i32>} : memref<2x40x128xf32, #tpu.memory_space<vmem>>, vector<1x1x16xf32>,
        %get3A_1052 = vector.shape_cast %get3A_1051 : vector<1x1x16xf32> to vector<16xf32>
        %mul3A_1053 = arith.mulf %get3A_1052, %exp3A : vector<16xf32>
        %swap3A_1054 = arith.constant 0 : i32
        %swap3A_1055 = arith.index_cast %swap3A_1054 : i32 to index
        %swap3A_1056 = arith.index_cast %scan3A_794 : i32 to index
        %swap3A_1057 = arith.constant 96 : index
        %swap3A_1058 = tpu.vector_load %arg17[%swap3A_1055, %swap3A_1056, %swap3A_1057] {strides = array<i32>} : memref<2x40x128xf32, #tpu.memory_space<vmem>>, vector<1x1x16xf32>,
        %swap3A_1059 = vector.shape_cast %swap3A_1058 : vector<1x1x16xf32> to vector<16xf32>
        %swap3A_1060 = vector.shape_cast %mul3A_1053 : vector<16xf32> to vector<1x1x16xf32>
        tpu.vector_store %arg17[%swap3A_1055, %swap3A_1056, %swap3A_1057], %swap3A_1060 {strides = array<i32>} : memref<2x40x128xf32, #tpu.memory_space<vmem>>, vector<1x1x16xf32>,
        %eq3A_1061 = arith.constant 96 : i32
        %eq3A_1062 = arith.cmpi eq, %mul3A_916, %eq3A_1061 : i32
        %select_n3A_1063 = arith.select %eq3A_1062, %exp3A, %broadcast_in_dim3A_0 : vector<16xf32>
        %swap3A_1064 = arith.index_cast %scan3A_794 : i32 to index
        %swap3A_1065 = arith.constant 96 : index
        %swap3A_1066 = tpu.vector_load %arg18[%swap3A_1064, %swap3A_1065] {strides = array<i32>} : memref<40x128xf32, #tpu.memory_space<vmem>>, vector<1x16xf32>,
        %swap3A_1067 = vector.shape_cast %swap3A_1066 : vector<1x16xf32> to vector<16xf32>
        %swap3A_1068 = vector.shape_cast %select_n3A_1063 : vector<16xf32> to vector<1x16xf32>
        tpu.vector_store %arg18[%swap3A_1064, %swap3A_1065], %swap3A_1068 {strides = array<i32>} : memref<40x128xf32, #tpu.memory_space<vmem>>, vector<1x16xf32>,
        %get3A_1069 = arith.constant 0 : i32
        %get3A_1070 = arith.index_cast %get3A_1069 : i32 to index
        %get3A_1071 = arith.index_cast %scan3A_794 : i32 to index
        %get3A_1072 = arith.constant 112 : index
        %get3A_1073 = tpu.vector_load %arg17[%get3A_1070, %get3A_1071, %get3A_1072] {strides = array<i32>} : memref<2x40x128xf32, #tpu.memory_space<vmem>>, vector<1x1x16xf32>,
        %get3A_1074 = vector.shape_cast %get3A_1073 : vector<1x1x16xf32> to vector<16xf32>
        %mul3A_1075 = arith.mulf %get3A_1074, %exp3A : vector<16xf32>
        %swap3A_1076 = arith.constant 0 : i32
        %swap3A_1077 = arith.index_cast %swap3A_1076 : i32 to index
        %swap3A_1078 = arith.index_cast %scan3A_794 : i32 to index
        %swap3A_1079 = arith.constant 112 : index
        %swap3A_1080 = tpu.vector_load %arg17[%swap3A_1077, %swap3A_1078, %swap3A_1079] {strides = array<i32>} : memref<2x40x128xf32, #tpu.memory_space<vmem>>, vector<1x1x16xf32>,
        %swap3A_1081 = vector.shape_cast %swap3A_1080 : vector<1x1x16xf32> to vector<16xf32>
        %swap3A_1082 = vector.shape_cast %mul3A_1075 : vector<16xf32> to vector<1x1x16xf32>
        tpu.vector_store %arg17[%swap3A_1077, %swap3A_1078, %swap3A_1079], %swap3A_1082 {strides = array<i32>} : memref<2x40x128xf32, #tpu.memory_space<vmem>>, vector<1x1x16xf32>,
        %eq3A_1083 = arith.constant 112 : i32
        %eq3A_1084 = arith.cmpi eq, %mul3A_916, %eq3A_1083 : i32
        %select_n3A_1085 = arith.select %eq3A_1084, %exp3A, %broadcast_in_dim3A_0 : vector<16xf32>
        %swap3A_1086 = arith.index_cast %scan3A_794 : i32 to index
        %swap3A_1087 = arith.constant 112 : index
        %swap3A_1088 = tpu.vector_load %arg18[%swap3A_1086, %swap3A_1087] {strides = array<i32>} : memref<40x128xf32, #tpu.memory_space<vmem>>, vector<1x16xf32>,
        %swap3A_1089 = vector.shape_cast %swap3A_1088 : vector<1x16xf32> to vector<16xf32>
        %swap3A_1090 = vector.shape_cast %select_n3A_1085 : vector<16xf32> to vector<1x16xf32>
        tpu.vector_store %arg18[%swap3A_1086, %swap3A_1087], %swap3A_1090 {strides = array<i32>} : memref<40x128xf32, #tpu.memory_space<vmem>>, vector<1x16xf32>,
      }
      %scan3A_559 = arith.constant 40 : i32
      %run_scoped3A_560 = arith.constant 0 : i32
      %run_scoped3A_561 = arith.constant 0 : i32
      "tpu.region"() ({
        %run_scoped3A_794 = tpu.sem_alloc : memref<!tpu.dma_semaphore, #tpu.memory_space<semaphore_mem>>
        %dma_start3A_795 = arith.constant 0 : i32
        %dma_start3A_796 = arith.constant 0 : i32
        %dma_start3A_797 = tpu.memref_slice %arg17[%run_scoped3A_560, %dma_start3A_795, %dma_start3A_796] : memref<2x40x128xf32, #tpu.memory_space<vmem>> -> memref<1x40x128xf32, #tpu.memory_space<vmem>>
        %dma_start3A_798 = tpu.memref_squeeze %dma_start3A_797 : memref<1x40x128xf32, #tpu.memory_space<vmem>> -> memref<40x128xf32, #tpu.memory_space<vmem>>
        %dma_start3A_799 = arith.constant 0 : i32
        %dma_start3A_800 = tpu.memref_slice %arg11[%run_scoped3A_561, %dma_start3A_799] : memref<2x40xi32, #tpu.memory_space<vmem>> -> memref<1x40xi32, #tpu.memory_space<vmem>>
        %dma_start3A_801 = tpu.memref_squeeze %dma_start3A_800 : memref<1x40xi32, #tpu.memory_space<vmem>> -> memref<40xi32, #tpu.memory_space<vmem>>
        %dma_start3A_802 = arith.constant 0 : i32
        %dma_start3A_803 = arith.constant 0 : i32
        %dma_start3A_804 = tpu.memref_slice %arg8[%dma_start3A_802, %dma_start3A_803] : memref<10240x128xf32, #tpu.memory_space<vmem_shared>> -> memref<10240x128xf32, #tpu.memory_space<vmem_shared>>
        tpu.enqueue_indirect_dma source(%dma_start3A_798 : memref<40x128xf32, #tpu.memory_space<vmem>>) target(%dma_start3A_804 : memref<10240x128xf32, #tpu.memory_space<vmem_shared>>) offsets(%dma_start3A_801 : memref<40xi32, #tpu.memory_space<vmem>>) semaphore(%run_scoped3A_794 : memref<!tpu.dma_semaphore, #tpu.memory_space<semaphore_mem>>) {add = true}
        %dma_wait3A_805 = arith.constant 0 : i32
        %dma_wait3A_806 = arith.constant 0 : i32
        %dma_wait3A_807 = tpu.memref_slice %arg17[%run_scoped3A_560, %dma_wait3A_805, %dma_wait3A_806] : memref<2x40x128xf32, #tpu.memory_space<vmem>> -> memref<1x40x128xf32, #tpu.memory_space<vmem>>
        %dma_wait3A_808 = tpu.memref_squeeze %dma_wait3A_807 : memref<1x40x128xf32, #tpu.memory_space<vmem>> -> memref<40x128xf32, #tpu.memory_space<vmem>>
        %dma_wait3A_809 = arith.constant 0 : i32
        %dma_wait3A_810 = tpu.memref_slice %arg11[%run_scoped3A_561, %dma_wait3A_809] : memref<2x40xi32, #tpu.memory_space<vmem>> -> memref<1x40xi32, #tpu.memory_space<vmem>>
        %dma_wait3A_811 = tpu.memref_squeeze %dma_wait3A_810 : memref<1x40xi32, #tpu.memory_space<vmem>> -> memref<40xi32, #tpu.memory_space<vmem>>
        %dma_wait3A_812 = arith.constant 0 : i32
        %dma_wait3A_813 = arith.constant 0 : i32
        %dma_wait3A_814 = tpu.memref_slice %arg8[%dma_wait3A_812, %dma_wait3A_813] : memref<10240x128xf32, #tpu.memory_space<vmem_shared>> -> memref<10240x128xf32, #tpu.memory_space<vmem_shared>>
        tpu.wait_indirect_dma semaphore(%run_scoped3A_794 : memref<!tpu.dma_semaphore, #tpu.memory_space<semaphore_mem>>) src(%dma_wait3A_808 : memref<40x128xf32, #tpu.memory_space<vmem>>) dst(%dma_wait3A_814 : memref<10240x128xf32, #tpu.memory_space<vmem_shared>>)
        tpu.yield
      }) : () -> ()
      %run_scoped3A_562 = arith.constant 0 : i32
      "tpu.region"() ({
        %run_scoped3A_794 = tpu.sem_alloc : memref<!tpu.dma_semaphore, #tpu.memory_space<semaphore_mem>>
        %dma_start3A_795 = arith.constant 0 : i32
        %dma_start3A_796 = tpu.memref_slice %arg14[%run_scoped3A_562, %dma_start3A_795] : memref<2x40xi32, #tpu.memory_space<vmem>> -> memref<1x40xi32, #tpu.memory_space<vmem>>
        %dma_start3A_797 = tpu.memref_squeeze %dma_start3A_796 : memref<1x40xi32, #tpu.memory_space<vmem>> -> memref<40xi32, #tpu.memory_space<vmem>>
        %dma_start3A_798 = arith.constant 0 : i32
        %dma_start3A_799 = arith.constant 0 : i32
        %dma_start3A_800 = tpu.memref_slice %arg9[%dma_start3A_798, %dma_start3A_799] : memref<1280x128xf32, #tpu.memory_space<vmem_shared>> -> memref<1280x128xf32, #tpu.memory_space<vmem_shared>>
        tpu.enqueue_indirect_dma source(%arg18 : memref<40x128xf32, #tpu.memory_space<vmem>>) target(%dma_start3A_800 : memref<1280x128xf32, #tpu.memory_space<vmem_shared>>) offsets(%dma_start3A_797 : memref<40xi32, #tpu.memory_space<vmem>>) semaphore(%run_scoped3A_794 : memref<!tpu.dma_semaphore, #tpu.memory_space<semaphore_mem>>) {add = true}
        %dma_wait3A_801 = arith.constant 0 : i32
        %dma_wait3A_802 = tpu.memref_slice %arg14[%run_scoped3A_562, %dma_wait3A_801] : memref<2x40xi32, #tpu.memory_space<vmem>> -> memref<1x40xi32, #tpu.memory_space<vmem>>
        %dma_wait3A_803 = tpu.memref_squeeze %dma_wait3A_802 : memref<1x40xi32, #tpu.memory_space<vmem>> -> memref<40xi32, #tpu.memory_space<vmem>>
        %dma_wait3A_804 = arith.constant 0 : i32
        %dma_wait3A_805 = arith.constant 0 : i32
        %dma_wait3A_806 = tpu.memref_slice %arg9[%dma_wait3A_804, %dma_wait3A_805] : memref<1280x128xf32, #tpu.memory_space<vmem_shared>> -> memref<1280x128xf32, #tpu.memory_space<vmem_shared>>
        tpu.wait_indirect_dma semaphore(%run_scoped3A_794 : memref<!tpu.dma_semaphore, #tpu.memory_space<semaphore_mem>>) src(%arg18 : memref<40x128xf32, #tpu.memory_space<vmem>>) dst(%dma_wait3A_806 : memref<1280x128xf32, #tpu.memory_space<vmem_shared>>)
        tpu.yield
      }) : () -> ()
      %mul3A_563 = arith.constant 2 : i32
      %mul3A_564 = arith.muli %scan3A_332, %mul3A_563 : i32
      %add3A_565 = arith.constant 1 : i32
      %add3A_566 = arith.addi %mul3A_564, %add3A_565 : i32
      %add3A_567 = arith.constant 1 : i32
      %add3A_568 = arith.addi %add3A_566, %add3A_567 : i32
      %min3A_569 = arith.constant 249 : i32
      %min3A_570 = arith.minsi %add3A_568, %min3A_569 : i32
      %add3A_571 = arith.addi %mul3A_106, %min3A_570 : i32
      %mul3A_572 = arith.constant 120 : i32
      %mul3A_573 = arith.muli %add3A_571, %mul3A_572 : i32
      %run_scoped3A_574 = arith.constant 0 : i32
      "tpu.region"() ({
        %run_scoped3A_794 = tpu.sem_alloc : memref<!tpu.dma_semaphore, #tpu.memory_space<semaphore_mem>>
        %dma_start3A_795 = arith.constant 0 : i32
        %dma_start3A_796 = tpu.memref_slice %arg10[%run_scoped3A_574, %dma_start3A_795] : memref<2x120xi32, #tpu.memory_space<vmem>> -> memref<1x120xi32, #tpu.memory_space<vmem>>
        %dma_start3A_797 = tpu.memref_squeeze %dma_start3A_796 : memref<1x120xi32, #tpu.memory_space<vmem>> -> memref<120xi32, #tpu.memory_space<vmem>>
        %dma_start3A_798 = tpu.memref_slice %arg5[%mul3A_573] : memref<960000xi32, #tpu.memory_space<hbm>> -> memref<120xi32, #tpu.memory_space<hbm>>
        %dma_start3A_799 = arith.constant 0 : i32
        %dma_start3A_800 = tpu.memref_slice %arg10[%run_scoped3A_574, %dma_start3A_799] : memref<2x120xi32, #tpu.memory_space<vmem>> -> memref<1x120xi32, #tpu.memory_space<vmem>>
        %dma_start3A_801 = tpu.memref_squeeze %dma_start3A_800 : memref<1x120xi32, #tpu.memory_space<vmem>> -> memref<120xi32, #tpu.memory_space<vmem>>
        %dma_start3A_802 = tpu.memref_slice %arg5[%mul3A_573] : memref<960000xi32, #tpu.memory_space<hbm>> -> memref<120xi32, #tpu.memory_space<hbm>>
        tpu.enqueue_dma source(%dma_start3A_802 : memref<120xi32, #tpu.memory_space<hbm>>) target(%dma_start3A_801 : memref<120xi32, #tpu.memory_space<vmem>>) target_semaphore(%run_scoped3A_794 : memref<!tpu.dma_semaphore, #tpu.memory_space<semaphore_mem>>)
        %dma_wait3A_803 = arith.constant 0 : i32
        %dma_wait3A_804 = tpu.memref_slice %arg10[%run_scoped3A_574, %dma_wait3A_803] : memref<2x120xi32, #tpu.memory_space<vmem>> -> memref<1x120xi32, #tpu.memory_space<vmem>>
        %dma_wait3A_805 = tpu.memref_squeeze %dma_wait3A_804 : memref<1x120xi32, #tpu.memory_space<vmem>> -> memref<120xi32, #tpu.memory_space<vmem>>
        %dma_wait3A_806 = tpu.memref_slice %arg5[%mul3A_573] : memref<960000xi32, #tpu.memory_space<hbm>> -> memref<120xi32, #tpu.memory_space<hbm>>
        %dma_wait3A_807 = arith.constant 0 : i32
        %dma_wait3A_808 = tpu.memref_slice %arg10[%run_scoped3A_574, %dma_wait3A_807] : memref<2x120xi32, #tpu.memory_space<vmem>> -> memref<1x120xi32, #tpu.memory_space<vmem>>
        %dma_wait3A_809 = tpu.memref_squeeze %dma_wait3A_808 : memref<1x120xi32, #tpu.memory_space<vmem>> -> memref<120xi32, #tpu.memory_space<vmem>>
        %dma_wait3A_810 = tpu.memref_slice %arg5[%mul3A_573] : memref<960000xi32, #tpu.memory_space<hbm>> -> memref<120xi32, #tpu.memory_space<hbm>>
        tpu.wait_dma2 semaphore(%run_scoped3A_794 : memref<!tpu.dma_semaphore, #tpu.memory_space<semaphore_mem>>) src(%dma_wait3A_810 : memref<120xi32, #tpu.memory_space<hbm>>) dst(%dma_wait3A_809 : memref<120xi32, #tpu.memory_space<vmem>>)
        tpu.yield
      }) : () -> ()
      %get3A_575 = arith.constant 0 : i32
      %get3A_576 = arith.index_cast %get3A_575 : i32 to index
      %get3A_577 = arith.constant 40 : index
      %get3A_578 = tpu.vector_load %arg10[%get3A_576, %get3A_577] {strides = array<i32>} : memref<2x120xi32, #tpu.memory_space<vmem>>, vector<1x16xi32>,
      %get3A_579 = vector.shape_cast %get3A_578 : vector<1x16xi32> to vector<16xi32>
      %get3A_580 = arith.constant 0 : i32
      %get3A_581 = arith.index_cast %get3A_580 : i32 to index
      %get3A_582 = arith.constant 0 : index
      %get3A_583 = tpu.vector_load %arg10[%get3A_581, %get3A_582] {strides = array<i32>} : memref<2x120xi32, #tpu.memory_space<vmem>>, vector<1x16xi32>,
      %get3A_584 = vector.shape_cast %get3A_583 : vector<1x16xi32> to vector<16xi32>
      %mul3A_585 = arith.constant 5 : i32
      %mul3A_586 = vector.broadcast %mul3A_585 : i32 to vector<16xi32>
      %mul3A_587 = arith.muli %get3A_584, %mul3A_586 : vector<16xi32>
      %get3A_588 = arith.constant 0 : i32
      %get3A_589 = arith.index_cast %get3A_588 : i32 to index
      %get3A_590 = arith.constant 80 : index
      %get3A_591 = tpu.vector_load %arg10[%get3A_589, %get3A_590] {strides = array<i32>} : memref<2x120xi32, #tpu.memory_space<vmem>>, vector<1x16xi32>,
      %get3A_592 = vector.shape_cast %get3A_591 : vector<1x16xi32> to vector<16xi32>
      %add3A_593 = arith.addi %mul3A_587, %get3A_592 : vector<16xi32>
      %swap3A_594 = arith.constant 0 : i32
      %swap3A_595 = arith.index_cast %swap3A_594 : i32 to index
      %swap3A_596 = arith.constant 0 : index
      %swap3A_597 = tpu.vector_load %arg13[%swap3A_595, %swap3A_596] {strides = array<i32>} : memref<2x40xi32, #tpu.memory_space<vmem>>, vector<1x16xi32>,
      %swap3A_598 = vector.shape_cast %swap3A_597 : vector<1x16xi32> to vector<16xi32>
      %swap3A_599 = vector.shape_cast %add3A_593 : vector<16xi32> to vector<1x16xi32>
      tpu.vector_store %arg13[%swap3A_595, %swap3A_596], %swap3A_599 {strides = array<i32>} : memref<2x40xi32, #tpu.memory_space<vmem>>, vector<1x16xi32>,
      %shift_right_logical3A_600 = arith.constant 3 : i32
      %shift_right_logical3A_601 = vector.broadcast %shift_right_logical3A_600 : i32 to vector<16xi32>
      %shift_right_logical3A_602 = arith.shrui %get3A_579, %shift_right_logical3A_601 : vector<16xi32>
      %swap3A_603 = arith.constant 0 : i32
      %swap3A_604 = arith.index_cast %swap3A_603 : i32 to index
      %swap3A_605 = arith.constant 0 : index
      %swap3A_606 = tpu.vector_load %arg14[%swap3A_604, %swap3A_605] {strides = array<i32>} : memref<2x40xi32, #tpu.memory_space<vmem>>, vector<1x16xi32>,
      %swap3A_607 = vector.shape_cast %swap3A_606 : vector<1x16xi32> to vector<16xi32>
      %swap3A_608 = vector.shape_cast %shift_right_logical3A_602 : vector<16xi32> to vector<1x16xi32>
      tpu.vector_store %arg14[%swap3A_604, %swap3A_605], %swap3A_608 {strides = array<i32>} : memref<2x40xi32, #tpu.memory_space<vmem>>, vector<1x16xi32>,
      %swap3A_609 = arith.constant 0 : i32
      %swap3A_610 = arith.index_cast %swap3A_609 : i32 to index
      %swap3A_611 = arith.constant 0 : index
      %swap3A_612 = tpu.vector_load %arg11[%swap3A_610, %swap3A_611] {strides = array<i32>} : memref<2x40xi32, #tpu.memory_space<vmem>>, vector<1x16xi32>,
      %swap3A_613 = vector.shape_cast %swap3A_612 : vector<1x16xi32> to vector<16xi32>
      %swap3A_614 = vector.shape_cast %get3A_579 : vector<16xi32> to vector<1x16xi32>
      tpu.vector_store %arg11[%swap3A_610, %swap3A_611], %swap3A_614 {strides = array<i32>} : memref<2x40xi32, #tpu.memory_space<vmem>>, vector<1x16xi32>,
      %swap3A_615 = arith.constant 0 : i32
      %swap3A_616 = arith.index_cast %swap3A_615 : i32 to index
      %swap3A_617 = arith.constant 0 : index
      %swap3A_618 = tpu.vector_load %arg12[%swap3A_616, %swap3A_617] {strides = array<i32>} : memref<2x56xi32, #tpu.memory_space<vmem>>, vector<1x16xi32>,
      %swap3A_619 = vector.shape_cast %swap3A_618 : vector<1x16xi32> to vector<16xi32>
      %swap3A_620 = vector.shape_cast %get3A_579 : vector<16xi32> to vector<1x16xi32>
      tpu.vector_store %arg12[%swap3A_616, %swap3A_617], %swap3A_620 {strides = array<i32>} : memref<2x56xi32, #tpu.memory_space<vmem>>, vector<1x16xi32>,
      %get3A_621 = arith.constant 0 : i32
      %get3A_622 = arith.index_cast %get3A_621 : i32 to index
      %get3A_623 = arith.constant 56 : index
      %get3A_624 = tpu.vector_load %arg10[%get3A_622, %get3A_623] {strides = array<i32>} : memref<2x120xi32, #tpu.memory_space<vmem>>, vector<1x16xi32>,
      %get3A_625 = vector.shape_cast %get3A_624 : vector<1x16xi32> to vector<16xi32>
      %get3A_626 = arith.constant 0 : i32
      %get3A_627 = arith.index_cast %get3A_626 : i32 to index
      %get3A_628 = arith.constant 16 : index
      %get3A_629 = tpu.vector_load %arg10[%get3A_627, %get3A_628] {strides = array<i32>} : memref<2x120xi32, #tpu.memory_space<vmem>>, vector<1x16xi32>,
      %get3A_630 = vector.shape_cast %get3A_629 : vector<1x16xi32> to vector<16xi32>
      %mul3A_631 = arith.constant 5 : i32
      %mul3A_632 = vector.broadcast %mul3A_631 : i32 to vector<16xi32>
      %mul3A_633 = arith.muli %get3A_630, %mul3A_632 : vector<16xi32>
      %get3A_634 = arith.constant 0 : i32
      %get3A_635 = arith.index_cast %get3A_634 : i32 to index
      %get3A_636 = arith.constant 96 : index
      %get3A_637 = tpu.vector_load %arg10[%get3A_635, %get3A_636] {strides = array<i32>} : memref<2x120xi32, #tpu.memory_space<vmem>>, vector<1x16xi32>,
      %get3A_638 = vector.shape_cast %get3A_637 : vector<1x16xi32> to vector<16xi32>
      %add3A_639 = arith.addi %mul3A_633, %get3A_638 : vector<16xi32>
      %swap3A_640 = arith.constant 0 : i32
      %swap3A_641 = arith.index_cast %swap3A_640 : i32 to index
      %swap3A_642 = arith.constant 16 : index
      %swap3A_643 = tpu.vector_load %arg13[%swap3A_641, %swap3A_642] {strides = array<i32>} : memref<2x40xi32, #tpu.memory_space<vmem>>, vector<1x16xi32>,
      %swap3A_644 = vector.shape_cast %swap3A_643 : vector<1x16xi32> to vector<16xi32>
      %swap3A_645 = vector.shape_cast %add3A_639 : vector<16xi32> to vector<1x16xi32>
      tpu.vector_store %arg13[%swap3A_641, %swap3A_642], %swap3A_645 {strides = array<i32>} : memref<2x40xi32, #tpu.memory_space<vmem>>, vector<1x16xi32>,
      %shift_right_logical3A_646 = arith.constant 3 : i32
      %shift_right_logical3A_647 = vector.broadcast %shift_right_logical3A_646 : i32 to vector<16xi32>
      %shift_right_logical3A_648 = arith.shrui %get3A_625, %shift_right_logical3A_647 : vector<16xi32>
      %swap3A_649 = arith.constant 0 : i32
      %swap3A_650 = arith.index_cast %swap3A_649 : i32 to index
      %swap3A_651 = arith.constant 16 : index
      %swap3A_652 = tpu.vector_load %arg14[%swap3A_650, %swap3A_651] {strides = array<i32>} : memref<2x40xi32, #tpu.memory_space<vmem>>, vector<1x16xi32>,
      %swap3A_653 = vector.shape_cast %swap3A_652 : vector<1x16xi32> to vector<16xi32>
      %swap3A_654 = vector.shape_cast %shift_right_logical3A_648 : vector<16xi32> to vector<1x16xi32>
      tpu.vector_store %arg14[%swap3A_650, %swap3A_651], %swap3A_654 {strides = array<i32>} : memref<2x40xi32, #tpu.memory_space<vmem>>, vector<1x16xi32>,
      %swap3A_655 = arith.constant 0 : i32
      %swap3A_656 = arith.index_cast %swap3A_655 : i32 to index
      %swap3A_657 = arith.constant 16 : index
      %swap3A_658 = tpu.vector_load %arg11[%swap3A_656, %swap3A_657] {strides = array<i32>} : memref<2x40xi32, #tpu.memory_space<vmem>>, vector<1x16xi32>,
      %swap3A_659 = vector.shape_cast %swap3A_658 : vector<1x16xi32> to vector<16xi32>
      %swap3A_660 = vector.shape_cast %get3A_625 : vector<16xi32> to vector<1x16xi32>
      tpu.vector_store %arg11[%swap3A_656, %swap3A_657], %swap3A_660 {strides = array<i32>} : memref<2x40xi32, #tpu.memory_space<vmem>>, vector<1x16xi32>,
      %swap3A_661 = arith.constant 0 : i32
      %swap3A_662 = arith.index_cast %swap3A_661 : i32 to index
      %swap3A_663 = arith.constant 16 : index
      %swap3A_664 = tpu.vector_load %arg12[%swap3A_662, %swap3A_663] {strides = array<i32>} : memref<2x56xi32, #tpu.memory_space<vmem>>, vector<1x16xi32>,
      %swap3A_665 = vector.shape_cast %swap3A_664 : vector<1x16xi32> to vector<16xi32>
      %swap3A_666 = vector.shape_cast %get3A_625 : vector<16xi32> to vector<1x16xi32>
      tpu.vector_store %arg12[%swap3A_662, %swap3A_663], %swap3A_666 {strides = array<i32>} : memref<2x56xi32, #tpu.memory_space<vmem>>, vector<1x16xi32>,
      %get3A_667 = arith.constant 0 : i32
      %get3A_668 = arith.index_cast %get3A_667 : i32 to index
      %get3A_669 = arith.constant 64 : index
      %get3A_670 = tpu.vector_load %arg10[%get3A_668, %get3A_669] {strides = array<i32>} : memref<2x120xi32, #tpu.memory_space<vmem>>, vector<1x16xi32>,
      %get3A_671 = vector.shape_cast %get3A_670 : vector<1x16xi32> to vector<16xi32>
      %get3A_672 = arith.constant 0 : i32
      %get3A_673 = arith.index_cast %get3A_672 : i32 to index
      %get3A_674 = arith.constant 24 : index
      %get3A_675 = tpu.vector_load %arg10[%get3A_673, %get3A_674] {strides = array<i32>} : memref<2x120xi32, #tpu.memory_space<vmem>>, vector<1x16xi32>,
      %get3A_676 = vector.shape_cast %get3A_675 : vector<1x16xi32> to vector<16xi32>
      %mul3A_677 = arith.constant 5 : i32
      %mul3A_678 = vector.broadcast %mul3A_677 : i32 to vector<16xi32>
      %mul3A_679 = arith.muli %get3A_676, %mul3A_678 : vector<16xi32>
      %get3A_680 = arith.constant 0 : i32
      %get3A_681 = arith.index_cast %get3A_680 : i32 to index
      %get3A_682 = arith.constant 104 : index
      %get3A_683 = tpu.vector_load %arg10[%get3A_681, %get3A_682] {strides = array<i32>} : memref<2x120xi32, #tpu.memory_space<vmem>>, vector<1x16xi32>,
      %get3A_684 = vector.shape_cast %get3A_683 : vector<1x16xi32> to vector<16xi32>
      %add3A_685 = arith.addi %mul3A_679, %get3A_684 : vector<16xi32>
      %swap3A_686 = arith.constant 0 : i32
      %swap3A_687 = arith.index_cast %swap3A_686 : i32 to index
      %swap3A_688 = arith.constant 24 : index
      %swap3A_689 = tpu.vector_load %arg13[%swap3A_687, %swap3A_688] {strides = array<i32>} : memref<2x40xi32, #tpu.memory_space<vmem>>, vector<1x16xi32>,
      %swap3A_690 = vector.shape_cast %swap3A_689 : vector<1x16xi32> to vector<16xi32>
      %swap3A_691 = vector.shape_cast %add3A_685 : vector<16xi32> to vector<1x16xi32>
      tpu.vector_store %arg13[%swap3A_687, %swap3A_688], %swap3A_691 {strides = array<i32>} : memref<2x40xi32, #tpu.memory_space<vmem>>, vector<1x16xi32>,
      %shift_right_logical3A_692 = arith.constant 3 : i32
      %shift_right_logical3A_693 = vector.broadcast %shift_right_logical3A_692 : i32 to vector<16xi32>
      %shift_right_logical3A_694 = arith.shrui %get3A_671, %shift_right_logical3A_693 : vector<16xi32>
      %swap3A_695 = arith.constant 0 : i32
      %swap3A_696 = arith.index_cast %swap3A_695 : i32 to index
      %swap3A_697 = arith.constant 24 : index
      %swap3A_698 = tpu.vector_load %arg14[%swap3A_696, %swap3A_697] {strides = array<i32>} : memref<2x40xi32, #tpu.memory_space<vmem>>, vector<1x16xi32>,
      %swap3A_699 = vector.shape_cast %swap3A_698 : vector<1x16xi32> to vector<16xi32>
      %swap3A_700 = vector.shape_cast %shift_right_logical3A_694 : vector<16xi32> to vector<1x16xi32>
      tpu.vector_store %arg14[%swap3A_696, %swap3A_697], %swap3A_700 {strides = array<i32>} : memref<2x40xi32, #tpu.memory_space<vmem>>, vector<1x16xi32>,
      %swap3A_701 = arith.constant 0 : i32
      %swap3A_702 = arith.index_cast %swap3A_701 : i32 to index
      %swap3A_703 = arith.constant 24 : index
      %swap3A_704 = tpu.vector_load %arg11[%swap3A_702, %swap3A_703] {strides = array<i32>} : memref<2x40xi32, #tpu.memory_space<vmem>>, vector<1x16xi32>,
      %swap3A_705 = vector.shape_cast %swap3A_704 : vector<1x16xi32> to vector<16xi32>
      %swap3A_706 = vector.shape_cast %get3A_671 : vector<16xi32> to vector<1x16xi32>
      tpu.vector_store %arg11[%swap3A_702, %swap3A_703], %swap3A_706 {strides = array<i32>} : memref<2x40xi32, #tpu.memory_space<vmem>>, vector<1x16xi32>,
      %swap3A_707 = arith.constant 0 : i32
      %swap3A_708 = arith.index_cast %swap3A_707 : i32 to index
      %swap3A_709 = arith.constant 24 : index
      %swap3A_710 = tpu.vector_load %arg12[%swap3A_708, %swap3A_709] {strides = array<i32>} : memref<2x56xi32, #tpu.memory_space<vmem>>, vector<1x16xi32>,
      %swap3A_711 = vector.shape_cast %swap3A_710 : vector<1x16xi32> to vector<16xi32>
      %swap3A_712 = vector.shape_cast %get3A_671 : vector<16xi32> to vector<1x16xi32>
      tpu.vector_store %arg12[%swap3A_708, %swap3A_709], %swap3A_712 {strides = array<i32>} : memref<2x56xi32, #tpu.memory_space<vmem>>, vector<1x16xi32>,
      %dma_start3A_713 = arith.constant 0 : i32
      %dma_start3A_714 = arith.constant 0 : i32
      %dma_start3A_715 = arith.constant 0 : i32
      %dma_start3A_716 = arith.constant 0 : i32
      %dma_start3A_717 = tpu.memref_slice %arg15[%dma_start3A_714, %dma_start3A_715, %dma_start3A_716] : memref<2x40x128xf32, #tpu.memory_space<vmem>> -> memref<1x40x128xf32, #tpu.memory_space<vmem>>
      %dma_start3A_718 = tpu.memref_squeeze %dma_start3A_717 : memref<1x40x128xf32, #tpu.memory_space<vmem>> -> memref<40x128xf32, #tpu.memory_space<vmem>>
      %dma_start3A_719 = arith.constant 0 : i32
      %dma_start3A_720 = tpu.memref_slice %arg13[%dma_start3A_713, %dma_start3A_719] : memref<2x40xi32, #tpu.memory_space<vmem>> -> memref<1x40xi32, #tpu.memory_space<vmem>>
      %dma_start3A_721 = tpu.memref_squeeze %dma_start3A_720 : memref<1x40xi32, #tpu.memory_space<vmem>> -> memref<40xi32, #tpu.memory_space<vmem>>
      %dma_start3A_722 = arith.constant 0 : i32
      %dma_start3A_723 = arith.constant 0 : i32
      %dma_start3A_724 = tpu.memref_slice %arg2[%dma_start3A_722, %dma_start3A_723] : memref<50000x128xf32, #tpu.memory_space<hbm>> -> memref<50000x128xf32, #tpu.memory_space<hbm>>
      tpu.enqueue_indirect_dma source(%dma_start3A_724 : memref<50000x128xf32, #tpu.memory_space<hbm>>) target(%dma_start3A_718 : memref<40x128xf32, #tpu.memory_space<vmem>>) offsets(%dma_start3A_721 : memref<40xi32, #tpu.memory_space<vmem>>) semaphore(%arg19 : memref<!tpu.dma_semaphore, #tpu.memory_space<semaphore_mem>>)
      %dma_start3A_725 = arith.constant 0 : i32
      %dma_start3A_726 = arith.constant 0 : i32
      %dma_start3A_727 = arith.constant 0 : i32
      %dma_start3A_728 = arith.constant 0 : i32
      %dma_start3A_729 = tpu.memref_slice %arg16[%dma_start3A_726, %dma_start3A_727, %dma_start3A_728] : memref<2x40x128xf32, #tpu.memory_space<vmem>> -> memref<1x40x128xf32, #tpu.memory_space<vmem>>
      %dma_start3A_730 = tpu.memref_squeeze %dma_start3A_729 : memref<1x40x128xf32, #tpu.memory_space<vmem>> -> memref<40x128xf32, #tpu.memory_space<vmem>>
      %dma_start3A_731 = arith.constant 0 : i32
      %dma_start3A_732 = tpu.memref_slice %arg11[%dma_start3A_725, %dma_start3A_731] : memref<2x40xi32, #tpu.memory_space<vmem>> -> memref<1x40xi32, #tpu.memory_space<vmem>>
      %dma_start3A_733 = tpu.memref_squeeze %dma_start3A_732 : memref<1x40xi32, #tpu.memory_space<vmem>> -> memref<40xi32, #tpu.memory_space<vmem>>
      %dma_start3A_734 = arith.constant 0 : i32
      %dma_start3A_735 = arith.constant 0 : i32
      %dma_start3A_736 = tpu.memref_slice %arg4[%dma_start3A_734, %dma_start3A_735] : memref<10000x128xf32, #tpu.memory_space<hbm>> -> memref<10000x128xf32, #tpu.memory_space<hbm>>
      tpu.enqueue_indirect_dma source(%dma_start3A_736 : memref<10000x128xf32, #tpu.memory_space<hbm>>) target(%dma_start3A_730 : memref<40x128xf32, #tpu.memory_space<vmem>>) offsets(%dma_start3A_733 : memref<40xi32, #tpu.memory_space<vmem>>) semaphore(%arg20 : memref<!tpu.dma_semaphore, #tpu.memory_space<semaphore_mem>>)
      %dma_start3A_737 = arith.constant 0 : i32
      %dma_start3A_738 = arith.constant 0 : i32
      %dma_start3A_739 = arith.constant 0 : i32
      %dma_start3A_740 = arith.constant 0 : i32
      %dma_start3A_741 = tpu.memref_slice %arg17[%dma_start3A_738, %dma_start3A_739, %dma_start3A_740] : memref<2x40x128xf32, #tpu.memory_space<vmem>> -> memref<1x40x128xf32, #tpu.memory_space<vmem>>
      %dma_start3A_742 = tpu.memref_squeeze %dma_start3A_741 : memref<1x40x128xf32, #tpu.memory_space<vmem>> -> memref<40x128xf32, #tpu.memory_space<vmem>>
      %dma_start3A_743 = arith.constant 0 : i32
      %dma_start3A_744 = tpu.memref_slice %arg13[%dma_start3A_737, %dma_start3A_743] : memref<2x40xi32, #tpu.memory_space<vmem>> -> memref<1x40xi32, #tpu.memory_space<vmem>>
      %dma_start3A_745 = tpu.memref_squeeze %dma_start3A_744 : memref<1x40xi32, #tpu.memory_space<vmem>> -> memref<40xi32, #tpu.memory_space<vmem>>
      %dma_start3A_746 = arith.constant 0 : i32
      %dma_start3A_747 = arith.constant 0 : i32
      %dma_start3A_748 = tpu.memref_slice %arg3[%dma_start3A_746, %dma_start3A_747] : memref<50000x128xf32, #tpu.memory_space<hbm>> -> memref<50000x128xf32, #tpu.memory_space<hbm>>
      tpu.enqueue_indirect_dma source(%dma_start3A_748 : memref<50000x128xf32, #tpu.memory_space<hbm>>) target(%dma_start3A_742 : memref<40x128xf32, #tpu.memory_space<vmem>>) offsets(%dma_start3A_745 : memref<40xi32, #tpu.memory_space<vmem>>) semaphore(%arg21 : memref<!tpu.dma_semaphore, #tpu.memory_space<semaphore_mem>>)
      %dma_wait3A_749 = arith.constant 1 : i32
      %dma_wait3A_750 = arith.constant 1 : i32
      %dma_wait3A_751 = arith.constant 0 : i32
      %dma_wait3A_752 = arith.constant 0 : i32
      %dma_wait3A_753 = tpu.memref_slice %arg15[%dma_wait3A_750, %dma_wait3A_751, %dma_wait3A_752] : memref<2x40x128xf32, #tpu.memory_space<vmem>> -> memref<1x40x128xf32, #tpu.memory_space<vmem>>
      %dma_wait3A_754 = tpu.memref_squeeze %dma_wait3A_753 : memref<1x40x128xf32, #tpu.memory_space<vmem>> -> memref<40x128xf32, #tpu.memory_space<vmem>>
      %dma_wait3A_755 = arith.constant 0 : i32
      %dma_wait3A_756 = tpu.memref_slice %arg13[%dma_wait3A_749, %dma_wait3A_755] : memref<2x40xi32, #tpu.memory_space<vmem>> -> memref<1x40xi32, #tpu.memory_space<vmem>>
      %dma_wait3A_757 = tpu.memref_squeeze %dma_wait3A_756 : memref<1x40xi32, #tpu.memory_space<vmem>> -> memref<40xi32, #tpu.memory_space<vmem>>
      %dma_wait3A_758 = arith.constant 0 : i32
      %dma_wait3A_759 = arith.constant 0 : i32
      %dma_wait3A_760 = tpu.memref_slice %arg2[%dma_wait3A_758, %dma_wait3A_759] : memref<50000x128xf32, #tpu.memory_space<hbm>> -> memref<50000x128xf32, #tpu.memory_space<hbm>>
      tpu.wait_indirect_dma semaphore(%arg19 : memref<!tpu.dma_semaphore, #tpu.memory_space<semaphore_mem>>) src(%dma_wait3A_760 : memref<50000x128xf32, #tpu.memory_space<hbm>>) dst(%dma_wait3A_754 : memref<40x128xf32, #tpu.memory_space<vmem>>)
      %dma_wait3A_761 = arith.constant 1 : i32
      %dma_wait3A_762 = arith.constant 1 : i32
      %dma_wait3A_763 = arith.constant 0 : i32
      %dma_wait3A_764 = arith.constant 0 : i32
      %dma_wait3A_765 = tpu.memref_slice %arg16[%dma_wait3A_762, %dma_wait3A_763, %dma_wait3A_764] : memref<2x40x128xf32, #tpu.memory_space<vmem>> -> memref<1x40x128xf32, #tpu.memory_space<vmem>>
      %dma_wait3A_766 = tpu.memref_squeeze %dma_wait3A_765 : memref<1x40x128xf32, #tpu.memory_space<vmem>> -> memref<40x128xf32, #tpu.memory_space<vmem>>
      %dma_wait3A_767 = arith.constant 0 : i32
      %dma_wait3A_768 = tpu.memref_slice %arg11[%dma_wait3A_761, %dma_wait3A_767] : memref<2x40xi32, #tpu.memory_space<vmem>> -> memref<1x40xi32, #tpu.memory_space<vmem>>
      %dma_wait3A_769 = tpu.memref_squeeze %dma_wait3A_768 : memref<1x40xi32, #tpu.memory_space<vmem>> -> memref<40xi32, #tpu.memory_space<vmem>>
      %dma_wait3A_770 = arith.constant 0 : i32
      %dma_wait3A_771 = arith.constant 0 : i32
      %dma_wait3A_772 = tpu.memref_slice %arg4[%dma_wait3A_770, %dma_wait3A_771] : memref<10000x128xf32, #tpu.memory_space<hbm>> -> memref<10000x128xf32, #tpu.memory_space<hbm>>
      tpu.wait_indirect_dma semaphore(%arg20 : memref<!tpu.dma_semaphore, #tpu.memory_space<semaphore_mem>>) src(%dma_wait3A_772 : memref<10000x128xf32, #tpu.memory_space<hbm>>) dst(%dma_wait3A_766 : memref<40x128xf32, #tpu.memory_space<vmem>>)
      %dma_wait3A_773 = arith.constant 1 : i32
      %dma_wait3A_774 = arith.constant 1 : i32
      %dma_wait3A_775 = arith.constant 0 : i32
      %dma_wait3A_776 = arith.constant 0 : i32
      %dma_wait3A_777 = tpu.memref_slice %arg17[%dma_wait3A_774, %dma_wait3A_775, %dma_wait3A_776] : memref<2x40x128xf32, #tpu.memory_space<vmem>> -> memref<1x40x128xf32, #tpu.memory_space<vmem>>
      %dma_wait3A_778 = tpu.memref_squeeze %dma_wait3A_777 : memref<1x40x128xf32, #tpu.memory_space<vmem>> -> memref<40x128xf32, #tpu.memory_space<vmem>>
      %dma_wait3A_779 = arith.constant 0 : i32
      %dma_wait3A_780 = tpu.memref_slice %arg13[%dma_wait3A_773, %dma_wait3A_779] : memref<2x40xi32, #tpu.memory_space<vmem>> -> memref<1x40xi32, #tpu.memory_space<vmem>>
      %dma_wait3A_781 = tpu.memref_squeeze %dma_wait3A_780 : memref<1x40xi32, #tpu.memory_space<vmem>> -> memref<40xi32, #tpu.memory_space<vmem>>
      %dma_wait3A_782 = arith.constant 0 : i32
      %dma_wait3A_783 = arith.constant 0 : i32
      %dma_wait3A_784 = tpu.memref_slice %arg3[%dma_wait3A_782, %dma_wait3A_783] : memref<50000x128xf32, #tpu.memory_space<hbm>> -> memref<50000x128xf32, #tpu.memory_space<hbm>>
      tpu.wait_indirect_dma semaphore(%arg21 : memref<!tpu.dma_semaphore, #tpu.memory_space<semaphore_mem>>) src(%dma_wait3A_784 : memref<50000x128xf32, #tpu.memory_space<hbm>>) dst(%dma_wait3A_778 : memref<40x128xf32, #tpu.memory_space<vmem>>)
      %scan3A_785 = arith.constant 0 : i32
      %scan3A_786 = arith.constant 0 : i32
      %scan3A_787 = arith.constant 40 : i32
      %scan3A_788 = arith.addi %scan3A_786, %scan3A_787 : i32
      %scan3A_789 = arith.constant 1 : i32
      scf.for %scan3A_794 = %scan3A_786 to %scan3A_788 step %scan3A_789  : i32 {
        %get3A_795 = arith.constant 1 : i32
        %get3A_796 = arith.index_cast %get3A_795 : i32 to index
        %get3A_797 = arith.index_cast %scan3A_794 : i32 to index
        %get3A_798 = arith.constant 0 : index
        %get3A_799 = tpu.vector_load %arg15[%get3A_796, %get3A_797, %get3A_798] {strides = array<i32>} : memref<2x40x128xf32, #tpu.memory_space<vmem>>, vector<1x1x16xf32>,
        %get3A_800 = vector.shape_cast %get3A_799 : vector<1x1x16xf32> to vector<16xf32>
        %get3A_801 = arith.constant 1 : i32
        %get3A_802 = arith.index_cast %get3A_801 : i32 to index
        %get3A_803 = arith.index_cast %scan3A_794 : i32 to index
        %get3A_804 = arith.constant 0 : index
        %get3A_805 = tpu.vector_load %arg16[%get3A_802, %get3A_803, %get3A_804] {strides = array<i32>} : memref<2x40x128xf32, #tpu.memory_space<vmem>>, vector<1x1x16xf32>,
        %get3A_806 = vector.shape_cast %get3A_805 : vector<1x1x16xf32> to vector<16xf32>
        %mul3A_807 = arith.mulf %get3A_800, %get3A_806 : vector<16xf32>
        %get3A_808 = arith.constant 1 : i32
        %get3A_809 = arith.index_cast %get3A_808 : i32 to index
        %get3A_810 = arith.index_cast %scan3A_794 : i32 to index
        %get3A_811 = arith.constant 16 : index
        %get3A_812 = tpu.vector_load %arg15[%get3A_809, %get3A_810, %get3A_811] {strides = array<i32>} : memref<2x40x128xf32, #tpu.memory_space<vmem>>, vector<1x1x16xf32>,
        %get3A_813 = vector.shape_cast %get3A_812 : vector<1x1x16xf32> to vector<16xf32>
        %get3A_814 = arith.constant 1 : i32
        %get3A_815 = arith.index_cast %get3A_814 : i32 to index
        %get3A_816 = arith.index_cast %scan3A_794 : i32 to index
        %get3A_817 = arith.constant 16 : index
        %get3A_818 = tpu.vector_load %arg16[%get3A_815, %get3A_816, %get3A_817] {strides = array<i32>} : memref<2x40x128xf32, #tpu.memory_space<vmem>>, vector<1x1x16xf32>,
        %get3A_819 = vector.shape_cast %get3A_818 : vector<1x1x16xf32> to vector<16xf32>
        %mul3A_820 = arith.mulf %get3A_813, %get3A_819 : vector<16xf32>
        %add3A_821 = arith.addf %mul3A_807, %mul3A_820 : vector<16xf32>
        %get3A_822 = arith.constant 1 : i32
        %get3A_823 = arith.index_cast %get3A_822 : i32 to index
        %get3A_824 = arith.index_cast %scan3A_794 : i32 to index
        %get3A_825 = arith.constant 32 : index
        %get3A_826 = tpu.vector_load %arg15[%get3A_823, %get3A_824, %get3A_825] {strides = array<i32>} : memref<2x40x128xf32, #tpu.memory_space<vmem>>, vector<1x1x16xf32>,
        %get3A_827 = vector.shape_cast %get3A_826 : vector<1x1x16xf32> to vector<16xf32>
        %get3A_828 = arith.constant 1 : i32
        %get3A_829 = arith.index_cast %get3A_828 : i32 to index
        %get3A_830 = arith.index_cast %scan3A_794 : i32 to index
        %get3A_831 = arith.constant 32 : index
        %get3A_832 = tpu.vector_load %arg16[%get3A_829, %get3A_830, %get3A_831] {strides = array<i32>} : memref<2x40x128xf32, #tpu.memory_space<vmem>>, vector<1x1x16xf32>,
        %get3A_833 = vector.shape_cast %get3A_832 : vector<1x1x16xf32> to vector<16xf32>
        %mul3A_834 = arith.mulf %get3A_827, %get3A_833 : vector<16xf32>
        %add3A_835 = arith.addf %add3A_821, %mul3A_834 : vector<16xf32>
        %get3A_836 = arith.constant 1 : i32
        %get3A_837 = arith.index_cast %get3A_836 : i32 to index
        %get3A_838 = arith.index_cast %scan3A_794 : i32 to index
        %get3A_839 = arith.constant 48 : index
        %get3A_840 = tpu.vector_load %arg15[%get3A_837, %get3A_838, %get3A_839] {strides = array<i32>} : memref<2x40x128xf32, #tpu.memory_space<vmem>>, vector<1x1x16xf32>,
        %get3A_841 = vector.shape_cast %get3A_840 : vector<1x1x16xf32> to vector<16xf32>
        %get3A_842 = arith.constant 1 : i32
        %get3A_843 = arith.index_cast %get3A_842 : i32 to index
        %get3A_844 = arith.index_cast %scan3A_794 : i32 to index
        %get3A_845 = arith.constant 48 : index
        %get3A_846 = tpu.vector_load %arg16[%get3A_843, %get3A_844, %get3A_845] {strides = array<i32>} : memref<2x40x128xf32, #tpu.memory_space<vmem>>, vector<1x1x16xf32>,
        %get3A_847 = vector.shape_cast %get3A_846 : vector<1x1x16xf32> to vector<16xf32>
        %mul3A_848 = arith.mulf %get3A_841, %get3A_847 : vector<16xf32>
        %add3A_849 = arith.addf %add3A_835, %mul3A_848 : vector<16xf32>
        %get3A_850 = arith.constant 1 : i32
        %get3A_851 = arith.index_cast %get3A_850 : i32 to index
        %get3A_852 = arith.index_cast %scan3A_794 : i32 to index
        %get3A_853 = arith.constant 64 : index
        %get3A_854 = tpu.vector_load %arg15[%get3A_851, %get3A_852, %get3A_853] {strides = array<i32>} : memref<2x40x128xf32, #tpu.memory_space<vmem>>, vector<1x1x16xf32>,
        %get3A_855 = vector.shape_cast %get3A_854 : vector<1x1x16xf32> to vector<16xf32>
        %get3A_856 = arith.constant 1 : i32
        %get3A_857 = arith.index_cast %get3A_856 : i32 to index
        %get3A_858 = arith.index_cast %scan3A_794 : i32 to index
        %get3A_859 = arith.constant 64 : index
        %get3A_860 = tpu.vector_load %arg16[%get3A_857, %get3A_858, %get3A_859] {strides = array<i32>} : memref<2x40x128xf32, #tpu.memory_space<vmem>>, vector<1x1x16xf32>,
        %get3A_861 = vector.shape_cast %get3A_860 : vector<1x1x16xf32> to vector<16xf32>
        %mul3A_862 = arith.mulf %get3A_855, %get3A_861 : vector<16xf32>
        %add3A_863 = arith.addf %add3A_849, %mul3A_862 : vector<16xf32>
        %get3A_864 = arith.constant 1 : i32
        %get3A_865 = arith.index_cast %get3A_864 : i32 to index
        %get3A_866 = arith.index_cast %scan3A_794 : i32 to index
        %get3A_867 = arith.constant 80 : index
        %get3A_868 = tpu.vector_load %arg15[%get3A_865, %get3A_866, %get3A_867] {strides = array<i32>} : memref<2x40x128xf32, #tpu.memory_space<vmem>>, vector<1x1x16xf32>,
        %get3A_869 = vector.shape_cast %get3A_868 : vector<1x1x16xf32> to vector<16xf32>
        %get3A_870 = arith.constant 1 : i32
        %get3A_871 = arith.index_cast %get3A_870 : i32 to index
        %get3A_872 = arith.index_cast %scan3A_794 : i32 to index
        %get3A_873 = arith.constant 80 : index
        %get3A_874 = tpu.vector_load %arg16[%get3A_871, %get3A_872, %get3A_873] {strides = array<i32>} : memref<2x40x128xf32, #tpu.memory_space<vmem>>, vector<1x1x16xf32>,
        %get3A_875 = vector.shape_cast %get3A_874 : vector<1x1x16xf32> to vector<16xf32>
        %mul3A_876 = arith.mulf %get3A_869, %get3A_875 : vector<16xf32>
        %add3A_877 = arith.addf %add3A_863, %mul3A_876 : vector<16xf32>
        %get3A_878 = arith.constant 1 : i32
        %get3A_879 = arith.index_cast %get3A_878 : i32 to index
        %get3A_880 = arith.index_cast %scan3A_794 : i32 to index
        %get3A_881 = arith.constant 96 : index
        %get3A_882 = tpu.vector_load %arg15[%get3A_879, %get3A_880, %get3A_881] {strides = array<i32>} : memref<2x40x128xf32, #tpu.memory_space<vmem>>, vector<1x1x16xf32>,
        %get3A_883 = vector.shape_cast %get3A_882 : vector<1x1x16xf32> to vector<16xf32>
        %get3A_884 = arith.constant 1 : i32
        %get3A_885 = arith.index_cast %get3A_884 : i32 to index
        %get3A_886 = arith.index_cast %scan3A_794 : i32 to index
        %get3A_887 = arith.constant 96 : index
        %get3A_888 = tpu.vector_load %arg16[%get3A_885, %get3A_886, %get3A_887] {strides = array<i32>} : memref<2x40x128xf32, #tpu.memory_space<vmem>>, vector<1x1x16xf32>,
        %get3A_889 = vector.shape_cast %get3A_888 : vector<1x1x16xf32> to vector<16xf32>
        %mul3A_890 = arith.mulf %get3A_883, %get3A_889 : vector<16xf32>
        %add3A_891 = arith.addf %add3A_877, %mul3A_890 : vector<16xf32>
        %get3A_892 = arith.constant 1 : i32
        %get3A_893 = arith.index_cast %get3A_892 : i32 to index
        %get3A_894 = arith.index_cast %scan3A_794 : i32 to index
        %get3A_895 = arith.constant 112 : index
        %get3A_896 = tpu.vector_load %arg15[%get3A_893, %get3A_894, %get3A_895] {strides = array<i32>} : memref<2x40x128xf32, #tpu.memory_space<vmem>>, vector<1x1x16xf32>,
        %get3A_897 = vector.shape_cast %get3A_896 : vector<1x1x16xf32> to vector<16xf32>
        %get3A_898 = arith.constant 1 : i32
        %get3A_899 = arith.index_cast %get3A_898 : i32 to index
        %get3A_900 = arith.index_cast %scan3A_794 : i32 to index
        %get3A_901 = arith.constant 112 : index
        %get3A_902 = tpu.vector_load %arg16[%get3A_899, %get3A_900, %get3A_901] {strides = array<i32>} : memref<2x40x128xf32, #tpu.memory_space<vmem>>, vector<1x1x16xf32>,
        %get3A_903 = vector.shape_cast %get3A_902 : vector<1x1x16xf32> to vector<16xf32>
        %mul3A_904 = arith.mulf %get3A_897, %get3A_903 : vector<16xf32>
        %add3A_905 = arith.addf %add3A_891, %mul3A_904 : vector<16xf32>
        %broadcast_in_dim3A_906 = vector.shape_cast %xor3A_101 : vector<16xi32> to vector<16x1xi32>
        %gather3A = vector.shape_cast %broadcast_in_dim3A_906 : vector<16x1xi32> to vector<16xi32>
        %gather3A_907 = tpu.dynamic_gather %add3A_905[%gather3A] in [0] : vector<16xf32>, vector<16xi32> -> vector<16xf32>
        %add3A_908 = arith.addf %add3A_905, %gather3A_907 : vector<16xf32>
        %exp3A = math.exp %add3A_908 : vector<16xf32>
        %get3A_909 = arith.constant 1 : i32
        %get3A_910 = arith.index_cast %get3A_909 : i32 to index
        %get3A_911 = arith.index_cast %scan3A_794 : i32 to index
        %get3A_912 = tpu.vector_load %arg12[%get3A_910, %get3A_911] {strides = array<i32>} : memref<2x56xi32, #tpu.memory_space<vmem>>, vector<1x16xi32>,
        %get3A_913 = vector.shape_cast %get3A_912 : vector<1x16xi32> to vector<16xi32>
        %slice3A = vector.extract_strided_slice %get3A_913 {offsets = [0], sizes = [1], strides = [1]} : vector<16xi32> to vector<1xi32>
        %squeeze3A = vector.extract %slice3A[0] : i32 from vector<1xi32>
        %and3A = arith.constant 7 : i32
        %and3A_914 = arith.andi %squeeze3A, %and3A : i32
        %mul3A_915 = arith.constant 16 : i32
        %mul3A_916 = arith.muli %and3A_914, %mul3A_915 : i32
        %get3A_917 = arith.constant 1 : i32
        %get3A_918 = arith.index_cast %get3A_917 : i32 to index
        %get3A_919 = arith.index_cast %scan3A_794 : i32 to index
        %get3A_920 = arith.constant 0 : index
        %get3A_921 = tpu.vector_load %arg17[%get3A_918, %get3A_919, %get3A_920] {strides = array<i32>} : memref<2x40x128xf32, #tpu.memory_space<vmem>>, vector<1x1x16xf32>,
        %get3A_922 = vector.shape_cast %get3A_921 : vector<1x1x16xf32> to vector<16xf32>
        %mul3A_923 = arith.mulf %get3A_922, %exp3A : vector<16xf32>
        %swap3A_924 = arith.constant 1 : i32
        %swap3A_925 = arith.index_cast %swap3A_924 : i32 to index
        %swap3A_926 = arith.index_cast %scan3A_794 : i32 to index
        %swap3A_927 = arith.constant 0 : index
        %swap3A_928 = tpu.vector_load %arg17[%swap3A_925, %swap3A_926, %swap3A_927] {strides = array<i32>} : memref<2x40x128xf32, #tpu.memory_space<vmem>>, vector<1x1x16xf32>,
        %swap3A_929 = vector.shape_cast %swap3A_928 : vector<1x1x16xf32> to vector<16xf32>
        %swap3A_930 = vector.shape_cast %mul3A_923 : vector<16xf32> to vector<1x1x16xf32>
        tpu.vector_store %arg17[%swap3A_925, %swap3A_926, %swap3A_927], %swap3A_930 {strides = array<i32>} : memref<2x40x128xf32, #tpu.memory_space<vmem>>, vector<1x1x16xf32>,
        %eq3A = arith.constant 0 : i32
        %eq3A_931 = arith.cmpi eq, %mul3A_916, %eq3A : i32
        %select_n3A = arith.select %eq3A_931, %exp3A, %broadcast_in_dim3A_0 : vector<16xf32>
        %swap3A_932 = arith.index_cast %scan3A_794 : i32 to index
        %swap3A_933 = arith.constant 0 : index
        %swap3A_934 = tpu.vector_load %arg18[%swap3A_932, %swap3A_933] {strides = array<i32>} : memref<40x128xf32, #tpu.memory_space<vmem>>, vector<1x16xf32>,
        %swap3A_935 = vector.shape_cast %swap3A_934 : vector<1x16xf32> to vector<16xf32>
        %swap3A_936 = vector.shape_cast %select_n3A : vector<16xf32> to vector<1x16xf32>
        tpu.vector_store %arg18[%swap3A_932, %swap3A_933], %swap3A_936 {strides = array<i32>} : memref<40x128xf32, #tpu.memory_space<vmem>>, vector<1x16xf32>,
        %get3A_937 = arith.constant 1 : i32
        %get3A_938 = arith.index_cast %get3A_937 : i32 to index
        %get3A_939 = arith.index_cast %scan3A_794 : i32 to index
        %get3A_940 = arith.constant 16 : index
        %get3A_941 = tpu.vector_load %arg17[%get3A_938, %get3A_939, %get3A_940] {strides = array<i32>} : memref<2x40x128xf32, #tpu.memory_space<vmem>>, vector<1x1x16xf32>,
        %get3A_942 = vector.shape_cast %get3A_941 : vector<1x1x16xf32> to vector<16xf32>
        %mul3A_943 = arith.mulf %get3A_942, %exp3A : vector<16xf32>
        %swap3A_944 = arith.constant 1 : i32
        %swap3A_945 = arith.index_cast %swap3A_944 : i32 to index
        %swap3A_946 = arith.index_cast %scan3A_794 : i32 to index
        %swap3A_947 = arith.constant 16 : index
        %swap3A_948 = tpu.vector_load %arg17[%swap3A_945, %swap3A_946, %swap3A_947] {strides = array<i32>} : memref<2x40x128xf32, #tpu.memory_space<vmem>>, vector<1x1x16xf32>,
        %swap3A_949 = vector.shape_cast %swap3A_948 : vector<1x1x16xf32> to vector<16xf32>
        %swap3A_950 = vector.shape_cast %mul3A_943 : vector<16xf32> to vector<1x1x16xf32>
        tpu.vector_store %arg17[%swap3A_945, %swap3A_946, %swap3A_947], %swap3A_950 {strides = array<i32>} : memref<2x40x128xf32, #tpu.memory_space<vmem>>, vector<1x1x16xf32>,
        %eq3A_951 = arith.constant 16 : i32
        %eq3A_952 = arith.cmpi eq, %mul3A_916, %eq3A_951 : i32
        %select_n3A_953 = arith.select %eq3A_952, %exp3A, %broadcast_in_dim3A_0 : vector<16xf32>
        %swap3A_954 = arith.index_cast %scan3A_794 : i32 to index
        %swap3A_955 = arith.constant 16 : index
        %swap3A_956 = tpu.vector_load %arg18[%swap3A_954, %swap3A_955] {strides = array<i32>} : memref<40x128xf32, #tpu.memory_space<vmem>>, vector<1x16xf32>,
        %swap3A_957 = vector.shape_cast %swap3A_956 : vector<1x16xf32> to vector<16xf32>
        %swap3A_958 = vector.shape_cast %select_n3A_953 : vector<16xf32> to vector<1x16xf32>
        tpu.vector_store %arg18[%swap3A_954, %swap3A_955], %swap3A_958 {strides = array<i32>} : memref<40x128xf32, #tpu.memory_space<vmem>>, vector<1x16xf32>,
        %get3A_959 = arith.constant 1 : i32
        %get3A_960 = arith.index_cast %get3A_959 : i32 to index
        %get3A_961 = arith.index_cast %scan3A_794 : i32 to index
        %get3A_962 = arith.constant 32 : index
        %get3A_963 = tpu.vector_load %arg17[%get3A_960, %get3A_961, %get3A_962] {strides = array<i32>} : memref<2x40x128xf32, #tpu.memory_space<vmem>>, vector<1x1x16xf32>,
        %get3A_964 = vector.shape_cast %get3A_963 : vector<1x1x16xf32> to vector<16xf32>
        %mul3A_965 = arith.mulf %get3A_964, %exp3A : vector<16xf32>
        %swap3A_966 = arith.constant 1 : i32
        %swap3A_967 = arith.index_cast %swap3A_966 : i32 to index
        %swap3A_968 = arith.index_cast %scan3A_794 : i32 to index
        %swap3A_969 = arith.constant 32 : index
        %swap3A_970 = tpu.vector_load %arg17[%swap3A_967, %swap3A_968, %swap3A_969] {strides = array<i32>} : memref<2x40x128xf32, #tpu.memory_space<vmem>>, vector<1x1x16xf32>,
        %swap3A_971 = vector.shape_cast %swap3A_970 : vector<1x1x16xf32> to vector<16xf32>
        %swap3A_972 = vector.shape_cast %mul3A_965 : vector<16xf32> to vector<1x1x16xf32>
        tpu.vector_store %arg17[%swap3A_967, %swap3A_968, %swap3A_969], %swap3A_972 {strides = array<i32>} : memref<2x40x128xf32, #tpu.memory_space<vmem>>, vector<1x1x16xf32>,
        %eq3A_973 = arith.constant 32 : i32
        %eq3A_974 = arith.cmpi eq, %mul3A_916, %eq3A_973 : i32
        %select_n3A_975 = arith.select %eq3A_974, %exp3A, %broadcast_in_dim3A_0 : vector<16xf32>
        %swap3A_976 = arith.index_cast %scan3A_794 : i32 to index
        %swap3A_977 = arith.constant 32 : index
        %swap3A_978 = tpu.vector_load %arg18[%swap3A_976, %swap3A_977] {strides = array<i32>} : memref<40x128xf32, #tpu.memory_space<vmem>>, vector<1x16xf32>,
        %swap3A_979 = vector.shape_cast %swap3A_978 : vector<1x16xf32> to vector<16xf32>
        %swap3A_980 = vector.shape_cast %select_n3A_975 : vector<16xf32> to vector<1x16xf32>
        tpu.vector_store %arg18[%swap3A_976, %swap3A_977], %swap3A_980 {strides = array<i32>} : memref<40x128xf32, #tpu.memory_space<vmem>>, vector<1x16xf32>,
        %get3A_981 = arith.constant 1 : i32
        %get3A_982 = arith.index_cast %get3A_981 : i32 to index
        %get3A_983 = arith.index_cast %scan3A_794 : i32 to index
        %get3A_984 = arith.constant 48 : index
        %get3A_985 = tpu.vector_load %arg17[%get3A_982, %get3A_983, %get3A_984] {strides = array<i32>} : memref<2x40x128xf32, #tpu.memory_space<vmem>>, vector<1x1x16xf32>,
        %get3A_986 = vector.shape_cast %get3A_985 : vector<1x1x16xf32> to vector<16xf32>
        %mul3A_987 = arith.mulf %get3A_986, %exp3A : vector<16xf32>
        %swap3A_988 = arith.constant 1 : i32
        %swap3A_989 = arith.index_cast %swap3A_988 : i32 to index
        %swap3A_990 = arith.index_cast %scan3A_794 : i32 to index
        %swap3A_991 = arith.constant 48 : index
        %swap3A_992 = tpu.vector_load %arg17[%swap3A_989, %swap3A_990, %swap3A_991] {strides = array<i32>} : memref<2x40x128xf32, #tpu.memory_space<vmem>>, vector<1x1x16xf32>,
        %swap3A_993 = vector.shape_cast %swap3A_992 : vector<1x1x16xf32> to vector<16xf32>
        %swap3A_994 = vector.shape_cast %mul3A_987 : vector<16xf32> to vector<1x1x16xf32>
        tpu.vector_store %arg17[%swap3A_989, %swap3A_990, %swap3A_991], %swap3A_994 {strides = array<i32>} : memref<2x40x128xf32, #tpu.memory_space<vmem>>, vector<1x1x16xf32>,
        %eq3A_995 = arith.constant 48 : i32
        %eq3A_996 = arith.cmpi eq, %mul3A_916, %eq3A_995 : i32
        %select_n3A_997 = arith.select %eq3A_996, %exp3A, %broadcast_in_dim3A_0 : vector<16xf32>
        %swap3A_998 = arith.index_cast %scan3A_794 : i32 to index
        %swap3A_999 = arith.constant 48 : index
        %swap3A_1000 = tpu.vector_load %arg18[%swap3A_998, %swap3A_999] {strides = array<i32>} : memref<40x128xf32, #tpu.memory_space<vmem>>, vector<1x16xf32>,
        %swap3A_1001 = vector.shape_cast %swap3A_1000 : vector<1x16xf32> to vector<16xf32>
        %swap3A_1002 = vector.shape_cast %select_n3A_997 : vector<16xf32> to vector<1x16xf32>
        tpu.vector_store %arg18[%swap3A_998, %swap3A_999], %swap3A_1002 {strides = array<i32>} : memref<40x128xf32, #tpu.memory_space<vmem>>, vector<1x16xf32>,
        %get3A_1003 = arith.constant 1 : i32
        %get3A_1004 = arith.index_cast %get3A_1003 : i32 to index
        %get3A_1005 = arith.index_cast %scan3A_794 : i32 to index
        %get3A_1006 = arith.constant 64 : index
        %get3A_1007 = tpu.vector_load %arg17[%get3A_1004, %get3A_1005, %get3A_1006] {strides = array<i32>} : memref<2x40x128xf32, #tpu.memory_space<vmem>>, vector<1x1x16xf32>,
        %get3A_1008 = vector.shape_cast %get3A_1007 : vector<1x1x16xf32> to vector<16xf32>
        %mul3A_1009 = arith.mulf %get3A_1008, %exp3A : vector<16xf32>
        %swap3A_1010 = arith.constant 1 : i32
        %swap3A_1011 = arith.index_cast %swap3A_1010 : i32 to index
        %swap3A_1012 = arith.index_cast %scan3A_794 : i32 to index
        %swap3A_1013 = arith.constant 64 : index
        %swap3A_1014 = tpu.vector_load %arg17[%swap3A_1011, %swap3A_1012, %swap3A_1013] {strides = array<i32>} : memref<2x40x128xf32, #tpu.memory_space<vmem>>, vector<1x1x16xf32>,
        %swap3A_1015 = vector.shape_cast %swap3A_1014 : vector<1x1x16xf32> to vector<16xf32>
        %swap3A_1016 = vector.shape_cast %mul3A_1009 : vector<16xf32> to vector<1x1x16xf32>
        tpu.vector_store %arg17[%swap3A_1011, %swap3A_1012, %swap3A_1013], %swap3A_1016 {strides = array<i32>} : memref<2x40x128xf32, #tpu.memory_space<vmem>>, vector<1x1x16xf32>,
        %eq3A_1017 = arith.constant 64 : i32
        %eq3A_1018 = arith.cmpi eq, %mul3A_916, %eq3A_1017 : i32
        %select_n3A_1019 = arith.select %eq3A_1018, %exp3A, %broadcast_in_dim3A_0 : vector<16xf32>
        %swap3A_1020 = arith.index_cast %scan3A_794 : i32 to index
        %swap3A_1021 = arith.constant 64 : index
        %swap3A_1022 = tpu.vector_load %arg18[%swap3A_1020, %swap3A_1021] {strides = array<i32>} : memref<40x128xf32, #tpu.memory_space<vmem>>, vector<1x16xf32>,
        %swap3A_1023 = vector.shape_cast %swap3A_1022 : vector<1x16xf32> to vector<16xf32>
        %swap3A_1024 = vector.shape_cast %select_n3A_1019 : vector<16xf32> to vector<1x16xf32>
        tpu.vector_store %arg18[%swap3A_1020, %swap3A_1021], %swap3A_1024 {strides = array<i32>} : memref<40x128xf32, #tpu.memory_space<vmem>>, vector<1x16xf32>,
        %get3A_1025 = arith.constant 1 : i32
        %get3A_1026 = arith.index_cast %get3A_1025 : i32 to index
        %get3A_1027 = arith.index_cast %scan3A_794 : i32 to index
        %get3A_1028 = arith.constant 80 : index
        %get3A_1029 = tpu.vector_load %arg17[%get3A_1026, %get3A_1027, %get3A_1028] {strides = array<i32>} : memref<2x40x128xf32, #tpu.memory_space<vmem>>, vector<1x1x16xf32>,
        %get3A_1030 = vector.shape_cast %get3A_1029 : vector<1x1x16xf32> to vector<16xf32>
        %mul3A_1031 = arith.mulf %get3A_1030, %exp3A : vector<16xf32>
        %swap3A_1032 = arith.constant 1 : i32
        %swap3A_1033 = arith.index_cast %swap3A_1032 : i32 to index
        %swap3A_1034 = arith.index_cast %scan3A_794 : i32 to index
        %swap3A_1035 = arith.constant 80 : index
        %swap3A_1036 = tpu.vector_load %arg17[%swap3A_1033, %swap3A_1034, %swap3A_1035] {strides = array<i32>} : memref<2x40x128xf32, #tpu.memory_space<vmem>>, vector<1x1x16xf32>,
        %swap3A_1037 = vector.shape_cast %swap3A_1036 : vector<1x1x16xf32> to vector<16xf32>
        %swap3A_1038 = vector.shape_cast %mul3A_1031 : vector<16xf32> to vector<1x1x16xf32>
        tpu.vector_store %arg17[%swap3A_1033, %swap3A_1034, %swap3A_1035], %swap3A_1038 {strides = array<i32>} : memref<2x40x128xf32, #tpu.memory_space<vmem>>, vector<1x1x16xf32>,
        %eq3A_1039 = arith.constant 80 : i32
        %eq3A_1040 = arith.cmpi eq, %mul3A_916, %eq3A_1039 : i32
        %select_n3A_1041 = arith.select %eq3A_1040, %exp3A, %broadcast_in_dim3A_0 : vector<16xf32>
        %swap3A_1042 = arith.index_cast %scan3A_794 : i32 to index
        %swap3A_1043 = arith.constant 80 : index
        %swap3A_1044 = tpu.vector_load %arg18[%swap3A_1042, %swap3A_1043] {strides = array<i32>} : memref<40x128xf32, #tpu.memory_space<vmem>>, vector<1x16xf32>,
        %swap3A_1045 = vector.shape_cast %swap3A_1044 : vector<1x16xf32> to vector<16xf32>
        %swap3A_1046 = vector.shape_cast %select_n3A_1041 : vector<16xf32> to vector<1x16xf32>
        tpu.vector_store %arg18[%swap3A_1042, %swap3A_1043], %swap3A_1046 {strides = array<i32>} : memref<40x128xf32, #tpu.memory_space<vmem>>, vector<1x16xf32>,
        %get3A_1047 = arith.constant 1 : i32
        %get3A_1048 = arith.index_cast %get3A_1047 : i32 to index
        %get3A_1049 = arith.index_cast %scan3A_794 : i32 to index
        %get3A_1050 = arith.constant 96 : index
        %get3A_1051 = tpu.vector_load %arg17[%get3A_1048, %get3A_1049, %get3A_1050] {strides = array<i32>} : memref<2x40x128xf32, #tpu.memory_space<vmem>>, vector<1x1x16xf32>,
        %get3A_1052 = vector.shape_cast %get3A_1051 : vector<1x1x16xf32> to vector<16xf32>
        %mul3A_1053 = arith.mulf %get3A_1052, %exp3A : vector<16xf32>
        %swap3A_1054 = arith.constant 1 : i32
        %swap3A_1055 = arith.index_cast %swap3A_1054 : i32 to index
        %swap3A_1056 = arith.index_cast %scan3A_794 : i32 to index
        %swap3A_1057 = arith.constant 96 : index
        %swap3A_1058 = tpu.vector_load %arg17[%swap3A_1055, %swap3A_1056, %swap3A_1057] {strides = array<i32>} : memref<2x40x128xf32, #tpu.memory_space<vmem>>, vector<1x1x16xf32>,
        %swap3A_1059 = vector.shape_cast %swap3A_1058 : vector<1x1x16xf32> to vector<16xf32>
        %swap3A_1060 = vector.shape_cast %mul3A_1053 : vector<16xf32> to vector<1x1x16xf32>
        tpu.vector_store %arg17[%swap3A_1055, %swap3A_1056, %swap3A_1057], %swap3A_1060 {strides = array<i32>} : memref<2x40x128xf32, #tpu.memory_space<vmem>>, vector<1x1x16xf32>,
        %eq3A_1061 = arith.constant 96 : i32
        %eq3A_1062 = arith.cmpi eq, %mul3A_916, %eq3A_1061 : i32
        %select_n3A_1063 = arith.select %eq3A_1062, %exp3A, %broadcast_in_dim3A_0 : vector<16xf32>
        %swap3A_1064 = arith.index_cast %scan3A_794 : i32 to index
        %swap3A_1065 = arith.constant 96 : index
        %swap3A_1066 = tpu.vector_load %arg18[%swap3A_1064, %swap3A_1065] {strides = array<i32>} : memref<40x128xf32, #tpu.memory_space<vmem>>, vector<1x16xf32>,
        %swap3A_1067 = vector.shape_cast %swap3A_1066 : vector<1x16xf32> to vector<16xf32>
        %swap3A_1068 = vector.shape_cast %select_n3A_1063 : vector<16xf32> to vector<1x16xf32>
        tpu.vector_store %arg18[%swap3A_1064, %swap3A_1065], %swap3A_1068 {strides = array<i32>} : memref<40x128xf32, #tpu.memory_space<vmem>>, vector<1x16xf32>,
        %get3A_1069 = arith.constant 1 : i32
        %get3A_1070 = arith.index_cast %get3A_1069 : i32 to index
        %get3A_1071 = arith.index_cast %scan3A_794 : i32 to index
        %get3A_1072 = arith.constant 112 : index
        %get3A_1073 = tpu.vector_load %arg17[%get3A_1070, %get3A_1071, %get3A_1072] {strides = array<i32>} : memref<2x40x128xf32, #tpu.memory_space<vmem>>, vector<1x1x16xf32>,
        %get3A_1074 = vector.shape_cast %get3A_1073 : vector<1x1x16xf32> to vector<16xf32>
        %mul3A_1075 = arith.mulf %get3A_1074, %exp3A : vector<16xf32>
        %swap3A_1076 = arith.constant 1 : i32
        %swap3A_1077 = arith.index_cast %swap3A_1076 : i32 to index
        %swap3A_1078 = arith.index_cast %scan3A_794 : i32 to index
        %swap3A_1079 = arith.constant 112 : index
        %swap3A_1080 = tpu.vector_load %arg17[%swap3A_1077, %swap3A_1078, %swap3A_1079] {strides = array<i32>} : memref<2x40x128xf32, #tpu.memory_space<vmem>>, vector<1x1x16xf32>,
        %swap3A_1081 = vector.shape_cast %swap3A_1080 : vector<1x1x16xf32> to vector<16xf32>
        %swap3A_1082 = vector.shape_cast %mul3A_1075 : vector<16xf32> to vector<1x1x16xf32>
        tpu.vector_store %arg17[%swap3A_1077, %swap3A_1078, %swap3A_1079], %swap3A_1082 {strides = array<i32>} : memref<2x40x128xf32, #tpu.memory_space<vmem>>, vector<1x1x16xf32>,
        %eq3A_1083 = arith.constant 112 : i32
        %eq3A_1084 = arith.cmpi eq, %mul3A_916, %eq3A_1083 : i32
        %select_n3A_1085 = arith.select %eq3A_1084, %exp3A, %broadcast_in_dim3A_0 : vector<16xf32>
        %swap3A_1086 = arith.index_cast %scan3A_794 : i32 to index
        %swap3A_1087 = arith.constant 112 : index
        %swap3A_1088 = tpu.vector_load %arg18[%swap3A_1086, %swap3A_1087] {strides = array<i32>} : memref<40x128xf32, #tpu.memory_space<vmem>>, vector<1x16xf32>,
        %swap3A_1089 = vector.shape_cast %swap3A_1088 : vector<1x16xf32> to vector<16xf32>
        %swap3A_1090 = vector.shape_cast %select_n3A_1085 : vector<16xf32> to vector<1x16xf32>
        tpu.vector_store %arg18[%swap3A_1086, %swap3A_1087], %swap3A_1090 {strides = array<i32>} : memref<40x128xf32, #tpu.memory_space<vmem>>, vector<1x16xf32>,
      }
      %scan3A_790 = arith.constant 40 : i32
      %run_scoped3A_791 = arith.constant 1 : i32
      %run_scoped3A_792 = arith.constant 1 : i32
      "tpu.region"() ({
        %run_scoped3A_794 = tpu.sem_alloc : memref<!tpu.dma_semaphore, #tpu.memory_space<semaphore_mem>>
        %dma_start3A_795 = arith.constant 0 : i32
        %dma_start3A_796 = arith.constant 0 : i32
        %dma_start3A_797 = tpu.memref_slice %arg17[%run_scoped3A_791, %dma_start3A_795, %dma_start3A_796] : memref<2x40x128xf32, #tpu.memory_space<vmem>> -> memref<1x40x128xf32, #tpu.memory_space<vmem>>
        %dma_start3A_798 = tpu.memref_squeeze %dma_start3A_797 : memref<1x40x128xf32, #tpu.memory_space<vmem>> -> memref<40x128xf32, #tpu.memory_space<vmem>>
        %dma_start3A_799 = arith.constant 0 : i32
        %dma_start3A_800 = tpu.memref_slice %arg11[%run_scoped3A_792, %dma_start3A_799] : memref<2x40xi32, #tpu.memory_space<vmem>> -> memref<1x40xi32, #tpu.memory_space<vmem>>
        %dma_start3A_801 = tpu.memref_squeeze %dma_start3A_800 : memref<1x40xi32, #tpu.memory_space<vmem>> -> memref<40xi32, #tpu.memory_space<vmem>>
        %dma_start3A_802 = arith.constant 0 : i32
        %dma_start3A_803 = arith.constant 0 : i32
        %dma_start3A_804 = tpu.memref_slice %arg8[%dma_start3A_802, %dma_start3A_803] : memref<10240x128xf32, #tpu.memory_space<vmem_shared>> -> memref<10240x128xf32, #tpu.memory_space<vmem_shared>>
        tpu.enqueue_indirect_dma source(%dma_start3A_798 : memref<40x128xf32, #tpu.memory_space<vmem>>) target(%dma_start3A_804 : memref<10240x128xf32, #tpu.memory_space<vmem_shared>>) offsets(%dma_start3A_801 : memref<40xi32, #tpu.memory_space<vmem>>) semaphore(%run_scoped3A_794 : memref<!tpu.dma_semaphore, #tpu.memory_space<semaphore_mem>>) {add = true}
        %dma_wait3A_805 = arith.constant 0 : i32
        %dma_wait3A_806 = arith.constant 0 : i32
        %dma_wait3A_807 = tpu.memref_slice %arg17[%run_scoped3A_791, %dma_wait3A_805, %dma_wait3A_806] : memref<2x40x128xf32, #tpu.memory_space<vmem>> -> memref<1x40x128xf32, #tpu.memory_space<vmem>>
        %dma_wait3A_808 = tpu.memref_squeeze %dma_wait3A_807 : memref<1x40x128xf32, #tpu.memory_space<vmem>> -> memref<40x128xf32, #tpu.memory_space<vmem>>
        %dma_wait3A_809 = arith.constant 0 : i32
        %dma_wait3A_810 = tpu.memref_slice %arg11[%run_scoped3A_792, %dma_wait3A_809] : memref<2x40xi32, #tpu.memory_space<vmem>> -> memref<1x40xi32, #tpu.memory_space<vmem>>
        %dma_wait3A_811 = tpu.memref_squeeze %dma_wait3A_810 : memref<1x40xi32, #tpu.memory_space<vmem>> -> memref<40xi32, #tpu.memory_space<vmem>>
        %dma_wait3A_812 = arith.constant 0 : i32
        %dma_wait3A_813 = arith.constant 0 : i32
        %dma_wait3A_814 = tpu.memref_slice %arg8[%dma_wait3A_812, %dma_wait3A_813] : memref<10240x128xf32, #tpu.memory_space<vmem_shared>> -> memref<10240x128xf32, #tpu.memory_space<vmem_shared>>
        tpu.wait_indirect_dma semaphore(%run_scoped3A_794 : memref<!tpu.dma_semaphore, #tpu.memory_space<semaphore_mem>>) src(%dma_wait3A_808 : memref<40x128xf32, #tpu.memory_space<vmem>>) dst(%dma_wait3A_814 : memref<10240x128xf32, #tpu.memory_space<vmem_shared>>)
        tpu.yield
      }) : () -> ()
      %run_scoped3A_793 = arith.constant 1 : i32
      "tpu.region"() ({
        %run_scoped3A_794 = tpu.sem_alloc : memref<!tpu.dma_semaphore, #tpu.memory_space<semaphore_mem>>
        %dma_start3A_795 = arith.constant 0 : i32
        %dma_start3A_796 = tpu.memref_slice %arg14[%run_scoped3A_793, %dma_start3A_795] : memref<2x40xi32, #tpu.memory_space<vmem>> -> memref<1x40xi32, #tpu.memory_space<vmem>>
        %dma_start3A_797 = tpu.memref_squeeze %dma_start3A_796 : memref<1x40xi32, #tpu.memory_space<vmem>> -> memref<40xi32, #tpu.memory_space<vmem>>
        %dma_start3A_798 = arith.constant 0 : i32
        %dma_start3A_799 = arith.constant 0 : i32
        %dma_start3A_800 = tpu.memref_slice %arg9[%dma_start3A_798, %dma_start3A_799] : memref<1280x128xf32, #tpu.memory_space<vmem_shared>> -> memref<1280x128xf32, #tpu.memory_space<vmem_shared>>
        tpu.enqueue_indirect_dma source(%arg18 : memref<40x128xf32, #tpu.memory_space<vmem>>) target(%dma_start3A_800 : memref<1280x128xf32, #tpu.memory_space<vmem_shared>>) offsets(%dma_start3A_797 : memref<40xi32, #tpu.memory_space<vmem>>) semaphore(%run_scoped3A_794 : memref<!tpu.dma_semaphore, #tpu.memory_space<semaphore_mem>>) {add = true}
        %dma_wait3A_801 = arith.constant 0 : i32
        %dma_wait3A_802 = tpu.memref_slice %arg14[%run_scoped3A_793, %dma_wait3A_801] : memref<2x40xi32, #tpu.memory_space<vmem>> -> memref<1x40xi32, #tpu.memory_space<vmem>>
        %dma_wait3A_803 = tpu.memref_squeeze %dma_wait3A_802 : memref<1x40xi32, #tpu.memory_space<vmem>> -> memref<40xi32, #tpu.memory_space<vmem>>
        %dma_wait3A_804 = arith.constant 0 : i32
        %dma_wait3A_805 = arith.constant 0 : i32
        %dma_wait3A_806 = tpu.memref_slice %arg9[%dma_wait3A_804, %dma_wait3A_805] : memref<1280x128xf32, #tpu.memory_space<vmem_shared>> -> memref<1280x128xf32, #tpu.memory_space<vmem_shared>>
        tpu.wait_indirect_dma semaphore(%run_scoped3A_794 : memref<!tpu.dma_semaphore, #tpu.memory_space<semaphore_mem>>) src(%arg18 : memref<40x128xf32, #tpu.memory_space<vmem>>) dst(%dma_wait3A_806 : memref<1280x128xf32, #tpu.memory_space<vmem_shared>>)
        tpu.yield
      }) : () -> ()
    }
    %scan3A_287 = arith.constant 125 : i32
    %dma_wait3A = arith.constant 0 : i32
    %dma_wait3A_288 = arith.constant 0 : i32
    %dma_wait3A_289 = arith.constant 0 : i32
    %dma_wait3A_290 = arith.constant 0 : i32
    %dma_wait3A_291 = tpu.memref_slice %arg15[%dma_wait3A_288, %dma_wait3A_289, %dma_wait3A_290] : memref<2x40x128xf32, #tpu.memory_space<vmem>> -> memref<1x40x128xf32, #tpu.memory_space<vmem>>
    %dma_wait3A_292 = tpu.memref_squeeze %dma_wait3A_291 : memref<1x40x128xf32, #tpu.memory_space<vmem>> -> memref<40x128xf32, #tpu.memory_space<vmem>>
    %dma_wait3A_293 = arith.constant 0 : i32
    %dma_wait3A_294 = tpu.memref_slice %arg13[%dma_wait3A, %dma_wait3A_293] : memref<2x40xi32, #tpu.memory_space<vmem>> -> memref<1x40xi32, #tpu.memory_space<vmem>>
    %dma_wait3A_295 = tpu.memref_squeeze %dma_wait3A_294 : memref<1x40xi32, #tpu.memory_space<vmem>> -> memref<40xi32, #tpu.memory_space<vmem>>
    %dma_wait3A_296 = arith.constant 0 : i32
    %dma_wait3A_297 = arith.constant 0 : i32
    %dma_wait3A_298 = tpu.memref_slice %arg2[%dma_wait3A_296, %dma_wait3A_297] : memref<50000x128xf32, #tpu.memory_space<hbm>> -> memref<50000x128xf32, #tpu.memory_space<hbm>>
    tpu.wait_indirect_dma semaphore(%arg19 : memref<!tpu.dma_semaphore, #tpu.memory_space<semaphore_mem>>) src(%dma_wait3A_298 : memref<50000x128xf32, #tpu.memory_space<hbm>>) dst(%dma_wait3A_292 : memref<40x128xf32, #tpu.memory_space<vmem>>)
    %dma_wait3A_299 = arith.constant 0 : i32
    %dma_wait3A_300 = arith.constant 0 : i32
    %dma_wait3A_301 = arith.constant 0 : i32
    %dma_wait3A_302 = arith.constant 0 : i32
    %dma_wait3A_303 = tpu.memref_slice %arg16[%dma_wait3A_300, %dma_wait3A_301, %dma_wait3A_302] : memref<2x40x128xf32, #tpu.memory_space<vmem>> -> memref<1x40x128xf32, #tpu.memory_space<vmem>>
    %dma_wait3A_304 = tpu.memref_squeeze %dma_wait3A_303 : memref<1x40x128xf32, #tpu.memory_space<vmem>> -> memref<40x128xf32, #tpu.memory_space<vmem>>
    %dma_wait3A_305 = arith.constant 0 : i32
    %dma_wait3A_306 = tpu.memref_slice %arg11[%dma_wait3A_299, %dma_wait3A_305] : memref<2x40xi32, #tpu.memory_space<vmem>> -> memref<1x40xi32, #tpu.memory_space<vmem>>
    %dma_wait3A_307 = tpu.memref_squeeze %dma_wait3A_306 : memref<1x40xi32, #tpu.memory_space<vmem>> -> memref<40xi32, #tpu.memory_space<vmem>>
    %dma_wait3A_308 = arith.constant 0 : i32
    %dma_wait3A_309 = arith.constant 0 : i32
    %dma_wait3A_310 = tpu.memref_slice %arg4[%dma_wait3A_308, %dma_wait3A_309] : memref<10000x128xf32, #tpu.memory_space<hbm>> -> memref<10000x128xf32, #tpu.memory_space<hbm>>
    tpu.wait_indirect_dma semaphore(%arg20 : memref<!tpu.dma_semaphore, #tpu.memory_space<semaphore_mem>>) src(%dma_wait3A_310 : memref<10000x128xf32, #tpu.memory_space<hbm>>) dst(%dma_wait3A_304 : memref<40x128xf32, #tpu.memory_space<vmem>>)
    %dma_wait3A_311 = arith.constant 0 : i32
    %dma_wait3A_312 = arith.constant 0 : i32
    %dma_wait3A_313 = arith.constant 0 : i32
    %dma_wait3A_314 = arith.constant 0 : i32
    %dma_wait3A_315 = tpu.memref_slice %arg17[%dma_wait3A_312, %dma_wait3A_313, %dma_wait3A_314] : memref<2x40x128xf32, #tpu.memory_space<vmem>> -> memref<1x40x128xf32, #tpu.memory_space<vmem>>
    %dma_wait3A_316 = tpu.memref_squeeze %dma_wait3A_315 : memref<1x40x128xf32, #tpu.memory_space<vmem>> -> memref<40x128xf32, #tpu.memory_space<vmem>>
    %dma_wait3A_317 = arith.constant 0 : i32
    %dma_wait3A_318 = tpu.memref_slice %arg13[%dma_wait3A_311, %dma_wait3A_317] : memref<2x40xi32, #tpu.memory_space<vmem>> -> memref<1x40xi32, #tpu.memory_space<vmem>>
    %dma_wait3A_319 = tpu.memref_squeeze %dma_wait3A_318 : memref<1x40xi32, #tpu.memory_space<vmem>> -> memref<40xi32, #tpu.memory_space<vmem>>
    %dma_wait3A_320 = arith.constant 0 : i32
    %dma_wait3A_321 = arith.constant 0 : i32
    %dma_wait3A_322 = tpu.memref_slice %arg3[%dma_wait3A_320, %dma_wait3A_321] : memref<50000x128xf32, #tpu.memory_space<hbm>> -> memref<50000x128xf32, #tpu.memory_space<hbm>>
    tpu.wait_indirect_dma semaphore(%arg21 : memref<!tpu.dma_semaphore, #tpu.memory_space<semaphore_mem>>) src(%dma_wait3A_322 : memref<50000x128xf32, #tpu.memory_space<hbm>>) dst(%dma_wait3A_316 : memref<40x128xf32, #tpu.memory_space<vmem>>)
    %barrier3A_323 = arith.constant 0 : index
    tpu.barrier barrier_id(%barrier3A_323)
    %mul3A_324 = arith.constant 640 : i32
    %mul3A_325 = arith.muli %arg1, %mul3A_324 : i32
    %mul3A_326 = arith.constant 640 : i32
    %mul3A_327 = arith.muli %arg1, %mul3A_326 : i32
    "tpu.region"() ({
      %run_scoped3A_332 = tpu.sem_alloc : memref<!tpu.dma_semaphore, #tpu.memory_space<semaphore_mem>>
      %dma_start3A_333 = arith.constant 0 : i32
      %dma_start3A_334 = tpu.memref_slice %arg6[%arg0, %mul3A_327, %dma_start3A_333] : memref<2x10240x128xf32, #tpu.memory_space<hbm>> -> memref<1x640x128xf32, #tpu.memory_space<hbm>>
      %dma_start3A_335 = tpu.memref_squeeze %dma_start3A_334 : memref<1x640x128xf32, #tpu.memory_space<hbm>> -> memref<640x128xf32, #tpu.memory_space<hbm>>
      %dma_start3A_336 = arith.constant 0 : i32
      %dma_start3A_337 = tpu.memref_slice %arg8[%mul3A_325, %dma_start3A_336] : memref<10240x128xf32, #tpu.memory_space<vmem_shared>> -> memref<640x128xf32, #tpu.memory_space<vmem_shared>>
      tpu.enqueue_dma source(%dma_start3A_337 : memref<640x128xf32, #tpu.memory_space<vmem_shared>>) target(%dma_start3A_335 : memref<640x128xf32, #tpu.memory_space<hbm>>) target_semaphore(%run_scoped3A_332 : memref<!tpu.dma_semaphore, #tpu.memory_space<semaphore_mem>>)
      %dma_wait3A_338 = arith.constant 0 : i32
      %dma_wait3A_339 = tpu.memref_slice %arg6[%arg0, %mul3A_327, %dma_wait3A_338] : memref<2x10240x128xf32, #tpu.memory_space<hbm>> -> memref<1x640x128xf32, #tpu.memory_space<hbm>>
      %dma_wait3A_340 = tpu.memref_squeeze %dma_wait3A_339 : memref<1x640x128xf32, #tpu.memory_space<hbm>> -> memref<640x128xf32, #tpu.memory_space<hbm>>
      %dma_wait3A_341 = arith.constant 0 : i32
      %dma_wait3A_342 = tpu.memref_slice %arg8[%mul3A_325, %dma_wait3A_341] : memref<10240x128xf32, #tpu.memory_space<vmem_shared>> -> memref<640x128xf32, #tpu.memory_space<vmem_shared>>
      tpu.wait_dma2 semaphore(%run_scoped3A_332 : memref<!tpu.dma_semaphore, #tpu.memory_space<semaphore_mem>>) src(%dma_wait3A_342 : memref<640x128xf32, #tpu.memory_space<vmem_shared>>) dst(%dma_wait3A_340 : memref<640x128xf32, #tpu.memory_space<hbm>>)
      tpu.yield
    }) : () -> ()
    %mul3A_328 = arith.constant 80 : i32
    %mul3A_329 = arith.muli %arg1, %mul3A_328 : i32
    %mul3A_330 = arith.constant 80 : i32
    %mul3A_331 = arith.muli %arg1, %mul3A_330 : i32
    "tpu.region"() ({
      %run_scoped3A_332 = tpu.sem_alloc : memref<!tpu.dma_semaphore, #tpu.memory_space<semaphore_mem>>
      %dma_start3A_333 = arith.constant 0 : i32
      %dma_start3A_334 = tpu.memref_slice %arg7[%arg0, %mul3A_331, %dma_start3A_333] : memref<2x1280x128xf32, #tpu.memory_space<hbm>> -> memref<1x80x128xf32, #tpu.memory_space<hbm>>
      %dma_start3A_335 = tpu.memref_squeeze %dma_start3A_334 : memref<1x80x128xf32, #tpu.memory_space<hbm>> -> memref<80x128xf32, #tpu.memory_space<hbm>>
      %dma_start3A_336 = arith.constant 0 : i32
      %dma_start3A_337 = tpu.memref_slice %arg9[%mul3A_329, %dma_start3A_336] : memref<1280x128xf32, #tpu.memory_space<vmem_shared>> -> memref<80x128xf32, #tpu.memory_space<vmem_shared>>
      tpu.enqueue_dma source(%dma_start3A_337 : memref<80x128xf32, #tpu.memory_space<vmem_shared>>) target(%dma_start3A_335 : memref<80x128xf32, #tpu.memory_space<hbm>>) target_semaphore(%run_scoped3A_332 : memref<!tpu.dma_semaphore, #tpu.memory_space<semaphore_mem>>)
      %dma_wait3A_338 = arith.constant 0 : i32
      %dma_wait3A_339 = tpu.memref_slice %arg7[%arg0, %mul3A_331, %dma_wait3A_338] : memref<2x1280x128xf32, #tpu.memory_space<hbm>> -> memref<1x80x128xf32, #tpu.memory_space<hbm>>
      %dma_wait3A_340 = tpu.memref_squeeze %dma_wait3A_339 : memref<1x80x128xf32, #tpu.memory_space<hbm>> -> memref<80x128xf32, #tpu.memory_space<hbm>>
      %dma_wait3A_341 = arith.constant 0 : i32
      %dma_wait3A_342 = tpu.memref_slice %arg9[%mul3A_329, %dma_wait3A_341] : memref<1280x128xf32, #tpu.memory_space<vmem_shared>> -> memref<80x128xf32, #tpu.memory_space<vmem_shared>>
      tpu.wait_dma2 semaphore(%run_scoped3A_332 : memref<!tpu.dma_semaphore, #tpu.memory_space<semaphore_mem>>) src(%dma_wait3A_342 : memref<80x128xf32, #tpu.memory_space<vmem_shared>>) dst(%dma_wait3A_340 : memref<80x128xf32, #tpu.memory_space<hbm>>)
      tpu.yield
    }) : () -> ()
    return
  }
}

module attributes {stable_mosaic.version = 14 : i64} {
  func.func @_dense_in_body(%arg0: i32, %arg1: memref<1000x128xf32, #tpu.memory_space<vmem>>, %arg2: memref<1000x1xi32, #tpu.memory_space<vmem>>, %arg3: memref<3x128x128xf32, #tpu.memory_space<vmem>>, %arg4: memref<3x128x128xf32, #tpu.memory_space<vmem>>, %arg5: memref<3x128x128xf32, #tpu.memory_space<vmem>>, %arg6: memref<128x640xf32, #tpu.memory_space<vmem>>, %arg7: memref<128x640xf32, #tpu.memory_space<vmem>>, %arg8: memref<1000x128xf32, #tpu.memory_space<vmem>>, %arg9: memref<1000x640xf32, #tpu.memory_space<vmem>>, %arg10: memref<1000x640xf32, #tpu.memory_space<vmem>>) attributes {dimension_semantics = [#tpu.dimension_semantics<arbitrary>], iteration_bounds = array<i64: 10>, scalar_prefetch = 0 : i64, scratch_operands = 0 : i64, tpu.core_type = #tpu.core_type<tc>, window_params = [{transform_indices = @transform_0, window_bounds = array<i64: 1000, 128>}, {transform_indices = @transform_1, window_bounds = array<i64: 1000, 1>}, {pipeline_mode = #tpu.pipeline_mode<synchronous>, transform_indices = @transform_2, window_bounds = array<i64: 3, 128, 128>}, {pipeline_mode = #tpu.pipeline_mode<synchronous>, transform_indices = @transform_3, window_bounds = array<i64: 3, 128, 128>}, {pipeline_mode = #tpu.pipeline_mode<synchronous>, transform_indices = @transform_4, window_bounds = array<i64: 3, 128, 128>}, {pipeline_mode = #tpu.pipeline_mode<synchronous>, transform_indices = @transform_5, window_bounds = array<i64: 128, 640>}, {pipeline_mode = #tpu.pipeline_mode<synchronous>, transform_indices = @transform_6, window_bounds = array<i64: 128, 640>}, {transform_indices = @transform_7, window_bounds = array<i64: 1000, 128>}, {transform_indices = @transform_8, window_bounds = array<i64: 1000, 640>}, {transform_indices = @transform_9, window_bounds = array<i64: 1000, 640>}]} {
    %get3A = arith.constant 0 : index
    %get3A_0 = arith.constant 0 : index
    %get3A_1 = vector.load %arg1[%get3A, %get3A_0] : memref<1000x128xf32, #tpu.memory_space<vmem>>, vector<1000x128xf32>
    %get3A_2 = arith.constant 0 : index
    %get3A_3 = arith.constant 0 : index
    %get3A_4 = vector.load %arg2[%get3A_2, %get3A_3] : memref<1000x1xi32, #tpu.memory_space<vmem>>, vector<1000x1xi32>
    %broadcast_in_dim3A = arith.constant 0.000000e+00 : f32
    %broadcast_in_dim3A_5 = vector.broadcast %broadcast_in_dim3A : f32 to vector<1000x128xf32>
    %eq3A = arith.constant 0 : i32
    %eq3A_6 = vector.broadcast %eq3A : i32 to vector<1000x1xi32>
    %eq3A_7 = arith.cmpi eq, %get3A_4, %eq3A_6 : vector<1000x1xi32>
    %get3A_8 = arith.constant 0 : index
    %get3A_9 = arith.constant 0 : index
    %get3A_10 = arith.constant 0 : index
    %get3A_11 = vector.load %arg3[%get3A_8, %get3A_9, %get3A_10] : memref<3x128x128xf32, #tpu.memory_space<vmem>>, vector<1x128x128xf32>
    %get3A_12 = vector.shape_cast %get3A_11 : vector<1x128x128xf32> to vector<128x128xf32>
    %dot_general3A = arith.constant dense<0.000000e+00> : vector<1000x128xf32>
    %dot_general3A_13 = tpu.matmul %get3A_1, %get3A_12, %dot_general3A {dimension_numbers = #tpu.dot_dimension_numbers<[1], [0], [0], [1], [0, 0, 1, 1], [], []>, transpose_lhs_hint = false} : vector<1000x128xf32>, vector<128x128xf32>, vector<1000x128xf32> -> vector<1000x128xf32>
    %jit3A = arith.constant 0.000000e+00 : f32
    %broadcast_in_dim3A_14 = vector.shape_cast %eq3A_7 : vector<1000x1xi1> to vector<1000x1xi1>
    %broadcast_in_dim3A_15 = vector.broadcast %broadcast_in_dim3A_14 : vector<1000x1xi1> to vector<1000x128xi1>
    %broadcast_in_dim3A_16 = vector.broadcast %jit3A : f32 to vector<1000x128xf32>
    %select_n3A = arith.select %broadcast_in_dim3A_15, %dot_general3A_13, %broadcast_in_dim3A_16 : vector<1000x128xi1>, vector<1000x128xf32>
    %add3A = arith.addf %broadcast_in_dim3A_5, %select_n3A : vector<1000x128xf32>
    %eq3A_17 = arith.constant 1 : i32
    %eq3A_18 = vector.broadcast %eq3A_17 : i32 to vector<1000x1xi32>
    %eq3A_19 = arith.cmpi eq, %get3A_4, %eq3A_18 : vector<1000x1xi32>
    %get3A_20 = arith.constant 1 : index
    %get3A_21 = arith.constant 0 : index
    %get3A_22 = arith.constant 0 : index
    %get3A_23 = vector.load %arg3[%get3A_20, %get3A_21, %get3A_22] : memref<3x128x128xf32, #tpu.memory_space<vmem>>, vector<1x128x128xf32>
    %get3A_24 = vector.shape_cast %get3A_23 : vector<1x128x128xf32> to vector<128x128xf32>
    %dot_general3A_25 = arith.constant dense<0.000000e+00> : vector<1000x128xf32>
    %dot_general3A_26 = tpu.matmul %get3A_1, %get3A_24, %dot_general3A_25 {dimension_numbers = #tpu.dot_dimension_numbers<[1], [0], [0], [1], [0, 0, 1, 1], [], []>, transpose_lhs_hint = false} : vector<1000x128xf32>, vector<128x128xf32>, vector<1000x128xf32> -> vector<1000x128xf32>
    %jit3A_27 = arith.constant 0.000000e+00 : f32
    %broadcast_in_dim3A_28 = vector.shape_cast %eq3A_19 : vector<1000x1xi1> to vector<1000x1xi1>
    %broadcast_in_dim3A_29 = vector.broadcast %broadcast_in_dim3A_28 : vector<1000x1xi1> to vector<1000x128xi1>
    %broadcast_in_dim3A_30 = vector.broadcast %jit3A_27 : f32 to vector<1000x128xf32>
    %select_n3A_31 = arith.select %broadcast_in_dim3A_29, %dot_general3A_26, %broadcast_in_dim3A_30 : vector<1000x128xi1>, vector<1000x128xf32>
    %add3A_32 = arith.addf %add3A, %select_n3A_31 : vector<1000x128xf32>
    %eq3A_33 = arith.constant 2 : i32
    %eq3A_34 = vector.broadcast %eq3A_33 : i32 to vector<1000x1xi32>
    %eq3A_35 = arith.cmpi eq, %get3A_4, %eq3A_34 : vector<1000x1xi32>
    %get3A_36 = arith.constant 2 : index
    %get3A_37 = arith.constant 0 : index
    %get3A_38 = arith.constant 0 : index
    %get3A_39 = vector.load %arg3[%get3A_36, %get3A_37, %get3A_38] : memref<3x128x128xf32, #tpu.memory_space<vmem>>, vector<1x128x128xf32>
    %get3A_40 = vector.shape_cast %get3A_39 : vector<1x128x128xf32> to vector<128x128xf32>
    %dot_general3A_41 = arith.constant dense<0.000000e+00> : vector<1000x128xf32>
    %dot_general3A_42 = tpu.matmul %get3A_1, %get3A_40, %dot_general3A_41 {dimension_numbers = #tpu.dot_dimension_numbers<[1], [0], [0], [1], [0, 0, 1, 1], [], []>, transpose_lhs_hint = false} : vector<1000x128xf32>, vector<128x128xf32>, vector<1000x128xf32> -> vector<1000x128xf32>
    %jit3A_43 = arith.constant 0.000000e+00 : f32
    %broadcast_in_dim3A_44 = vector.shape_cast %eq3A_35 : vector<1000x1xi1> to vector<1000x1xi1>
    %broadcast_in_dim3A_45 = vector.broadcast %broadcast_in_dim3A_44 : vector<1000x1xi1> to vector<1000x128xi1>
    %broadcast_in_dim3A_46 = vector.broadcast %jit3A_43 : f32 to vector<1000x128xf32>
    %select_n3A_47 = arith.select %broadcast_in_dim3A_45, %dot_general3A_42, %broadcast_in_dim3A_46 : vector<1000x128xi1>, vector<1000x128xf32>
    %add3A_48 = arith.addf %add3A_32, %select_n3A_47 : vector<1000x128xf32>
    %broadcast_in_dim3A_49 = arith.constant 0.000000e+00 : f32
    %broadcast_in_dim3A_50 = vector.broadcast %broadcast_in_dim3A_49 : f32 to vector<1000x128xf32>
    %eq3A_51 = arith.constant 0 : i32
    %eq3A_52 = vector.broadcast %eq3A_51 : i32 to vector<1000x1xi32>
    %eq3A_53 = arith.cmpi eq, %get3A_4, %eq3A_52 : vector<1000x1xi32>
    %get3A_54 = arith.constant 0 : index
    %get3A_55 = arith.constant 0 : index
    %get3A_56 = arith.constant 0 : index
    %get3A_57 = vector.load %arg5[%get3A_54, %get3A_55, %get3A_56] : memref<3x128x128xf32, #tpu.memory_space<vmem>>, vector<1x128x128xf32>
    %get3A_58 = vector.shape_cast %get3A_57 : vector<1x128x128xf32> to vector<128x128xf32>
    %dot_general3A_59 = arith.constant dense<0.000000e+00> : vector<1000x128xf32>
    %dot_general3A_60 = tpu.matmul %get3A_1, %get3A_58, %dot_general3A_59 {dimension_numbers = #tpu.dot_dimension_numbers<[1], [0], [0], [1], [0, 0, 1, 1], [], []>, transpose_lhs_hint = false} : vector<1000x128xf32>, vector<128x128xf32>, vector<1000x128xf32> -> vector<1000x128xf32>
    %jit3A_61 = arith.constant 0.000000e+00 : f32
    %broadcast_in_dim3A_62 = vector.shape_cast %eq3A_53 : vector<1000x1xi1> to vector<1000x1xi1>
    %broadcast_in_dim3A_63 = vector.broadcast %broadcast_in_dim3A_62 : vector<1000x1xi1> to vector<1000x128xi1>
    %broadcast_in_dim3A_64 = vector.broadcast %jit3A_61 : f32 to vector<1000x128xf32>
    %select_n3A_65 = arith.select %broadcast_in_dim3A_63, %dot_general3A_60, %broadcast_in_dim3A_64 : vector<1000x128xi1>, vector<1000x128xf32>
    %add3A_66 = arith.addf %broadcast_in_dim3A_50, %select_n3A_65 : vector<1000x128xf32>
    %eq3A_67 = arith.constant 1 : i32
    %eq3A_68 = vector.broadcast %eq3A_67 : i32 to vector<1000x1xi32>
    %eq3A_69 = arith.cmpi eq, %get3A_4, %eq3A_68 : vector<1000x1xi32>
    %get3A_70 = arith.constant 1 : index
    %get3A_71 = arith.constant 0 : index
    %get3A_72 = arith.constant 0 : index
    %get3A_73 = vector.load %arg5[%get3A_70, %get3A_71, %get3A_72] : memref<3x128x128xf32, #tpu.memory_space<vmem>>, vector<1x128x128xf32>
    %get3A_74 = vector.shape_cast %get3A_73 : vector<1x128x128xf32> to vector<128x128xf32>
    %dot_general3A_75 = arith.constant dense<0.000000e+00> : vector<1000x128xf32>
    %dot_general3A_76 = tpu.matmul %get3A_1, %get3A_74, %dot_general3A_75 {dimension_numbers = #tpu.dot_dimension_numbers<[1], [0], [0], [1], [0, 0, 1, 1], [], []>, transpose_lhs_hint = false} : vector<1000x128xf32>, vector<128x128xf32>, vector<1000x128xf32> -> vector<1000x128xf32>
    %jit3A_77 = arith.constant 0.000000e+00 : f32
    %broadcast_in_dim3A_78 = vector.shape_cast %eq3A_69 : vector<1000x1xi1> to vector<1000x1xi1>
    %broadcast_in_dim3A_79 = vector.broadcast %broadcast_in_dim3A_78 : vector<1000x1xi1> to vector<1000x128xi1>
    %broadcast_in_dim3A_80 = vector.broadcast %jit3A_77 : f32 to vector<1000x128xf32>
    %select_n3A_81 = arith.select %broadcast_in_dim3A_79, %dot_general3A_76, %broadcast_in_dim3A_80 : vector<1000x128xi1>, vector<1000x128xf32>
    %add3A_82 = arith.addf %add3A_66, %select_n3A_81 : vector<1000x128xf32>
    %eq3A_83 = arith.constant 2 : i32
    %eq3A_84 = vector.broadcast %eq3A_83 : i32 to vector<1000x1xi32>
    %eq3A_85 = arith.cmpi eq, %get3A_4, %eq3A_84 : vector<1000x1xi32>
    %get3A_86 = arith.constant 2 : index
    %get3A_87 = arith.constant 0 : index
    %get3A_88 = arith.constant 0 : index
    %get3A_89 = vector.load %arg5[%get3A_86, %get3A_87, %get3A_88] : memref<3x128x128xf32, #tpu.memory_space<vmem>>, vector<1x128x128xf32>
    %get3A_90 = vector.shape_cast %get3A_89 : vector<1x128x128xf32> to vector<128x128xf32>
    %dot_general3A_91 = arith.constant dense<0.000000e+00> : vector<1000x128xf32>
    %dot_general3A_92 = tpu.matmul %get3A_1, %get3A_90, %dot_general3A_91 {dimension_numbers = #tpu.dot_dimension_numbers<[1], [0], [0], [1], [0, 0, 1, 1], [], []>, transpose_lhs_hint = false} : vector<1000x128xf32>, vector<128x128xf32>, vector<1000x128xf32> -> vector<1000x128xf32>
    %jit3A_93 = arith.constant 0.000000e+00 : f32
    %broadcast_in_dim3A_94 = vector.shape_cast %eq3A_85 : vector<1000x1xi1> to vector<1000x1xi1>
    %broadcast_in_dim3A_95 = vector.broadcast %broadcast_in_dim3A_94 : vector<1000x1xi1> to vector<1000x128xi1>
    %broadcast_in_dim3A_96 = vector.broadcast %jit3A_93 : f32 to vector<1000x128xf32>
    %select_n3A_97 = arith.select %broadcast_in_dim3A_95, %dot_general3A_92, %broadcast_in_dim3A_96 : vector<1000x128xi1>, vector<1000x128xf32>
    %add3A_98 = arith.addf %add3A_82, %select_n3A_97 : vector<1000x128xf32>
    %broadcast_in_dim3A_99 = arith.constant 0.000000e+00 : f32
    %broadcast_in_dim3A_100 = vector.broadcast %broadcast_in_dim3A_99 : f32 to vector<1000x128xf32>
    %eq3A_101 = arith.constant 0 : i32
    %eq3A_102 = vector.broadcast %eq3A_101 : i32 to vector<1000x1xi32>
    %eq3A_103 = arith.cmpi eq, %get3A_4, %eq3A_102 : vector<1000x1xi32>
    %get3A_104 = arith.constant 0 : index
    %get3A_105 = arith.constant 0 : index
    %get3A_106 = arith.constant 0 : index
    %get3A_107 = vector.load %arg4[%get3A_104, %get3A_105, %get3A_106] : memref<3x128x128xf32, #tpu.memory_space<vmem>>, vector<1x128x128xf32>
    %get3A_108 = vector.shape_cast %get3A_107 : vector<1x128x128xf32> to vector<128x128xf32>
    %dot_general3A_109 = arith.constant dense<0.000000e+00> : vector<1000x128xf32>
    %dot_general3A_110 = tpu.matmul %get3A_1, %get3A_108, %dot_general3A_109 {dimension_numbers = #tpu.dot_dimension_numbers<[1], [0], [0], [1], [0, 0, 1, 1], [], []>, transpose_lhs_hint = false} : vector<1000x128xf32>, vector<128x128xf32>, vector<1000x128xf32> -> vector<1000x128xf32>
    %jit3A_111 = arith.constant 0.000000e+00 : f32
    %broadcast_in_dim3A_112 = vector.shape_cast %eq3A_103 : vector<1000x1xi1> to vector<1000x1xi1>
    %broadcast_in_dim3A_113 = vector.broadcast %broadcast_in_dim3A_112 : vector<1000x1xi1> to vector<1000x128xi1>
    %broadcast_in_dim3A_114 = vector.broadcast %jit3A_111 : f32 to vector<1000x128xf32>
    %select_n3A_115 = arith.select %broadcast_in_dim3A_113, %dot_general3A_110, %broadcast_in_dim3A_114 : vector<1000x128xi1>, vector<1000x128xf32>
    %add3A_116 = arith.addf %broadcast_in_dim3A_100, %select_n3A_115 : vector<1000x128xf32>
    %eq3A_117 = arith.constant 1 : i32
    %eq3A_118 = vector.broadcast %eq3A_117 : i32 to vector<1000x1xi32>
    %eq3A_119 = arith.cmpi eq, %get3A_4, %eq3A_118 : vector<1000x1xi32>
    %get3A_120 = arith.constant 1 : index
    %get3A_121 = arith.constant 0 : index
    %get3A_122 = arith.constant 0 : index
    %get3A_123 = vector.load %arg4[%get3A_120, %get3A_121, %get3A_122] : memref<3x128x128xf32, #tpu.memory_space<vmem>>, vector<1x128x128xf32>
    %get3A_124 = vector.shape_cast %get3A_123 : vector<1x128x128xf32> to vector<128x128xf32>
    %dot_general3A_125 = arith.constant dense<0.000000e+00> : vector<1000x128xf32>
    %dot_general3A_126 = tpu.matmul %get3A_1, %get3A_124, %dot_general3A_125 {dimension_numbers = #tpu.dot_dimension_numbers<[1], [0], [0], [1], [0, 0, 1, 1], [], []>, transpose_lhs_hint = false} : vector<1000x128xf32>, vector<128x128xf32>, vector<1000x128xf32> -> vector<1000x128xf32>
    %jit3A_127 = arith.constant 0.000000e+00 : f32
    %broadcast_in_dim3A_128 = vector.shape_cast %eq3A_119 : vector<1000x1xi1> to vector<1000x1xi1>
    %broadcast_in_dim3A_129 = vector.broadcast %broadcast_in_dim3A_128 : vector<1000x1xi1> to vector<1000x128xi1>
    %broadcast_in_dim3A_130 = vector.broadcast %jit3A_127 : f32 to vector<1000x128xf32>
    %select_n3A_131 = arith.select %broadcast_in_dim3A_129, %dot_general3A_126, %broadcast_in_dim3A_130 : vector<1000x128xi1>, vector<1000x128xf32>
    %add3A_132 = arith.addf %add3A_116, %select_n3A_131 : vector<1000x128xf32>
    %eq3A_133 = arith.constant 2 : i32
    %eq3A_134 = vector.broadcast %eq3A_133 : i32 to vector<1000x1xi32>
    %eq3A_135 = arith.cmpi eq, %get3A_4, %eq3A_134 : vector<1000x1xi32>
    %get3A_136 = arith.constant 2 : index
    %get3A_137 = arith.constant 0 : index
    %get3A_138 = arith.constant 0 : index
    %get3A_139 = vector.load %arg4[%get3A_136, %get3A_137, %get3A_138] : memref<3x128x128xf32, #tpu.memory_space<vmem>>, vector<1x128x128xf32>
    %get3A_140 = vector.shape_cast %get3A_139 : vector<1x128x128xf32> to vector<128x128xf32>
    %dot_general3A_141 = arith.constant dense<0.000000e+00> : vector<1000x128xf32>
    %dot_general3A_142 = tpu.matmul %get3A_1, %get3A_140, %dot_general3A_141 {dimension_numbers = #tpu.dot_dimension_numbers<[1], [0], [0], [1], [0, 0, 1, 1], [], []>, transpose_lhs_hint = false} : vector<1000x128xf32>, vector<128x128xf32>, vector<1000x128xf32> -> vector<1000x128xf32>
    %jit3A_143 = arith.constant 0.000000e+00 : f32
    %broadcast_in_dim3A_144 = vector.shape_cast %eq3A_135 : vector<1000x1xi1> to vector<1000x1xi1>
    %broadcast_in_dim3A_145 = vector.broadcast %broadcast_in_dim3A_144 : vector<1000x1xi1> to vector<1000x128xi1>
    %broadcast_in_dim3A_146 = vector.broadcast %jit3A_143 : f32 to vector<1000x128xf32>
    %select_n3A_147 = arith.select %broadcast_in_dim3A_145, %dot_general3A_142, %broadcast_in_dim3A_146 : vector<1000x128xi1>, vector<1000x128xf32>
    %add3A_148 = arith.addf %add3A_132, %select_n3A_147 : vector<1000x128xf32>
    %swap3A = arith.constant 0 : index
    %swap3A_149 = arith.constant 0 : index
    %swap3A_150 = vector.load %arg8[%swap3A, %swap3A_149] : memref<1000x128xf32, #tpu.memory_space<vmem>>, vector<1000x128xf32>
    tpu.vector_store %arg8[%swap3A, %swap3A_149], %add3A_148 {strides = array<i32>} : memref<1000x128xf32, #tpu.memory_space<vmem>>, vector<1000x128xf32>,
    %get3A_151 = arith.constant 0 : index
    %get3A_152 = arith.constant 0 : index
    %get3A_153 = vector.load %arg6[%get3A_151, %get3A_152] : memref<128x640xf32, #tpu.memory_space<vmem>>, vector<128x640xf32>
    %dot_general3A_154 = arith.constant dense<0.000000e+00> : vector<1000x640xf32>
    %dot_general3A_155 = tpu.matmul %add3A_48, %get3A_153, %dot_general3A_154 {dimension_numbers = #tpu.dot_dimension_numbers<[1], [0], [0], [1], [0, 0, 1, 1], [], []>, transpose_lhs_hint = false} : vector<1000x128xf32>, vector<128x640xf32>, vector<1000x640xf32> -> vector<1000x640xf32>
    %swap3A_156 = arith.constant 0 : index
    %swap3A_157 = arith.constant 0 : index
    %swap3A_158 = vector.load %arg9[%swap3A_156, %swap3A_157] : memref<1000x640xf32, #tpu.memory_space<vmem>>, vector<1000x640xf32>
    tpu.vector_store %arg9[%swap3A_156, %swap3A_157], %dot_general3A_155 {strides = array<i32>} : memref<1000x640xf32, #tpu.memory_space<vmem>>, vector<1000x640xf32>,
    %get3A_159 = arith.constant 0 : index
    %get3A_160 = arith.constant 0 : index
    %get3A_161 = vector.load %arg7[%get3A_159, %get3A_160] : memref<128x640xf32, #tpu.memory_space<vmem>>, vector<128x640xf32>
    %dot_general3A_162 = arith.constant dense<0.000000e+00> : vector<1000x640xf32>
    %dot_general3A_163 = tpu.matmul %add3A_98, %get3A_161, %dot_general3A_162 {dimension_numbers = #tpu.dot_dimension_numbers<[1], [0], [0], [1], [0, 0, 1, 1], [], []>, transpose_lhs_hint = false} : vector<1000x128xf32>, vector<128x640xf32>, vector<1000x640xf32> -> vector<1000x640xf32>
    %swap3A_164 = arith.constant 0 : index
    %swap3A_165 = arith.constant 0 : index
    %swap3A_166 = vector.load %arg10[%swap3A_164, %swap3A_165] : memref<1000x640xf32, #tpu.memory_space<vmem>>, vector<1000x640xf32>
    tpu.vector_store %arg10[%swap3A_164, %swap3A_165], %dot_general3A_163 {strides = array<i32>} : memref<1000x640xf32, #tpu.memory_space<vmem>>, vector<1000x640xf32>,
    return
  }
  func.func @transform_0(%arg0: i32) -> (i32, i32) {
    %c0_i32 = arith.constant 0 : i32
    %c0_i32_0 = arith.constant 0 : i32
    return %arg0, %c0_i32 : i32, i32
  }
  func.func @transform_1(%arg0: i32) -> (i32, i32) {
    %c0_i32 = arith.constant 0 : i32
    %c0_i32_0 = arith.constant 0 : i32
    return %arg0, %c0_i32 : i32, i32
  }
  func.func @transform_2(%arg0: i32) -> (i32, i32, i32) {
    %c0_i32 = arith.constant 0 : i32
    %c0_i32_0 = arith.constant 0 : i32
    %c0_i32_1 = arith.constant 0 : i32
    %c0_i32_2 = arith.constant 0 : i32
    return %c0_i32, %c0_i32_0, %c0_i32_1 : i32, i32, i32
  }
  func.func @transform_3(%arg0: i32) -> (i32, i32, i32) {
    %c0_i32 = arith.constant 0 : i32
    %c0_i32_0 = arith.constant 0 : i32
    %c0_i32_1 = arith.constant 0 : i32
    %c0_i32_2 = arith.constant 0 : i32
    return %c0_i32, %c0_i32_0, %c0_i32_1 : i32, i32, i32
  }
  func.func @transform_4(%arg0: i32) -> (i32, i32, i32) {
    %c0_i32 = arith.constant 0 : i32
    %c0_i32_0 = arith.constant 0 : i32
    %c0_i32_1 = arith.constant 0 : i32
    %c0_i32_2 = arith.constant 0 : i32
    return %c0_i32, %c0_i32_0, %c0_i32_1 : i32, i32, i32
  }
  func.func @transform_5(%arg0: i32) -> (i32, i32) {
    %c0_i32 = arith.constant 0 : i32
    %c0_i32_0 = arith.constant 0 : i32
    %c0_i32_1 = arith.constant 0 : i32
    return %c0_i32, %c0_i32_0 : i32, i32
  }
  func.func @transform_6(%arg0: i32) -> (i32, i32) {
    %c0_i32 = arith.constant 0 : i32
    %c0_i32_0 = arith.constant 0 : i32
    %c0_i32_1 = arith.constant 0 : i32
    return %c0_i32, %c0_i32_0 : i32, i32
  }
  func.func @transform_7(%arg0: i32) -> (i32, i32) {
    %c0_i32 = arith.constant 0 : i32
    %c0_i32_0 = arith.constant 0 : i32
    return %arg0, %c0_i32 : i32, i32
  }
  func.func @transform_8(%arg0: i32) -> (i32, i32) {
    %c0_i32 = arith.constant 0 : i32
    %c0_i32_0 = arith.constant 0 : i32
    return %arg0, %c0_i32 : i32, i32
  }
  func.func @transform_9(%arg0: i32) -> (i32, i32) {
    %c0_i32 = arith.constant 0 : i32
    %c0_i32_0 = arith.constant 0 : i32
    return %arg0, %c0_i32 : i32, i32
  }
}

module attributes {stable_mosaic.version = 14 : i64} {
  func.func @_dense_out_body(%arg0: i32, %arg1: memref<2x1000x128xf32, #tpu.memory_space<vmem>>, %arg2: memref<2x1000x16xf32, #tpu.memory_space<vmem>>, %arg3: memref<1000x128xf32, #tpu.memory_space<vmem>>, %arg4: memref<1000x1xi32, #tpu.memory_space<vmem>>, %arg5: memref<1000x1xf32, #tpu.memory_space<vmem>>, %arg6: memref<3x128x128xf32, #tpu.memory_space<vmem>>, %arg7: memref<1x128xf32, #tpu.memory_space<vmem>>, %arg8: memref<1x128xf32, #tpu.memory_space<vmem>>, %arg9: memref<16x128xf32, #tpu.memory_space<vmem>>, %arg10: memref<1000x128xf32, #tpu.memory_space<vmem>>) attributes {dimension_semantics = [#tpu.dimension_semantics<arbitrary>], iteration_bounds = array<i64: 10>, scalar_prefetch = 0 : i64, scratch_operands = 0 : i64, tpu.core_type = #tpu.core_type<tc>, window_params = [{transform_indices = @transform_0, window_bounds = array<i64: 2, 1000, 128>}, {transform_indices = @transform_1, window_bounds = array<i64: 2, 1000, 16>}, {transform_indices = @transform_2, window_bounds = array<i64: 1000, 128>}, {transform_indices = @transform_3, window_bounds = array<i64: 1000, 1>}, {transform_indices = @transform_4, window_bounds = array<i64: 1000, 1>}, {pipeline_mode = #tpu.pipeline_mode<synchronous>, transform_indices = @transform_5, window_bounds = array<i64: 3, 128, 128>}, {pipeline_mode = #tpu.pipeline_mode<synchronous>, transform_indices = @transform_6, window_bounds = array<i64: 1, 128>}, {pipeline_mode = #tpu.pipeline_mode<synchronous>, transform_indices = @transform_7, window_bounds = array<i64: 1, 128>}, {pipeline_mode = #tpu.pipeline_mode<synchronous>, transform_indices = @transform_8, window_bounds = array<i64: 16, 128>}, {transform_indices = @transform_9, window_bounds = array<i64: 1000, 128>}]} {
    %get3A = arith.constant 0 : index
    %get3A_0 = arith.constant 0 : index
    %get3A_1 = arith.constant 0 : index
    %get3A_2 = vector.load %arg1[%get3A, %get3A_0, %get3A_1] : memref<2x1000x128xf32, #tpu.memory_space<vmem>>, vector<1x1000x128xf32>
    %get3A_3 = vector.shape_cast %get3A_2 : vector<1x1000x128xf32> to vector<1000x128xf32>
    %get3A_4 = arith.constant 1 : index
    %get3A_5 = arith.constant 0 : index
    %get3A_6 = arith.constant 0 : index
    %get3A_7 = vector.load %arg1[%get3A_4, %get3A_5, %get3A_6] : memref<2x1000x128xf32, #tpu.memory_space<vmem>>, vector<1x1000x128xf32>
    %get3A_8 = vector.shape_cast %get3A_7 : vector<1x1000x128xf32> to vector<1000x128xf32>
    %add3A = arith.addf %get3A_3, %get3A_8 : vector<1000x128xf32>
    %get3A_9 = arith.constant 0 : index
    %get3A_10 = arith.constant 0 : index
    %get3A_11 = arith.constant 0 : index
    %get3A_12 = vector.load %arg2[%get3A_9, %get3A_10, %get3A_11] : memref<2x1000x16xf32, #tpu.memory_space<vmem>>, vector<1x1000x16xf32>
    %get3A_13 = vector.shape_cast %get3A_12 : vector<1x1000x16xf32> to vector<1000x16xf32>
    %get3A_14 = arith.constant 1 : index
    %get3A_15 = arith.constant 0 : index
    %get3A_16 = arith.constant 0 : index
    %get3A_17 = vector.load %arg2[%get3A_14, %get3A_15, %get3A_16] : memref<2x1000x16xf32, #tpu.memory_space<vmem>>, vector<1x1000x16xf32>
    %get3A_18 = vector.shape_cast %get3A_17 : vector<1x1000x16xf32> to vector<1000x16xf32>
    %add3A_19 = arith.addf %get3A_13, %get3A_18 : vector<1000x16xf32>
    %get3A_20 = arith.constant 0 : index
    %get3A_21 = arith.constant 0 : index
    %get3A_22 = vector.load %arg9[%get3A_20, %get3A_21] : memref<16x128xf32, #tpu.memory_space<vmem>>, vector<16x128xf32>
    %dot_general3A = arith.constant dense<0.000000e+00> : vector<1000x128xf32>
    %dot_general3A_23 = tpu.matmul %add3A_19, %get3A_22, %dot_general3A {dimension_numbers = #tpu.dot_dimension_numbers<[1], [0], [0], [1], [0, 0, 1, 1], [], []>, transpose_lhs_hint = false} : vector<1000x16xf32>, vector<16x128xf32>, vector<1000x128xf32> -> vector<1000x128xf32>
    %gt3A = arith.constant 0.000000e+00 : f32
    %gt3A_24 = vector.broadcast %gt3A : f32 to vector<1000x128xf32>
    %gt3A_25 = arith.cmpf ogt, %dot_general3A_23, %gt3A_24 : vector<1000x128xf32>
    %jit3A = arith.constant 1.000000e+00 : f32
    %broadcast_in_dim3A = vector.broadcast %jit3A : f32 to vector<1000x128xf32>
    %select_n3A = arith.select %gt3A_25, %dot_general3A_23, %broadcast_in_dim3A : vector<1000x128xi1>, vector<1000x128xf32>
    %div3A = arith.divf %add3A, %select_n3A : vector<1000x128xf32>
    %get3A_26 = arith.constant 0 : index
    %get3A_27 = arith.constant 0 : index
    %get3A_28 = vector.load %arg4[%get3A_26, %get3A_27] : memref<1000x1xi32, #tpu.memory_space<vmem>>, vector<1000x1xi32>
    %broadcast_in_dim3A_29 = arith.constant 0.000000e+00 : f32
    %broadcast_in_dim3A_30 = vector.broadcast %broadcast_in_dim3A_29 : f32 to vector<1000x128xf32>
    %eq3A = arith.constant 0 : i32
    %eq3A_31 = vector.broadcast %eq3A : i32 to vector<1000x1xi32>
    %eq3A_32 = arith.cmpi eq, %get3A_28, %eq3A_31 : vector<1000x1xi32>
    %get3A_33 = arith.constant 0 : index
    %get3A_34 = arith.constant 0 : index
    %get3A_35 = arith.constant 0 : index
    %get3A_36 = vector.load %arg6[%get3A_33, %get3A_34, %get3A_35] : memref<3x128x128xf32, #tpu.memory_space<vmem>>, vector<1x128x128xf32>
    %get3A_37 = vector.shape_cast %get3A_36 : vector<1x128x128xf32> to vector<128x128xf32>
    %dot_general3A_38 = arith.constant dense<0.000000e+00> : vector<1000x128xf32>
    %dot_general3A_39 = tpu.matmul %div3A, %get3A_37, %dot_general3A_38 {dimension_numbers = #tpu.dot_dimension_numbers<[1], [0], [0], [1], [0, 0, 1, 1], [], []>, transpose_lhs_hint = false} : vector<1000x128xf32>, vector<128x128xf32>, vector<1000x128xf32> -> vector<1000x128xf32>
    %jit3A_40 = arith.constant 0.000000e+00 : f32
    %broadcast_in_dim3A_41 = vector.shape_cast %eq3A_32 : vector<1000x1xi1> to vector<1000x1xi1>
    %broadcast_in_dim3A_42 = vector.broadcast %broadcast_in_dim3A_41 : vector<1000x1xi1> to vector<1000x128xi1>
    %broadcast_in_dim3A_43 = vector.broadcast %jit3A_40 : f32 to vector<1000x128xf32>
    %select_n3A_44 = arith.select %broadcast_in_dim3A_42, %dot_general3A_39, %broadcast_in_dim3A_43 : vector<1000x128xi1>, vector<1000x128xf32>
    %add3A_45 = arith.addf %broadcast_in_dim3A_30, %select_n3A_44 : vector<1000x128xf32>
    %eq3A_46 = arith.constant 1 : i32
    %eq3A_47 = vector.broadcast %eq3A_46 : i32 to vector<1000x1xi32>
    %eq3A_48 = arith.cmpi eq, %get3A_28, %eq3A_47 : vector<1000x1xi32>
    %get3A_49 = arith.constant 1 : index
    %get3A_50 = arith.constant 0 : index
    %get3A_51 = arith.constant 0 : index
    %get3A_52 = vector.load %arg6[%get3A_49, %get3A_50, %get3A_51] : memref<3x128x128xf32, #tpu.memory_space<vmem>>, vector<1x128x128xf32>
    %get3A_53 = vector.shape_cast %get3A_52 : vector<1x128x128xf32> to vector<128x128xf32>
    %dot_general3A_54 = arith.constant dense<0.000000e+00> : vector<1000x128xf32>
    %dot_general3A_55 = tpu.matmul %div3A, %get3A_53, %dot_general3A_54 {dimension_numbers = #tpu.dot_dimension_numbers<[1], [0], [0], [1], [0, 0, 1, 1], [], []>, transpose_lhs_hint = false} : vector<1000x128xf32>, vector<128x128xf32>, vector<1000x128xf32> -> vector<1000x128xf32>
    %jit3A_56 = arith.constant 0.000000e+00 : f32
    %broadcast_in_dim3A_57 = vector.shape_cast %eq3A_48 : vector<1000x1xi1> to vector<1000x1xi1>
    %broadcast_in_dim3A_58 = vector.broadcast %broadcast_in_dim3A_57 : vector<1000x1xi1> to vector<1000x128xi1>
    %broadcast_in_dim3A_59 = vector.broadcast %jit3A_56 : f32 to vector<1000x128xf32>
    %select_n3A_60 = arith.select %broadcast_in_dim3A_58, %dot_general3A_55, %broadcast_in_dim3A_59 : vector<1000x128xi1>, vector<1000x128xf32>
    %add3A_61 = arith.addf %add3A_45, %select_n3A_60 : vector<1000x128xf32>
    %eq3A_62 = arith.constant 2 : i32
    %eq3A_63 = vector.broadcast %eq3A_62 : i32 to vector<1000x1xi32>
    %eq3A_64 = arith.cmpi eq, %get3A_28, %eq3A_63 : vector<1000x1xi32>
    %get3A_65 = arith.constant 2 : index
    %get3A_66 = arith.constant 0 : index
    %get3A_67 = arith.constant 0 : index
    %get3A_68 = vector.load %arg6[%get3A_65, %get3A_66, %get3A_67] : memref<3x128x128xf32, #tpu.memory_space<vmem>>, vector<1x128x128xf32>
    %get3A_69 = vector.shape_cast %get3A_68 : vector<1x128x128xf32> to vector<128x128xf32>
    %dot_general3A_70 = arith.constant dense<0.000000e+00> : vector<1000x128xf32>
    %dot_general3A_71 = tpu.matmul %div3A, %get3A_69, %dot_general3A_70 {dimension_numbers = #tpu.dot_dimension_numbers<[1], [0], [0], [1], [0, 0, 1, 1], [], []>, transpose_lhs_hint = false} : vector<1000x128xf32>, vector<128x128xf32>, vector<1000x128xf32> -> vector<1000x128xf32>
    %jit3A_72 = arith.constant 0.000000e+00 : f32
    %broadcast_in_dim3A_73 = vector.shape_cast %eq3A_64 : vector<1000x1xi1> to vector<1000x1xi1>
    %broadcast_in_dim3A_74 = vector.broadcast %broadcast_in_dim3A_73 : vector<1000x1xi1> to vector<1000x128xi1>
    %broadcast_in_dim3A_75 = vector.broadcast %jit3A_72 : f32 to vector<1000x128xf32>
    %select_n3A_76 = arith.select %broadcast_in_dim3A_74, %dot_general3A_71, %broadcast_in_dim3A_75 : vector<1000x128xi1>, vector<1000x128xf32>
    %add3A_77 = arith.addf %add3A_61, %select_n3A_76 : vector<1000x128xf32>
    %get3A_78 = arith.constant 0 : index
    %get3A_79 = arith.constant 0 : index
    %get3A_80 = vector.load %arg5[%get3A_78, %get3A_79] : memref<1000x1xf32, #tpu.memory_space<vmem>>, vector<1000x1xf32>
    %get3A_81 = arith.constant 0 : index
    %get3A_82 = arith.constant 0 : index
    %get3A_83 = vector.load %arg3[%get3A_81, %get3A_82] : memref<1000x128xf32, #tpu.memory_space<vmem>>, vector<1000x128xf32>
    %mul3A = vector.broadcast %get3A_80 : vector<1000x1xf32> to vector<1000x128xf32>
    %mul3A_84 = arith.mulf %add3A_77, %mul3A : vector<1000x128xf32>
    %sub3A = arith.constant 1.000000e+00 : f32
    %sub3A_85 = vector.broadcast %sub3A : f32 to vector<1000x1xf32>
    %sub3A_86 = arith.subf %sub3A_85, %get3A_80 : vector<1000x1xf32>
    %mul3A_87 = vector.broadcast %sub3A_86 : vector<1000x1xf32> to vector<1000x128xf32>
    %mul3A_88 = arith.mulf %get3A_83, %mul3A_87 : vector<1000x128xf32>
    %add3A_89 = arith.addf %mul3A_84, %mul3A_88 : vector<1000x128xf32>
    %add3A_90 = arith.addf %get3A_83, %add3A_89 : vector<1000x128xf32>
    %reduce_sum3A = arith.constant dense<0.000000e+00> : vector<1000xf32>
    %reduce_sum3A_91 = vector.multi_reduction <add>, %add3A_90, %reduce_sum3A [1] : vector<1000x128xf32> to vector<1000xf32>
    %broadcast_in_dim3A_92 = vector.shape_cast %reduce_sum3A_91 : vector<1000xf32> to vector<1000x1xf32>
    %div3A_93 = arith.constant 1.280000e+02 : f32
    %div3A_94 = vector.broadcast %div3A_93 : f32 to vector<1000x1xf32>
    %div3A_95 = arith.divf %broadcast_in_dim3A_92, %div3A_94 : vector<1000x1xf32>
    %sub3A_96 = vector.broadcast %div3A_95 : vector<1000x1xf32> to vector<1000x128xf32>
    %sub3A_97 = arith.subf %add3A_90, %sub3A_96 : vector<1000x128xf32>
    %integer_pow3A = arith.mulf %sub3A_97, %sub3A_97 : vector<1000x128xf32>
    %reduce_sum3A_98 = arith.constant dense<0.000000e+00> : vector<1000xf32>
    %reduce_sum3A_99 = vector.multi_reduction <add>, %integer_pow3A, %reduce_sum3A_98 [1] : vector<1000x128xf32> to vector<1000xf32>
    %broadcast_in_dim3A_100 = vector.shape_cast %reduce_sum3A_99 : vector<1000xf32> to vector<1000x1xf32>
    %div3A_101 = arith.constant 1.280000e+02 : f32
    %div3A_102 = vector.broadcast %div3A_101 : f32 to vector<1000x1xf32>
    %div3A_103 = arith.divf %broadcast_in_dim3A_100, %div3A_102 : vector<1000x1xf32>
    %sub3A_104 = vector.broadcast %div3A_95 : vector<1000x1xf32> to vector<1000x128xf32>
    %sub3A_105 = arith.subf %add3A_90, %sub3A_104 : vector<1000x128xf32>
    %add3A_106 = arith.constant 9.99999974E-6 : f32
    %add3A_107 = vector.broadcast %add3A_106 : f32 to vector<1000x1xf32>
    %add3A_108 = arith.addf %div3A_103, %add3A_107 : vector<1000x1xf32>
    %sqrt3A = math.sqrt %add3A_108 : vector<1000x1xf32>
    %div3A_109 = vector.broadcast %sqrt3A : vector<1000x1xf32> to vector<1000x128xf32>
    %div3A_110 = arith.divf %sub3A_105, %div3A_109 : vector<1000x128xf32>
    %get3A_111 = arith.constant 0 : index
    %get3A_112 = arith.constant 0 : index
    %get3A_113 = vector.load %arg7[%get3A_111, %get3A_112] : memref<1x128xf32, #tpu.memory_space<vmem>>, vector<1x128xf32>
    %mul3A_114 = vector.broadcast %get3A_113 : vector<1x128xf32> to vector<1000x128xf32>
    %mul3A_115 = arith.mulf %div3A_110, %mul3A_114 : vector<1000x128xf32>
    %get3A_116 = arith.constant 0 : index
    %get3A_117 = arith.constant 0 : index
    %get3A_118 = vector.load %arg8[%get3A_116, %get3A_117] : memref<1x128xf32, #tpu.memory_space<vmem>>, vector<1x128xf32>
    %add3A_119 = vector.broadcast %get3A_118 : vector<1x128xf32> to vector<1000x128xf32>
    %add3A_120 = arith.addf %mul3A_115, %add3A_119 : vector<1000x128xf32>
    %swap3A = arith.constant 0 : index
    %swap3A_121 = arith.constant 0 : index
    %swap3A_122 = vector.load %arg10[%swap3A, %swap3A_121] : memref<1000x128xf32, #tpu.memory_space<vmem>>, vector<1000x128xf32>
    tpu.vector_store %arg10[%swap3A, %swap3A_121], %add3A_120 {strides = array<i32>} : memref<1000x128xf32, #tpu.memory_space<vmem>>, vector<1000x128xf32>,
    return
  }
  func.func @transform_0(%arg0: i32) -> (i32, i32, i32) {
    %c0_i32 = arith.constant 0 : i32
    %c0_i32_0 = arith.constant 0 : i32
    %c0_i32_1 = arith.constant 0 : i32
    return %c0_i32, %arg0, %c0_i32_0 : i32, i32, i32
  }
  func.func @transform_1(%arg0: i32) -> (i32, i32, i32) {
    %c0_i32 = arith.constant 0 : i32
    %c0_i32_0 = arith.constant 0 : i32
    %c0_i32_1 = arith.constant 0 : i32
    return %c0_i32, %arg0, %c0_i32_0 : i32, i32, i32
  }
  func.func @transform_2(%arg0: i32) -> (i32, i32) {
    %c0_i32 = arith.constant 0 : i32
    %c0_i32_0 = arith.constant 0 : i32
    return %arg0, %c0_i32 : i32, i32
  }
  func.func @transform_3(%arg0: i32) -> (i32, i32) {
    %c0_i32 = arith.constant 0 : i32
    %c0_i32_0 = arith.constant 0 : i32
    return %arg0, %c0_i32 : i32, i32
  }
  func.func @transform_4(%arg0: i32) -> (i32, i32) {
    %c0_i32 = arith.constant 0 : i32
    %c0_i32_0 = arith.constant 0 : i32
    return %arg0, %c0_i32 : i32, i32
  }
  func.func @transform_5(%arg0: i32) -> (i32, i32, i32) {
    %c0_i32 = arith.constant 0 : i32
    %c0_i32_0 = arith.constant 0 : i32
    %c0_i32_1 = arith.constant 0 : i32
    %c0_i32_2 = arith.constant 0 : i32
    return %c0_i32, %c0_i32_0, %c0_i32_1 : i32, i32, i32
  }
  func.func @transform_6(%arg0: i32) -> (i32, i32) {
    %c0_i32 = arith.constant 0 : i32
    %c0_i32_0 = arith.constant 0 : i32
    %c0_i32_1 = arith.constant 0 : i32
    return %c0_i32, %c0_i32_0 : i32, i32
  }
  func.func @transform_7(%arg0: i32) -> (i32, i32) {
    %c0_i32 = arith.constant 0 : i32
    %c0_i32_0 = arith.constant 0 : i32
    %c0_i32_1 = arith.constant 0 : i32
    return %c0_i32, %c0_i32_0 : i32, i32
  }
  func.func @transform_8(%arg0: i32) -> (i32, i32) {
    %c0_i32 = arith.constant 0 : i32
    %c0_i32_0 = arith.constant 0 : i32
    %c0_i32_1 = arith.constant 0 : i32
    return %c0_i32, %c0_i32_0 : i32, i32
  }
  func.func @transform_9(%arg0: i32) -> (i32, i32) {
    %c0_i32 = arith.constant 0 : i32
    %c0_i32_0 = arith.constant 0 : i32
    return %arg0, %c0_i32 : i32, i32
  }
}

</mosaic_0001>

<sc_bundles>
// kernel: kernel.5.cloned.1.call-start
scs
__scs_entry_jumppad:
0x0: {  	(pc) =	sbr.rel $0x88, $3  }
0x1: {  	(tag) =	ssettag $0x0;
	lr =	simm.s32 $0x1  }
0x2: {  	[smem:$0x3F93] =	sst lr;
	_ =	strace $0xD0000000  }
0x3: {  	_ = 	snop  }
0x4: {  	_ = 	snop  }
0x5: {  	_ = 	snop  }
0x6: {  	_ = 	snop  }
0x7: {  	_ = 	snop  }
__scs_overlays_trampoline_lowered:
0x8: {  	[smem:$0x3FA2] =	sst s0  }
0x9: {  	[smem:$0x3FA3] =	sst s1  }
0xa: {  	[smem:$0x3FA4] =	sst s2  }
0xb: {  	[smem:$0x3FA5] =	sst s3  }
0xc: {  	[smem:$0x3FA6] =	sst s4  }
0xd: {  	[smem:$0x3FA7] =	sst s5  }
0xe: {  	[smem:$0x3FA8] =	sst s6  }
0xf: {  	[smem:$0x3FA9] =	sst s7  }
0x10: {  	[smem:$0x3FAA] =	sst s8  }
0x11: {  	[smem:$0x3FAB] =	sst s9;
	s0 =	simm.s32 @!p0 $0x0  }
0x12: {  	s1 =	sld [smem:$0x3F91];
	s0 =	simm.s32 @p0 $0x1  }
0x13: {  	[smem:$0x3FAC] =	sst s0;
	s0 =	simm.s32 @!p1 $0x0  }
0x14: {  	s2 =	sld [smem:$0x3F90];
	s0 =	simm.s32 @p1 $0x1  }
0x15: {  	[smem:$0x3FAD] =	sst s0;
	s0 =	simm.s32 @!p2 $0x0  }
0x16: {  	s3 =	sld [smem:$0x3FDB];
	s0 =	simm.s32 @p2 $0x1  }
0x17: {  	s4 =	simm.s32 $0x1BF5;
	[smem:$0x3FAF] =	sst s0  }
0x18: {  	s0 =	sld [smem:$0x3F92];
	_ =	swait.ge [sflag:s4], $0x0  }
0x19: {  	s7 =	sld [smem:$0x3F93]  }
0x1a: {  	s8 =	sadd.s32 $0xFFFFE003, lr  }
0x1b: {  	s9 =	sadd.s32 $0xFFFFFEF7, lr;
	s5 =	simm.s32 $0xFFFFFFFF;
	p2 =	slt.u32 s8, $0xFFFFF086  }
0x1c: {  	p1 =	slt.u32 s9, $0xF7A;
	s5 =	simm.s32 @!p2 $0x0  }
0x1d: {  	s5 =	simm.s32 @p1 $0x1;
	p0 =	seq.s32 s7, s2  }
0x1e: {  	s7 =	smul.u32 @!p0 $0xF7A, s2;
	p2 =	seq.s32 @!p0 s5, $0x0  }
0x1f: {  	s9 =	smul.u32 $0xF7A, s1;
	s8 =	simm.s32 @!p0 $0x1BF5;
	p2 =	por !p2, p0  }
0x20: {  	[sflag:s8] =	ssyncset.s32 @!p0 $0xFFFFF086;
	s6 =	sadd.s32 @!p0 s3, s7;
	s7 =	simm.s32 @!p0 $0x108  }
0x21: {  	s3 =	sadd.s32 s3, s9;
	s6 =	sadd.s32 @!p0 $0x88, s6;
	s7 =	simm.s32 @p2 $0x1082  }
0x22: {  	[simem:s7], [sflag:s8] =	dma.local @!p0 [hbm:s6], $0xF7A  }
0x23: {  	s9 =	sor.u32 $0xD0000000, s2;
	s6 =	simm.s32 $0x108;
	_ =	swait.ge @!p0 [sflag:s8], $0x0  }
0x24: {  	s3 =	sadd.s32 $0x88, s3;
	s6 =	simm.s32 @!p1 $0x1082;
	[sflag:s4] =	ssyncset.s32 $0xFFFFF086  }
0x25: {  	[simem:s6], [sflag:s4] =	dma.local [hbm:s3], $0xF7A  }
0x26: {  	[smem:$0x3F93] =	sst s1;
	(tag) =	ssettag s2;
	_ =	strace s9  }
0x27: {  	s1 =	sld [smem:$0x3FA3]  }
0x28: {  	s2 =	sld [smem:$0x3FA4]  }
0x29: {  	s4 =	sld [smem:$0x3FA6]  }
0x2a: {  	p0 =	seq.s32 s5, $0x0;
	s5 =	sld [smem:$0x3FA7]  }
0x2b: {  	s6 =	sld [smem:$0x3FA8]  }
0x2c: {  	s7 =	sld [smem:$0x3FA9]  }
0x2d: {  	s3 =	simm.s32 $0x108;
	s8 =	sld [smem:$0x3FAA]  }
0x2e: {  	s3 =	simm.s32 @!p0 $0x1082;
	s9 =	sld [smem:$0x3FAB]  }
0x2f: {  	lr =	sadd.s32 s0, s3;
	s0 =	sld [smem:$0x3FA2]  }
0x30: {  	s3 =	sld [smem:$0x3FA5]  }
0x31: {  	[smem:$0x3FAE] =	sst s10  }
0x32: {  	s10 =	sld [smem:$0x3FAC];
	_ =	sdelay $0x3  }
0x33: {  	p0 =	seq.s32 s10, $0x1;
	s10 =	sld [smem:$0x3FAE];
	_ =	sdelay $0x3  }
0x34: {  	[smem:$0x3FAE] =	sst s10  }
0x35: {  	s10 =	sld [smem:$0x3FAD];
	_ =	sdelay $0x3  }
0x36: {  	p1 =	seq.s32 s10, $0x1;
	s10 =	sld [smem:$0x3FAE];
	_ =	sdelay $0x3  }
0x37: {  	[smem:$0x3FAE] =	sst s10  }
0x38: {  	s10 =	sld [smem:$0x3FAF]  }
0x39: {  	_ = 	snop;
	(pc) =	sbr.ind lr, $3  }
0x3a: {  	_ = 	snop  }
0x3b: {  	_ = 	snop  }
0x3c: {  	p2 =	seq.s32 s10, $0x1;
	s10 =	sld [smem:$0x3FAE]  }
0x3d: {  	_ =	shalt  }
0x3e: {  	_ =	shalt  }
0x3f: {  	_ =	shalt  }
0x40: {  	_ =	shalt  }
0x41: {  	_ =	shalt  }
0x42: {  	_ =	shalt  }
0x43: {  	_ =	shalt  }
0x44: {  	_ =	shalt  }
0x45: {  	_ =	shalt  }
0x46: {  	_ =	shalt  }
0x47: {  	_ =	shalt  }
0x48: {  	_ =	shalt  }
0x49: {  	_ =	shalt  }
0x4a: {  	_ =	shalt  }
0x4b: {  	_ =	shalt  }
0x4c: {  	_ =	shalt  }
0x4d: {  	_ =	shalt  }
0x4e: {  	_ =	shalt  }
0x4f: {  	_ =	shalt  }
0x50: {  	_ =	shalt  }
0x51: {  	_ =	shalt  }
0x52: {  	_ =	shalt  }
0x53: {  	_ =	shalt  }
0x54: {  	_ =	shalt  }
0x55: {  	_ =	shalt  }
0x56: {  	_ =	shalt  }
0x57: {  	_ =	shalt  }
0x58: {  	_ =	shalt  }
0x59: {  	_ =	shalt  }
0x5a: {  	_ =	shalt  }
0x5b: {  	_ =	shalt  }
0x5c: {  	_ =	shalt  }
0x5d: {  	_ =	shalt  }
0x5e: {  	_ =	shalt  }
0x5f: {  	_ =	shalt  }
0x60: {  	_ =	shalt  }
0x61: {  	_ =	shalt  }
0x62: {  	_ =	shalt  }
0x63: {  	_ =	shalt  }
0x64: {  	_ =	shalt  }
0x65: {  	_ =	shalt  }
0x66: {  	_ =	shalt  }
0x67: {  	_ =	shalt  }
0x68: {  	_ =	shalt  }
0x69: {  	_ =	shalt  }
0x6a: {  	_ =	shalt  }
0x6b: {  	_ =	shalt  }
0x6c: {  	_ =	shalt  }
0x6d: {  	_ =	shalt  }
0x6e: {  	_ =	shalt  }
0x6f: {  	_ =	shalt  }
0x70: {  	_ =	shalt  }
0x71: {  	_ =	shalt  }
0x72: {  	_ =	shalt  }
0x73: {  	_ =	shalt  }
0x74: {  	_ =	shalt  }
0x75: {  	_ =	shalt  }
0x76: {  	_ =	shalt  }
0x77: {  	_ =	shalt  }
0x78: {  	_ =	shalt  }
0x79: {  	_ =	shalt  }
0x7a: {  	_ =	shalt  }
0x7b: {  	_ =	shalt  }
0x7c: {  	_ =	shalt  }
0x7d: {  	_ =	shalt  }
0x7e: {  	_ =	shalt  }
0x7f: {  	_ =	shalt  }
0x80: {  	_ =	shalt  }
0x81: {  	_ =	shalt  }
0x82: {  	_ =	shalt  }
0x83: {  	_ =	shalt  }
0x84: {  	_ =	shalt  }
0x85: {  	_ =	shalt  }
0x86: {  	_ =	shalt  }
0x87: {  	_ =	shalt  }
.Lfunc_end0:
.L_simem_size_0:
called_computation_lowered:
.L_overlay_start_0:
0x88: {  	s2 =	sld [smem:$0x3FD9]  }
0x89: {  	s3 =	sld [smem:$0x3FFE];
	_ =	sdelay $0x1  }
0x8a: {  	s1 =	srdreg.scid  }
0x8b: {  	s0 =	sand.u32 $0x1, s1  }
0x8c: {  	s17 =	sshll.u32 s0, $0xA;
	s2 =	sadd.s32 s3, s2  }
0x8d: {  	s2 =	sadd.s32 s2, s17  }
0x8e: {  	[smem:$0x3FBA] =	sst s2  }
0x8f: {  	_ = 	snop  }
0x90: {  	s2 =	sld [smem:$0x3FD0];
	(tm) =	ssettm $0x1  }
0x91: {  	s18 =	sld [smem:$0x3FFB];
	_ =	sdelay $0x3  }
0x92: {  	_ =	strace s18  }
0x93: {  	s3 =	sld [smem:$0x3FFC];
	_ =	sdelay $0x3  }
0x94: {  	_ =	strace s3  }
0x95: {  	s3 =	sld [smem:$0x3FFD];
	_ =	sdelay $0x3  }
0x96: {  	_ =	strace s3  }
0x97: {  	_ =	strace $0x8FFFFFFF  }
0x98: {  	s19 =	sld [smem:$0x3FDB];
	_ =	sdelay $0x1  }
0x99: {  	s4 =	simm.s32 $_scs_section_size  }
0x9a: {  	s5 =	simm.s32 $_size__tile_overlayer_lowered;
	s6 =	simm.s32 $_tile_overlayer_lowered  }
0x9b: {  	s22 =	simm.s32 $0x1BFF;
	s21 =	sshll.u32 s6, $0x1;
	s3 =	sadd.s32 s4, s19  }
0x9c: {  	s7 =	simm.s32 $0x0;
	s20 =	sshll.u32 s5, $0x1;
	s5 =	sadd.s32 s21, s3  }
0x9d: {  	[timem:s7], [sflag:s22] =	dma.local [hbm:s5], s20  }
0x9e: {  	_ =	swait.ge [sflag:s22], s20  }
0x9f: {  	s4 =	ssub.s32 $0x0, s20;
	[sflag:s22] =	ssyncset.done $0x0  }
0xa0: {  	[sflag:s22] =	ssyncadd.s32 s4;
	_ =	sdelay $0x1  }
0xa1: {  	s23 =	simm.s32 $0x1B8B  }
0xa2: {  	_ =	swait.ge [sflag:s23], $0x1  }
0xa3: {  	[sflag:s23] =	ssyncset.done $0x0  }
0xa4: {  	s25 =	simm.s32 $0x1B8E;
	s24 =	sld [smem:$0x3FFE];
	[sflag:s23] =	ssyncadd.s32 $0xFFFFFFFF  }
0xa5: {  	s26 =	simm.s32 $execute0_lowered;
	[smem:$0x3FD2] =	sst s25  }
0xa6: {  	s5 =	sshll.u32 s26, $0x1;
	_ =	strace $0x80000046;
	[dreg:$0x1] =	wrdreg $0xFFFFFFFF  }
0xa7: {  	s28 =	simm.s32 $_size_execute0_lowered;
	s3 =	sadd.s32 s3, s5;
	[dreg:$0x0] =	wrdreg $0x0  }
0xa8: {  	s5 =	sshll.u32 s28, $0x1;
	[dreg:$0x2] =	wrdreg s3  }
0xa9: {  	[dreg:$0x3] =	wrdreg s5  }
0xaa: {  	[dreg:$0x4] =	wrdreg $0xC0  }
0xab: {  	_ =	task [dreg:s7], $0x5FFFF  }
0xac: {  	[dreg:$0x1] =	wrdreg $0xFFFFFFFF  }
0xad: {  	[dreg:$0x0] =	wrdreg $0x60  }
0xae: {  	[dreg:$0x2] =	wrdreg s24  }
0xaf: {  	[dreg:$0x3] =	wrdreg s2  }
0xb0: {  	[dreg:$0x4] =	wrdreg $0x0  }
0xb1: {  	[dreg:$0x5] =	wrdreg $0x140000  }
0xb2: {  	[dreg:$0x6] =	wrdreg $0x9  }
0xb3: {  	_ =	task.clear_ibuf [dreg:s7], $0x7FFFF;
	_ =	strace $0x90000046  }
0xb4: {  	s29 =	simm.s32 $0x9;
	_ =	strace $0x80000048  }
0xb5: {  	_ =	swait.ge [sflag:s29], $0x1  }
0xb6: {  	[sflag:s29] =	ssyncadd.s32 $0xFFFFFFFF  }
0xb7: {  	_ =	strace $0x90000048  }
0xb8: {  	_ =	sfence  }
0xb9: {  	s30 =	sld [smem:$0x0];
	_ =	sdelay $0x2  }
0xba: {  	s31 =	sshll.u32 s1, $0xD;
	s1 =	sshrl.u32 s1, $0x2  }
0xbb: {  	s3 =	sand.u32 $0x4000, s31;
	s1 =	sadd.s32 s1, s30  }
0xbc: {  	s0 =	sor.u32 s3, s0;
	s1 =	sshll.u32 s1, $0x11  }
0xbd: {  	s0 =	sor.u32 s1, s0  }
0xbe: {  	s0 =	sadd.s32 $0x8F2B, s0  }
0xbf: {  	[sflag:s0] =	ssyncadd.remote.s32 $0x1  }
0xc0: {  	_ =	sfence.sel $0xFFFF  }
0xc1: {  	[dreg:$0x0] =	wrdreg $0xFFFFFFFF;
	(pc) =	sbr.abs _section_cstart, $3  }
0xc2: {  	[dreg:$0x1] =	wrdreg $0xFFFFFFFF  }
0xc3: {  	_ =	task.clear_ibuf [dreg:s7], $0x2FFFF;
	_ =	strace $0x9FFFFFFF  }
0xc4: {  	(tm) =	ssettm $0x7FFFFFFF  }
0xc5: {  	_ =	shalt  }
tec
execute0_lowered:
.L_overlay_start_1:
0x0: {  	(tag) =	ssettag $0x1  }
0x1: {  	s1 =	rddreg [dreg:$0x0]  }
0x2: {  	s0 =	rddreg [dreg:$0x1]  }
0x3: {  	s3 =	rddreg [dreg:$0x2]  }
0x4: {  	s2 =	srdreg.scid;
	s13 =	stileid.u32  }
0x5: {  	s4 =	rddreg [dreg:$0x3];
	s6 =	smul.u32 $0x14000, s13  }
0x6: {  	s18 =	simm.s32 $0x0;
	s28 =	simm.s32 $0x1;
	s10 =	smul.u32 $0x2800, s13  }
0x7: {  	s29 =	simm.s32 $0x2;
	s30 =	simm.s32 $0x3;
	s11 =	smul.u32 $0x50000, s13  }
0x8: {  	s2 =	sand.u32 $0x1, s2;
	[smem:$0x7FF] =	sst s18;
	s24 =	smul.u32 $0xA000, s13  }
0x9: {  	s7 =	sadd.s32 $0x3200, s1;
	s8 =	sadd.s32 $0xC6800, s1;
	s5 =	smul.u32 $0x140000, s2  }
0xa: {  	s9 =	smul.u32 $0x28000, s2;
	_ =	strace $0x80000047;
	s16 =	ssub.s32 $0x2, s2  }
0xb: {  	s2 =	sshll.u32 s2, $0x4;
	s11 =	sshrl.u32 s11, $0x2;
	s12 =	sshrl.u32 s16, $0x1  }
0xc: {  	s2 =	sor.u32 s13, s2;
	s5 =	sadd.s32 s6, s5;
	s19 =	sadd.s32 s11, s3  }
0xd: {  	s6 =	sadd.s32 $0x189E00, s1;
	s20 =	sadd.s32 $0x1400, s19;
	[dreg:$0x6] =	wrdreg s19  }
0xe: {  	s9 =	sadd.s32 s10, s9;
	s21 =	sadd.s32 $0x2800, s19;
	[dreg:$0x7] =	wrdreg s20  }
0xf: {  	s17 =	ssub.s32 s16, s12;
	s22 =	sadd.s32 $0x3C00, s19;
	[dreg:$0x8] =	wrdreg s21  }
0x10: {  	s26 =	smul.u32 $0xFA, s2;
	s23 =	sadd.s32 $0x5000, s19;
	[dreg:$0x9] =	wrdreg s22  }
0x11: {  	s10 =	sshrl.u32 s24, $0x2;
	s11 =	sadd.s32 $0x6400, s19;
	[dreg:$0xa] =	wrdreg s23  }
0x12: {  	s2 =	smul.u32 $0xEA6, s2;
	s25 =	sadd.s32 $0x7800, s19;
	[dreg:$0xb] =	wrdreg s11  }
0x13: {  	s5 =	sshrl.u32 s5, $0x3;
	s31 =	sadd.s32 $0x8C00, s19;
	[dreg:$0xc] =	wrdreg s25  }
0x14: {  	s9 =	sshrl.u32 s9, $0x3;
	s13 =	sadd.s32 $0xA000, s19;
	[dreg:$0xd] =	wrdreg s31  }
0x15: {  	s14 =	sadd.s32 $0xB400, s19;
	s12 =	sadd.s32 s10, s4;
	[dreg:$0xe] =	wrdreg s13  }
0x16: {  	s16 =	smax.u32 s17, $0x1;
	s17 =	sadd.s32 $0xC800, s19;
	[dreg:$0xf] =	wrdreg s14  }
0x17: {  	s24 =	sadd.s32 $0x10400, s19;
	s10 =	simm.s32 $0x1BD00;
	[dreg:$0x14] =	wrdreg s16  }
0x18: {  	s5 =	sadd.s32 s5, s1;
	s1 =	sadd.s32 s9, s1;
	[dreg:$0x15] =	wrdreg s17  }
0x19: {  	s2 =	sadd.s32 s8, s2;
	s21 =	sor.u32 $0x1, s26;
	[dreg:$0x18] =	wrdreg s24  }
0x1a: {  	s22 =	sadd.s32 $0x2, s26;
	s20 =	sadd.s32 $0xDC00, s19;
	[dreg:$0x10] =	wrdreg s12  }
0x1b: {  	s23 =	sadd.s32 $0xF000, s19;
	s25 =	sadd.s32 $0x11800, s19;
	[dreg:$0x11] =	wrdreg s2  }
0x1c: {  	v0 =	vimm.s32 $0xFEDCBA98;
	s26 =	sadd.s32 $0x12C00, s19;
	s31 =	sadd.s32 $0x1400, s12;
	[dreg:$0x16] =	wrdreg s20  }
0x1d: {  	v1 =	vimm.s32 $0x76543210;
	v0 =	vunpack.c.l.s4.s8 v0;
	s11 =	simm.s32 $0x4;
	s13 =	simm.s32 $0x28;
	[dreg:$0x17] =	wrdreg s23  }
0x1e: {  	v1 =	vunpack.c.l.s4.s8 v1;
	s14 =	simm.s32 $0x16B00;
	s16 =	simm.s32 $0x16900;
	[dreg:$0x19] =	wrdreg s25  }
0x1f: {  	v0 =	vunpack.c.0.s8.s32 v0;
	s17 =	simm.s32 $0x19500;
	s24 =	simm.s32 $0x16980;
	[dreg:$0x1a] =	wrdreg s26  }
0x20: {  	v1 =	vunpack.c.0.s8.s32 v1;
	s15 =	sadd.s32 $0xEDE00, s5;
	s1 =	sadd.s32 $0xE3E00, s1;
	[dreg:$0x1b] =	wrdreg s31  }
0x21: {  	v2 =	vand.u32 $0xF, v0;
	s20 =	simm.s32 $0x16B80;
	s26 =	simm.s32 $0x1D100;
	[dreg:$0x12] =	wrdreg s15  }
0x22: {  	v0 =	vimm.f32 $0.0e+00;
	v1 =	vcombine.low v2, v1;
	[dreg:$0x13] =	wrdreg s1;
	s15 =	simm.s32 $0x16D00;
	s1 =	simm.s32 $0x1E500  }
.LBB2_1:
0x23: {  	[dreg:$0x5] =	wrdreg s18;
	s2 =	simm.s32 $0x0;
	s5 =	simm.s32 $0x200  }
.LBB2_2:
0x24: {  	p0 =	sne.s32 s5, $0x4E00;
	[tilespmem:s2+$0x1E570] =	vst v0  }
0x25: {  	[tilespmem:s2+$0x1BD00] =	vst v0  }
0x26: {  	[tilespmem:s2+$0x1E500] =	vst v0  }
0x27: {  	[tilespmem:s2+$0x1BD10] =	vst v0  }
0x28: {  	[tilespmem:s2+$0x1E510] =	vst v0  }
0x29: {  	[tilespmem:s2+$0x1BD20] =	vst v0  }
0x2a: {  	[tilespmem:s2+$0x1E520] =	vst v0  }
0x2b: {  	[tilespmem:s2+$0x1BD30] =	vst v0  }
0x2c: {  	[tilespmem:s2+$0x1E530] =	vst v0  }
0x2d: {  	[tilespmem:s2+$0x1BD40] =	vst v0  }
0x2e: {  	[tilespmem:s2+$0x1E540] =	vst v0  }
.Ltmp0:
0x2f: {  	[tilespmem:s2+$0x1BD50] =	vst v0;
	(pc) =	sbr.rel @p0 .LBB2_2-.Ltmp0, $4  }
0x30: {  	[tilespmem:s2+$0x1E550] =	vst v0  }
0x31: {  	[tilespmem:s2+$0x1BD60] =	vst v0  }
0x32: {  	[tilespmem:s2+$0x1E560] =	vst v0  }
0x33: {  	[tilespmem:s2+$0x1BD70] =	vst v0;
	s2 =	sshra.s32 s5, $0x2;
	s5 =	sadd.s32 $0x200, s5  }
0x34: {  	[tilespmem:s2+$0x1E570] =	vst v0  }
0x35: {  	[tilespmem:s2+$0x1BD00] =	vst v0  }
0x36: {  	[tilespmem:s2+$0x1E500] =	vst v0  }
0x37: {  	[tilespmem:s2+$0x1BD10] =	vst v0  }
0x38: {  	[tilespmem:s2+$0x1E510] =	vst v0  }
0x39: {  	[tilespmem:s2+$0x1BD20] =	vst v0  }
0x3a: {  	[tilespmem:s2+$0x1E520] =	vst v0  }
0x3b: {  	[tilespmem:s2+$0x1BD30] =	vst v0  }
0x3c: {  	[tilespmem:s2+$0x1E530] =	vst v0  }
0x3d: {  	[tilespmem:s2+$0x1BD40] =	vst v0  }
0x3e: {  	[tilespmem:s2+$0x1E540] =	vst v0  }
0x3f: {  	[tilespmem:s2+$0x1BD50] =	vst v0  }
0x40: {  	[tilespmem:s2+$0x1E550] =	vst v0  }
0x41: {  	[tilespmem:s2+$0x1BD60] =	vst v0  }
0x42: {  	[tilespmem:s2+$0x1E560] =	vst v0  }
0x43: {  	[tilespmem:s2+$0x1BD70] =	vst v0  }
0x44: {  	[spmem:s19] =	stream.linear.scatter [tilespmem:s10], [sflag:$0x4], $0x1400, $0x38;
	[tilespmem:$0x1F900] =	vst v63  }
0x45: {  	_ =	swait.ge [sflag:s11], $0x1400  }
0x46: {  	[sflag:s11] =	ssyncset.done $0x0  }
0x47: {  	s23 =	rddreg [dreg:$0x7];
	[sflag:s11] =	ssyncadd.s32 $0xFFFFEC00  }
0x48: {  	[spmem:s23] =	stream.linear.scatter [tilespmem:s10], [sflag:$0x4], $0x1400, $0x38;
	[tilespmem:$0x1F900] =	vst v63  }
0x49: {  	_ =	swait.ge [sflag:s11], $0x1400  }
0x4a: {  	[sflag:s11] =	ssyncset.done $0x0  }
0x4b: {  	s25 =	rddreg [dreg:$0x8];
	[sflag:s11] =	ssyncadd.s32 $0xFFFFEC00  }
0x4c: {  	[spmem:s25] =	stream.linear.scatter [tilespmem:s10], [sflag:$0x4], $0x1400, $0x38;
	[tilespmem:$0x1F900] =	vst v63  }
0x4d: {  	_ =	swait.ge [sflag:s11], $0x1400  }
0x4e: {  	[sflag:s11] =	ssyncset.done $0x0  }
0x4f: {  	s31 =	rddreg [dreg:$0x9];
	[sflag:s11] =	ssyncadd.s32 $0xFFFFEC00  }
0x50: {  	[spmem:s31] =	stream.linear.scatter [tilespmem:s10], [sflag:$0x4], $0x1400, $0x38;
	[tilespmem:$0x1F900] =	vst v63  }
0x51: {  	_ =	swait.ge [sflag:s11], $0x1400  }
0x52: {  	[sflag:s11] =	ssyncset.done $0x0  }
0x53: {  	s5 =	rddreg [dreg:$0xa];
	[sflag:s11] =	ssyncadd.s32 $0xFFFFEC00  }
0x54: {  	[spmem:s5] =	stream.linear.scatter [tilespmem:s10], [sflag:$0x4], $0x1400, $0x38;
	[tilespmem:$0x1F900] =	vst v63  }
0x55: {  	_ =	swait.ge [sflag:s11], $0x1400  }
0x56: {  	[sflag:s11] =	ssyncset.done $0x0  }
0x57: {  	s9 =	rddreg [dreg:$0xb];
	[sflag:s11] =	ssyncadd.s32 $0xFFFFEC00  }
0x58: {  	[spmem:s9] =	stream.linear.scatter [tilespmem:s10], [sflag:$0x4], $0x1400, $0x38;
	[tilespmem:$0x1F900] =	vst v63  }
0x59: {  	_ =	swait.ge [sflag:s11], $0x1400  }
0x5a: {  	[sflag:s11] =	ssyncset.done $0x0  }
0x5b: {  	s18 =	rddreg [dreg:$0xc];
	[sflag:s11] =	ssyncadd.s32 $0xFFFFEC00  }
0x5c: {  	[spmem:s18] =	stream.linear.scatter [tilespmem:s10], [sflag:$0x4], $0x1400, $0x38;
	[tilespmem:$0x1F900] =	vst v63  }
0x5d: {  	_ =	swait.ge [sflag:s11], $0x1400  }
0x5e: {  	[sflag:s11] =	ssyncset.done $0x0  }
0x5f: {  	s19 =	rddreg [dreg:$0xd];
	[sflag:s11] =	ssyncadd.s32 $0xFFFFEC00  }
0x60: {  	[spmem:s19] =	stream.linear.scatter [tilespmem:s10], [sflag:$0x4], $0x1400, $0x38;
	[tilespmem:$0x1F900] =	vst v63  }
0x61: {  	_ =	swait.ge [sflag:s11], $0x1400  }
0x62: {  	[sflag:s11] =	ssyncset.done $0x0  }
0x63: {  	s23 =	rddreg [dreg:$0xe];
	[sflag:s11] =	ssyncadd.s32 $0xFFFFEC00  }
0x64: {  	[spmem:s23] =	stream.linear.scatter [tilespmem:s10], [sflag:$0x4], $0x1400, $0x38;
	[tilespmem:$0x1F900] =	vst v63  }
0x65: {  	_ =	swait.ge [sflag:s11], $0x1400  }
0x66: {  	[sflag:s11] =	ssyncset.done $0x0  }
0x67: {  	s25 =	rddreg [dreg:$0xf];
	[sflag:s11] =	ssyncadd.s32 $0xFFFFEC00  }
0x68: {  	[spmem:s25] =	stream.linear.scatter [tilespmem:s10], [sflag:$0x4], $0x1400, $0x38;
	[tilespmem:$0x1F900] =	vst v63  }
0x69: {  	_ =	swait.ge [sflag:s11], $0x1400  }
0x6a: {  	[sflag:s11] =	ssyncset.done $0x0  }
0x6b: {  	s31 =	rddreg [dreg:$0x15];
	[sflag:s11] =	ssyncadd.s32 $0xFFFFEC00  }
0x6c: {  	[spmem:s31] =	stream.linear.scatter [tilespmem:s10], [sflag:$0x4], $0x1400, $0x38;
	[tilespmem:$0x1F900] =	vst v63  }
0x6d: {  	_ =	swait.ge [sflag:s11], $0x1400  }
0x6e: {  	[sflag:s11] =	ssyncset.done $0x0  }
0x6f: {  	s5 =	rddreg [dreg:$0x16];
	[sflag:s11] =	ssyncadd.s32 $0xFFFFEC00  }
0x70: {  	[spmem:s5] =	stream.linear.scatter [tilespmem:s10], [sflag:$0x4], $0x1400, $0x38;
	[tilespmem:$0x1F900] =	vst v63  }
0x71: {  	_ =	swait.ge [sflag:s11], $0x1400  }
0x72: {  	[sflag:s11] =	ssyncset.done $0x0  }
0x73: {  	s9 =	rddreg [dreg:$0x17];
	[sflag:s11] =	ssyncadd.s32 $0xFFFFEC00  }
0x74: {  	[spmem:s9] =	stream.linear.scatter [tilespmem:s10], [sflag:$0x4], $0x1400, $0x38;
	[tilespmem:$0x1F900] =	vst v63  }
0x75: {  	_ =	swait.ge [sflag:s11], $0x1400  }
0x76: {  	[sflag:s11] =	ssyncset.done $0x0  }
0x77: {  	s18 =	rddreg [dreg:$0x18];
	[sflag:s11] =	ssyncadd.s32 $0xFFFFEC00  }
0x78: {  	[spmem:s18] =	stream.linear.scatter [tilespmem:s10], [sflag:$0x4], $0x1400, $0x38;
	[tilespmem:$0x1F900] =	vst v63  }
0x79: {  	_ =	swait.ge [sflag:s11], $0x1400  }
0x7a: {  	[sflag:s11] =	ssyncset.done $0x0  }
0x7b: {  	s19 =	rddreg [dreg:$0x19];
	[sflag:s11] =	ssyncadd.s32 $0xFFFFEC00  }
0x7c: {  	[spmem:s19] =	stream.linear.scatter [tilespmem:s10], [sflag:$0x4], $0x1400, $0x38;
	[tilespmem:$0x1F900] =	vst v63  }
0x7d: {  	_ =	swait.ge [sflag:s11], $0x1400  }
0x7e: {  	[sflag:s11] =	ssyncset.done $0x0  }
0x7f: {  	s23 =	rddreg [dreg:$0x1a];
	[sflag:s11] =	ssyncadd.s32 $0xFFFFEC00  }
0x80: {  	[spmem:s23] =	stream.linear.scatter [tilespmem:s10], [sflag:$0x4], $0x1400, $0x38;
	[tilespmem:$0x1F900] =	vst v63  }
0x81: {  	_ =	swait.ge [sflag:s11], $0x1400  }
0x82: {  	[sflag:s11] =	ssyncset.done $0x0  }
0x83: {  	[sflag:s11] =	ssyncadd.s32 $0xFFFFEC00  }
0x84: {  	[spmem:s12] =	stream.linear.scatter [tilespmem:s10], [sflag:$0x4], $0x1400, $0x38;
	[tilespmem:$0x1F900] =	vst v63  }
0x85: {  	_ =	swait.ge [sflag:s11], $0x1400  }
0x86: {  	[sflag:s11] =	ssyncset.done $0x0  }
0x87: {  	s25 =	rddreg [dreg:$0x1b];
	[sflag:s11] =	ssyncadd.s32 $0xFFFFEC00  }
0x88: {  	[spmem:s25] =	stream.linear.scatter [tilespmem:s10], [sflag:$0x4], $0x1400, $0x38;
	[tilespmem:$0x1F900] =	vst v63  }
0x89: {  	_ =	swait.ge [sflag:s11], $0x1400  }
0x8a: {  	[sflag:s11] =	ssyncset.done $0x0  }
0x8b: {  	[sflag:s11] =	ssyncadd.s32 $0xFFFFEC00  }
0x8c: {  	[bflag:$0x0] =	sbarrier.arrive $0xFFFF  }
0x8d: {  	s5 =	simm.s32 $0x16800;
	s19 =	simm.s32 $0x0;
	s31 =	rddreg [dreg:$0x11]  }
0x8e: {  	[tilespmem:s5], [sflag:$0x4] =	stream.linear.gather [hbm4b:s31+s19], $0x78, $0x38;
	[tilespmem:$0x1F900] =	vst v63  }
0x8f: {  	_ =	swait.ge [sflag:s11], $0x78  }
0x90: {  	[sflag:s11] =	ssyncset.done $0x0  }
0x91: {  	[sflag:s11] =	ssyncadd.s32 $0xFFFFFF88  }
0x92: {  	v2 =	vld [tilespmem:$0x16800];
	_ =	sdelay $0x1  }
0x93: {  	v3 =	vld [tilespmem:$0x16850]  }
0x94: {  	v4 =	vld [tilespmem:$0x16828]  }
0x95: {  	v5 =	vld [tilespmem:$0x16810]  }
0x96: {  	v2 =	vmul.u32 $0x5, v2  }
0x97: {  	v6 =	vld [tilespmem:$0x16860]  }
0x98: {  	v2 =	vadd.s32 v3, v2  }
0x99: {  	v3 =	vld [tilespmem:$0x16838];
	[tilespmem:$0x16B00] =	vst v2;
	v2 =	vshrl.u32 v4, $0x3  }
0x9a: {  	[tilespmem:$0x16C00] =	vst v2;
	v2 =	vmul.u32 $0x5, v5  }
0x9b: {  	v7 =	vld [tilespmem:$0x16818];
	[tilespmem:$0x16900] =	vst v4  }
0x9c: {  	v63 =	vld [tilespmem:$0x16840];
	[tilespmem:$0x16A00] =	vst v4;
	v2 =	vadd.s32 v6, v2  }
0x9d: {  	v62 =	vld [tilespmem:$0x16868];
	[tilespmem:$0x16B10] =	vst v2  }
0x9e: {  	[tilespmem:$0x16910] =	vst v3  }
0x9f: {  	v2 =	vshrl.u32 v3, $0x3;
	[tilespmem:$0x16A10] =	vst v3  }
0xa0: {  	[tilespmem:$0x16C10] =	vst v2;
	v2 =	vmul.u32 $0x5, v7  }
0xa1: {  	[tilespmem:$0x16918] =	vst v63  }
0xa2: {  	[tilespmem:$0x16A18] =	vst v63;
	v2 =	vadd.s32 v62, v2  }
0xa3: {  	[tilespmem:$0x16B18] =	vst v2;
	v2 =	vshrl.u32 v63, $0x3  }
0xa4: {  	[tilespmem:$0x16C18] =	vst v2  }
0xa5: {  	[tilespmem:s15], [sflag:$0x1] =	stream.indirect.gather [hbm4b:s6+s13], $0x80, s14, s13, $0xb8;
	[tilespmem:$0x1F900] =	vst v63  }
0xa6: {  	_ = 	snop  }
0xa7: {  	[tilespmem:s17], [sflag:$0x2] =	stream.indirect.gather [hbm4b:s0+s13], $0x80, s16, s13, $0xb8;
	[tilespmem:$0x1F900] =	vst v63  }
0xa8: {  	s9 =	simm.s32 $0x0  }
0xa9: {  	[tilespmem:s10], [sflag:$0x3] =	stream.indirect.gather [hbm4b:s7+s13], $0x80, s14, s13, $0xb8;
	[tilespmem:$0x1F900] =	vst v63  }
.LBB2_4:
0xaa: {  	s5 =	sshll.u32 s9, $0x1  }
0xab: {  	s2 =	sadd.s32 s5, s21  }
0xac: {  	s2 =	smul.u32 $0xF, s2;
	_ =	sdelay $0x1  }
0xad: {  	s12 =	simm.s32 $0x16880;
	s2 =	sadd.s32 s8, s2  }
0xae: {  	[tilespmem:s12], [sflag:$0x4] =	stream.linear.gather [hbm4b:s2+s19], $0x78, $0x38;
	[tilespmem:$0x1F900] =	vst v63  }
0xaf: {  	_ =	swait.ge [sflag:s11], $0x78  }
0xb0: {  	[sflag:s11] =	ssyncset.done $0x0  }
0xb1: {  	[sflag:s11] =	ssyncadd.s32 $0xFFFFFF88  }
0xb2: {  	v2 =	vld [tilespmem:$0x16880];
	_ =	sdelay $0x1  }
0xb3: {  	v3 =	vld [tilespmem:$0x168D0]  }
0xb4: {  	v4 =	vld [tilespmem:$0x168A8]  }
0xb5: {  	v5 =	vld [tilespmem:$0x16890]  }
0xb6: {  	v2 =	vmul.u32 $0x5, v2  }
0xb7: {  	v6 =	vld [tilespmem:$0x168E0]  }
0xb8: {  	v2 =	vadd.s32 v3, v2  }
0xb9: {  	v3 =	vld [tilespmem:$0x168B8];
	[tilespmem:$0x16B80] =	vst v2;
	v2 =	vshrl.u32 v4, $0x3  }
0xba: {  	[tilespmem:$0x16C80] =	vst v2;
	v2 =	vmul.u32 $0x5, v5  }
0xbb: {  	v7 =	vld [tilespmem:$0x16898];
	[tilespmem:$0x16980] =	vst v4  }
0xbc: {  	[tilespmem:$0x16A80] =	vst v4;
	v4 =	vld [tilespmem:$0x168C0];
	v2 =	vadd.s32 v6, v2  }
0xbd: {  	v5 =	vld [tilespmem:$0x168E8];
	[tilespmem:$0x16B90] =	vst v2  }
0xbe: {  	[tilespmem:$0x16990] =	vst v3  }
0xbf: {  	v2 =	vshrl.u32 v3, $0x3;
	[tilespmem:$0x16A90] =	vst v3  }
0xc0: {  	[tilespmem:$0x16C90] =	vst v2;
	v2 =	vmul.u32 $0x5, v7  }
0xc1: {  	[tilespmem:$0x16998] =	vst v4  }
0xc2: {  	[tilespmem:$0x16A98] =	vst v4;
	v2 =	vadd.s32 v5, v2  }
0xc3: {  	[tilespmem:$0x16B98] =	vst v2;
	v2 =	vshrl.u32 v4, $0x3  }
0xc4: {  	s23 =	simm.s32 $0x18100;
	[tilespmem:$0x16C98] =	vst v2  }
0xc5: {  	[tilespmem:s23], [sflag:$0x1] =	stream.indirect.gather [hbm4b:s6+s13], $0x80, s20, s13, $0xb8;
	[tilespmem:$0x1F900] =	vst v63  }
0xc6: {  	s25 =	simm.s32 $0x1A900  }
0xc7: {  	[tilespmem:s25], [sflag:$0x2] =	stream.indirect.gather [hbm4b:s0+s13], $0x80, s24, s13, $0xb8;
	[tilespmem:$0x1F900] =	vst v63  }
0xc8: {  	_ = 	snop  }
0xc9: {  	[tilespmem:s26], [sflag:$0x3] =	stream.indirect.gather [hbm4b:s7+s13], $0x80, s20, s13, $0xb8;
	[tilespmem:$0x1F900] =	vst v63  }
0xca: {  	_ =	swait.ge [sflag:s28], $0x1400  }
0xcb: {  	[sflag:s28] =	ssyncset.done $0x0  }
0xcc: {  	[sflag:s28] =	ssyncadd.s32 $0xFFFFEC00  }
0xcd: {  	_ =	swait.ge [sflag:s29], $0x1400  }
0xce: {  	[sflag:s29] =	ssyncset.done $0x0  }
0xcf: {  	[sflag:s29] =	ssyncadd.s32 $0xFFFFEC00  }
0xd0: {  	_ =	swait.ge [sflag:s30], $0x1400  }
0xd1: {  	[sflag:s30] =	ssyncset.done $0x0  }
0xd2: {  	s18 =	simm.s32 $0x0;
	[sflag:s30] =	ssyncadd.s32 $0xFFFFEC00  }
0xd3: {  	v2 =	vld [tilespmem:s18+$0x19510]  }
0xd4: {  	v3 =	vld [tilespmem:s18+$0x16D00]  }
0xd5: {  	v4 =	vld [tilespmem:s18+$0x19500]  }
0xd6: {  	v5 =	vld [tilespmem:s18+$0x16D10]  }
0xd7: {  	v6 =	vld [tilespmem:s18+$0x16D20]  }
0xd8: {  	v7 =	vld [tilespmem:s18+$0x19520]  }
0xd9: {  	v8 =	vld [tilespmem:s18+$0x16D30]  }
0xda: {  	v9 =	vld [tilespmem:s18+$0x19530]  }
0xdb: {  	v10 =	vld [tilespmem:s18+$0x16D40];
	v3 =	vmul.f32 v4, v3;
	v2 =	vmul.f32 v2, v5  }
0xdc: {  	v4 =	vld [tilespmem:s18+$0x19540]  }
0xdd: {  	v5 =	vld [tilespmem:s18+$0x16D50];
	v6 =	vmul.f32 v7, v6;
	v2 =	vadd.f32 v2, v3  }
0xde: {  	v3 =	vld [tilespmem:s18+$0x19550]  }
0xdf: {  	v7 =	vld [tilespmem:s18+$0x16D60];
	v2 =	vadd.f32 v6, v2;
	v6 =	vmul.f32 v9, v8  }
0xe0: {  	v8 =	vld [tilespmem:s18+$0x19560]  }
0xe1: {  	v9 =	vld [tilespmem:s18+$0x16D70];
	v4 =	vmul.f32 v4, v10;
	v6 =	vadd.f32 v6, v2  }
0xe2: {  	v10 =	vld [tilespmem:s18+$0x19570]  }
0xe3: {  	v5 =	vmul.f32 v3, v5;
	v4 =	vadd.f32 v4, v6  }
0xe4: {  	s25 =	simm.s32 $0x16A00  }
0xe5: {  	v15 =	vld [tilespmem:s25+$0x0];
	v7 =	vmul.f32 v8, v7;
	v4 =	vadd.f32 v5, v4;
	_ =	sdelay $0x1  }
0xe6: {  	v5 =	vadd.f32 v7, v4;
	v7 =	vmul.f32 v10, v9  }
0xe7: {  	s23 =	simm.s32 $0x80  }
0xe8: {  	v14 =	vld [tilespmem:s23+$0x19500];
	v11 =	vadd.f32 v7, v5  }
0xe9: {  	(v2sf) =	vpush v15, $0x0;
	v15 =	vld [tilespmem:s23+$0x16D10]  }
0xea: {  	v2 =	vld [tilespmem:s18+$0x1BD00];
	v12 =	vperm.xlane v11, v1  }
0xeb: {  	v3 =	vld [tilespmem:s18+$0x1BD20]  }
0xec: {  	v6 =	vld [tilespmem:s18+$0x1BD10];
	v13 =	vadd.f32 v11, v12  }
0xed: {  	v8 =	vld [tilespmem:s18+$0x1BD70]  }
0xee: {  	v4 =	vld [tilespmem:s18+$0x1BD50];
	v16 =	vmul.f32 $1.442695020e+00, v13  }
0xef: {  	v9 =	vld [tilespmem:s18+$0x1BD30]  }
0xf0: {  	v10 =	vld [tilespmem:s23+$0x16D20];
	(erf) = vpow2.f32 v16  }
0xf1: {  	v5 =	vld [tilespmem:s18+$0x1BD60]  }
0xf2: {  	v7 =	vld [tilespmem:s18+$0x1BD40]  }
0xf3: {  	v11 =	vld [tilespmem:s23+$0x19520]  }
0xf4: {  	v12 =	vld [tilespmem:s23+$0x19510]  }
0xf5: {  	s31 =	simm.s32 $0x400;
	v13 =	vld [tilespmem:s23+$0x16D00]  }
.LBB2_5:
0xf6: {  	p0 =	sne.s32 s31, $0x4E00  }
0xf7: {  	v16 =	vld [tilespmem:s23+$0x16D30];
	s25 =	sadd.s32 $0x1, s25;
	s2 =	smov.u32 s31;
	s31 =	sadd.s32 $0x200, s31  }
0xf8: {  	v17 =	vld [tilespmem:s23+$0x16D40]  }
0xf9: {  	v18 =	vld [tilespmem:s23+$0x16D50];
	v19 =	vpop (erf)  }
0xfa: {  	v10 =	vmul.f32 v11, v10;
	v13 =	vmul.f32 v14, v13;
	v11 =	vld [tilespmem:s23+$0x19530]  }
0xfb: {  	v8 =	vmul.f32 v8, v19;
	v12 =	vmul.f32 v12, v15;
	v14 =	vld [tilespmem:s23+$0x19550]  }
0xfc: {  	v2 =	vmul.f32 v19, v2;
	v3 =	vmul.f32 v3, v19;
	v15 =	vld [tilespmem:s23+$0x19540]  }
0xfd: {  	v6 =	vmul.f32 v6, v19;
	v9 =	vmul.f32 v9, v19;
	v12 =	vadd.f32 v12, v13;
	v13 =	vld [tilespmem:s23+$0x16D60];
	[tilespmem:s18+$0x1BD70] =	vst v8  }
0xfe: {  	v7 =	vmul.f32 v7, v19;
	v4 =	vmul.f32 v4, v19;
	v8 =	vld [tilespmem:s23+$0x16D70];
	[tilespmem:s18+$0x1BD20] =	vst v3  }
0xff: {  	v5 =	vmul.f32 v5, v19;
	v3 =	vadd.f32 v10, v12;
	v10 =	vmul.f32 v11, v16;
	v11 =	vld [tilespmem:s23+$0x19560];
	[tilespmem:s18+$0x1BD10] =	vst v6  }
0x100: {  	v6 =	vmul.f32 v14, v18;
	v12 =	vld [tilespmem:s23+$0x19570];
	[tilespmem:s18+$0x1BD30] =	vst v9;
	s12 =	spop (v2sf)  }
0x101: {  	v3 =	vadd.f32 v10, v3;
	v9 =	vmul.f32 v15, v17;
	s12 =	sshll.u32 s12, $0x4;
	[tilespmem:s18+$0x1BD00] =	vst v2  }
0x102: {  	v2 =	vld [tilespmem:s23+$0x1BD00];
	s12 =	sand.u32 $0x70, s12;
	[tilespmem:s18+$0x1BD60] =	vst v5  }
0x103: {  	v5 =	vadd.f32 v9, v3;
	v3 =	vld [tilespmem:s23+$0x1BD20];
	p2 =	seq.s32 s12, $0x20;
	[tilespmem:s18+$0x1BD40] =	vst v7;
	p3 =	seq.s32 s12, $0x50;
	p1 =	seq.s32 s12, $0x70  }
0x104: {  	p4 =	seq.s32 s12, $0x10;
	v7 =	vmul.f32 v11, v13;
	v9 =	vpsel !p2, $0x0, v19;
	p2 =	seq.s32 s12, $0x40;
	[tilespmem:s18+$0x1BD50] =	vst v4;
	v4 =	vpsel !p3, $0x0, v19;
	p3 =	seq.s32 s12, $0x60  }
0x105: {  	p5 =	seq.s32 s12, $0x0;
	p6 =	seq.s32 s12, $0x30;
	v5 =	vadd.f32 v6, v5;
	[tilespmem:s18+$0x1E520] =	vst v9;
	v6 =	vpsel !p2, $0x0, v19;
	v9 =	vpsel !p1, $0x0, v19  }
0x106: {  	v10 =	vpsel !p4, $0x0, v19;
	v11 =	vpsel !p6, $0x0, v19;
	[tilespmem:s18+$0x1E550] =	vst v4;
	v4 =	vpsel !p3, $0x0, v19  }
0x107: {  	v5 =	vadd.f32 v7, v5;
	v7 =	vmul.f32 v12, v8;
	v12 =	vpsel !p5, $0x0, v19;
	[tilespmem:s18+$0x1E560] =	vst v4  }
0x108: {  	[tilespmem:s18+$0x1E530] =	vst v11  }
0x109: {  	v4 =	vadd.f32 v7, v5;
	[tilespmem:s18+$0x1E540] =	vst v6  }
0x10a: {  	[tilespmem:s18+$0x1E570] =	vst v9  }
0x10b: {  	v5 =	vperm.xlane v4, v1;
	v6 =	vld [tilespmem:s23+$0x1BD10];
	[tilespmem:s18+$0x1E510] =	vst v10  }
0x10c: {  	v8 =	vld [tilespmem:s23+$0x1BD70];
	[tilespmem:s18+$0x1E500] =	vst v12;
	s18 =	smov.u32 s23  }
0x10d: {  	v5 =	vadd.f32 v4, v5;
	v11 =	vld [tilespmem:s25+$0x0]  }
0x10e: {  	v4 =	vld [tilespmem:s18+$0x1BD50]  }
0x10f: {  	v10 =	vmul.f32 $1.442695020e+00, v5;
	v5 =	vld [tilespmem:s18+$0x1BD60]  }
0x110: {  	v9 =	vld [tilespmem:s18+$0x1BD30]  }
0x111: {  	s23 =	sshra.s32 s2, $0x2;
	v7 =	vld [tilespmem:s18+$0x1BD40];
	(erf) = vpow2.f32 v10  }
0x112: {  	v10 =	vld [tilespmem:s23+$0x16D20];
	(v2sf) =	vpush v11, $0x0  }
.Ltmp1:
0x113: {  	v11 =	vld [tilespmem:s23+$0x19520];
	(pc) =	sbr.rel @p0 .LBB2_5-.Ltmp1, $4  }
0x114: {  	v12 =	vld [tilespmem:s23+$0x19510]  }
0x115: {  	v13 =	vld [tilespmem:s23+$0x16D00]  }
0x116: {  	v14 =	vld [tilespmem:s23+$0x19500]  }
0x117: {  	v15 =	vld [tilespmem:s23+$0x16D10]  }
0x118: {  	v16 =	vld [tilespmem:s23+$0x16D30]  }
0x119: {  	v17 =	vld [tilespmem:s23+$0x16D40]  }
0x11a: {  	v18 =	vld [tilespmem:s23+$0x16D50]  }
0x11b: {  	v19 =	vld [tilespmem:s23+$0x19530];
	v20 =	vpop (erf)  }
0x11c: {  	v21 =	vld [tilespmem:s23+$0x19550];
	v8 =	vmul.f32 v8, v20  }
0x11d: {  	v22 =	vld [tilespmem:s23+$0x19540];
	v3 =	vmul.f32 v3, v20  }
0x11e: {  	v23 =	vld [tilespmem:s23+$0x16D60];
	v6 =	vmul.f32 v6, v20;
	[tilespmem:s18+$0x1BD70] =	vst v8  }
0x11f: {  	v9 =	vmul.f32 v9, v20;
	v2 =	vmul.f32 v20, v2;
	v8 =	vld [tilespmem:s23+$0x16D70];
	[tilespmem:s18+$0x1BD20] =	vst v3  }
0x120: {  	v13 =	vmul.f32 v14, v13;
	v12 =	vmul.f32 v12, v15;
	v3 =	vld [tilespmem:s23+$0x19560];
	[tilespmem:s18+$0x1BD10] =	vst v6  }
0x121: {  	v6 =	vld [tilespmem:s23+$0x19570];
	[tilespmem:s18+$0x1BD30] =	vst v9  }
0x122: {  	[tilespmem:s18+$0x1BD00] =	vst v2;
	v2 =	vmul.f32 v5, v20;
	v5 =	vmul.f32 v11, v10;
	v9 =	vadd.f32 v12, v13  }
0x123: {  	v7 =	vmul.f32 v7, v20;
	s2 =	spop (v2sf)  }
0x124: {  	v10 =	vld [tilespmem:s23+$0x1BD00];
	s2 =	sshll.u32 s2, $0x4;
	[tilespmem:s18+$0x1BD60] =	vst v2;
	v2 =	vmul.f32 v4, v20;
	v4 =	vadd.f32 v5, v9;
	v5 =	vmul.f32 v19, v16  }
0x125: {  	s2 =	sand.u32 $0x70, s2  }
0x126: {  	v9 =	vld [tilespmem:s23+$0x1BD20];
	[tilespmem:s18+$0x1BD40] =	vst v7;
	p0 =	seq.s32 s2, $0x20;
	v4 =	vadd.f32 v5, v4;
	v5 =	vmul.f32 v22, v17  }
0x127: {  	p1 =	seq.s32 s2, $0x50;
	[tilespmem:s18+$0x1BD50] =	vst v2;
	v7 =	vpsel !p0, $0x0, v20  }
0x128: {  	p4 =	seq.s32 s2, $0x60;
	v2 =	vpsel !p1, $0x0, v20;
	[tilespmem:s18+$0x1E520] =	vst v7;
	v7 =	vmul.f32 v21, v18;
	v4 =	vadd.f32 v5, v4  }
0x129: {  	[tilespmem:s18+$0x1E550] =	vst v2;
	v2 =	vpsel !p4, $0x0, v20  }
0x12a: {  	p5 =	seq.s32 s2, $0x30;
	[tilespmem:s18+$0x1E560] =	vst v2;
	v2 =	vmul.f32 v3, v23;
	v3 =	vadd.f32 v7, v4  }
0x12b: {  	p2 =	seq.s32 s2, $0x70;
	v5 =	vpsel !p5, $0x0, v20  }
0x12c: {  	p6 =	seq.s32 s2, $0x40;
	[tilespmem:s18+$0x1E530] =	vst v5;
	v5 =	vpsel !p2, $0x0, v20;
	v2 =	vadd.f32 v2, v3;
	v3 =	vmul.f32 v6, v8  }
0x12d: {  	p3 =	seq.s32 s2, $0x10;
	v4 =	vpsel !p6, $0x0, v20;
	[tilespmem:s18+$0x1E570] =	vst v5  }
0x12e: {  	p4 =	seq.s32 s2, $0x0;
	[tilespmem:s18+$0x1E540] =	vst v4;
	v4 =	vpsel !p3, $0x0, v20;
	v2 =	vadd.f32 v3, v2  }
0x12f: {  	v5 =	vld [tilespmem:s23+$0x1BD10];
	[tilespmem:s18+$0x1E510] =	vst v4;
	v3 =	vpsel !p4, $0x0, v20  }
0x130: {  	s12 =	sadd.s32 $0x1, s25;
	v4 =	vld [tilespmem:s23+$0x1BD70];
	[tilespmem:s18+$0x1E500] =	vst v3;
	v6 =	vperm.xlane v2, v1  }
0x131: {  	v3 =	vld [tilespmem:s12+$0x0]  }
0x132: {  	v2 =	vadd.f32 v2, v6;
	_ =	sdelay $0x1  }
0x133: {  	v2 =	vmul.f32 $1.442695020e+00, v2;
	_ =	sdelay $0x1  }
0x134: {  	(v2sf) =	vpush v3, $0x0;
	(erf) = vpow2.f32 v2;
	_ =	sdelay $0x7  }
0x135: {  	v2 =	vld [tilespmem:s23+$0x1BD30]  }
0x136: {  	v3 =	vld [tilespmem:s23+$0x1BD50];
	v6 =	vpop (erf)  }
0x137: {  	v4 =	vmul.f32 v4, v6  }
0x138: {  	v7 =	vld [tilespmem:s23+$0x1BD60];
	v9 =	vmul.f32 v9, v6  }
0x139: {  	v8 =	vld [tilespmem:s23+$0x1BD40];
	v5 =	vmul.f32 v5, v6;
	[tilespmem:s23+$0x1BD70] =	vst v4  }
0x13a: {  	v2 =	vmul.f32 v2, v6;
	[tilespmem:s23+$0x1BD20] =	vst v9  }
0x13b: {  	v3 =	vmul.f32 v3, v6;
	[tilespmem:s23+$0x1BD10] =	vst v5  }
0x13c: {  	v4 =	vmul.f32 v6, v10;
	[tilespmem:s23+$0x1BD30] =	vst v2;
	s18 =	spop (v2sf)  }
0x13d: {  	v5 =	vmul.f32 v7, v6;
	[tilespmem:s23+$0x1BD50] =	vst v3;
	s2 =	sshll.u32 s18, $0x4  }
0x13e: {  	v2 =	vmul.f32 v8, v6;
	[tilespmem:s23+$0x1BD00] =	vst v4;
	s2 =	sand.u32 $0x70, s2  }
0x13f: {  	[tilespmem:s23+$0x1BD60] =	vst v5;
	p5 =	seq.s32 s2, $0x20  }
0x140: {  	[tilespmem:s23+$0x1BD40] =	vst v2;
	p6 =	seq.s32 s2, $0x50;
	v2 =	vpsel !p5, $0x0, v6  }
0x141: {  	p1 =	seq.s32 s2, $0x60;
	v3 =	vpsel !p6, $0x0, v6;
	[tilespmem:s23+$0x1E520] =	vst v2  }
0x142: {  	p2 =	seq.s32 s2, $0x30;
	[tilespmem:s23+$0x1E550] =	vst v3;
	v2 =	vpsel !p1, $0x0, v6  }
0x143: {  	p3 =	seq.s32 s2, $0x40;
	v3 =	vpsel !p2, $0x0, v6;
	[tilespmem:s23+$0x1E560] =	vst v2  }
0x144: {  	p4 =	seq.s32 s2, $0x70;
	v2 =	vpsel !p3, $0x0, v6;
	[tilespmem:s23+$0x1E530] =	vst v3  }
0x145: {  	p5 =	seq.s32 s2, $0x10;
	v3 =	vpsel !p4, $0x0, v6;
	[tilespmem:s23+$0x1E540] =	vst v2  }
0x146: {  	p6 =	seq.s32 s2, $0x0;
	v2 =	vpsel !p5, $0x0, v6;
	[tilespmem:s23+$0x1E570] =	vst v3  }
0x147: {  	v3 =	vpsel !p6, $0x0, v6;
	[tilespmem:s23+$0x1E510] =	vst v2  }
0x148: {  	[tilespmem:s23+$0x1E500] =	vst v3  }
0x149: {  	[spmem:s3] =	stream.indirect.scatter.add.f32 [tilespmem:s10], [sflag:$0x4], $0x80, s16, s13, $0xb8;
	[tilespmem:$0x1F900] =	vst v63  }
0x14a: {  	_ =	swait.ge [sflag:s11], $0x1400  }
0x14b: {  	s25 =	smin.u32 s5, $0xF7;
	[sflag:s11] =	ssyncset.done $0x0  }
0x14c: {  	s2 =	sadd.s32 s25, s22;
	s23 =	simm.s32 $0x16C00;
	[sflag:s11] =	ssyncadd.s32 $0xFFFFEC00  }
0x14d: {  	[spmem:s4] =	stream.indirect.scatter.add.f32 [tilespmem:s1], [sflag:$0x4], $0x80, s23, s13, $0xb8;
	[tilespmem:$0x1F900] =	vst v63  }
0x14e: {  	s2 =	smul.u32 $0xF, s2;
	_ =	swait.ge [sflag:s11], $0x1400  }
0x14f: {  	s31 =	simm.s32 $0x0;
	[sflag:s11] =	ssyncset.done $0x0  }
0x150: {  	s12 =	simm.s32 $0x16800;
	s2 =	sadd.s32 s8, s2;
	[sflag:s11] =	ssyncadd.s32 $0xFFFFEC00  }
0x151: {  	[tilespmem:s12], [sflag:$0x4] =	stream.linear.gather [hbm4b:s2+s31], $0x78, $0x38;
	[tilespmem:$0x1F900] =	vst v63  }
0x152: {  	_ =	swait.ge [sflag:s11], $0x78  }
0x153: {  	[sflag:s11] =	ssyncset.done $0x0  }
0x154: {  	[sflag:s11] =	ssyncadd.s32 $0xFFFFFF88  }
0x155: {  	v2 =	vld [tilespmem:$0x16800];
	_ =	sdelay $0x1  }
0x156: {  	v3 =	vld [tilespmem:$0x16850]  }
0x157: {  	v4 =	vld [tilespmem:$0x16828]  }
0x158: {  	v5 =	vld [tilespmem:$0x16810]  }
0x159: {  	v2 =	vmul.u32 $0x5, v2  }
0x15a: {  	v6 =	vld [tilespmem:$0x16860]  }
0x15b: {  	v2 =	vadd.s32 v3, v2  }
0x15c: {  	v3 =	vld [tilespmem:$0x16838];
	[tilespmem:$0x16B00] =	vst v2;
	v2 =	vshrl.u32 v4, $0x3  }
0x15d: {  	[tilespmem:$0x16C00] =	vst v2;
	v2 =	vmul.u32 $0x5, v5  }
0x15e: {  	v7 =	vld [tilespmem:$0x16818];
	[tilespmem:$0x16900] =	vst v4  }
0x15f: {  	[tilespmem:$0x16A00] =	vst v4;
	v4 =	vld [tilespmem:$0x16840];
	v2 =	vadd.s32 v6, v2  }
0x160: {  	v5 =	vld [tilespmem:$0x16868];
	[tilespmem:$0x16B10] =	vst v2  }
0x161: {  	[tilespmem:$0x16910] =	vst v3  }
0x162: {  	v2 =	vshrl.u32 v3, $0x3;
	[tilespmem:$0x16A10] =	vst v3  }
0x163: {  	[tilespmem:$0x16C10] =	vst v2;
	v2 =	vmul.u32 $0x5, v7  }
0x164: {  	[tilespmem:$0x16918] =	vst v4  }
0x165: {  	[tilespmem:$0x16A18] =	vst v4;
	v2 =	vadd.s32 v5, v2  }
0x166: {  	[tilespmem:$0x16B18] =	vst v2;
	v2 =	vshrl.u32 v4, $0x3  }
0x167: {  	[tilespmem:$0x16C18] =	vst v2  }
0x168: {  	[tilespmem:s15], [sflag:$0x1] =	stream.indirect.gather [hbm4b:s6+s13], $0x80, s14, s13, $0xb8;
	[tilespmem:$0x1F900] =	vst v63  }
0x169: {  	_ = 	snop  }
0x16a: {  	[tilespmem:s17], [sflag:$0x2] =	stream.indirect.gather [hbm4b:s0+s13], $0x80, s16, s13, $0xb8;
	[tilespmem:$0x1F900] =	vst v63  }
0x16b: {  	_ = 	snop  }
0x16c: {  	[tilespmem:s10], [sflag:$0x3] =	stream.indirect.gather [hbm4b:s7+s13], $0x80, s14, s13, $0xb8;
	[tilespmem:$0x1F900] =	vst v63  }
0x16d: {  	_ =	swait.ge [sflag:s28], $0x1400  }
0x16e: {  	[sflag:s28] =	ssyncset.done $0x0  }
0x16f: {  	[sflag:s28] =	ssyncadd.s32 $0xFFFFEC00  }
0x170: {  	_ =	swait.ge [sflag:s29], $0x1400  }
0x171: {  	[sflag:s29] =	ssyncset.done $0x0  }
0x172: {  	[sflag:s29] =	ssyncadd.s32 $0xFFFFEC00  }
0x173: {  	_ =	swait.ge [sflag:s30], $0x1400  }
0x174: {  	[sflag:s30] =	ssyncset.done $0x0  }
0x175: {  	s5 =	simm.s32 $0x0;
	[sflag:s30] =	ssyncadd.s32 $0xFFFFEC00  }
0x176: {  	v2 =	vld [tilespmem:s5+$0x1A910]  }
0x177: {  	v3 =	vld [tilespmem:s5+$0x18100]  }
0x178: {  	v4 =	vld [tilespmem:s5+$0x1A900]  }
0x179: {  	v5 =	vld [tilespmem:s5+$0x18110]  }
0x17a: {  	v6 =	vld [tilespmem:s5+$0x18120]  }
0x17b: {  	v7 =	vld [tilespmem:s5+$0x1A920]  }
0x17c: {  	v8 =	vld [tilespmem:s5+$0x18130]  }
0x17d: {  	v9 =	vld [tilespmem:s5+$0x1A930]  }
0x17e: {  	v10 =	vld [tilespmem:s5+$0x18140];
	v3 =	vmul.f32 v4, v3;
	v2 =	vmul.f32 v2, v5  }
0x17f: {  	v4 =	vld [tilespmem:s5+$0x1A940]  }
0x180: {  	v5 =	vld [tilespmem:s5+$0x18150];
	v6 =	vmul.f32 v7, v6;
	v2 =	vadd.f32 v2, v3  }
0x181: {  	v3 =	vld [tilespmem:s5+$0x1A950]  }
0x182: {  	v7 =	vld [tilespmem:s5+$0x18160];
	v2 =	vadd.f32 v6, v2;
	v6 =	vmul.f32 v9, v8  }
0x183: {  	v8 =	vld [tilespmem:s5+$0x1A960]  }
0x184: {  	v9 =	vld [tilespmem:s5+$0x18170];
	v4 =	vmul.f32 v4, v10;
	v6 =	vadd.f32 v6, v2  }
0x185: {  	v10 =	vld [tilespmem:s5+$0x1A970]  }
0x186: {  	v5 =	vmul.f32 v3, v5;
	v4 =	vadd.f32 v4, v6  }
0x187: {  	s23 =	simm.s32 $0x16A80  }
0x188: {  	v15 =	vld [tilespmem:s23+$0x0];
	v7 =	vmul.f32 v8, v7;
	v4 =	vadd.f32 v5, v4;
	_ =	sdelay $0x1  }
0x189: {  	v5 =	vadd.f32 v7, v4;
	v7 =	vmul.f32 v10, v9  }
0x18a: {  	s18 =	simm.s32 $0x80  }
0x18b: {  	v14 =	vld [tilespmem:s18+$0x1A900];
	v11 =	vadd.f32 v7, v5  }
0x18c: {  	(v2sf) =	vpush v15, $0x0;
	v15 =	vld [tilespmem:s18+$0x18110]  }
0x18d: {  	v2 =	vld [tilespmem:s5+$0x1D100];
	v12 =	vperm.xlane v11, v1  }
0x18e: {  	v3 =	vld [tilespmem:s5+$0x1D120]  }
0x18f: {  	v6 =	vld [tilespmem:s5+$0x1D110];
	v13 =	vadd.f32 v11, v12  }
0x190: {  	v8 =	vld [tilespmem:s5+$0x1D170]  }
0x191: {  	v4 =	vld [tilespmem:s5+$0x1D150];
	v16 =	vmul.f32 $1.442695020e+00, v13  }
0x192: {  	v9 =	vld [tilespmem:s5+$0x1D130]  }
0x193: {  	v10 =	vld [tilespmem:s18+$0x18120];
	(erf) = vpow2.f32 v16  }
0x194: {  	v5 =	vld [tilespmem:s5+$0x1D160]  }
0x195: {  	v7 =	vld [tilespmem:s5+$0x1D140]  }
0x196: {  	v11 =	vld [tilespmem:s18+$0x1A920]  }
0x197: {  	v12 =	vld [tilespmem:s18+$0x1A910]  }
0x198: {  	s25 =	simm.s32 $0x400;
	v13 =	vld [tilespmem:s18+$0x18100]  }
.LBB2_7:
0x199: {  	p0 =	sne.s32 s25, $0x4E00  }
0x19a: {  	v16 =	vld [tilespmem:s18+$0x18130];
	s23 =	sadd.s32 $0x1, s23;
	s2 =	smov.u32 s25;
	s25 =	sadd.s32 $0x200, s25  }
0x19b: {  	v17 =	vld [tilespmem:s18+$0x18140]  }
0x19c: {  	v18 =	vld [tilespmem:s18+$0x18150];
	v19 =	vpop (erf)  }
0x19d: {  	v10 =	vmul.f32 v11, v10;
	v13 =	vmul.f32 v14, v13;
	v11 =	vld [tilespmem:s18+$0x1A930]  }
0x19e: {  	v8 =	vmul.f32 v8, v19;
	v12 =	vmul.f32 v12, v15;
	v14 =	vld [tilespmem:s18+$0x1A950]  }
0x19f: {  	v2 =	vmul.f32 v19, v2;
	v3 =	vmul.f32 v3, v19;
	v15 =	vld [tilespmem:s18+$0x1A940]  }
0x1a0: {  	v6 =	vmul.f32 v6, v19;
	v9 =	vmul.f32 v9, v19;
	v12 =	vadd.f32 v12, v13;
	v13 =	vld [tilespmem:s18+$0x18160];
	[tilespmem:s5+$0x1D170] =	vst v8  }
0x1a1: {  	v7 =	vmul.f32 v7, v19;
	v4 =	vmul.f32 v4, v19;
	v8 =	vld [tilespmem:s18+$0x18170];
	[tilespmem:s5+$0x1D120] =	vst v3  }
0x1a2: {  	v5 =	vmul.f32 v5, v19;
	v3 =	vadd.f32 v10, v12;
	v10 =	vmul.f32 v11, v16;
	v11 =	vld [tilespmem:s18+$0x1A960];
	[tilespmem:s5+$0x1D110] =	vst v6  }
0x1a3: {  	v6 =	vmul.f32 v14, v18;
	v12 =	vld [tilespmem:s18+$0x1A970];
	[tilespmem:s5+$0x1D130] =	vst v9;
	s12 =	spop (v2sf)  }
0x1a4: {  	v3 =	vadd.f32 v10, v3;
	v9 =	vmul.f32 v15, v17;
	s12 =	sshll.u32 s12, $0x4;
	[tilespmem:s5+$0x1D100] =	vst v2  }
0x1a5: {  	v2 =	vld [tilespmem:s18+$0x1D100];
	s12 =	sand.u32 $0x70, s12;
	[tilespmem:s5+$0x1D160] =	vst v5  }
0x1a6: {  	v5 =	vadd.f32 v9, v3;
	v3 =	vld [tilespmem:s18+$0x1D120];
	p2 =	seq.s32 s12, $0x20;
	[tilespmem:s5+$0x1D140] =	vst v7;
	p3 =	seq.s32 s12, $0x50;
	p1 =	seq.s32 s12, $0x70  }
0x1a7: {  	p4 =	seq.s32 s12, $0x10;
	v7 =	vmul.f32 v11, v13;
	v9 =	vpsel !p2, $0x0, v19;
	p2 =	seq.s32 s12, $0x40;
	[tilespmem:s5+$0x1D150] =	vst v4;
	v4 =	vpsel !p3, $0x0, v19;
	p3 =	seq.s32 s12, $0x60  }
0x1a8: {  	p5 =	seq.s32 s12, $0x0;
	p6 =	seq.s32 s12, $0x30;
	v5 =	vadd.f32 v6, v5;
	[tilespmem:s5+$0x1E520] =	vst v9;
	v6 =	vpsel !p2, $0x0, v19;
	v9 =	vpsel !p1, $0x0, v19  }
0x1a9: {  	v10 =	vpsel !p4, $0x0, v19;
	v11 =	vpsel !p6, $0x0, v19;
	[tilespmem:s5+$0x1E550] =	vst v4;
	v4 =	vpsel !p3, $0x0, v19  }
0x1aa: {  	v5 =	vadd.f32 v7, v5;
	v7 =	vmul.f32 v12, v8;
	v12 =	vpsel !p5, $0x0, v19;
	[tilespmem:s5+$0x1E560] =	vst v4  }
0x1ab: {  	[tilespmem:s5+$0x1E530] =	vst v11  }
0x1ac: {  	v4 =	vadd.f32 v7, v5;
	[tilespmem:s5+$0x1E540] =	vst v6  }
0x1ad: {  	[tilespmem:s5+$0x1E570] =	vst v9  }
0x1ae: {  	v5 =	vperm.xlane v4, v1;
	v6 =	vld [tilespmem:s18+$0x1D110];
	[tilespmem:s5+$0x1E510] =	vst v10  }
0x1af: {  	v8 =	vld [tilespmem:s18+$0x1D170];
	[tilespmem:s5+$0x1E500] =	vst v12;
	s5 =	smov.u32 s18  }
0x1b0: {  	v5 =	vadd.f32 v4, v5;
	v11 =	vld [tilespmem:s23+$0x0]  }
0x1b1: {  	v4 =	vld [tilespmem:s5+$0x1D150]  }
0x1b2: {  	v10 =	vmul.f32 $1.442695020e+00, v5;
	v5 =	vld [tilespmem:s5+$0x1D160]  }
0x1b3: {  	v9 =	vld [tilespmem:s5+$0x1D130]  }
0x1b4: {  	s18 =	sshra.s32 s2, $0x2;
	v7 =	vld [tilespmem:s5+$0x1D140];
	(erf) = vpow2.f32 v10  }
0x1b5: {  	v10 =	vld [tilespmem:s18+$0x18120];
	(v2sf) =	vpush v11, $0x0  }
.Ltmp2:
0x1b6: {  	v11 =	vld [tilespmem:s18+$0x1A920];
	(pc) =	sbr.rel @p0 .LBB2_7-.Ltmp2, $4  }
0x1b7: {  	v12 =	vld [tilespmem:s18+$0x1A910]  }
0x1b8: {  	v13 =	vld [tilespmem:s18+$0x18100]  }
0x1b9: {  	v14 =	vld [tilespmem:s18+$0x1A900]  }
0x1ba: {  	v15 =	vld [tilespmem:s18+$0x18110]  }
0x1bb: {  	v16 =	vld [tilespmem:s18+$0x18130]  }
0x1bc: {  	v17 =	vld [tilespmem:s18+$0x18140]  }
0x1bd: {  	v18 =	vld [tilespmem:s18+$0x18150]  }
0x1be: {  	v19 =	vld [tilespmem:s18+$0x1A930];
	v20 =	vpop (erf)  }
0x1bf: {  	v21 =	vld [tilespmem:s18+$0x1A950];
	v8 =	vmul.f32 v8, v20;
	v3 =	vmul.f32 v3, v20  }
0x1c0: {  	v22 =	vld [tilespmem:s18+$0x1A940];
	v13 =	vmul.f32 v14, v13;
	v12 =	vmul.f32 v12, v15  }
0x1c1: {  	v23 =	vld [tilespmem:s18+$0x18160];
	v6 =	vmul.f32 v6, v20;
	[tilespmem:s5+$0x1D170] =	vst v8  }
0x1c2: {  	v45 =	vmul.f32 v11, v10;
	v2 =	vmul.f32 v20, v2;
	v8 =	vld [tilespmem:s18+$0x18170];
	[tilespmem:s5+$0x1D120] =	vst v3;
	v46 =	vadd.f32 v12, v13  }
0x1c3: {  	v9 =	vmul.f32 v9, v20;
	v3 =	vld [tilespmem:s18+$0x1A960];
	[tilespmem:s5+$0x1D110] =	vst v6  }
0x1c4: {  	v49 =	vmul.f32 v19, v16;
	v6 =	vld [tilespmem:s18+$0x1A970];
	[tilespmem:s5+$0x1D100] =	vst v2;
	v2 =	vmul.f32 v5, v20;
	v48 =	vadd.f32 v45, v46;
	s2 =	spop (v2sf)  }
0x1c5: {  	v7 =	vmul.f32 v7, v20;
	[tilespmem:s5+$0x1D130] =	vst v9;
	s2 =	sshll.u32 s2, $0x4  }
0x1c6: {  	v51 =	vmul.f32 v22, v17;
	v47 =	vld [tilespmem:s18+$0x1D100];
	[tilespmem:s5+$0x1D160] =	vst v2;
	v2 =	vmul.f32 v4, v20;
	v4 =	vadd.f32 v49, v48;
	s2 =	sand.u32 $0x70, s2  }
0x1c7: {  	v50 =	vld [tilespmem:s18+$0x1D120];
	[tilespmem:s5+$0x1D140] =	vst v7;
	p1 =	seq.s32 s2, $0x50  }
0x1c8: {  	v53 =	vmul.f32 v21, v18;
	[tilespmem:s5+$0x1D150] =	vst v2;
	p4 =	seq.s32 s2, $0x60;
	v4 =	vadd.f32 v51, v4;
	v2 =	vpsel !p1, $0x0, v20  }
0x1c9: {  	p0 =	seq.s32 s2, $0x20;
	[tilespmem:s5+$0x1E550] =	vst v2;
	v2 =	vpsel !p4, $0x0, v20  }
0x1ca: {  	p5 =	seq.s32 s2, $0x30;
	v52 =	vpsel !p0, $0x0, v20;
	[tilespmem:s5+$0x1E560] =	vst v2;
	v2 =	vmul.f32 v3, v23;
	v3 =	vadd.f32 v53, v4  }
0x1cb: {  	p6 =	seq.s32 s2, $0x40;
	v54 =	vpsel !p5, $0x0, v20;
	[tilespmem:s5+$0x1E520] =	vst v52  }
0x1cc: {  	p2 =	seq.s32 s2, $0x70;
	v55 =	vpsel !p6, $0x0, v20;
	[tilespmem:s5+$0x1E530] =	vst v54;
	v2 =	vadd.f32 v2, v3;
	v3 =	vmul.f32 v6, v8  }
0x1cd: {  	p3 =	seq.s32 s2, $0x10;
	v56 =	vpsel !p2, $0x0, v20;
	[tilespmem:s5+$0x1E540] =	vst v55  }
0x1ce: {  	v57 =	vpsel !p3, $0x0, v20;
	[tilespmem:s5+$0x1E570] =	vst v56;
	p4 =	seq.s32 s2, $0x0;
	v2 =	vadd.f32 v3, v2  }
0x1cf: {  	v5 =	vld [tilespmem:s18+$0x1D110];
	[tilespmem:s5+$0x1E510] =	vst v57;
	v3 =	vpsel !p4, $0x0, v20  }
0x1d0: {  	s23 =	sadd.s32 $0x1, s23;
	v4 =	vld [tilespmem:s18+$0x1D170];
	[tilespmem:s5+$0x1E500] =	vst v3;
	v58 =	vperm.xlane v2, v1  }
0x1d1: {  	v3 =	vld [tilespmem:s23+$0x0]  }
0x1d2: {  	v2 =	vadd.f32 v2, v58;
	_ =	sdelay $0x1  }
0x1d3: {  	v2 =	vmul.f32 $1.442695020e+00, v2;
	_ =	sdelay $0x1  }
0x1d4: {  	(v2sf) =	vpush v3, $0x0;
	(erf) = vpow2.f32 v2;
	_ =	sdelay $0x7  }
0x1d5: {  	v2 =	vld [tilespmem:s18+$0x1D130]  }
0x1d6: {  	v59 =	vpop (erf)  }
0x1d7: {  	v60 =	vld [tilespmem:s18+$0x1D160];
	v4 =	vmul.f32 v4, v59  }
0x1d8: {  	v3 =	vld [tilespmem:s18+$0x1D150];
	v9 =	vmul.f32 v50, v59  }
0x1d9: {  	v61 =	vld [tilespmem:s18+$0x1D140];
	v5 =	vmul.f32 v5, v59;
	[tilespmem:s18+$0x1D170] =	vst v4  }
0x1da: {  	v2 =	vmul.f32 v2, v59;
	[tilespmem:s18+$0x1D120] =	vst v9  }
0x1db: {  	v62 =	vmul.f32 v59, v47;
	[tilespmem:s18+$0x1D110] =	vst v5  }
0x1dc: {  	v63 =	vmul.f32 v60, v59;
	[tilespmem:s18+$0x1D130] =	vst v2;
	s25 =	spop (v2sf)  }
0x1dd: {  	v3 =	vmul.f32 v3, v59;
	[tilespmem:s18+$0x1D100] =	vst v62;
	s2 =	sshll.u32 s25, $0x4  }
0x1de: {  	v2 =	vmul.f32 v61, v59;
	[tilespmem:s18+$0x1D160] =	vst v63;
	s2 =	sand.u32 $0x70, s2  }
0x1df: {  	[tilespmem:s18+$0x1D150] =	vst v3;
	p5 =	seq.s32 s2, $0x20  }
0x1e0: {  	[tilespmem:s18+$0x1D140] =	vst v2;
	p6 =	seq.s32 s2, $0x50;
	v2 =	vpsel !p5, $0x0, v59  }
0x1e1: {  	p1 =	seq.s32 s2, $0x60;
	v3 =	vpsel !p6, $0x0, v59;
	[tilespmem:s18+$0x1E520] =	vst v2  }
0x1e2: {  	p2 =	seq.s32 s2, $0x30;
	[tilespmem:s18+$0x1E550] =	vst v3;
	v2 =	vpsel !p1, $0x0, v59  }
0x1e3: {  	p3 =	seq.s32 s2, $0x40;
	v3 =	vpsel !p2, $0x0, v59;
	[tilespmem:s18+$0x1E560] =	vst v2  }
0x1e4: {  	p4 =	seq.s32 s2, $0x70;
	v2 =	vpsel !p3, $0x0, v59;
	[tilespmem:s18+$0x1E530] =	vst v3  }
0x1e5: {  	p5 =	seq.s32 s2, $0x10;
	v3 =	vpsel !p4, $0x0, v59;
	[tilespmem:s18+$0x1E540] =	vst v2  }
0x1e6: {  	p6 =	seq.s32 s2, $0x0;
	v2 =	vpsel !p5, $0x0, v59;
	[tilespmem:s18+$0x1E570] =	vst v3  }
0x1e7: {  	v3 =	vpsel !p6, $0x0, v59;
	[tilespmem:s18+$0x1E510] =	vst v2  }
0x1e8: {  	[tilespmem:s18+$0x1E500] =	vst v3  }
0x1e9: {  	[spmem:s3] =	stream.indirect.scatter.add.f32 [tilespmem:s26], [sflag:$0x4], $0x80, s24, s13, $0xb8;
	[tilespmem:$0x1F900] =	vst v63  }
0x1ea: {  	s9 =	sadd.s32 $0x1, s9;
	_ =	swait.ge [sflag:s11], $0x1400  }
0x1eb: {  	p0 =	sne.s32 s9, $0x7D;
	[sflag:s11] =	ssyncset.done $0x0  }
.Ltmp3:
0x1ec: {  	s31 =	simm.s32 $0x16C80;
	[sflag:s11] =	ssyncadd.s32 $0xFFFFEC00;
	(pc) =	sbr.rel @p0 .LBB2_4-.Ltmp3, $4  }
0x1ed: {  	[spmem:s4] =	stream.indirect.scatter.add.f32 [tilespmem:s1], [sflag:$0x4], $0x80, s31, s13, $0xb8;
	[tilespmem:$0x1F900] =	vst v63  }
0x1ee: {  	_ =	swait.ge [sflag:s11], $0x1400  }
0x1ef: {  	[sflag:s11] =	ssyncset.done $0x0  }
0x1f0: {  	[sflag:s11] =	ssyncadd.s32 $0xFFFFEC00  }
0x1f1: {  	_ =	swait.ge [sflag:s28], $0x1400  }
0x1f2: {  	[sflag:s28] =	ssyncset.done $0x0  }
0x1f3: {  	[sflag:s28] =	ssyncadd.s32 $0xFFFFEC00  }
0x1f4: {  	_ =	swait.ge [sflag:s29], $0x1400  }
0x1f5: {  	[sflag:s29] =	ssyncset.done $0x0  }
0x1f6: {  	[sflag:s29] =	ssyncadd.s32 $0xFFFFEC00  }
0x1f7: {  	_ =	swait.ge [sflag:s30], $0x1400  }
0x1f8: {  	[sflag:s30] =	ssyncset.done $0x0  }
0x1f9: {  	[sflag:s30] =	ssyncadd.s32 $0xFFFFEC00  }
0x1fa: {  	s2 =	stileid.u32;
	[bflag:$0x0] =	sbarrier.arrive $0xFFFF  }
0x1fb: {  	s2 =	sshll.u32 s2, $0x6;
	s19 =	rddreg [dreg:$0x6]  }
0x1fc: {  	s2 =	sor.u32 $0x1C04, s2;
	s9 =	rddreg [dreg:$0x12];
	s5 =	sshrl.u32 s19, $0x3  }
0x1fd: {  	[hbm:s9], [sflag:s2] =	dma.local [spmem:s5], $0x2800  }
0x1fe: {  	_ =	swait.ge [sflag:s11], $0x2800  }
0x1ff: {  	[sflag:s11] =	ssyncset.done $0x0;
	s12 =	rddreg [dreg:$0x10]  }
0x200: {  	s25 =	rddreg [dreg:$0x13];
	[sflag:s11] =	ssyncadd.s32 $0xFFFFD800;
	s23 =	sshrl.u32 s12, $0x3  }
0x201: {  	[hbm:s25], [sflag:s2] =	dma.local [spmem:s23], $0x500  }
0x202: {  	_ =	swait.ge [sflag:s11], $0x500  }
0x203: {  	s18 =	rddreg [dreg:$0x5]  }
0x204: {  	s31 =	rddreg [dreg:$0x14];
	s18 =	sadd.s32 $0x1, s18  }
0x205: {  	p0 =	sne.s32 s18, s31  }
.Ltmp4:
0x206: {  	_ = 	snop;
	(pc) =	sbr.rel @p0 .LBB2_1-.Ltmp4, $3  }
0x207: {  	_ =	sdelay $0x1  }
0x208: {  	[sflag:s11] =	ssyncset.done $0x0  }
0x209: {  	[sflag:s11] =	ssyncadd.s32 $0xFFFFFB00  }
0x20a: {  	_ =	sfence.sel $0x180000  }
0x20b: {  	[bflag:$0x0] =	sbarrier.arrive $0xFFFF  }
0x20c: {  	_ =	strace $0x90000047  }
0x20d: {  	s0 =	stileid.u32;
	[bflag:$0x2] =	sbarrier.arrive $0xFFFF  }
0x20e: {  	p0 =	sne.s32 s0, $0x0;
	s0 =	rddreg [dreg:$0x4]  }
0x20f: {  	s0 =	sadd.s32 @!p0 $0x100000, s0  }
0x210: {  	[sflag:s0] =	ssyncadd.tile.s32 @!p0 $0x1;
	_ =	shalt  }
.Lfunc_end2:
_tile_overlayer_lowered:
.L_overlay_start_2:
0x211: {  	(tag) =	ssettag $0x2  }
0x212: {  	s0 =	rddreg [dreg:$0x0];
	s2 =	stileid.u32  }
0x213: {  	s1 =	rddreg [dreg:$0x1];
	p0 =	sne.s32 s2, $0x0  }
0x214: {  	s3 =	rddreg [dreg:$0x2];
	[bflag:$0x3] =	sbarrier.arrive $0xFFFF;
	s2 =	simm.s32 @!p0 $0x1C04  }
0x215: {  	[timem:s3], [sflag:s2] =	dma.local @!p0 [hbm:s0], s1  }
0x216: {  	s0 =	simm.s32 @!p0 $0x4  }
0x217: {  	_ =	swait.ge @!p0 [sflag:s0], s1  }
0x218: {  	s1 =	ssub.s32 @!p0 $0x0, s1;
	[sflag:s0] =	ssyncset.done @!p0 $0x0  }
0x219: {  	[sflag:s0] =	ssyncadd.s32 @!p0 s1  }
0x21a: {  	[bflag:$0x3] =	sbarrier.arrive $0xFFFF  }
0x21b: {  	_ =	shalt  }

</sc_bundles>
